<compile_context>
chip_gen: v7x
topology: tpu7x:2x2x1
jax: 0.10.2.dev20260603
libtpu: 0.0.44.dev20260713+nightly
codegen_flags: <defaults>
</compile_context>

<pallas_src>
import dataclasses
import functools

import jax
import jax.numpy as jnp
from jax import lax
from jax.experimental import pallas as pl
from jax.experimental.pallas import tpu as pltpu
from jax.experimental.pallas import tpu_sc as plsc

N = 10000
E = 320000
F_IN = 128
HIDDEN = 64
C = 40

NC = 2
NS = 16
LANES = 16
NW = NC * NS

CH = 128
CHN = 80
EPW = CH * CHN
E_PAD = EPW * NW
NP = 10240
ROWS_PER_SUB = NP // NS
DA = 64

BI = 8
TOT_CHUNKS = E_PAD // CH
NB0, NB1 = 11, 9
CPW0, CPW1 = NB0 * BI, NB1 * BI
assert NS * (CPW0 + CPW1) == TOT_CHUNKS

_MESH = plsc.VectorSubcoreMesh(core_axis_name="c", subcore_axis_name="s")

_CP = pltpu.CompilerParams()
if "needs_layout_passes" in pltpu.CompilerParams.__dataclass_fields__:
    _CP = dataclasses.replace(_CP, needs_layout_passes=False)
_CP_AGG = dataclasses.replace(pltpu.CompilerParams(),
                              use_tc_tiling_on_sc=False)


@functools.partial(
    pl.kernel,
    out_type=jax.ShapeDtypeStruct((NW, NP), jnp.float32),
    mesh=_MESH,
    scratch_types=[
        pltpu.VMEM((CHN, CH), jnp.int32),
        pltpu.VMEM((NP,), jnp.float32),
    ],
    compiler_params=_CP,
)
def _deg_pass(e_hbm, out_hbm, e_v, deg_v):
    c = lax.axis_index("c")
    s = lax.axis_index("s")
    wid = c * NS + s

    @pl.loop(0, NP // LANES)
    def _(i):
        deg_v[pl.ds(i * LANES, LANES)] = jnp.zeros((LANES,), jnp.float32)

    pltpu.sync_copy(e_hbm.at[1].at[pl.ds(wid * CHN, CHN)], e_v)

    @pl.loop(0, CHN)
    def _(j):
        @pl.loop(0, CH // LANES)
        def _(k):
            idx = e_v[j, pl.ds(k * LANES, LANES)]
            cnt, last = plsc.scan_count(idx)
            plsc.addupdate_scatter(deg_v, [idx], cnt.astype(jnp.float32),
                                   mask=last)

    pltpu.sync_copy(deg_v, out_hbm.at[wid])


W2A = 2 * DA


@functools.partial(
    pl.kernel,
    out_type=jax.ShapeDtypeStruct((NC, NP, W2A), jnp.float32),
    mesh=_MESH,
    scratch_types=[
        pltpu.VMEM((BI, CH), jnp.int32),
        pltpu.VMEM((BI, CH), jnp.int32),
        pltpu.VMEM((CH, DA), jnp.float32),
        pltpu.VMEM((CH, DA), jnp.float32),
        pltpu.VMEM_SHARED((NP, DA), jnp.float32),
        pltpu.VMEM_SHARED((NP, DA), jnp.float32),
        pltpu.SemaphoreType.DMA,
        pltpu.SemaphoreType.DMA,
        pltpu.SemaphoreType.DMA,
        pltpu.SemaphoreType.DMA,
    ],
    compiler_params=_CP_AGG,
)
def _agg_pass(t_hbm, e_hbm, out_hbm, src_v, dst_v, rows_a, rows_b,
              agg_sh, t_sh, gsem_a, gsem_b, ssem_a, ssem_b):
    c = lax.axis_index("c")
    s = lax.axis_index("s")

    @pl.loop(0, CH)
    def _(i):
        @pl.loop(0, DA // LANES)
        def _(k):
            rows_a[i, pl.ds(k * LANES, LANES)] = jnp.zeros((LANES,),
                                                           jnp.float32)

    @pl.loop(0, ROWS_PER_SUB // CH)
    def _(r):
        pltpu.sync_copy(rows_a,
                        agg_sh.at[pl.ds(s * ROWS_PER_SUB + r * CH, CH)])

    @pl.when(c == 1)
    def _():
        pltpu.sync_copy(t_hbm.at[pl.ds(s * ROWS_PER_SUB, ROWS_PER_SUB)],
                        t_sh.at[pl.ds(s * ROWS_PER_SUB, ROWS_PER_SUB)])

    plsc.subcore_barrier()

    def edge_loop(t_src, start_chunk, nblocks):
        @pl.loop(0, nblocks)
        def _(g):
            base = start_chunk + g * BI
            pltpu.sync_copy(e_hbm.at[0].at[pl.ds(base, BI)], src_v)
            pltpu.sync_copy(e_hbm.at[1].at[pl.ds(base, BI)], dst_v)
            bufs = ((rows_a, gsem_a, ssem_a), (rows_b, gsem_b, ssem_b))

            def gather(j, buf, gsem):
                pltpu.async_copy(t_src.at[src_v.at[j]], buf, gsem)

            def wait_gather(j, buf, gsem):
                pltpu.make_async_copy(t_src.at[src_v.at[j]], buf, gsem).wait()

            def scatter(j, buf, ssem):
                pltpu.async_copy(buf, agg_sh.at[dst_v.at[j]], ssem, add=True)

            def wait_scatter(j, buf, ssem):
                pltpu.make_async_copy(buf, agg_sh.at[dst_v.at[j]],
                                      ssem).wait()

            gather(0, *bufs[0][:2])
            gather(1, *bufs[1][:2])
            for j in range(BI):
                buf, gsem, ssem = bufs[j % 2]
                wait_gather(j, buf, gsem)
                scatter(j, buf, ssem)
                if j + 2 < BI:
                    wait_scatter(j, buf, ssem)
                    gather(j + 2, buf, gsem)
            wait_scatter(BI - 2, rows_a, ssem_a)
            wait_scatter(BI - 1, rows_b, ssem_b)

    @pl.when(c == 0)
    def _():
        edge_loop(t_hbm, s * CPW0, NB0)

    @pl.when(c == 1)
    def _():
        edge_loop(t_sh, NS * CPW0 + s * CPW1, NB1)

    plsc.subcore_barrier()

    @pl.loop(0, ROWS_PER_SUB // CH)
    def _(r):
        off = s * ROWS_PER_SUB + r * CH
        pltpu.sync_copy(agg_sh.at[pl.ds(off, CH)],
                        out_hbm.at[c].at[pl.ds(off, CH), pl.ds(0, DA)])


BLK = 1024
GRID = NP // BLK




def _tc1_body(x_ref, w1_ref, deg_ref, t1_ref, dinv_ref):
    deg = jnp.sum(deg_ref[...], axis=0)[:, None] + 1.0
    dinv = lax.rsqrt(deg)
    h = jnp.dot(x_ref[...], w1_ref[...], preferred_element_type=jnp.float32)
    t1_ref[...] = h * dinv
    dinv_ref[...] = dinv


def _tc2_body(aga_ref, agb_ref, t1_ref, dinv_ref, b1_ref, w2_ref, t2_ref):
    agg = aga_ref[:, :HIDDEN] + agb_ref[:, :HIDDEN] + t1_ref[...]
    out1 = agg * dinv_ref[...] + b1_ref[...]
    r = jnp.maximum(out1, 0.0)
    h2 = jnp.dot(r, w2_ref[...], preferred_element_type=jnp.float32)
    t2_ref[...] = h2 * dinv_ref[...]


def _tc3_body(aga_ref, agb_ref, t2_ref, dinv_ref, b2_ref, out_ref):
    z = (aga_ref[:, :C] + agb_ref[:, :C] + t2_ref[:, :C]) * dinv_ref[...]
    z40 = z + b2_ref[...]
    m = jnp.max(z40, axis=1, keepdims=True)
    lse = jnp.log(jnp.sum(jnp.exp(z40 - m), axis=1, keepdims=True))
    out_ref[...] = z40 - m - lse


def kernel(x, edge_index, W1, b1, W2, b2):
    pad = E_PAD - E
    fill = jnp.full((2, pad), N, jnp.int32)
    ep = jnp.concatenate([edge_index, fill], axis=1).reshape(
        2, TOT_CHUNKS, CH)
    xp = jnp.pad(x, ((0, NP - N), (0, 0)))
    b1p = b1.reshape(1, HIDDEN)
    w2p = jnp.pad(W2, ((0, 0), (0, DA - C)))

    degs = _deg_pass(ep)

    t1, dinv = pl.pallas_call(
        _tc1_body,
        grid=(GRID,),
        in_specs=[
            pl.BlockSpec((BLK, F_IN), lambda i: (i, 0)),
            pl.BlockSpec((F_IN, HIDDEN), lambda i: (0, 0)),
            pl.BlockSpec((NW, BLK), lambda i: (0, i)),
        ],
        out_specs=[
            pl.BlockSpec((BLK, DA), lambda i: (i, 0)),
            pl.BlockSpec((BLK, 1), lambda i: (i, 0)),
        ],
        out_shape=[
            jax.ShapeDtypeStruct((NP, DA), jnp.float32),
            jax.ShapeDtypeStruct((NP, 1), jnp.float32),
        ],
    )(xp, W1, degs)

    agg1 = _agg_pass(t1, ep)

    t2 = pl.pallas_call(
        _tc2_body,
        grid=(GRID,),
        in_specs=[
            pl.BlockSpec((BLK, W2A), lambda i: (i, 0)),
            pl.BlockSpec((BLK, W2A), lambda i: (i, 0)),
            pl.BlockSpec((BLK, DA), lambda i: (i, 0)),
            pl.BlockSpec((BLK, 1), lambda i: (i, 0)),
            pl.BlockSpec((1, HIDDEN), lambda i: (0, 0)),
            pl.BlockSpec((HIDDEN, DA), lambda i: (0, 0)),
        ],
        out_specs=pl.BlockSpec((BLK, DA), lambda i: (i, 0)),
        out_shape=jax.ShapeDtypeStruct((NP, DA), jnp.float32),
    )(agg1[0], agg1[1], t1, dinv, b1p, w2p)

    agg2 = _agg_pass(t2, ep)

    outp = pl.pallas_call(
        _tc3_body,
        grid=(GRID,),
        in_specs=[
            pl.BlockSpec((BLK, W2A), lambda i: (i, 0)),
            pl.BlockSpec((BLK, W2A), lambda i: (i, 0)),
            pl.BlockSpec((BLK, DA), lambda i: (i, 0)),
            pl.BlockSpec((BLK, 1), lambda i: (i, 0)),
            pl.BlockSpec((1, C), lambda i: (0, 0)),
        ],
        out_specs=pl.BlockSpec((BLK, C), lambda i: (i, 0)),
        out_shape=jax.ShapeDtypeStruct((NP, C), jnp.float32),
    )(agg2[0], agg2[1], t2, dinv, b2.reshape(1, C))

    return outp[:N]

# --- scband reference (transcript-rebuilt; emitter-appended) ---
"""Pipeline reference for scband-gcnnet-58454504898644 (READ-ONLY COPY).

The authoritative reference and input builder live on the scoring server;
editing this copy changes nothing except your own understanding.
"""

import jax, jax.numpy as jnp
import numpy as np

N = 10000
E = 320000
F_IN = 128
HIDDEN = 64
C = 40


def glorot(key, shape):
    fan_in, fan_out = shape[0], shape[1]
    scale = jnp.sqrt(2.0 / (fan_in + fan_out))
    return jax.random.normal(key, shape, dtype=jnp.float32) * scale


def setup_inputs(seed: int = 0) -> dict:
    key = jax.random.key(seed)
    k1, k2, k3, k4 = jax.random.split(key, 4)
    x = jax.random.normal(k1, (N, F_IN), dtype=jnp.float32)
    edge_index = jax.random.randint(k2, (2, E), 0, N, dtype=jnp.int32)
    W1 = glorot(k3, (F_IN, HIDDEN))
    b1 = jnp.zeros((HIDDEN,), dtype=jnp.float32)
    W2 = glorot(k4, (HIDDEN, C))
    b2 = jnp.zeros((C,), dtype=jnp.float32)
    return {"x": x, "edge_index": edge_index, "W1": W1, "b1": b1, "W2": W2, "b2": b2}


def gcn_conv(x, edge_index, W, b, num_nodes):
    # PyG GCNConv: x' = D^{-1/2} (A + I) D^{-1/2} X W + b
    src = edge_index[0]
    dst = edge_index[1]
    loop = jnp.arange(num_nodes, dtype=src.dtype)
    src = jnp.concatenate([src, loop])
    dst = jnp.concatenate([dst, loop])
    deg = jnp.zeros((num_nodes,), dtype=jnp.float32).at[dst].add(1.0)
    dinv = jnp.where(deg > 0, jax.lax.rsqrt(jnp.maximum(deg, 1e-12)), 0.0)
    norm = dinv[src] * dinv[dst]
    h = x @ W
    msg = h[src] * norm[:, None]
    out = jnp.zeros((num_nodes, W.shape[1]), dtype=x.dtype).at[dst].add(msg)
    return out + b


def reference(x, edge_index, W1, b1, W2, b2):
    h = gcn_conv(x, edge_index, W1, b1, N)
    h = jax.nn.relu(h)
    # dropout p=0.5 with training=False -> identity (eval mode)
    h = gcn_conv(h, edge_index, W2, b2, N)
    return jax.nn.log_softmax(h, axis=1)

if __name__ == "__main__":
    import jax
    _d = setup_inputs()
    print(jax.jit(kernel)(*tuple(_d.values())))

</pallas_src>

<mosaic_0001>
#map = affine_map<(d0, d1) -> (0, 0)>
#map1 = affine_map<(d0, d1) -> (0, 0, 0)>
module attributes {stable_mosaic.version = 14 : i64} {
  func.func @_agg_pass(%arg0: i32, %arg1: i32, %arg2: memref<10240x64xf32, #tpu.memory_space<hbm>>, %arg3: memref<2x2560x128xi32, #tpu.memory_space<hbm>>, %arg4: memref<2x10240x128xf32, #tpu.memory_space<hbm>>, %arg5: memref<8x128xi32, #tpu.memory_space<vmem>>, %arg6: memref<8x128xi32, #tpu.memory_space<vmem>>, %arg7: memref<128x64xf32, #tpu.memory_space<vmem>>, %arg8: memref<128x64xf32, #tpu.memory_space<vmem>>, %arg9: memref<10240x64xf32, #tpu.memory_space<vmem_shared>>, %arg10: memref<10240x64xf32, #tpu.memory_space<vmem_shared>>, %arg11: memref<!tpu.dma_semaphore, #tpu.memory_space<semaphore_mem>>, %arg12: memref<!tpu.dma_semaphore, #tpu.memory_space<semaphore_mem>>, %arg13: memref<!tpu.dma_semaphore, #tpu.memory_space<semaphore_mem>>, %arg14: memref<!tpu.dma_semaphore, #tpu.memory_space<semaphore_mem>>) attributes {dimension_semantics = [#tpu.dimension_semantics<core_parallel>, #tpu.dimension_semantics<subcore_parallel>], iteration_bounds = array<i64: 2, 16>, scalar_prefetch = 0 : i64, scratch_operands = 10 : i64, tpu.core_type = #tpu.core_type<sc_vector_subcore>, window_params = [{transform_indices = #map}, {transform_indices = #map1}, {transform_indices = #map1}]} {
    %scan3A = arith.constant 0 : i32
    %scan3A_0 = arith.constant 128 : i32
    %scan3A_1 = arith.addi %scan3A, %scan3A_0 : i32
    %scan3A_2 = arith.constant 1 : i32
    scf.for %scan3A_27 = %scan3A to %scan3A_1 step %scan3A_2  : i32 {
      %mul3A = arith.constant 1 : i32
      %mul3A_28 = arith.muli %scan3A_27, %mul3A : i32
      %add3A = arith.constant 0 : i32
      %add3A_29 = arith.addi %add3A, %mul3A_28 : i32
      %scan3A_30 = arith.constant 0 : i32
      %scan3A_31 = arith.constant 4 : i32
      %scan3A_32 = arith.addi %scan3A_30, %scan3A_31 : i32
      %scan3A_33 = arith.constant 1 : i32
      scf.for %scan3A_35 = %scan3A_30 to %scan3A_32 step %scan3A_33  : i32 {
        %mul3A_36 = arith.constant 1 : i32
        %mul3A_37 = arith.muli %scan3A_35, %mul3A_36 : i32
        %add3A_38 = arith.constant 0 : i32
        %add3A_39 = arith.addi %add3A_38, %mul3A_37 : i32
        %broadcast_in_dim3A = arith.constant 0.000000e+00 : f32
        %broadcast_in_dim3A_40 = vector.broadcast %broadcast_in_dim3A : f32 to vector<16xf32>
        %mul3A_41 = arith.constant 16 : i32
        %mul3A_42 = arith.muli %add3A_39, %mul3A_41 : i32
        %swap3A = arith.index_cast %add3A_29 : i32 to index
        %swap3A_43 = arith.index_cast %mul3A_42 : i32 to index
        %swap3A_44 = tpu.vector_load %arg7[%swap3A, %swap3A_43] {strides = array<i32>} : memref<128x64xf32, #tpu.memory_space<vmem>>, vector<1x16xf32>,
        %swap3A_45 = vector.shape_cast %swap3A_44 : vector<1x16xf32> to vector<16xf32>
        %swap3A_46 = vector.shape_cast %broadcast_in_dim3A_40 : vector<16xf32> to vector<1x16xf32>
        tpu.vector_store %arg7[%swap3A, %swap3A_43], %swap3A_46 {strides = array<i32>} : memref<128x64xf32, #tpu.memory_space<vmem>>, vector<1x16xf32>,
      }
      %scan3A_34 = arith.constant 4 : i32
    }
    %scan3A_3 = arith.constant 128 : i32
    %scan3A_4 = arith.constant 0 : i32
    %scan3A_5 = arith.constant 5 : i32
    %scan3A_6 = arith.addi %scan3A_4, %scan3A_5 : i32
    %scan3A_7 = arith.constant 1 : i32
    scf.for %scan3A_27 = %scan3A_4 to %scan3A_6 step %scan3A_7  : i32 {
      %mul3A = arith.constant 1 : i32
      %mul3A_28 = arith.muli %scan3A_27, %mul3A : i32
      %add3A = arith.constant 0 : i32
      %add3A_29 = arith.addi %add3A, %mul3A_28 : i32
      %mul3A_30 = arith.constant 640 : i32
      %mul3A_31 = arith.muli %arg1, %mul3A_30 : i32
      %mul3A_32 = arith.constant 128 : i32
      %mul3A_33 = arith.muli %add3A_29, %mul3A_32 : i32
      %add3A_34 = arith.addi %mul3A_31, %mul3A_33 : i32
      "tpu.region"() ({
        %run_scoped3A = tpu.sem_alloc : memref<!tpu.dma_semaphore, #tpu.memory_space<semaphore_mem>>
        %dma_start3A = arith.constant 0 : i32
        %dma_start3A_35 = tpu.memref_slice %arg9[%add3A_34, %dma_start3A] : memref<10240x64xf32, #tpu.memory_space<vmem_shared>> -> memref<128x64xf32, #tpu.memory_space<vmem_shared>>
        %dma_start3A_36 = arith.constant 0 : i32
        %dma_start3A_37 = tpu.memref_slice %arg9[%add3A_34, %dma_start3A_36] : memref<10240x64xf32, #tpu.memory_space<vmem_shared>> -> memref<128x64xf32, #tpu.memory_space<vmem_shared>>
        tpu.enqueue_dma source(%arg7 : memref<128x64xf32, #tpu.memory_space<vmem>>) target(%dma_start3A_37 : memref<128x64xf32, #tpu.memory_space<vmem_shared>>) target_semaphore(%run_scoped3A : memref<!tpu.dma_semaphore, #tpu.memory_space<semaphore_mem>>)
        %dma_wait3A = arith.constant 0 : i32
        %dma_wait3A_38 = tpu.memref_slice %arg9[%add3A_34, %dma_wait3A] : memref<10240x64xf32, #tpu.memory_space<vmem_shared>> -> memref<128x64xf32, #tpu.memory_space<vmem_shared>>
        %dma_wait3A_39 = arith.constant 0 : i32
        %dma_wait3A_40 = tpu.memref_slice %arg9[%add3A_34, %dma_wait3A_39] : memref<10240x64xf32, #tpu.memory_space<vmem_shared>> -> memref<128x64xf32, #tpu.memory_space<vmem_shared>>
        tpu.wait_dma2 semaphore(%run_scoped3A : memref<!tpu.dma_semaphore, #tpu.memory_space<semaphore_mem>>) src(%arg7 : memref<128x64xf32, #tpu.memory_space<vmem>>) dst(%dma_wait3A_40 : memref<128x64xf32, #tpu.memory_space<vmem_shared>>)
        tpu.yield
      }) : () -> ()
    }
    %scan3A_8 = arith.constant 5 : i32
    %eq3A = arith.constant 1 : i32
    %eq3A_9 = arith.cmpi eq, %arg0, %eq3A : i32
    %convert_element_type3A = arith.extui %eq3A_9 : i1 to i32
    %cond3A = arith.constant 0 : i32
    %cond3A_10 = arith.cmpi ne, %convert_element_type3A, %cond3A : i32
    scf.if %cond3A_10 {
      %mul3A = arith.constant 640 : i32
      %mul3A_27 = arith.muli %arg1, %mul3A : i32
      %mul3A_28 = arith.constant 640 : i32
      %mul3A_29 = arith.muli %arg1, %mul3A_28 : i32
      "tpu.region"() ({
        %run_scoped3A = tpu.sem_alloc : memref<!tpu.dma_semaphore, #tpu.memory_space<semaphore_mem>>
        %dma_start3A = arith.constant 0 : i32
        %dma_start3A_30 = tpu.memref_slice %arg10[%mul3A_29, %dma_start3A] : memref<10240x64xf32, #tpu.memory_space<vmem_shared>> -> memref<640x64xf32, #tpu.memory_space<vmem_shared>>
        %dma_start3A_31 = arith.constant 0 : i32
        %dma_start3A_32 = tpu.memref_slice %arg2[%mul3A_27, %dma_start3A_31] : memref<10240x64xf32, #tpu.memory_space<hbm>> -> memref<640x64xf32, #tpu.memory_space<hbm>>
        tpu.enqueue_dma source(%dma_start3A_32 : memref<640x64xf32, #tpu.memory_space<hbm>>) target(%dma_start3A_30 : memref<640x64xf32, #tpu.memory_space<vmem_shared>>) target_semaphore(%run_scoped3A : memref<!tpu.dma_semaphore, #tpu.memory_space<semaphore_mem>>)
        %dma_wait3A = arith.constant 0 : i32
        %dma_wait3A_33 = tpu.memref_slice %arg10[%mul3A_29, %dma_wait3A] : memref<10240x64xf32, #tpu.memory_space<vmem_shared>> -> memref<640x64xf32, #tpu.memory_space<vmem_shared>>
        %dma_wait3A_34 = arith.constant 0 : i32
        %dma_wait3A_35 = tpu.memref_slice %arg2[%mul3A_27, %dma_wait3A_34] : memref<10240x64xf32, #tpu.memory_space<hbm>> -> memref<640x64xf32, #tpu.memory_space<hbm>>
        tpu.wait_dma2 semaphore(%run_scoped3A : memref<!tpu.dma_semaphore, #tpu.memory_space<semaphore_mem>>) src(%dma_wait3A_35 : memref<640x64xf32, #tpu.memory_space<hbm>>) dst(%dma_wait3A_33 : memref<640x64xf32, #tpu.memory_space<vmem_shared>>)
        tpu.yield
      }) : () -> ()
    } else {
    }
    %barrier3A = arith.constant 0 : index
    tpu.barrier barrier_id(%barrier3A)
    %eq3A_11 = arith.constant 0 : i32
    %eq3A_12 = arith.cmpi eq, %arg0, %eq3A_11 : i32
    %convert_element_type3A_13 = arith.extui %eq3A_12 : i1 to i32
    %cond3A_14 = arith.constant 0 : i32
    %cond3A_15 = arith.cmpi ne, %convert_element_type3A_13, %cond3A_14 : i32
    scf.if %cond3A_15 {
      %mul3A = arith.constant 88 : i32
      %mul3A_27 = arith.muli %arg1, %mul3A : i32
      %scan3A_28 = arith.constant 0 : i32
      %scan3A_29 = arith.constant 11 : i32
      %scan3A_30 = arith.addi %scan3A_28, %scan3A_29 : i32
      %scan3A_31 = arith.constant 1 : i32
      scf.for %scan3A_33 = %scan3A_28 to %scan3A_30 step %scan3A_31  : i32 {
        %mul3A_34 = arith.constant 1 : i32
        %mul3A_35 = arith.muli %scan3A_33, %mul3A_34 : i32
        %add3A = arith.constant 0 : i32
        %add3A_36 = arith.addi %add3A, %mul3A_35 : i32
        %mul3A_37 = arith.constant 8 : i32
        %mul3A_38 = arith.muli %add3A_36, %mul3A_37 : i32
        %add3A_39 = arith.addi %mul3A_27, %mul3A_38 : i32
        %run_scoped3A = arith.constant 0 : i32
        "tpu.region"() ({
          %run_scoped3A_263 = tpu.sem_alloc : memref<!tpu.dma_semaphore, #tpu.memory_space<semaphore_mem>>
          %dma_start3A_264 = arith.constant 0 : i32
          %dma_start3A_265 = arith.constant 0 : i32
          %dma_start3A_266 = tpu.memref_slice %arg3[%run_scoped3A, %dma_start3A_264, %dma_start3A_265] : memref<2x2560x128xi32, #tpu.memory_space<hbm>> -> memref<1x2560x128xi32, #tpu.memory_space<hbm>>
          %dma_start3A_267 = tpu.memref_squeeze %dma_start3A_266 : memref<1x2560x128xi32, #tpu.memory_space<hbm>> -> memref<2560x128xi32, #tpu.memory_space<hbm>>
          %dma_start3A_268 = arith.constant 0 : i32
          %dma_start3A_269 = tpu.memref_slice %dma_start3A_267[%add3A_39, %dma_start3A_268] : memref<2560x128xi32, #tpu.memory_space<hbm>> -> memref<8x128xi32, #tpu.memory_space<hbm>>
          %dma_start3A_270 = arith.constant 0 : i32
          %dma_start3A_271 = arith.constant 0 : i32
          %dma_start3A_272 = tpu.memref_slice %arg3[%run_scoped3A, %dma_start3A_270, %dma_start3A_271] : memref<2x2560x128xi32, #tpu.memory_space<hbm>> -> memref<1x2560x128xi32, #tpu.memory_space<hbm>>
          %dma_start3A_273 = tpu.memref_squeeze %dma_start3A_272 : memref<1x2560x128xi32, #tpu.memory_space<hbm>> -> memref<2560x128xi32, #tpu.memory_space<hbm>>
          %dma_start3A_274 = arith.constant 0 : i32
          %dma_start3A_275 = tpu.memref_slice %dma_start3A_273[%add3A_39, %dma_start3A_274] : memref<2560x128xi32, #tpu.memory_space<hbm>> -> memref<8x128xi32, #tpu.memory_space<hbm>>
          tpu.enqueue_dma source(%dma_start3A_275 : memref<8x128xi32, #tpu.memory_space<hbm>>) target(%arg5 : memref<8x128xi32, #tpu.memory_space<vmem>>) target_semaphore(%run_scoped3A_263 : memref<!tpu.dma_semaphore, #tpu.memory_space<semaphore_mem>>)
          %dma_wait3A_276 = arith.constant 0 : i32
          %dma_wait3A_277 = arith.constant 0 : i32
          %dma_wait3A_278 = tpu.memref_slice %arg3[%run_scoped3A, %dma_wait3A_276, %dma_wait3A_277] : memref<2x2560x128xi32, #tpu.memory_space<hbm>> -> memref<1x2560x128xi32, #tpu.memory_space<hbm>>
          %dma_wait3A_279 = tpu.memref_squeeze %dma_wait3A_278 : memref<1x2560x128xi32, #tpu.memory_space<hbm>> -> memref<2560x128xi32, #tpu.memory_space<hbm>>
          %dma_wait3A_280 = arith.constant 0 : i32
          %dma_wait3A_281 = tpu.memref_slice %dma_wait3A_279[%add3A_39, %dma_wait3A_280] : memref<2560x128xi32, #tpu.memory_space<hbm>> -> memref<8x128xi32, #tpu.memory_space<hbm>>
          %dma_wait3A_282 = arith.constant 0 : i32
          %dma_wait3A_283 = arith.constant 0 : i32
          %dma_wait3A_284 = tpu.memref_slice %arg3[%run_scoped3A, %dma_wait3A_282, %dma_wait3A_283] : memref<2x2560x128xi32, #tpu.memory_space<hbm>> -> memref<1x2560x128xi32, #tpu.memory_space<hbm>>
          %dma_wait3A_285 = tpu.memref_squeeze %dma_wait3A_284 : memref<1x2560x128xi32, #tpu.memory_space<hbm>> -> memref<2560x128xi32, #tpu.memory_space<hbm>>
          %dma_wait3A_286 = arith.constant 0 : i32
          %dma_wait3A_287 = tpu.memref_slice %dma_wait3A_285[%add3A_39, %dma_wait3A_286] : memref<2560x128xi32, #tpu.memory_space<hbm>> -> memref<8x128xi32, #tpu.memory_space<hbm>>
          tpu.wait_dma2 semaphore(%run_scoped3A_263 : memref<!tpu.dma_semaphore, #tpu.memory_space<semaphore_mem>>) src(%dma_wait3A_287 : memref<8x128xi32, #tpu.memory_space<hbm>>) dst(%arg5 : memref<8x128xi32, #tpu.memory_space<vmem>>)
          tpu.yield
        }) : () -> ()
        %run_scoped3A_40 = arith.constant 1 : i32
        "tpu.region"() ({
          %run_scoped3A_263 = tpu.sem_alloc : memref<!tpu.dma_semaphore, #tpu.memory_space<semaphore_mem>>
          %dma_start3A_264 = arith.constant 0 : i32
          %dma_start3A_265 = arith.constant 0 : i32
          %dma_start3A_266 = tpu.memref_slice %arg3[%run_scoped3A_40, %dma_start3A_264, %dma_start3A_265] : memref<2x2560x128xi32, #tpu.memory_space<hbm>> -> memref<1x2560x128xi32, #tpu.memory_space<hbm>>
          %dma_start3A_267 = tpu.memref_squeeze %dma_start3A_266 : memref<1x2560x128xi32, #tpu.memory_space<hbm>> -> memref<2560x128xi32, #tpu.memory_space<hbm>>
          %dma_start3A_268 = arith.constant 0 : i32
          %dma_start3A_269 = tpu.memref_slice %dma_start3A_267[%add3A_39, %dma_start3A_268] : memref<2560x128xi32, #tpu.memory_space<hbm>> -> memref<8x128xi32, #tpu.memory_space<hbm>>
          %dma_start3A_270 = arith.constant 0 : i32
          %dma_start3A_271 = arith.constant 0 : i32
          %dma_start3A_272 = tpu.memref_slice %arg3[%run_scoped3A_40, %dma_start3A_270, %dma_start3A_271] : memref<2x2560x128xi32, #tpu.memory_space<hbm>> -> memref<1x2560x128xi32, #tpu.memory_space<hbm>>
          %dma_start3A_273 = tpu.memref_squeeze %dma_start3A_272 : memref<1x2560x128xi32, #tpu.memory_space<hbm>> -> memref<2560x128xi32, #tpu.memory_space<hbm>>
          %dma_start3A_274 = arith.constant 0 : i32
          %dma_start3A_275 = tpu.memref_slice %dma_start3A_273[%add3A_39, %dma_start3A_274] : memref<2560x128xi32, #tpu.memory_space<hbm>> -> memref<8x128xi32, #tpu.memory_space<hbm>>
          tpu.enqueue_dma source(%dma_start3A_275 : memref<8x128xi32, #tpu.memory_space<hbm>>) target(%arg6 : memref<8x128xi32, #tpu.memory_space<vmem>>) target_semaphore(%run_scoped3A_263 : memref<!tpu.dma_semaphore, #tpu.memory_space<semaphore_mem>>)
          %dma_wait3A_276 = arith.constant 0 : i32
          %dma_wait3A_277 = arith.constant 0 : i32
          %dma_wait3A_278 = tpu.memref_slice %arg3[%run_scoped3A_40, %dma_wait3A_276, %dma_wait3A_277] : memref<2x2560x128xi32, #tpu.memory_space<hbm>> -> memref<1x2560x128xi32, #tpu.memory_space<hbm>>
          %dma_wait3A_279 = tpu.memref_squeeze %dma_wait3A_278 : memref<1x2560x128xi32, #tpu.memory_space<hbm>> -> memref<2560x128xi32, #tpu.memory_space<hbm>>
          %dma_wait3A_280 = arith.constant 0 : i32
          %dma_wait3A_281 = tpu.memref_slice %dma_wait3A_279[%add3A_39, %dma_wait3A_280] : memref<2560x128xi32, #tpu.memory_space<hbm>> -> memref<8x128xi32, #tpu.memory_space<hbm>>
          %dma_wait3A_282 = arith.constant 0 : i32
          %dma_wait3A_283 = arith.constant 0 : i32
          %dma_wait3A_284 = tpu.memref_slice %arg3[%run_scoped3A_40, %dma_wait3A_282, %dma_wait3A_283] : memref<2x2560x128xi32, #tpu.memory_space<hbm>> -> memref<1x2560x128xi32, #tpu.memory_space<hbm>>
          %dma_wait3A_285 = tpu.memref_squeeze %dma_wait3A_284 : memref<1x2560x128xi32, #tpu.memory_space<hbm>> -> memref<2560x128xi32, #tpu.memory_space<hbm>>
          %dma_wait3A_286 = arith.constant 0 : i32
          %dma_wait3A_287 = tpu.memref_slice %dma_wait3A_285[%add3A_39, %dma_wait3A_286] : memref<2560x128xi32, #tpu.memory_space<hbm>> -> memref<8x128xi32, #tpu.memory_space<hbm>>
          tpu.wait_dma2 semaphore(%run_scoped3A_263 : memref<!tpu.dma_semaphore, #tpu.memory_space<semaphore_mem>>) src(%dma_wait3A_287 : memref<8x128xi32, #tpu.memory_space<hbm>>) dst(%arg6 : memref<8x128xi32, #tpu.memory_space<vmem>>)
          tpu.yield
        }) : () -> ()
        %dma_start3A = arith.constant 0 : i32
        %dma_start3A_41 = arith.constant 0 : i32
        %dma_start3A_42 = tpu.memref_slice %arg5[%dma_start3A, %dma_start3A_41] : memref<8x128xi32, #tpu.memory_space<vmem>> -> memref<1x128xi32, #tpu.memory_space<vmem>>
        %dma_start3A_43 = tpu.memref_squeeze %dma_start3A_42 : memref<1x128xi32, #tpu.memory_space<vmem>> -> memref<128xi32, #tpu.memory_space<vmem>>
        %dma_start3A_44 = arith.constant 0 : i32
        %dma_start3A_45 = arith.constant 0 : i32
        %dma_start3A_46 = tpu.memref_slice %arg2[%dma_start3A_44, %dma_start3A_45] : memref<10240x64xf32, #tpu.memory_space<hbm>> -> memref<10240x64xf32, #tpu.memory_space<hbm>>
        tpu.enqueue_indirect_dma source(%dma_start3A_46 : memref<10240x64xf32, #tpu.memory_space<hbm>>) target(%arg7 : memref<128x64xf32, #tpu.memory_space<vmem>>) offsets(%dma_start3A_43 : memref<128xi32, #tpu.memory_space<vmem>>) semaphore(%arg11 : memref<!tpu.dma_semaphore, #tpu.memory_space<semaphore_mem>>)
        %dma_start3A_47 = arith.constant 1 : i32
        %dma_start3A_48 = arith.constant 0 : i32
        %dma_start3A_49 = tpu.memref_slice %arg5[%dma_start3A_47, %dma_start3A_48] : memref<8x128xi32, #tpu.memory_space<vmem>> -> memref<1x128xi32, #tpu.memory_space<vmem>>
        %dma_start3A_50 = tpu.memref_squeeze %dma_start3A_49 : memref<1x128xi32, #tpu.memory_space<vmem>> -> memref<128xi32, #tpu.memory_space<vmem>>
        %dma_start3A_51 = arith.constant 0 : i32
        %dma_start3A_52 = arith.constant 0 : i32
        %dma_start3A_53 = tpu.memref_slice %arg2[%dma_start3A_51, %dma_start3A_52] : memref<10240x64xf32, #tpu.memory_space<hbm>> -> memref<10240x64xf32, #tpu.memory_space<hbm>>
        tpu.enqueue_indirect_dma source(%dma_start3A_53 : memref<10240x64xf32, #tpu.memory_space<hbm>>) target(%arg8 : memref<128x64xf32, #tpu.memory_space<vmem>>) offsets(%dma_start3A_50 : memref<128xi32, #tpu.memory_space<vmem>>) semaphore(%arg12 : memref<!tpu.dma_semaphore, #tpu.memory_space<semaphore_mem>>)
        %dma_wait3A = arith.constant 0 : i32
        %dma_wait3A_54 = arith.constant 0 : i32
        %dma_wait3A_55 = tpu.memref_slice %arg5[%dma_wait3A, %dma_wait3A_54] : memref<8x128xi32, #tpu.memory_space<vmem>> -> memref<1x128xi32, #tpu.memory_space<vmem>>
        %dma_wait3A_56 = tpu.memref_squeeze %dma_wait3A_55 : memref<1x128xi32, #tpu.memory_space<vmem>> -> memref<128xi32, #tpu.memory_space<vmem>>
        %dma_wait3A_57 = arith.constant 0 : i32
        %dma_wait3A_58 = arith.constant 0 : i32
        %dma_wait3A_59 = tpu.memref_slice %arg2[%dma_wait3A_57, %dma_wait3A_58] : memref<10240x64xf32, #tpu.memory_space<hbm>> -> memref<10240x64xf32, #tpu.memory_space<hbm>>
        tpu.wait_indirect_dma semaphore(%arg11 : memref<!tpu.dma_semaphore, #tpu.memory_space<semaphore_mem>>) src(%dma_wait3A_59 : memref<10240x64xf32, #tpu.memory_space<hbm>>) dst(%arg7 : memref<128x64xf32, #tpu.memory_space<vmem>>)
        %dma_start3A_60 = arith.constant 0 : i32
        %dma_start3A_61 = arith.constant 0 : i32
        %dma_start3A_62 = tpu.memref_slice %arg6[%dma_start3A_60, %dma_start3A_61] : memref<8x128xi32, #tpu.memory_space<vmem>> -> memref<1x128xi32, #tpu.memory_space<vmem>>
        %dma_start3A_63 = tpu.memref_squeeze %dma_start3A_62 : memref<1x128xi32, #tpu.memory_space<vmem>> -> memref<128xi32, #tpu.memory_space<vmem>>
        %dma_start3A_64 = arith.constant 0 : i32
        %dma_start3A_65 = arith.constant 0 : i32
        %dma_start3A_66 = tpu.memref_slice %arg9[%dma_start3A_64, %dma_start3A_65] : memref<10240x64xf32, #tpu.memory_space<vmem_shared>> -> memref<10240x64xf32, #tpu.memory_space<vmem_shared>>
        tpu.enqueue_indirect_dma source(%arg7 : memref<128x64xf32, #tpu.memory_space<vmem>>) target(%dma_start3A_66 : memref<10240x64xf32, #tpu.memory_space<vmem_shared>>) offsets(%dma_start3A_63 : memref<128xi32, #tpu.memory_space<vmem>>) semaphore(%arg13 : memref<!tpu.dma_semaphore, #tpu.memory_space<semaphore_mem>>) {add = true}
        %dma_wait3A_67 = arith.constant 0 : i32
        %dma_wait3A_68 = arith.constant 0 : i32
        %dma_wait3A_69 = tpu.memref_slice %arg6[%dma_wait3A_67, %dma_wait3A_68] : memref<8x128xi32, #tpu.memory_space<vmem>> -> memref<1x128xi32, #tpu.memory_space<vmem>>
        %dma_wait3A_70 = tpu.memref_squeeze %dma_wait3A_69 : memref<1x128xi32, #tpu.memory_space<vmem>> -> memref<128xi32, #tpu.memory_space<vmem>>
        %dma_wait3A_71 = arith.constant 0 : i32
        %dma_wait3A_72 = arith.constant 0 : i32
        %dma_wait3A_73 = tpu.memref_slice %arg9[%dma_wait3A_71, %dma_wait3A_72] : memref<10240x64xf32, #tpu.memory_space<vmem_shared>> -> memref<10240x64xf32, #tpu.memory_space<vmem_shared>>
        tpu.wait_indirect_dma semaphore(%arg13 : memref<!tpu.dma_semaphore, #tpu.memory_space<semaphore_mem>>) src(%arg7 : memref<128x64xf32, #tpu.memory_space<vmem>>) dst(%dma_wait3A_73 : memref<10240x64xf32, #tpu.memory_space<vmem_shared>>)
        %dma_start3A_74 = arith.constant 2 : i32
        %dma_start3A_75 = arith.constant 0 : i32
        %dma_start3A_76 = tpu.memref_slice %arg5[%dma_start3A_74, %dma_start3A_75] : memref<8x128xi32, #tpu.memory_space<vmem>> -> memref<1x128xi32, #tpu.memory_space<vmem>>
        %dma_start3A_77 = tpu.memref_squeeze %dma_start3A_76 : memref<1x128xi32, #tpu.memory_space<vmem>> -> memref<128xi32, #tpu.memory_space<vmem>>
        %dma_start3A_78 = arith.constant 0 : i32
        %dma_start3A_79 = arith.constant 0 : i32
        %dma_start3A_80 = tpu.memref_slice %arg2[%dma_start3A_78, %dma_start3A_79] : memref<10240x64xf32, #tpu.memory_space<hbm>> -> memref<10240x64xf32, #tpu.memory_space<hbm>>
        tpu.enqueue_indirect_dma source(%dma_start3A_80 : memref<10240x64xf32, #tpu.memory_space<hbm>>) target(%arg7 : memref<128x64xf32, #tpu.memory_space<vmem>>) offsets(%dma_start3A_77 : memref<128xi32, #tpu.memory_space<vmem>>) semaphore(%arg11 : memref<!tpu.dma_semaphore, #tpu.memory_space<semaphore_mem>>)
        %dma_wait3A_81 = arith.constant 1 : i32
        %dma_wait3A_82 = arith.constant 0 : i32
        %dma_wait3A_83 = tpu.memref_slice %arg5[%dma_wait3A_81, %dma_wait3A_82] : memref<8x128xi32, #tpu.memory_space<vmem>> -> memref<1x128xi32, #tpu.memory_space<vmem>>
        %dma_wait3A_84 = tpu.memref_squeeze %dma_wait3A_83 : memref<1x128xi32, #tpu.memory_space<vmem>> -> memref<128xi32, #tpu.memory_space<vmem>>
        %dma_wait3A_85 = arith.constant 0 : i32
        %dma_wait3A_86 = arith.constant 0 : i32
        %dma_wait3A_87 = tpu.memref_slice %arg2[%dma_wait3A_85, %dma_wait3A_86] : memref<10240x64xf32, #tpu.memory_space<hbm>> -> memref<10240x64xf32, #tpu.memory_space<hbm>>
        tpu.wait_indirect_dma semaphore(%arg12 : memref<!tpu.dma_semaphore, #tpu.memory_space<semaphore_mem>>) src(%dma_wait3A_87 : memref<10240x64xf32, #tpu.memory_space<hbm>>) dst(%arg8 : memref<128x64xf32, #tpu.memory_space<vmem>>)
        %dma_start3A_88 = arith.constant 1 : i32
        %dma_start3A_89 = arith.constant 0 : i32
        %dma_start3A_90 = tpu.memref_slice %arg6[%dma_start3A_88, %dma_start3A_89] : memref<8x128xi32, #tpu.memory_space<vmem>> -> memref<1x128xi32, #tpu.memory_space<vmem>>
        %dma_start3A_91 = tpu.memref_squeeze %dma_start3A_90 : memref<1x128xi32, #tpu.memory_space<vmem>> -> memref<128xi32, #tpu.memory_space<vmem>>
        %dma_start3A_92 = arith.constant 0 : i32
        %dma_start3A_93 = arith.constant 0 : i32
        %dma_start3A_94 = tpu.memref_slice %arg9[%dma_start3A_92, %dma_start3A_93] : memref<10240x64xf32, #tpu.memory_space<vmem_shared>> -> memref<10240x64xf32, #tpu.memory_space<vmem_shared>>
        tpu.enqueue_indirect_dma source(%arg8 : memref<128x64xf32, #tpu.memory_space<vmem>>) target(%dma_start3A_94 : memref<10240x64xf32, #tpu.memory_space<vmem_shared>>) offsets(%dma_start3A_91 : memref<128xi32, #tpu.memory_space<vmem>>) semaphore(%arg14 : memref<!tpu.dma_semaphore, #tpu.memory_space<semaphore_mem>>) {add = true}
        %dma_wait3A_95 = arith.constant 1 : i32
        %dma_wait3A_96 = arith.constant 0 : i32
        %dma_wait3A_97 = tpu.memref_slice %arg6[%dma_wait3A_95, %dma_wait3A_96] : memref<8x128xi32, #tpu.memory_space<vmem>> -> memref<1x128xi32, #tpu.memory_space<vmem>>
        %dma_wait3A_98 = tpu.memref_squeeze %dma_wait3A_97 : memref<1x128xi32, #tpu.memory_space<vmem>> -> memref<128xi32, #tpu.memory_space<vmem>>
        %dma_wait3A_99 = arith.constant 0 : i32
        %dma_wait3A_100 = arith.constant 0 : i32
        %dma_wait3A_101 = tpu.memref_slice %arg9[%dma_wait3A_99, %dma_wait3A_100] : memref<10240x64xf32, #tpu.memory_space<vmem_shared>> -> memref<10240x64xf32, #tpu.memory_space<vmem_shared>>
        tpu.wait_indirect_dma semaphore(%arg14 : memref<!tpu.dma_semaphore, #tpu.memory_space<semaphore_mem>>) src(%arg8 : memref<128x64xf32, #tpu.memory_space<vmem>>) dst(%dma_wait3A_101 : memref<10240x64xf32, #tpu.memory_space<vmem_shared>>)
        %dma_start3A_102 = arith.constant 3 : i32
        %dma_start3A_103 = arith.constant 0 : i32
        %dma_start3A_104 = tpu.memref_slice %arg5[%dma_start3A_102, %dma_start3A_103] : memref<8x128xi32, #tpu.memory_space<vmem>> -> memref<1x128xi32, #tpu.memory_space<vmem>>
        %dma_start3A_105 = tpu.memref_squeeze %dma_start3A_104 : memref<1x128xi32, #tpu.memory_space<vmem>> -> memref<128xi32, #tpu.memory_space<vmem>>
        %dma_start3A_106 = arith.constant 0 : i32
        %dma_start3A_107 = arith.constant 0 : i32
        %dma_start3A_108 = tpu.memref_slice %arg2[%dma_start3A_106, %dma_start3A_107] : memref<10240x64xf32, #tpu.memory_space<hbm>> -> memref<10240x64xf32, #tpu.memory_space<hbm>>
        tpu.enqueue_indirect_dma source(%dma_start3A_108 : memref<10240x64xf32, #tpu.memory_space<hbm>>) target(%arg8 : memref<128x64xf32, #tpu.memory_space<vmem>>) offsets(%dma_start3A_105 : memref<128xi32, #tpu.memory_space<vmem>>) semaphore(%arg12 : memref<!tpu.dma_semaphore, #tpu.memory_space<semaphore_mem>>)
        %dma_wait3A_109 = arith.constant 2 : i32
        %dma_wait3A_110 = arith.constant 0 : i32
        %dma_wait3A_111 = tpu.memref_slice %arg5[%dma_wait3A_109, %dma_wait3A_110] : memref<8x128xi32, #tpu.memory_space<vmem>> -> memref<1x128xi32, #tpu.memory_space<vmem>>
        %dma_wait3A_112 = tpu.memref_squeeze %dma_wait3A_111 : memref<1x128xi32, #tpu.memory_space<vmem>> -> memref<128xi32, #tpu.memory_space<vmem>>
        %dma_wait3A_113 = arith.constant 0 : i32
        %dma_wait3A_114 = arith.constant 0 : i32
        %dma_wait3A_115 = tpu.memref_slice %arg2[%dma_wait3A_113, %dma_wait3A_114] : memref<10240x64xf32, #tpu.memory_space<hbm>> -> memref<10240x64xf32, #tpu.memory_space<hbm>>
        tpu.wait_indirect_dma semaphore(%arg11 : memref<!tpu.dma_semaphore, #tpu.memory_space<semaphore_mem>>) src(%dma_wait3A_115 : memref<10240x64xf32, #tpu.memory_space<hbm>>) dst(%arg7 : memref<128x64xf32, #tpu.memory_space<vmem>>)
        %dma_start3A_116 = arith.constant 2 : i32
        %dma_start3A_117 = arith.constant 0 : i32
        %dma_start3A_118 = tpu.memref_slice %arg6[%dma_start3A_116, %dma_start3A_117] : memref<8x128xi32, #tpu.memory_space<vmem>> -> memref<1x128xi32, #tpu.memory_space<vmem>>
        %dma_start3A_119 = tpu.memref_squeeze %dma_start3A_118 : memref<1x128xi32, #tpu.memory_space<vmem>> -> memref<128xi32, #tpu.memory_space<vmem>>
        %dma_start3A_120 = arith.constant 0 : i32
        %dma_start3A_121 = arith.constant 0 : i32
        %dma_start3A_122 = tpu.memref_slice %arg9[%dma_start3A_120, %dma_start3A_121] : memref<10240x64xf32, #tpu.memory_space<vmem_shared>> -> memref<10240x64xf32, #tpu.memory_space<vmem_shared>>
        tpu.enqueue_indirect_dma source(%arg7 : memref<128x64xf32, #tpu.memory_space<vmem>>) target(%dma_start3A_122 : memref<10240x64xf32, #tpu.memory_space<vmem_shared>>) offsets(%dma_start3A_119 : memref<128xi32, #tpu.memory_space<vmem>>) semaphore(%arg13 : memref<!tpu.dma_semaphore, #tpu.memory_space<semaphore_mem>>) {add = true}
        %dma_wait3A_123 = arith.constant 2 : i32
        %dma_wait3A_124 = arith.constant 0 : i32
        %dma_wait3A_125 = tpu.memref_slice %arg6[%dma_wait3A_123, %dma_wait3A_124] : memref<8x128xi32, #tpu.memory_space<vmem>> -> memref<1x128xi32, #tpu.memory_space<vmem>>
        %dma_wait3A_126 = tpu.memref_squeeze %dma_wait3A_125 : memref<1x128xi32, #tpu.memory_space<vmem>> -> memref<128xi32, #tpu.memory_space<vmem>>
        %dma_wait3A_127 = arith.constant 0 : i32
        %dma_wait3A_128 = arith.constant 0 : i32
        %dma_wait3A_129 = tpu.memref_slice %arg9[%dma_wait3A_127, %dma_wait3A_128] : memref<10240x64xf32, #tpu.memory_space<vmem_shared>> -> memref<10240x64xf32, #tpu.memory_space<vmem_shared>>
        tpu.wait_indirect_dma semaphore(%arg13 : memref<!tpu.dma_semaphore, #tpu.memory_space<semaphore_mem>>) src(%arg7 : memref<128x64xf32, #tpu.memory_space<vmem>>) dst(%dma_wait3A_129 : memref<10240x64xf32, #tpu.memory_space<vmem_shared>>)
        %dma_start3A_130 = arith.constant 4 : i32
        %dma_start3A_131 = arith.constant 0 : i32
        %dma_start3A_132 = tpu.memref_slice %arg5[%dma_start3A_130, %dma_start3A_131] : memref<8x128xi32, #tpu.memory_space<vmem>> -> memref<1x128xi32, #tpu.memory_space<vmem>>
        %dma_start3A_133 = tpu.memref_squeeze %dma_start3A_132 : memref<1x128xi32, #tpu.memory_space<vmem>> -> memref<128xi32, #tpu.memory_space<vmem>>
        %dma_start3A_134 = arith.constant 0 : i32
        %dma_start3A_135 = arith.constant 0 : i32
        %dma_start3A_136 = tpu.memref_slice %arg2[%dma_start3A_134, %dma_start3A_135] : memref<10240x64xf32, #tpu.memory_space<hbm>> -> memref<10240x64xf32, #tpu.memory_space<hbm>>
        tpu.enqueue_indirect_dma source(%dma_start3A_136 : memref<10240x64xf32, #tpu.memory_space<hbm>>) target(%arg7 : memref<128x64xf32, #tpu.memory_space<vmem>>) offsets(%dma_start3A_133 : memref<128xi32, #tpu.memory_space<vmem>>) semaphore(%arg11 : memref<!tpu.dma_semaphore, #tpu.memory_space<semaphore_mem>>)
        %dma_wait3A_137 = arith.constant 3 : i32
        %dma_wait3A_138 = arith.constant 0 : i32
        %dma_wait3A_139 = tpu.memref_slice %arg5[%dma_wait3A_137, %dma_wait3A_138] : memref<8x128xi32, #tpu.memory_space<vmem>> -> memref<1x128xi32, #tpu.memory_space<vmem>>
        %dma_wait3A_140 = tpu.memref_squeeze %dma_wait3A_139 : memref<1x128xi32, #tpu.memory_space<vmem>> -> memref<128xi32, #tpu.memory_space<vmem>>
        %dma_wait3A_141 = arith.constant 0 : i32
        %dma_wait3A_142 = arith.constant 0 : i32
        %dma_wait3A_143 = tpu.memref_slice %arg2[%dma_wait3A_141, %dma_wait3A_142] : memref<10240x64xf32, #tpu.memory_space<hbm>> -> memref<10240x64xf32, #tpu.memory_space<hbm>>
        tpu.wait_indirect_dma semaphore(%arg12 : memref<!tpu.dma_semaphore, #tpu.memory_space<semaphore_mem>>) src(%dma_wait3A_143 : memref<10240x64xf32, #tpu.memory_space<hbm>>) dst(%arg8 : memref<128x64xf32, #tpu.memory_space<vmem>>)
        %dma_start3A_144 = arith.constant 3 : i32
        %dma_start3A_145 = arith.constant 0 : i32
        %dma_start3A_146 = tpu.memref_slice %arg6[%dma_start3A_144, %dma_start3A_145] : memref<8x128xi32, #tpu.memory_space<vmem>> -> memref<1x128xi32, #tpu.memory_space<vmem>>
        %dma_start3A_147 = tpu.memref_squeeze %dma_start3A_146 : memref<1x128xi32, #tpu.memory_space<vmem>> -> memref<128xi32, #tpu.memory_space<vmem>>
        %dma_start3A_148 = arith.constant 0 : i32
        %dma_start3A_149 = arith.constant 0 : i32
        %dma_start3A_150 = tpu.memref_slice %arg9[%dma_start3A_148, %dma_start3A_149] : memref<10240x64xf32, #tpu.memory_space<vmem_shared>> -> memref<10240x64xf32, #tpu.memory_space<vmem_shared>>
        tpu.enqueue_indirect_dma source(%arg8 : memref<128x64xf32, #tpu.memory_space<vmem>>) target(%dma_start3A_150 : memref<10240x64xf32, #tpu.memory_space<vmem_shared>>) offsets(%dma_start3A_147 : memref<128xi32, #tpu.memory_space<vmem>>) semaphore(%arg14 : memref<!tpu.dma_semaphore, #tpu.memory_space<semaphore_mem>>) {add = true}
        %dma_wait3A_151 = arith.constant 3 : i32
        %dma_wait3A_152 = arith.constant 0 : i32
        %dma_wait3A_153 = tpu.memref_slice %arg6[%dma_wait3A_151, %dma_wait3A_152] : memref<8x128xi32, #tpu.memory_space<vmem>> -> memref<1x128xi32, #tpu.memory_space<vmem>>
        %dma_wait3A_154 = tpu.memref_squeeze %dma_wait3A_153 : memref<1x128xi32, #tpu.memory_space<vmem>> -> memref<128xi32, #tpu.memory_space<vmem>>
        %dma_wait3A_155 = arith.constant 0 : i32
        %dma_wait3A_156 = arith.constant 0 : i32
        %dma_wait3A_157 = tpu.memref_slice %arg9[%dma_wait3A_155, %dma_wait3A_156] : memref<10240x64xf32, #tpu.memory_space<vmem_shared>> -> memref<10240x64xf32, #tpu.memory_space<vmem_shared>>
        tpu.wait_indirect_dma semaphore(%arg14 : memref<!tpu.dma_semaphore, #tpu.memory_space<semaphore_mem>>) src(%arg8 : memref<128x64xf32, #tpu.memory_space<vmem>>) dst(%dma_wait3A_157 : memref<10240x64xf32, #tpu.memory_space<vmem_shared>>)
        %dma_start3A_158 = arith.constant 5 : i32
        %dma_start3A_159 = arith.constant 0 : i32
        %dma_start3A_160 = tpu.memref_slice %arg5[%dma_start3A_158, %dma_start3A_159] : memref<8x128xi32, #tpu.memory_space<vmem>> -> memref<1x128xi32, #tpu.memory_space<vmem>>
        %dma_start3A_161 = tpu.memref_squeeze %dma_start3A_160 : memref<1x128xi32, #tpu.memory_space<vmem>> -> memref<128xi32, #tpu.memory_space<vmem>>
        %dma_start3A_162 = arith.constant 0 : i32
        %dma_start3A_163 = arith.constant 0 : i32
        %dma_start3A_164 = tpu.memref_slice %arg2[%dma_start3A_162, %dma_start3A_163] : memref<10240x64xf32, #tpu.memory_space<hbm>> -> memref<10240x64xf32, #tpu.memory_space<hbm>>
        tpu.enqueue_indirect_dma source(%dma_start3A_164 : memref<10240x64xf32, #tpu.memory_space<hbm>>) target(%arg8 : memref<128x64xf32, #tpu.memory_space<vmem>>) offsets(%dma_start3A_161 : memref<128xi32, #tpu.memory_space<vmem>>) semaphore(%arg12 : memref<!tpu.dma_semaphore, #tpu.memory_space<semaphore_mem>>)
        %dma_wait3A_165 = arith.constant 4 : i32
        %dma_wait3A_166 = arith.constant 0 : i32
        %dma_wait3A_167 = tpu.memref_slice %arg5[%dma_wait3A_165, %dma_wait3A_166] : memref<8x128xi32, #tpu.memory_space<vmem>> -> memref<1x128xi32, #tpu.memory_space<vmem>>
        %dma_wait3A_168 = tpu.memref_squeeze %dma_wait3A_167 : memref<1x128xi32, #tpu.memory_space<vmem>> -> memref<128xi32, #tpu.memory_space<vmem>>
        %dma_wait3A_169 = arith.constant 0 : i32
        %dma_wait3A_170 = arith.constant 0 : i32
        %dma_wait3A_171 = tpu.memref_slice %arg2[%dma_wait3A_169, %dma_wait3A_170] : memref<10240x64xf32, #tpu.memory_space<hbm>> -> memref<10240x64xf32, #tpu.memory_space<hbm>>
        tpu.wait_indirect_dma semaphore(%arg11 : memref<!tpu.dma_semaphore, #tpu.memory_space<semaphore_mem>>) src(%dma_wait3A_171 : memref<10240x64xf32, #tpu.memory_space<hbm>>) dst(%arg7 : memref<128x64xf32, #tpu.memory_space<vmem>>)
        %dma_start3A_172 = arith.constant 4 : i32
        %dma_start3A_173 = arith.constant 0 : i32
        %dma_start3A_174 = tpu.memref_slice %arg6[%dma_start3A_172, %dma_start3A_173] : memref<8x128xi32, #tpu.memory_space<vmem>> -> memref<1x128xi32, #tpu.memory_space<vmem>>
        %dma_start3A_175 = tpu.memref_squeeze %dma_start3A_174 : memref<1x128xi32, #tpu.memory_space<vmem>> -> memref<128xi32, #tpu.memory_space<vmem>>
        %dma_start3A_176 = arith.constant 0 : i32
        %dma_start3A_177 = arith.constant 0 : i32
        %dma_start3A_178 = tpu.memref_slice %arg9[%dma_start3A_176, %dma_start3A_177] : memref<10240x64xf32, #tpu.memory_space<vmem_shared>> -> memref<10240x64xf32, #tpu.memory_space<vmem_shared>>
        tpu.enqueue_indirect_dma source(%arg7 : memref<128x64xf32, #tpu.memory_space<vmem>>) target(%dma_start3A_178 : memref<10240x64xf32, #tpu.memory_space<vmem_shared>>) offsets(%dma_start3A_175 : memref<128xi32, #tpu.memory_space<vmem>>) semaphore(%arg13 : memref<!tpu.dma_semaphore, #tpu.memory_space<semaphore_mem>>) {add = true}
        %dma_wait3A_179 = arith.constant 4 : i32
        %dma_wait3A_180 = arith.constant 0 : i32
        %dma_wait3A_181 = tpu.memref_slice %arg6[%dma_wait3A_179, %dma_wait3A_180] : memref<8x128xi32, #tpu.memory_space<vmem>> -> memref<1x128xi32, #tpu.memory_space<vmem>>
        %dma_wait3A_182 = tpu.memref_squeeze %dma_wait3A_181 : memref<1x128xi32, #tpu.memory_space<vmem>> -> memref<128xi32, #tpu.memory_space<vmem>>
        %dma_wait3A_183 = arith.constant 0 : i32
        %dma_wait3A_184 = arith.constant 0 : i32
        %dma_wait3A_185 = tpu.memref_slice %arg9[%dma_wait3A_183, %dma_wait3A_184] : memref<10240x64xf32, #tpu.memory_space<vmem_shared>> -> memref<10240x64xf32, #tpu.memory_space<vmem_shared>>
        tpu.wait_indirect_dma semaphore(%arg13 : memref<!tpu.dma_semaphore, #tpu.memory_space<semaphore_mem>>) src(%arg7 : memref<128x64xf32, #tpu.memory_space<vmem>>) dst(%dma_wait3A_185 : memref<10240x64xf32, #tpu.memory_space<vmem_shared>>)
        %dma_start3A_186 = arith.constant 6 : i32
        %dma_start3A_187 = arith.constant 0 : i32
        %dma_start3A_188 = tpu.memref_slice %arg5[%dma_start3A_186, %dma_start3A_187] : memref<8x128xi32, #tpu.memory_space<vmem>> -> memref<1x128xi32, #tpu.memory_space<vmem>>
        %dma_start3A_189 = tpu.memref_squeeze %dma_start3A_188 : memref<1x128xi32, #tpu.memory_space<vmem>> -> memref<128xi32, #tpu.memory_space<vmem>>
        %dma_start3A_190 = arith.constant 0 : i32
        %dma_start3A_191 = arith.constant 0 : i32
        %dma_start3A_192 = tpu.memref_slice %arg2[%dma_start3A_190, %dma_start3A_191] : memref<10240x64xf32, #tpu.memory_space<hbm>> -> memref<10240x64xf32, #tpu.memory_space<hbm>>
        tpu.enqueue_indirect_dma source(%dma_start3A_192 : memref<10240x64xf32, #tpu.memory_space<hbm>>) target(%arg7 : memref<128x64xf32, #tpu.memory_space<vmem>>) offsets(%dma_start3A_189 : memref<128xi32, #tpu.memory_space<vmem>>) semaphore(%arg11 : memref<!tpu.dma_semaphore, #tpu.memory_space<semaphore_mem>>)
        %dma_wait3A_193 = arith.constant 5 : i32
        %dma_wait3A_194 = arith.constant 0 : i32
        %dma_wait3A_195 = tpu.memref_slice %arg5[%dma_wait3A_193, %dma_wait3A_194] : memref<8x128xi32, #tpu.memory_space<vmem>> -> memref<1x128xi32, #tpu.memory_space<vmem>>
        %dma_wait3A_196 = tpu.memref_squeeze %dma_wait3A_195 : memref<1x128xi32, #tpu.memory_space<vmem>> -> memref<128xi32, #tpu.memory_space<vmem>>
        %dma_wait3A_197 = arith.constant 0 : i32
        %dma_wait3A_198 = arith.constant 0 : i32
        %dma_wait3A_199 = tpu.memref_slice %arg2[%dma_wait3A_197, %dma_wait3A_198] : memref<10240x64xf32, #tpu.memory_space<hbm>> -> memref<10240x64xf32, #tpu.memory_space<hbm>>
        tpu.wait_indirect_dma semaphore(%arg12 : memref<!tpu.dma_semaphore, #tpu.memory_space<semaphore_mem>>) src(%dma_wait3A_199 : memref<10240x64xf32, #tpu.memory_space<hbm>>) dst(%arg8 : memref<128x64xf32, #tpu.memory_space<vmem>>)
        %dma_start3A_200 = arith.constant 5 : i32
        %dma_start3A_201 = arith.constant 0 : i32
        %dma_start3A_202 = tpu.memref_slice %arg6[%dma_start3A_200, %dma_start3A_201] : memref<8x128xi32, #tpu.memory_space<vmem>> -> memref<1x128xi32, #tpu.memory_space<vmem>>
        %dma_start3A_203 = tpu.memref_squeeze %dma_start3A_202 : memref<1x128xi32, #tpu.memory_space<vmem>> -> memref<128xi32, #tpu.memory_space<vmem>>
        %dma_start3A_204 = arith.constant 0 : i32
        %dma_start3A_205 = arith.constant 0 : i32
        %dma_start3A_206 = tpu.memref_slice %arg9[%dma_start3A_204, %dma_start3A_205] : memref<10240x64xf32, #tpu.memory_space<vmem_shared>> -> memref<10240x64xf32, #tpu.memory_space<vmem_shared>>
        tpu.enqueue_indirect_dma source(%arg8 : memref<128x64xf32, #tpu.memory_space<vmem>>) target(%dma_start3A_206 : memref<10240x64xf32, #tpu.memory_space<vmem_shared>>) offsets(%dma_start3A_203 : memref<128xi32, #tpu.memory_space<vmem>>) semaphore(%arg14 : memref<!tpu.dma_semaphore, #tpu.memory_space<semaphore_mem>>) {add = true}
        %dma_wait3A_207 = arith.constant 5 : i32
        %dma_wait3A_208 = arith.constant 0 : i32
        %dma_wait3A_209 = tpu.memref_slice %arg6[%dma_wait3A_207, %dma_wait3A_208] : memref<8x128xi32, #tpu.memory_space<vmem>> -> memref<1x128xi32, #tpu.memory_space<vmem>>
        %dma_wait3A_210 = tpu.memref_squeeze %dma_wait3A_209 : memref<1x128xi32, #tpu.memory_space<vmem>> -> memref<128xi32, #tpu.memory_space<vmem>>
        %dma_wait3A_211 = arith.constant 0 : i32
        %dma_wait3A_212 = arith.constant 0 : i32
        %dma_wait3A_213 = tpu.memref_slice %arg9[%dma_wait3A_211, %dma_wait3A_212] : memref<10240x64xf32, #tpu.memory_space<vmem_shared>> -> memref<10240x64xf32, #tpu.memory_space<vmem_shared>>
        tpu.wait_indirect_dma semaphore(%arg14 : memref<!tpu.dma_semaphore, #tpu.memory_space<semaphore_mem>>) src(%arg8 : memref<128x64xf32, #tpu.memory_space<vmem>>) dst(%dma_wait3A_213 : memref<10240x64xf32, #tpu.memory_space<vmem_shared>>)
        %dma_start3A_214 = arith.constant 7 : i32
        %dma_start3A_215 = arith.constant 0 : i32
        %dma_start3A_216 = tpu.memref_slice %arg5[%dma_start3A_214, %dma_start3A_215] : memref<8x128xi32, #tpu.memory_space<vmem>> -> memref<1x128xi32, #tpu.memory_space<vmem>>
        %dma_start3A_217 = tpu.memref_squeeze %dma_start3A_216 : memref<1x128xi32, #tpu.memory_space<vmem>> -> memref<128xi32, #tpu.memory_space<vmem>>
        %dma_start3A_218 = arith.constant 0 : i32
        %dma_start3A_219 = arith.constant 0 : i32
        %dma_start3A_220 = tpu.memref_slice %arg2[%dma_start3A_218, %dma_start3A_219] : memref<10240x64xf32, #tpu.memory_space<hbm>> -> memref<10240x64xf32, #tpu.memory_space<hbm>>
        tpu.enqueue_indirect_dma source(%dma_start3A_220 : memref<10240x64xf32, #tpu.memory_space<hbm>>) target(%arg8 : memref<128x64xf32, #tpu.memory_space<vmem>>) offsets(%dma_start3A_217 : memref<128xi32, #tpu.memory_space<vmem>>) semaphore(%arg12 : memref<!tpu.dma_semaphore, #tpu.memory_space<semaphore_mem>>)
        %dma_wait3A_221 = arith.constant 6 : i32
        %dma_wait3A_222 = arith.constant 0 : i32
        %dma_wait3A_223 = tpu.memref_slice %arg5[%dma_wait3A_221, %dma_wait3A_222] : memref<8x128xi32, #tpu.memory_space<vmem>> -> memref<1x128xi32, #tpu.memory_space<vmem>>
        %dma_wait3A_224 = tpu.memref_squeeze %dma_wait3A_223 : memref<1x128xi32, #tpu.memory_space<vmem>> -> memref<128xi32, #tpu.memory_space<vmem>>
        %dma_wait3A_225 = arith.constant 0 : i32
        %dma_wait3A_226 = arith.constant 0 : i32
        %dma_wait3A_227 = tpu.memref_slice %arg2[%dma_wait3A_225, %dma_wait3A_226] : memref<10240x64xf32, #tpu.memory_space<hbm>> -> memref<10240x64xf32, #tpu.memory_space<hbm>>
        tpu.wait_indirect_dma semaphore(%arg11 : memref<!tpu.dma_semaphore, #tpu.memory_space<semaphore_mem>>) src(%dma_wait3A_227 : memref<10240x64xf32, #tpu.memory_space<hbm>>) dst(%arg7 : memref<128x64xf32, #tpu.memory_space<vmem>>)
        %dma_start3A_228 = arith.constant 6 : i32
        %dma_start3A_229 = arith.constant 0 : i32
        %dma_start3A_230 = tpu.memref_slice %arg6[%dma_start3A_228, %dma_start3A_229] : memref<8x128xi32, #tpu.memory_space<vmem>> -> memref<1x128xi32, #tpu.memory_space<vmem>>
        %dma_start3A_231 = tpu.memref_squeeze %dma_start3A_230 : memref<1x128xi32, #tpu.memory_space<vmem>> -> memref<128xi32, #tpu.memory_space<vmem>>
        %dma_start3A_232 = arith.constant 0 : i32
        %dma_start3A_233 = arith.constant 0 : i32
        %dma_start3A_234 = tpu.memref_slice %arg9[%dma_start3A_232, %dma_start3A_233] : memref<10240x64xf32, #tpu.memory_space<vmem_shared>> -> memref<10240x64xf32, #tpu.memory_space<vmem_shared>>
        tpu.enqueue_indirect_dma source(%arg7 : memref<128x64xf32, #tpu.memory_space<vmem>>) target(%dma_start3A_234 : memref<10240x64xf32, #tpu.memory_space<vmem_shared>>) offsets(%dma_start3A_231 : memref<128xi32, #tpu.memory_space<vmem>>) semaphore(%arg13 : memref<!tpu.dma_semaphore, #tpu.memory_space<semaphore_mem>>) {add = true}
        %dma_wait3A_235 = arith.constant 7 : i32
        %dma_wait3A_236 = arith.constant 0 : i32
        %dma_wait3A_237 = tpu.memref_slice %arg5[%dma_wait3A_235, %dma_wait3A_236] : memref<8x128xi32, #tpu.memory_space<vmem>> -> memref<1x128xi32, #tpu.memory_space<vmem>>
        %dma_wait3A_238 = tpu.memref_squeeze %dma_wait3A_237 : memref<1x128xi32, #tpu.memory_space<vmem>> -> memref<128xi32, #tpu.memory_space<vmem>>
        %dma_wait3A_239 = arith.constant 0 : i32
        %dma_wait3A_240 = arith.constant 0 : i32
        %dma_wait3A_241 = tpu.memref_slice %arg2[%dma_wait3A_239, %dma_wait3A_240] : memref<10240x64xf32, #tpu.memory_space<hbm>> -> memref<10240x64xf32, #tpu.memory_space<hbm>>
        tpu.wait_indirect_dma semaphore(%arg12 : memref<!tpu.dma_semaphore, #tpu.memory_space<semaphore_mem>>) src(%dma_wait3A_241 : memref<10240x64xf32, #tpu.memory_space<hbm>>) dst(%arg8 : memref<128x64xf32, #tpu.memory_space<vmem>>)
        %dma_start3A_242 = arith.constant 7 : i32
        %dma_start3A_243 = arith.constant 0 : i32
        %dma_start3A_244 = tpu.memref_slice %arg6[%dma_start3A_242, %dma_start3A_243] : memref<8x128xi32, #tpu.memory_space<vmem>> -> memref<1x128xi32, #tpu.memory_space<vmem>>
        %dma_start3A_245 = tpu.memref_squeeze %dma_start3A_244 : memref<1x128xi32, #tpu.memory_space<vmem>> -> memref<128xi32, #tpu.memory_space<vmem>>
        %dma_start3A_246 = arith.constant 0 : i32
        %dma_start3A_247 = arith.constant 0 : i32
        %dma_start3A_248 = tpu.memref_slice %arg9[%dma_start3A_246, %dma_start3A_247] : memref<10240x64xf32, #tpu.memory_space<vmem_shared>> -> memref<10240x64xf32, #tpu.memory_space<vmem_shared>>
        tpu.enqueue_indirect_dma source(%arg8 : memref<128x64xf32, #tpu.memory_space<vmem>>) target(%dma_start3A_248 : memref<10240x64xf32, #tpu.memory_space<vmem_shared>>) offsets(%dma_start3A_245 : memref<128xi32, #tpu.memory_space<vmem>>) semaphore(%arg14 : memref<!tpu.dma_semaphore, #tpu.memory_space<semaphore_mem>>) {add = true}
        %dma_wait3A_249 = arith.constant 6 : i32
        %dma_wait3A_250 = arith.constant 0 : i32
        %dma_wait3A_251 = tpu.memref_slice %arg6[%dma_wait3A_249, %dma_wait3A_250] : memref<8x128xi32, #tpu.memory_space<vmem>> -> memref<1x128xi32, #tpu.memory_space<vmem>>
        %dma_wait3A_252 = tpu.memref_squeeze %dma_wait3A_251 : memref<1x128xi32, #tpu.memory_space<vmem>> -> memref<128xi32, #tpu.memory_space<vmem>>
        %dma_wait3A_253 = arith.constant 0 : i32
        %dma_wait3A_254 = arith.constant 0 : i32
        %dma_wait3A_255 = tpu.memref_slice %arg9[%dma_wait3A_253, %dma_wait3A_254] : memref<10240x64xf32, #tpu.memory_space<vmem_shared>> -> memref<10240x64xf32, #tpu.memory_space<vmem_shared>>
        tpu.wait_indirect_dma semaphore(%arg13 : memref<!tpu.dma_semaphore, #tpu.memory_space<semaphore_mem>>) src(%arg7 : memref<128x64xf32, #tpu.memory_space<vmem>>) dst(%dma_wait3A_255 : memref<10240x64xf32, #tpu.memory_space<vmem_shared>>)
        %dma_wait3A_256 = arith.constant 7 : i32
        %dma_wait3A_257 = arith.constant 0 : i32
        %dma_wait3A_258 = tpu.memref_slice %arg6[%dma_wait3A_256, %dma_wait3A_257] : memref<8x128xi32, #tpu.memory_space<vmem>> -> memref<1x128xi32, #tpu.memory_space<vmem>>
        %dma_wait3A_259 = tpu.memref_squeeze %dma_wait3A_258 : memref<1x128xi32, #tpu.memory_space<vmem>> -> memref<128xi32, #tpu.memory_space<vmem>>
        %dma_wait3A_260 = arith.constant 0 : i32
        %dma_wait3A_261 = arith.constant 0 : i32
        %dma_wait3A_262 = tpu.memref_slice %arg9[%dma_wait3A_260, %dma_wait3A_261] : memref<10240x64xf32, #tpu.memory_space<vmem_shared>> -> memref<10240x64xf32, #tpu.memory_space<vmem_shared>>
        tpu.wait_indirect_dma semaphore(%arg14 : memref<!tpu.dma_semaphore, #tpu.memory_space<semaphore_mem>>) src(%arg8 : memref<128x64xf32, #tpu.memory_space<vmem>>) dst(%dma_wait3A_262 : memref<10240x64xf32, #tpu.memory_space<vmem_shared>>)
      }
      %scan3A_32 = arith.constant 11 : i32
    } else {
    }
    %eq3A_16 = arith.constant 1 : i32
    %eq3A_17 = arith.cmpi eq, %arg0, %eq3A_16 : i32
    %convert_element_type3A_18 = arith.extui %eq3A_17 : i1 to i32
    %cond3A_19 = arith.constant 0 : i32
    %cond3A_20 = arith.cmpi ne, %convert_element_type3A_18, %cond3A_19 : i32
    scf.if %cond3A_20 {
      %mul3A = arith.constant 72 : i32
      %mul3A_27 = arith.muli %arg1, %mul3A : i32
      %add3A = arith.constant 1408 : i32
      %add3A_28 = arith.addi %add3A, %mul3A_27 : i32
      %scan3A_29 = arith.constant 0 : i32
      %scan3A_30 = arith.constant 9 : i32
      %scan3A_31 = arith.addi %scan3A_29, %scan3A_30 : i32
      %scan3A_32 = arith.constant 1 : i32
      scf.for %scan3A_34 = %scan3A_29 to %scan3A_31 step %scan3A_32  : i32 {
        %mul3A_35 = arith.constant 1 : i32
        %mul3A_36 = arith.muli %scan3A_34, %mul3A_35 : i32
        %add3A_37 = arith.constant 0 : i32
        %add3A_38 = arith.addi %add3A_37, %mul3A_36 : i32
        %mul3A_39 = arith.constant 8 : i32
        %mul3A_40 = arith.muli %add3A_38, %mul3A_39 : i32
        %add3A_41 = arith.addi %add3A_28, %mul3A_40 : i32
        %run_scoped3A = arith.constant 0 : i32
        "tpu.region"() ({
          %run_scoped3A_265 = tpu.sem_alloc : memref<!tpu.dma_semaphore, #tpu.memory_space<semaphore_mem>>
          %dma_start3A_266 = arith.constant 0 : i32
          %dma_start3A_267 = arith.constant 0 : i32
          %dma_start3A_268 = tpu.memref_slice %arg3[%run_scoped3A, %dma_start3A_266, %dma_start3A_267] : memref<2x2560x128xi32, #tpu.memory_space<hbm>> -> memref<1x2560x128xi32, #tpu.memory_space<hbm>>
          %dma_start3A_269 = tpu.memref_squeeze %dma_start3A_268 : memref<1x2560x128xi32, #tpu.memory_space<hbm>> -> memref<2560x128xi32, #tpu.memory_space<hbm>>
          %dma_start3A_270 = arith.constant 0 : i32
          %dma_start3A_271 = tpu.memref_slice %dma_start3A_269[%add3A_41, %dma_start3A_270] : memref<2560x128xi32, #tpu.memory_space<hbm>> -> memref<8x128xi32, #tpu.memory_space<hbm>>
          %dma_start3A_272 = arith.constant 0 : i32
          %dma_start3A_273 = arith.constant 0 : i32
          %dma_start3A_274 = tpu.memref_slice %arg3[%run_scoped3A, %dma_start3A_272, %dma_start3A_273] : memref<2x2560x128xi32, #tpu.memory_space<hbm>> -> memref<1x2560x128xi32, #tpu.memory_space<hbm>>
          %dma_start3A_275 = tpu.memref_squeeze %dma_start3A_274 : memref<1x2560x128xi32, #tpu.memory_space<hbm>> -> memref<2560x128xi32, #tpu.memory_space<hbm>>
          %dma_start3A_276 = arith.constant 0 : i32
          %dma_start3A_277 = tpu.memref_slice %dma_start3A_275[%add3A_41, %dma_start3A_276] : memref<2560x128xi32, #tpu.memory_space<hbm>> -> memref<8x128xi32, #tpu.memory_space<hbm>>
          tpu.enqueue_dma source(%dma_start3A_277 : memref<8x128xi32, #tpu.memory_space<hbm>>) target(%arg5 : memref<8x128xi32, #tpu.memory_space<vmem>>) target_semaphore(%run_scoped3A_265 : memref<!tpu.dma_semaphore, #tpu.memory_space<semaphore_mem>>)
          %dma_wait3A_278 = arith.constant 0 : i32
          %dma_wait3A_279 = arith.constant 0 : i32
          %dma_wait3A_280 = tpu.memref_slice %arg3[%run_scoped3A, %dma_wait3A_278, %dma_wait3A_279] : memref<2x2560x128xi32, #tpu.memory_space<hbm>> -> memref<1x2560x128xi32, #tpu.memory_space<hbm>>
          %dma_wait3A_281 = tpu.memref_squeeze %dma_wait3A_280 : memref<1x2560x128xi32, #tpu.memory_space<hbm>> -> memref<2560x128xi32, #tpu.memory_space<hbm>>
          %dma_wait3A_282 = arith.constant 0 : i32
          %dma_wait3A_283 = tpu.memref_slice %dma_wait3A_281[%add3A_41, %dma_wait3A_282] : memref<2560x128xi32, #tpu.memory_space<hbm>> -> memref<8x128xi32, #tpu.memory_space<hbm>>
          %dma_wait3A_284 = arith.constant 0 : i32
          %dma_wait3A_285 = arith.constant 0 : i32
          %dma_wait3A_286 = tpu.memref_slice %arg3[%run_scoped3A, %dma_wait3A_284, %dma_wait3A_285] : memref<2x2560x128xi32, #tpu.memory_space<hbm>> -> memref<1x2560x128xi32, #tpu.memory_space<hbm>>
          %dma_wait3A_287 = tpu.memref_squeeze %dma_wait3A_286 : memref<1x2560x128xi32, #tpu.memory_space<hbm>> -> memref<2560x128xi32, #tpu.memory_space<hbm>>
          %dma_wait3A_288 = arith.constant 0 : i32
          %dma_wait3A_289 = tpu.memref_slice %dma_wait3A_287[%add3A_41, %dma_wait3A_288] : memref<2560x128xi32, #tpu.memory_space<hbm>> -> memref<8x128xi32, #tpu.memory_space<hbm>>
          tpu.wait_dma2 semaphore(%run_scoped3A_265 : memref<!tpu.dma_semaphore, #tpu.memory_space<semaphore_mem>>) src(%dma_wait3A_289 : memref<8x128xi32, #tpu.memory_space<hbm>>) dst(%arg5 : memref<8x128xi32, #tpu.memory_space<vmem>>)
          tpu.yield
        }) : () -> ()
        %run_scoped3A_42 = arith.constant 1 : i32
        "tpu.region"() ({
          %run_scoped3A_265 = tpu.sem_alloc : memref<!tpu.dma_semaphore, #tpu.memory_space<semaphore_mem>>
          %dma_start3A_266 = arith.constant 0 : i32
          %dma_start3A_267 = arith.constant 0 : i32
          %dma_start3A_268 = tpu.memref_slice %arg3[%run_scoped3A_42, %dma_start3A_266, %dma_start3A_267] : memref<2x2560x128xi32, #tpu.memory_space<hbm>> -> memref<1x2560x128xi32, #tpu.memory_space<hbm>>
          %dma_start3A_269 = tpu.memref_squeeze %dma_start3A_268 : memref<1x2560x128xi32, #tpu.memory_space<hbm>> -> memref<2560x128xi32, #tpu.memory_space<hbm>>
          %dma_start3A_270 = arith.constant 0 : i32
          %dma_start3A_271 = tpu.memref_slice %dma_start3A_269[%add3A_41, %dma_start3A_270] : memref<2560x128xi32, #tpu.memory_space<hbm>> -> memref<8x128xi32, #tpu.memory_space<hbm>>
          %dma_start3A_272 = arith.constant 0 : i32
          %dma_start3A_273 = arith.constant 0 : i32
          %dma_start3A_274 = tpu.memref_slice %arg3[%run_scoped3A_42, %dma_start3A_272, %dma_start3A_273] : memref<2x2560x128xi32, #tpu.memory_space<hbm>> -> memref<1x2560x128xi32, #tpu.memory_space<hbm>>
          %dma_start3A_275 = tpu.memref_squeeze %dma_start3A_274 : memref<1x2560x128xi32, #tpu.memory_space<hbm>> -> memref<2560x128xi32, #tpu.memory_space<hbm>>
          %dma_start3A_276 = arith.constant 0 : i32
          %dma_start3A_277 = tpu.memref_slice %dma_start3A_275[%add3A_41, %dma_start3A_276] : memref<2560x128xi32, #tpu.memory_space<hbm>> -> memref<8x128xi32, #tpu.memory_space<hbm>>
          tpu.enqueue_dma source(%dma_start3A_277 : memref<8x128xi32, #tpu.memory_space<hbm>>) target(%arg6 : memref<8x128xi32, #tpu.memory_space<vmem>>) target_semaphore(%run_scoped3A_265 : memref<!tpu.dma_semaphore, #tpu.memory_space<semaphore_mem>>)
          %dma_wait3A_278 = arith.constant 0 : i32
          %dma_wait3A_279 = arith.constant 0 : i32
          %dma_wait3A_280 = tpu.memref_slice %arg3[%run_scoped3A_42, %dma_wait3A_278, %dma_wait3A_279] : memref<2x2560x128xi32, #tpu.memory_space<hbm>> -> memref<1x2560x128xi32, #tpu.memory_space<hbm>>
          %dma_wait3A_281 = tpu.memref_squeeze %dma_wait3A_280 : memref<1x2560x128xi32, #tpu.memory_space<hbm>> -> memref<2560x128xi32, #tpu.memory_space<hbm>>
          %dma_wait3A_282 = arith.constant 0 : i32
          %dma_wait3A_283 = tpu.memref_slice %dma_wait3A_281[%add3A_41, %dma_wait3A_282] : memref<2560x128xi32, #tpu.memory_space<hbm>> -> memref<8x128xi32, #tpu.memory_space<hbm>>
          %dma_wait3A_284 = arith.constant 0 : i32
          %dma_wait3A_285 = arith.constant 0 : i32
          %dma_wait3A_286 = tpu.memref_slice %arg3[%run_scoped3A_42, %dma_wait3A_284, %dma_wait3A_285] : memref<2x2560x128xi32, #tpu.memory_space<hbm>> -> memref<1x2560x128xi32, #tpu.memory_space<hbm>>
          %dma_wait3A_287 = tpu.memref_squeeze %dma_wait3A_286 : memref<1x2560x128xi32, #tpu.memory_space<hbm>> -> memref<2560x128xi32, #tpu.memory_space<hbm>>
          %dma_wait3A_288 = arith.constant 0 : i32
          %dma_wait3A_289 = tpu.memref_slice %dma_wait3A_287[%add3A_41, %dma_wait3A_288] : memref<2560x128xi32, #tpu.memory_space<hbm>> -> memref<8x128xi32, #tpu.memory_space<hbm>>
          tpu.wait_dma2 semaphore(%run_scoped3A_265 : memref<!tpu.dma_semaphore, #tpu.memory_space<semaphore_mem>>) src(%dma_wait3A_289 : memref<8x128xi32, #tpu.memory_space<hbm>>) dst(%arg6 : memref<8x128xi32, #tpu.memory_space<vmem>>)
          tpu.yield
        }) : () -> ()
        %dma_start3A = arith.constant 0 : i32
        %dma_start3A_43 = arith.constant 0 : i32
        %dma_start3A_44 = tpu.memref_slice %arg5[%dma_start3A, %dma_start3A_43] : memref<8x128xi32, #tpu.memory_space<vmem>> -> memref<1x128xi32, #tpu.memory_space<vmem>>
        %dma_start3A_45 = tpu.memref_squeeze %dma_start3A_44 : memref<1x128xi32, #tpu.memory_space<vmem>> -> memref<128xi32, #tpu.memory_space<vmem>>
        %dma_start3A_46 = arith.constant 0 : i32
        %dma_start3A_47 = arith.constant 0 : i32
        %dma_start3A_48 = tpu.memref_slice %arg10[%dma_start3A_46, %dma_start3A_47] : memref<10240x64xf32, #tpu.memory_space<vmem_shared>> -> memref<10240x64xf32, #tpu.memory_space<vmem_shared>>
        tpu.enqueue_indirect_dma source(%dma_start3A_48 : memref<10240x64xf32, #tpu.memory_space<vmem_shared>>) target(%arg7 : memref<128x64xf32, #tpu.memory_space<vmem>>) offsets(%dma_start3A_45 : memref<128xi32, #tpu.memory_space<vmem>>) semaphore(%arg11 : memref<!tpu.dma_semaphore, #tpu.memory_space<semaphore_mem>>)
        %dma_start3A_49 = arith.constant 1 : i32
        %dma_start3A_50 = arith.constant 0 : i32
        %dma_start3A_51 = tpu.memref_slice %arg5[%dma_start3A_49, %dma_start3A_50] : memref<8x128xi32, #tpu.memory_space<vmem>> -> memref<1x128xi32, #tpu.memory_space<vmem>>
        %dma_start3A_52 = tpu.memref_squeeze %dma_start3A_51 : memref<1x128xi32, #tpu.memory_space<vmem>> -> memref<128xi32, #tpu.memory_space<vmem>>
        %dma_start3A_53 = arith.constant 0 : i32
        %dma_start3A_54 = arith.constant 0 : i32
        %dma_start3A_55 = tpu.memref_slice %arg10[%dma_start3A_53, %dma_start3A_54] : memref<10240x64xf32, #tpu.memory_space<vmem_shared>> -> memref<10240x64xf32, #tpu.memory_space<vmem_shared>>
        tpu.enqueue_indirect_dma source(%dma_start3A_55 : memref<10240x64xf32, #tpu.memory_space<vmem_shared>>) target(%arg8 : memref<128x64xf32, #tpu.memory_space<vmem>>) offsets(%dma_start3A_52 : memref<128xi32, #tpu.memory_space<vmem>>) semaphore(%arg12 : memref<!tpu.dma_semaphore, #tpu.memory_space<semaphore_mem>>)
        %dma_wait3A = arith.constant 0 : i32
        %dma_wait3A_56 = arith.constant 0 : i32
        %dma_wait3A_57 = tpu.memref_slice %arg5[%dma_wait3A, %dma_wait3A_56] : memref<8x128xi32, #tpu.memory_space<vmem>> -> memref<1x128xi32, #tpu.memory_space<vmem>>
        %dma_wait3A_58 = tpu.memref_squeeze %dma_wait3A_57 : memref<1x128xi32, #tpu.memory_space<vmem>> -> memref<128xi32, #tpu.memory_space<vmem>>
        %dma_wait3A_59 = arith.constant 0 : i32
        %dma_wait3A_60 = arith.constant 0 : i32
        %dma_wait3A_61 = tpu.memref_slice %arg10[%dma_wait3A_59, %dma_wait3A_60] : memref<10240x64xf32, #tpu.memory_space<vmem_shared>> -> memref<10240x64xf32, #tpu.memory_space<vmem_shared>>
        tpu.wait_indirect_dma semaphore(%arg11 : memref<!tpu.dma_semaphore, #tpu.memory_space<semaphore_mem>>) src(%dma_wait3A_61 : memref<10240x64xf32, #tpu.memory_space<vmem_shared>>) dst(%arg7 : memref<128x64xf32, #tpu.memory_space<vmem>>)
        %dma_start3A_62 = arith.constant 0 : i32
        %dma_start3A_63 = arith.constant 0 : i32
        %dma_start3A_64 = tpu.memref_slice %arg6[%dma_start3A_62, %dma_start3A_63] : memref<8x128xi32, #tpu.memory_space<vmem>> -> memref<1x128xi32, #tpu.memory_space<vmem>>
        %dma_start3A_65 = tpu.memref_squeeze %dma_start3A_64 : memref<1x128xi32, #tpu.memory_space<vmem>> -> memref<128xi32, #tpu.memory_space<vmem>>
        %dma_start3A_66 = arith.constant 0 : i32
        %dma_start3A_67 = arith.constant 0 : i32
        %dma_start3A_68 = tpu.memref_slice %arg9[%dma_start3A_66, %dma_start3A_67] : memref<10240x64xf32, #tpu.memory_space<vmem_shared>> -> memref<10240x64xf32, #tpu.memory_space<vmem_shared>>
        tpu.enqueue_indirect_dma source(%arg7 : memref<128x64xf32, #tpu.memory_space<vmem>>) target(%dma_start3A_68 : memref<10240x64xf32, #tpu.memory_space<vmem_shared>>) offsets(%dma_start3A_65 : memref<128xi32, #tpu.memory_space<vmem>>) semaphore(%arg13 : memref<!tpu.dma_semaphore, #tpu.memory_space<semaphore_mem>>) {add = true}
        %dma_wait3A_69 = arith.constant 0 : i32
        %dma_wait3A_70 = arith.constant 0 : i32
        %dma_wait3A_71 = tpu.memref_slice %arg6[%dma_wait3A_69, %dma_wait3A_70] : memref<8x128xi32, #tpu.memory_space<vmem>> -> memref<1x128xi32, #tpu.memory_space<vmem>>
        %dma_wait3A_72 = tpu.memref_squeeze %dma_wait3A_71 : memref<1x128xi32, #tpu.memory_space<vmem>> -> memref<128xi32, #tpu.memory_space<vmem>>
        %dma_wait3A_73 = arith.constant 0 : i32
        %dma_wait3A_74 = arith.constant 0 : i32
        %dma_wait3A_75 = tpu.memref_slice %arg9[%dma_wait3A_73, %dma_wait3A_74] : memref<10240x64xf32, #tpu.memory_space<vmem_shared>> -> memref<10240x64xf32, #tpu.memory_space<vmem_shared>>
        tpu.wait_indirect_dma semaphore(%arg13 : memref<!tpu.dma_semaphore, #tpu.memory_space<semaphore_mem>>) src(%arg7 : memref<128x64xf32, #tpu.memory_space<vmem>>) dst(%dma_wait3A_75 : memref<10240x64xf32, #tpu.memory_space<vmem_shared>>)
        %dma_start3A_76 = arith.constant 2 : i32
        %dma_start3A_77 = arith.constant 0 : i32
        %dma_start3A_78 = tpu.memref_slice %arg5[%dma_start3A_76, %dma_start3A_77] : memref<8x128xi32, #tpu.memory_space<vmem>> -> memref<1x128xi32, #tpu.memory_space<vmem>>
        %dma_start3A_79 = tpu.memref_squeeze %dma_start3A_78 : memref<1x128xi32, #tpu.memory_space<vmem>> -> memref<128xi32, #tpu.memory_space<vmem>>
        %dma_start3A_80 = arith.constant 0 : i32
        %dma_start3A_81 = arith.constant 0 : i32
        %dma_start3A_82 = tpu.memref_slice %arg10[%dma_start3A_80, %dma_start3A_81] : memref<10240x64xf32, #tpu.memory_space<vmem_shared>> -> memref<10240x64xf32, #tpu.memory_space<vmem_shared>>
        tpu.enqueue_indirect_dma source(%dma_start3A_82 : memref<10240x64xf32, #tpu.memory_space<vmem_shared>>) target(%arg7 : memref<128x64xf32, #tpu.memory_space<vmem>>) offsets(%dma_start3A_79 : memref<128xi32, #tpu.memory_space<vmem>>) semaphore(%arg11 : memref<!tpu.dma_semaphore, #tpu.memory_space<semaphore_mem>>)
        %dma_wait3A_83 = arith.constant 1 : i32
        %dma_wait3A_84 = arith.constant 0 : i32
        %dma_wait3A_85 = tpu.memref_slice %arg5[%dma_wait3A_83, %dma_wait3A_84] : memref<8x128xi32, #tpu.memory_space<vmem>> -> memref<1x128xi32, #tpu.memory_space<vmem>>
        %dma_wait3A_86 = tpu.memref_squeeze %dma_wait3A_85 : memref<1x128xi32, #tpu.memory_space<vmem>> -> memref<128xi32, #tpu.memory_space<vmem>>
        %dma_wait3A_87 = arith.constant 0 : i32
        %dma_wait3A_88 = arith.constant 0 : i32
        %dma_wait3A_89 = tpu.memref_slice %arg10[%dma_wait3A_87, %dma_wait3A_88] : memref<10240x64xf32, #tpu.memory_space<vmem_shared>> -> memref<10240x64xf32, #tpu.memory_space<vmem_shared>>
        tpu.wait_indirect_dma semaphore(%arg12 : memref<!tpu.dma_semaphore, #tpu.memory_space<semaphore_mem>>) src(%dma_wait3A_89 : memref<10240x64xf32, #tpu.memory_space<vmem_shared>>) dst(%arg8 : memref<128x64xf32, #tpu.memory_space<vmem>>)
        %dma_start3A_90 = arith.constant 1 : i32
        %dma_start3A_91 = arith.constant 0 : i32
        %dma_start3A_92 = tpu.memref_slice %arg6[%dma_start3A_90, %dma_start3A_91] : memref<8x128xi32, #tpu.memory_space<vmem>> -> memref<1x128xi32, #tpu.memory_space<vmem>>
        %dma_start3A_93 = tpu.memref_squeeze %dma_start3A_92 : memref<1x128xi32, #tpu.memory_space<vmem>> -> memref<128xi32, #tpu.memory_space<vmem>>
        %dma_start3A_94 = arith.constant 0 : i32
        %dma_start3A_95 = arith.constant 0 : i32
        %dma_start3A_96 = tpu.memref_slice %arg9[%dma_start3A_94, %dma_start3A_95] : memref<10240x64xf32, #tpu.memory_space<vmem_shared>> -> memref<10240x64xf32, #tpu.memory_space<vmem_shared>>
        tpu.enqueue_indirect_dma source(%arg8 : memref<128x64xf32, #tpu.memory_space<vmem>>) target(%dma_start3A_96 : memref<10240x64xf32, #tpu.memory_space<vmem_shared>>) offsets(%dma_start3A_93 : memref<128xi32, #tpu.memory_space<vmem>>) semaphore(%arg14 : memref<!tpu.dma_semaphore, #tpu.memory_space<semaphore_mem>>) {add = true}
        %dma_wait3A_97 = arith.constant 1 : i32
        %dma_wait3A_98 = arith.constant 0 : i32
        %dma_wait3A_99 = tpu.memref_slice %arg6[%dma_wait3A_97, %dma_wait3A_98] : memref<8x128xi32, #tpu.memory_space<vmem>> -> memref<1x128xi32, #tpu.memory_space<vmem>>
        %dma_wait3A_100 = tpu.memref_squeeze %dma_wait3A_99 : memref<1x128xi32, #tpu.memory_space<vmem>> -> memref<128xi32, #tpu.memory_space<vmem>>
        %dma_wait3A_101 = arith.constant 0 : i32
        %dma_wait3A_102 = arith.constant 0 : i32
        %dma_wait3A_103 = tpu.memref_slice %arg9[%dma_wait3A_101, %dma_wait3A_102] : memref<10240x64xf32, #tpu.memory_space<vmem_shared>> -> memref<10240x64xf32, #tpu.memory_space<vmem_shared>>
        tpu.wait_indirect_dma semaphore(%arg14 : memref<!tpu.dma_semaphore, #tpu.memory_space<semaphore_mem>>) src(%arg8 : memref<128x64xf32, #tpu.memory_space<vmem>>) dst(%dma_wait3A_103 : memref<10240x64xf32, #tpu.memory_space<vmem_shared>>)
        %dma_start3A_104 = arith.constant 3 : i32
        %dma_start3A_105 = arith.constant 0 : i32
        %dma_start3A_106 = tpu.memref_slice %arg5[%dma_start3A_104, %dma_start3A_105] : memref<8x128xi32, #tpu.memory_space<vmem>> -> memref<1x128xi32, #tpu.memory_space<vmem>>
        %dma_start3A_107 = tpu.memref_squeeze %dma_start3A_106 : memref<1x128xi32, #tpu.memory_space<vmem>> -> memref<128xi32, #tpu.memory_space<vmem>>
        %dma_start3A_108 = arith.constant 0 : i32
        %dma_start3A_109 = arith.constant 0 : i32
        %dma_start3A_110 = tpu.memref_slice %arg10[%dma_start3A_108, %dma_start3A_109] : memref<10240x64xf32, #tpu.memory_space<vmem_shared>> -> memref<10240x64xf32, #tpu.memory_space<vmem_shared>>
        tpu.enqueue_indirect_dma source(%dma_start3A_110 : memref<10240x64xf32, #tpu.memory_space<vmem_shared>>) target(%arg8 : memref<128x64xf32, #tpu.memory_space<vmem>>) offsets(%dma_start3A_107 : memref<128xi32, #tpu.memory_space<vmem>>) semaphore(%arg12 : memref<!tpu.dma_semaphore, #tpu.memory_space<semaphore_mem>>)
        %dma_wait3A_111 = arith.constant 2 : i32
        %dma_wait3A_112 = arith.constant 0 : i32
        %dma_wait3A_113 = tpu.memref_slice %arg5[%dma_wait3A_111, %dma_wait3A_112] : memref<8x128xi32, #tpu.memory_space<vmem>> -> memref<1x128xi32, #tpu.memory_space<vmem>>
        %dma_wait3A_114 = tpu.memref_squeeze %dma_wait3A_113 : memref<1x128xi32, #tpu.memory_space<vmem>> -> memref<128xi32, #tpu.memory_space<vmem>>
        %dma_wait3A_115 = arith.constant 0 : i32
        %dma_wait3A_116 = arith.constant 0 : i32
        %dma_wait3A_117 = tpu.memref_slice %arg10[%dma_wait3A_115, %dma_wait3A_116] : memref<10240x64xf32, #tpu.memory_space<vmem_shared>> -> memref<10240x64xf32, #tpu.memory_space<vmem_shared>>
        tpu.wait_indirect_dma semaphore(%arg11 : memref<!tpu.dma_semaphore, #tpu.memory_space<semaphore_mem>>) src(%dma_wait3A_117 : memref<10240x64xf32, #tpu.memory_space<vmem_shared>>) dst(%arg7 : memref<128x64xf32, #tpu.memory_space<vmem>>)
        %dma_start3A_118 = arith.constant 2 : i32
        %dma_start3A_119 = arith.constant 0 : i32
        %dma_start3A_120 = tpu.memref_slice %arg6[%dma_start3A_118, %dma_start3A_119] : memref<8x128xi32, #tpu.memory_space<vmem>> -> memref<1x128xi32, #tpu.memory_space<vmem>>
        %dma_start3A_121 = tpu.memref_squeeze %dma_start3A_120 : memref<1x128xi32, #tpu.memory_space<vmem>> -> memref<128xi32, #tpu.memory_space<vmem>>
        %dma_start3A_122 = arith.constant 0 : i32
        %dma_start3A_123 = arith.constant 0 : i32
        %dma_start3A_124 = tpu.memref_slice %arg9[%dma_start3A_122, %dma_start3A_123] : memref<10240x64xf32, #tpu.memory_space<vmem_shared>> -> memref<10240x64xf32, #tpu.memory_space<vmem_shared>>
        tpu.enqueue_indirect_dma source(%arg7 : memref<128x64xf32, #tpu.memory_space<vmem>>) target(%dma_start3A_124 : memref<10240x64xf32, #tpu.memory_space<vmem_shared>>) offsets(%dma_start3A_121 : memref<128xi32, #tpu.memory_space<vmem>>) semaphore(%arg13 : memref<!tpu.dma_semaphore, #tpu.memory_space<semaphore_mem>>) {add = true}
        %dma_wait3A_125 = arith.constant 2 : i32
        %dma_wait3A_126 = arith.constant 0 : i32
        %dma_wait3A_127 = tpu.memref_slice %arg6[%dma_wait3A_125, %dma_wait3A_126] : memref<8x128xi32, #tpu.memory_space<vmem>> -> memref<1x128xi32, #tpu.memory_space<vmem>>
        %dma_wait3A_128 = tpu.memref_squeeze %dma_wait3A_127 : memref<1x128xi32, #tpu.memory_space<vmem>> -> memref<128xi32, #tpu.memory_space<vmem>>
        %dma_wait3A_129 = arith.constant 0 : i32
        %dma_wait3A_130 = arith.constant 0 : i32
        %dma_wait3A_131 = tpu.memref_slice %arg9[%dma_wait3A_129, %dma_wait3A_130] : memref<10240x64xf32, #tpu.memory_space<vmem_shared>> -> memref<10240x64xf32, #tpu.memory_space<vmem_shared>>
        tpu.wait_indirect_dma semaphore(%arg13 : memref<!tpu.dma_semaphore, #tpu.memory_space<semaphore_mem>>) src(%arg7 : memref<128x64xf32, #tpu.memory_space<vmem>>) dst(%dma_wait3A_131 : memref<10240x64xf32, #tpu.memory_space<vmem_shared>>)
        %dma_start3A_132 = arith.constant 4 : i32
        %dma_start3A_133 = arith.constant 0 : i32
        %dma_start3A_134 = tpu.memref_slice %arg5[%dma_start3A_132, %dma_start3A_133] : memref<8x128xi32, #tpu.memory_space<vmem>> -> memref<1x128xi32, #tpu.memory_space<vmem>>
        %dma_start3A_135 = tpu.memref_squeeze %dma_start3A_134 : memref<1x128xi32, #tpu.memory_space<vmem>> -> memref<128xi32, #tpu.memory_space<vmem>>
        %dma_start3A_136 = arith.constant 0 : i32
        %dma_start3A_137 = arith.constant 0 : i32
        %dma_start3A_138 = tpu.memref_slice %arg10[%dma_start3A_136, %dma_start3A_137] : memref<10240x64xf32, #tpu.memory_space<vmem_shared>> -> memref<10240x64xf32, #tpu.memory_space<vmem_shared>>
        tpu.enqueue_indirect_dma source(%dma_start3A_138 : memref<10240x64xf32, #tpu.memory_space<vmem_shared>>) target(%arg7 : memref<128x64xf32, #tpu.memory_space<vmem>>) offsets(%dma_start3A_135 : memref<128xi32, #tpu.memory_space<vmem>>) semaphore(%arg11 : memref<!tpu.dma_semaphore, #tpu.memory_space<semaphore_mem>>)
        %dma_wait3A_139 = arith.constant 3 : i32
        %dma_wait3A_140 = arith.constant 0 : i32
        %dma_wait3A_141 = tpu.memref_slice %arg5[%dma_wait3A_139, %dma_wait3A_140] : memref<8x128xi32, #tpu.memory_space<vmem>> -> memref<1x128xi32, #tpu.memory_space<vmem>>
        %dma_wait3A_142 = tpu.memref_squeeze %dma_wait3A_141 : memref<1x128xi32, #tpu.memory_space<vmem>> -> memref<128xi32, #tpu.memory_space<vmem>>
        %dma_wait3A_143 = arith.constant 0 : i32
        %dma_wait3A_144 = arith.constant 0 : i32
        %dma_wait3A_145 = tpu.memref_slice %arg10[%dma_wait3A_143, %dma_wait3A_144] : memref<10240x64xf32, #tpu.memory_space<vmem_shared>> -> memref<10240x64xf32, #tpu.memory_space<vmem_shared>>
        tpu.wait_indirect_dma semaphore(%arg12 : memref<!tpu.dma_semaphore, #tpu.memory_space<semaphore_mem>>) src(%dma_wait3A_145 : memref<10240x64xf32, #tpu.memory_space<vmem_shared>>) dst(%arg8 : memref<128x64xf32, #tpu.memory_space<vmem>>)
        %dma_start3A_146 = arith.constant 3 : i32
        %dma_start3A_147 = arith.constant 0 : i32
        %dma_start3A_148 = tpu.memref_slice %arg6[%dma_start3A_146, %dma_start3A_147] : memref<8x128xi32, #tpu.memory_space<vmem>> -> memref<1x128xi32, #tpu.memory_space<vmem>>
        %dma_start3A_149 = tpu.memref_squeeze %dma_start3A_148 : memref<1x128xi32, #tpu.memory_space<vmem>> -> memref<128xi32, #tpu.memory_space<vmem>>
        %dma_start3A_150 = arith.constant 0 : i32
        %dma_start3A_151 = arith.constant 0 : i32
        %dma_start3A_152 = tpu.memref_slice %arg9[%dma_start3A_150, %dma_start3A_151] : memref<10240x64xf32, #tpu.memory_space<vmem_shared>> -> memref<10240x64xf32, #tpu.memory_space<vmem_shared>>
        tpu.enqueue_indirect_dma source(%arg8 : memref<128x64xf32, #tpu.memory_space<vmem>>) target(%dma_start3A_152 : memref<10240x64xf32, #tpu.memory_space<vmem_shared>>) offsets(%dma_start3A_149 : memref<128xi32, #tpu.memory_space<vmem>>) semaphore(%arg14 : memref<!tpu.dma_semaphore, #tpu.memory_space<semaphore_mem>>) {add = true}
        %dma_wait3A_153 = arith.constant 3 : i32
        %dma_wait3A_154 = arith.constant 0 : i32
        %dma_wait3A_155 = tpu.memref_slice %arg6[%dma_wait3A_153, %dma_wait3A_154] : memref<8x128xi32, #tpu.memory_space<vmem>> -> memref<1x128xi32, #tpu.memory_space<vmem>>
        %dma_wait3A_156 = tpu.memref_squeeze %dma_wait3A_155 : memref<1x128xi32, #tpu.memory_space<vmem>> -> memref<128xi32, #tpu.memory_space<vmem>>
        %dma_wait3A_157 = arith.constant 0 : i32
        %dma_wait3A_158 = arith.constant 0 : i32
        %dma_wait3A_159 = tpu.memref_slice %arg9[%dma_wait3A_157, %dma_wait3A_158] : memref<10240x64xf32, #tpu.memory_space<vmem_shared>> -> memref<10240x64xf32, #tpu.memory_space<vmem_shared>>
        tpu.wait_indirect_dma semaphore(%arg14 : memref<!tpu.dma_semaphore, #tpu.memory_space<semaphore_mem>>) src(%arg8 : memref<128x64xf32, #tpu.memory_space<vmem>>) dst(%dma_wait3A_159 : memref<10240x64xf32, #tpu.memory_space<vmem_shared>>)
        %dma_start3A_160 = arith.constant 5 : i32
        %dma_start3A_161 = arith.constant 0 : i32
        %dma_start3A_162 = tpu.memref_slice %arg5[%dma_start3A_160, %dma_start3A_161] : memref<8x128xi32, #tpu.memory_space<vmem>> -> memref<1x128xi32, #tpu.memory_space<vmem>>
        %dma_start3A_163 = tpu.memref_squeeze %dma_start3A_162 : memref<1x128xi32, #tpu.memory_space<vmem>> -> memref<128xi32, #tpu.memory_space<vmem>>
        %dma_start3A_164 = arith.constant 0 : i32
        %dma_start3A_165 = arith.constant 0 : i32
        %dma_start3A_166 = tpu.memref_slice %arg10[%dma_start3A_164, %dma_start3A_165] : memref<10240x64xf32, #tpu.memory_space<vmem_shared>> -> memref<10240x64xf32, #tpu.memory_space<vmem_shared>>
        tpu.enqueue_indirect_dma source(%dma_start3A_166 : memref<10240x64xf32, #tpu.memory_space<vmem_shared>>) target(%arg8 : memref<128x64xf32, #tpu.memory_space<vmem>>) offsets(%dma_start3A_163 : memref<128xi32, #tpu.memory_space<vmem>>) semaphore(%arg12 : memref<!tpu.dma_semaphore, #tpu.memory_space<semaphore_mem>>)
        %dma_wait3A_167 = arith.constant 4 : i32
        %dma_wait3A_168 = arith.constant 0 : i32
        %dma_wait3A_169 = tpu.memref_slice %arg5[%dma_wait3A_167, %dma_wait3A_168] : memref<8x128xi32, #tpu.memory_space<vmem>> -> memref<1x128xi32, #tpu.memory_space<vmem>>
        %dma_wait3A_170 = tpu.memref_squeeze %dma_wait3A_169 : memref<1x128xi32, #tpu.memory_space<vmem>> -> memref<128xi32, #tpu.memory_space<vmem>>
        %dma_wait3A_171 = arith.constant 0 : i32
        %dma_wait3A_172 = arith.constant 0 : i32
        %dma_wait3A_173 = tpu.memref_slice %arg10[%dma_wait3A_171, %dma_wait3A_172] : memref<10240x64xf32, #tpu.memory_space<vmem_shared>> -> memref<10240x64xf32, #tpu.memory_space<vmem_shared>>
        tpu.wait_indirect_dma semaphore(%arg11 : memref<!tpu.dma_semaphore, #tpu.memory_space<semaphore_mem>>) src(%dma_wait3A_173 : memref<10240x64xf32, #tpu.memory_space<vmem_shared>>) dst(%arg7 : memref<128x64xf32, #tpu.memory_space<vmem>>)
        %dma_start3A_174 = arith.constant 4 : i32
        %dma_start3A_175 = arith.constant 0 : i32
        %dma_start3A_176 = tpu.memref_slice %arg6[%dma_start3A_174, %dma_start3A_175] : memref<8x128xi32, #tpu.memory_space<vmem>> -> memref<1x128xi32, #tpu.memory_space<vmem>>
        %dma_start3A_177 = tpu.memref_squeeze %dma_start3A_176 : memref<1x128xi32, #tpu.memory_space<vmem>> -> memref<128xi32, #tpu.memory_space<vmem>>
        %dma_start3A_178 = arith.constant 0 : i32
        %dma_start3A_179 = arith.constant 0 : i32
        %dma_start3A_180 = tpu.memref_slice %arg9[%dma_start3A_178, %dma_start3A_179] : memref<10240x64xf32, #tpu.memory_space<vmem_shared>> -> memref<10240x64xf32, #tpu.memory_space<vmem_shared>>
        tpu.enqueue_indirect_dma source(%arg7 : memref<128x64xf32, #tpu.memory_space<vmem>>) target(%dma_start3A_180 : memref<10240x64xf32, #tpu.memory_space<vmem_shared>>) offsets(%dma_start3A_177 : memref<128xi32, #tpu.memory_space<vmem>>) semaphore(%arg13 : memref<!tpu.dma_semaphore, #tpu.memory_space<semaphore_mem>>) {add = true}
        %dma_wait3A_181 = arith.constant 4 : i32
        %dma_wait3A_182 = arith.constant 0 : i32
        %dma_wait3A_183 = tpu.memref_slice %arg6[%dma_wait3A_181, %dma_wait3A_182] : memref<8x128xi32, #tpu.memory_space<vmem>> -> memref<1x128xi32, #tpu.memory_space<vmem>>
        %dma_wait3A_184 = tpu.memref_squeeze %dma_wait3A_183 : memref<1x128xi32, #tpu.memory_space<vmem>> -> memref<128xi32, #tpu.memory_space<vmem>>
        %dma_wait3A_185 = arith.constant 0 : i32
        %dma_wait3A_186 = arith.constant 0 : i32
        %dma_wait3A_187 = tpu.memref_slice %arg9[%dma_wait3A_185, %dma_wait3A_186] : memref<10240x64xf32, #tpu.memory_space<vmem_shared>> -> memref<10240x64xf32, #tpu.memory_space<vmem_shared>>
        tpu.wait_indirect_dma semaphore(%arg13 : memref<!tpu.dma_semaphore, #tpu.memory_space<semaphore_mem>>) src(%arg7 : memref<128x64xf32, #tpu.memory_space<vmem>>) dst(%dma_wait3A_187 : memref<10240x64xf32, #tpu.memory_space<vmem_shared>>)
        %dma_start3A_188 = arith.constant 6 : i32
        %dma_start3A_189 = arith.constant 0 : i32
        %dma_start3A_190 = tpu.memref_slice %arg5[%dma_start3A_188, %dma_start3A_189] : memref<8x128xi32, #tpu.memory_space<vmem>> -> memref<1x128xi32, #tpu.memory_space<vmem>>
        %dma_start3A_191 = tpu.memref_squeeze %dma_start3A_190 : memref<1x128xi32, #tpu.memory_space<vmem>> -> memref<128xi32, #tpu.memory_space<vmem>>
        %dma_start3A_192 = arith.constant 0 : i32
        %dma_start3A_193 = arith.constant 0 : i32
        %dma_start3A_194 = tpu.memref_slice %arg10[%dma_start3A_192, %dma_start3A_193] : memref<10240x64xf32, #tpu.memory_space<vmem_shared>> -> memref<10240x64xf32, #tpu.memory_space<vmem_shared>>
        tpu.enqueue_indirect_dma source(%dma_start3A_194 : memref<10240x64xf32, #tpu.memory_space<vmem_shared>>) target(%arg7 : memref<128x64xf32, #tpu.memory_space<vmem>>) offsets(%dma_start3A_191 : memref<128xi32, #tpu.memory_space<vmem>>) semaphore(%arg11 : memref<!tpu.dma_semaphore, #tpu.memory_space<semaphore_mem>>)
        %dma_wait3A_195 = arith.constant 5 : i32
        %dma_wait3A_196 = arith.constant 0 : i32
        %dma_wait3A_197 = tpu.memref_slice %arg5[%dma_wait3A_195, %dma_wait3A_196] : memref<8x128xi32, #tpu.memory_space<vmem>> -> memref<1x128xi32, #tpu.memory_space<vmem>>
        %dma_wait3A_198 = tpu.memref_squeeze %dma_wait3A_197 : memref<1x128xi32, #tpu.memory_space<vmem>> -> memref<128xi32, #tpu.memory_space<vmem>>
        %dma_wait3A_199 = arith.constant 0 : i32
        %dma_wait3A_200 = arith.constant 0 : i32
        %dma_wait3A_201 = tpu.memref_slice %arg10[%dma_wait3A_199, %dma_wait3A_200] : memref<10240x64xf32, #tpu.memory_space<vmem_shared>> -> memref<10240x64xf32, #tpu.memory_space<vmem_shared>>
        tpu.wait_indirect_dma semaphore(%arg12 : memref<!tpu.dma_semaphore, #tpu.memory_space<semaphore_mem>>) src(%dma_wait3A_201 : memref<10240x64xf32, #tpu.memory_space<vmem_shared>>) dst(%arg8 : memref<128x64xf32, #tpu.memory_space<vmem>>)
        %dma_start3A_202 = arith.constant 5 : i32
        %dma_start3A_203 = arith.constant 0 : i32
        %dma_start3A_204 = tpu.memref_slice %arg6[%dma_start3A_202, %dma_start3A_203] : memref<8x128xi32, #tpu.memory_space<vmem>> -> memref<1x128xi32, #tpu.memory_space<vmem>>
        %dma_start3A_205 = tpu.memref_squeeze %dma_start3A_204 : memref<1x128xi32, #tpu.memory_space<vmem>> -> memref<128xi32, #tpu.memory_space<vmem>>
        %dma_start3A_206 = arith.constant 0 : i32
        %dma_start3A_207 = arith.constant 0 : i32
        %dma_start3A_208 = tpu.memref_slice %arg9[%dma_start3A_206, %dma_start3A_207] : memref<10240x64xf32, #tpu.memory_space<vmem_shared>> -> memref<10240x64xf32, #tpu.memory_space<vmem_shared>>
        tpu.enqueue_indirect_dma source(%arg8 : memref<128x64xf32, #tpu.memory_space<vmem>>) target(%dma_start3A_208 : memref<10240x64xf32, #tpu.memory_space<vmem_shared>>) offsets(%dma_start3A_205 : memref<128xi32, #tpu.memory_space<vmem>>) semaphore(%arg14 : memref<!tpu.dma_semaphore, #tpu.memory_space<semaphore_mem>>) {add = true}
        %dma_wait3A_209 = arith.constant 5 : i32
        %dma_wait3A_210 = arith.constant 0 : i32
        %dma_wait3A_211 = tpu.memref_slice %arg6[%dma_wait3A_209, %dma_wait3A_210] : memref<8x128xi32, #tpu.memory_space<vmem>> -> memref<1x128xi32, #tpu.memory_space<vmem>>
        %dma_wait3A_212 = tpu.memref_squeeze %dma_wait3A_211 : memref<1x128xi32, #tpu.memory_space<vmem>> -> memref<128xi32, #tpu.memory_space<vmem>>
        %dma_wait3A_213 = arith.constant 0 : i32
        %dma_wait3A_214 = arith.constant 0 : i32
        %dma_wait3A_215 = tpu.memref_slice %arg9[%dma_wait3A_213, %dma_wait3A_214] : memref<10240x64xf32, #tpu.memory_space<vmem_shared>> -> memref<10240x64xf32, #tpu.memory_space<vmem_shared>>
        tpu.wait_indirect_dma semaphore(%arg14 : memref<!tpu.dma_semaphore, #tpu.memory_space<semaphore_mem>>) src(%arg8 : memref<128x64xf32, #tpu.memory_space<vmem>>) dst(%dma_wait3A_215 : memref<10240x64xf32, #tpu.memory_space<vmem_shared>>)
        %dma_start3A_216 = arith.constant 7 : i32
        %dma_start3A_217 = arith.constant 0 : i32
        %dma_start3A_218 = tpu.memref_slice %arg5[%dma_start3A_216, %dma_start3A_217] : memref<8x128xi32, #tpu.memory_space<vmem>> -> memref<1x128xi32, #tpu.memory_space<vmem>>
        %dma_start3A_219 = tpu.memref_squeeze %dma_start3A_218 : memref<1x128xi32, #tpu.memory_space<vmem>> -> memref<128xi32, #tpu.memory_space<vmem>>
        %dma_start3A_220 = arith.constant 0 : i32
        %dma_start3A_221 = arith.constant 0 : i32
        %dma_start3A_222 = tpu.memref_slice %arg10[%dma_start3A_220, %dma_start3A_221] : memref<10240x64xf32, #tpu.memory_space<vmem_shared>> -> memref<10240x64xf32, #tpu.memory_space<vmem_shared>>
        tpu.enqueue_indirect_dma source(%dma_start3A_222 : memref<10240x64xf32, #tpu.memory_space<vmem_shared>>) target(%arg8 : memref<128x64xf32, #tpu.memory_space<vmem>>) offsets(%dma_start3A_219 : memref<128xi32, #tpu.memory_space<vmem>>) semaphore(%arg12 : memref<!tpu.dma_semaphore, #tpu.memory_space<semaphore_mem>>)
        %dma_wait3A_223 = arith.constant 6 : i32
        %dma_wait3A_224 = arith.constant 0 : i32
        %dma_wait3A_225 = tpu.memref_slice %arg5[%dma_wait3A_223, %dma_wait3A_224] : memref<8x128xi32, #tpu.memory_space<vmem>> -> memref<1x128xi32, #tpu.memory_space<vmem>>
        %dma_wait3A_226 = tpu.memref_squeeze %dma_wait3A_225 : memref<1x128xi32, #tpu.memory_space<vmem>> -> memref<128xi32, #tpu.memory_space<vmem>>
        %dma_wait3A_227 = arith.constant 0 : i32
        %dma_wait3A_228 = arith.constant 0 : i32
        %dma_wait3A_229 = tpu.memref_slice %arg10[%dma_wait3A_227, %dma_wait3A_228] : memref<10240x64xf32, #tpu.memory_space<vmem_shared>> -> memref<10240x64xf32, #tpu.memory_space<vmem_shared>>
        tpu.wait_indirect_dma semaphore(%arg11 : memref<!tpu.dma_semaphore, #tpu.memory_space<semaphore_mem>>) src(%dma_wait3A_229 : memref<10240x64xf32, #tpu.memory_space<vmem_shared>>) dst(%arg7 : memref<128x64xf32, #tpu.memory_space<vmem>>)
        %dma_start3A_230 = arith.constant 6 : i32
        %dma_start3A_231 = arith.constant 0 : i32
        %dma_start3A_232 = tpu.memref_slice %arg6[%dma_start3A_230, %dma_start3A_231] : memref<8x128xi32, #tpu.memory_space<vmem>> -> memref<1x128xi32, #tpu.memory_space<vmem>>
        %dma_start3A_233 = tpu.memref_squeeze %dma_start3A_232 : memref<1x128xi32, #tpu.memory_space<vmem>> -> memref<128xi32, #tpu.memory_space<vmem>>
        %dma_start3A_234 = arith.constant 0 : i32
        %dma_start3A_235 = arith.constant 0 : i32
        %dma_start3A_236 = tpu.memref_slice %arg9[%dma_start3A_234, %dma_start3A_235] : memref<10240x64xf32, #tpu.memory_space<vmem_shared>> -> memref<10240x64xf32, #tpu.memory_space<vmem_shared>>
        tpu.enqueue_indirect_dma source(%arg7 : memref<128x64xf32, #tpu.memory_space<vmem>>) target(%dma_start3A_236 : memref<10240x64xf32, #tpu.memory_space<vmem_shared>>) offsets(%dma_start3A_233 : memref<128xi32, #tpu.memory_space<vmem>>) semaphore(%arg13 : memref<!tpu.dma_semaphore, #tpu.memory_space<semaphore_mem>>) {add = true}
        %dma_wait3A_237 = arith.constant 7 : i32
        %dma_wait3A_238 = arith.constant 0 : i32
        %dma_wait3A_239 = tpu.memref_slice %arg5[%dma_wait3A_237, %dma_wait3A_238] : memref<8x128xi32, #tpu.memory_space<vmem>> -> memref<1x128xi32, #tpu.memory_space<vmem>>
        %dma_wait3A_240 = tpu.memref_squeeze %dma_wait3A_239 : memref<1x128xi32, #tpu.memory_space<vmem>> -> memref<128xi32, #tpu.memory_space<vmem>>
        %dma_wait3A_241 = arith.constant 0 : i32
        %dma_wait3A_242 = arith.constant 0 : i32
        %dma_wait3A_243 = tpu.memref_slice %arg10[%dma_wait3A_241, %dma_wait3A_242] : memref<10240x64xf32, #tpu.memory_space<vmem_shared>> -> memref<10240x64xf32, #tpu.memory_space<vmem_shared>>
        tpu.wait_indirect_dma semaphore(%arg12 : memref<!tpu.dma_semaphore, #tpu.memory_space<semaphore_mem>>) src(%dma_wait3A_243 : memref<10240x64xf32, #tpu.memory_space<vmem_shared>>) dst(%arg8 : memref<128x64xf32, #tpu.memory_space<vmem>>)
        %dma_start3A_244 = arith.constant 7 : i32
        %dma_start3A_245 = arith.constant 0 : i32
        %dma_start3A_246 = tpu.memref_slice %arg6[%dma_start3A_244, %dma_start3A_245] : memref<8x128xi32, #tpu.memory_space<vmem>> -> memref<1x128xi32, #tpu.memory_space<vmem>>
        %dma_start3A_247 = tpu.memref_squeeze %dma_start3A_246 : memref<1x128xi32, #tpu.memory_space<vmem>> -> memref<128xi32, #tpu.memory_space<vmem>>
        %dma_start3A_248 = arith.constant 0 : i32
        %dma_start3A_249 = arith.constant 0 : i32
        %dma_start3A_250 = tpu.memref_slice %arg9[%dma_start3A_248, %dma_start3A_249] : memref<10240x64xf32, #tpu.memory_space<vmem_shared>> -> memref<10240x64xf32, #tpu.memory_space<vmem_shared>>
        tpu.enqueue_indirect_dma source(%arg8 : memref<128x64xf32, #tpu.memory_space<vmem>>) target(%dma_start3A_250 : memref<10240x64xf32, #tpu.memory_space<vmem_shared>>) offsets(%dma_start3A_247 : memref<128xi32, #tpu.memory_space<vmem>>) semaphore(%arg14 : memref<!tpu.dma_semaphore, #tpu.memory_space<semaphore_mem>>) {add = true}
        %dma_wait3A_251 = arith.constant 6 : i32
        %dma_wait3A_252 = arith.constant 0 : i32
        %dma_wait3A_253 = tpu.memref_slice %arg6[%dma_wait3A_251, %dma_wait3A_252] : memref<8x128xi32, #tpu.memory_space<vmem>> -> memref<1x128xi32, #tpu.memory_space<vmem>>
        %dma_wait3A_254 = tpu.memref_squeeze %dma_wait3A_253 : memref<1x128xi32, #tpu.memory_space<vmem>> -> memref<128xi32, #tpu.memory_space<vmem>>
        %dma_wait3A_255 = arith.constant 0 : i32
        %dma_wait3A_256 = arith.constant 0 : i32
        %dma_wait3A_257 = tpu.memref_slice %arg9[%dma_wait3A_255, %dma_wait3A_256] : memref<10240x64xf32, #tpu.memory_space<vmem_shared>> -> memref<10240x64xf32, #tpu.memory_space<vmem_shared>>
        tpu.wait_indirect_dma semaphore(%arg13 : memref<!tpu.dma_semaphore, #tpu.memory_space<semaphore_mem>>) src(%arg7 : memref<128x64xf32, #tpu.memory_space<vmem>>) dst(%dma_wait3A_257 : memref<10240x64xf32, #tpu.memory_space<vmem_shared>>)
        %dma_wait3A_258 = arith.constant 7 : i32
        %dma_wait3A_259 = arith.constant 0 : i32
        %dma_wait3A_260 = tpu.memref_slice %arg6[%dma_wait3A_258, %dma_wait3A_259] : memref<8x128xi32, #tpu.memory_space<vmem>> -> memref<1x128xi32, #tpu.memory_space<vmem>>
        %dma_wait3A_261 = tpu.memref_squeeze %dma_wait3A_260 : memref<1x128xi32, #tpu.memory_space<vmem>> -> memref<128xi32, #tpu.memory_space<vmem>>
        %dma_wait3A_262 = arith.constant 0 : i32
        %dma_wait3A_263 = arith.constant 0 : i32
        %dma_wait3A_264 = tpu.memref_slice %arg9[%dma_wait3A_262, %dma_wait3A_263] : memref<10240x64xf32, #tpu.memory_space<vmem_shared>> -> memref<10240x64xf32, #tpu.memory_space<vmem_shared>>
        tpu.wait_indirect_dma semaphore(%arg14 : memref<!tpu.dma_semaphore, #tpu.memory_space<semaphore_mem>>) src(%arg8 : memref<128x64xf32, #tpu.memory_space<vmem>>) dst(%dma_wait3A_264 : memref<10240x64xf32, #tpu.memory_space<vmem_shared>>)
      }
      %scan3A_33 = arith.constant 9 : i32
    } else {
    }
    %barrier3A_21 = arith.constant 0 : index
    tpu.barrier barrier_id(%barrier3A_21)
    %scan3A_22 = arith.constant 0 : i32
    %scan3A_23 = arith.constant 5 : i32
    %scan3A_24 = arith.addi %scan3A_22, %scan3A_23 : i32
    %scan3A_25 = arith.constant 1 : i32
    scf.for %scan3A_27 = %scan3A_22 to %scan3A_24 step %scan3A_25  : i32 {
      %mul3A = arith.constant 1 : i32
      %mul3A_28 = arith.muli %scan3A_27, %mul3A : i32
      %add3A = arith.constant 0 : i32
      %add3A_29 = arith.addi %add3A, %mul3A_28 : i32
      %mul3A_30 = arith.constant 640 : i32
      %mul3A_31 = arith.muli %arg1, %mul3A_30 : i32
      %mul3A_32 = arith.constant 128 : i32
      %mul3A_33 = arith.muli %add3A_29, %mul3A_32 : i32
      %add3A_34 = arith.addi %mul3A_31, %mul3A_33 : i32
      "tpu.region"() ({
        %run_scoped3A = tpu.sem_alloc : memref<!tpu.dma_semaphore, #tpu.memory_space<semaphore_mem>>
        %dma_start3A = arith.constant 0 : i32
        %dma_start3A_35 = arith.constant 0 : i32
        %dma_start3A_36 = tpu.memref_slice %arg4[%arg0, %dma_start3A, %dma_start3A_35] : memref<2x10240x128xf32, #tpu.memory_space<hbm>> -> memref<1x10240x128xf32, #tpu.memory_space<hbm>>
        %dma_start3A_37 = tpu.memref_squeeze %dma_start3A_36 : memref<1x10240x128xf32, #tpu.memory_space<hbm>> -> memref<10240x128xf32, #tpu.memory_space<hbm>>
        %dma_start3A_38 = arith.constant 0 : i32
        %dma_start3A_39 = tpu.memref_slice %dma_start3A_37[%add3A_34, %dma_start3A_38] : memref<10240x128xf32, #tpu.memory_space<hbm>> -> memref<128x64xf32, #tpu.memory_space<hbm>>
        %dma_start3A_40 = arith.constant 0 : i32
        %dma_start3A_41 = tpu.memref_slice %arg9[%add3A_34, %dma_start3A_40] : memref<10240x64xf32, #tpu.memory_space<vmem_shared>> -> memref<128x64xf32, #tpu.memory_space<vmem_shared>>
        tpu.enqueue_dma source(%dma_start3A_41 : memref<128x64xf32, #tpu.memory_space<vmem_shared>>) target(%dma_start3A_39 : memref<128x64xf32, #tpu.memory_space<hbm>>) target_semaphore(%run_scoped3A : memref<!tpu.dma_semaphore, #tpu.memory_space<semaphore_mem>>)
        %dma_wait3A = arith.constant 0 : i32
        %dma_wait3A_42 = arith.constant 0 : i32
        %dma_wait3A_43 = tpu.memref_slice %arg4[%arg0, %dma_wait3A, %dma_wait3A_42] : memref<2x10240x128xf32, #tpu.memory_space<hbm>> -> memref<1x10240x128xf32, #tpu.memory_space<hbm>>
        %dma_wait3A_44 = tpu.memref_squeeze %dma_wait3A_43 : memref<1x10240x128xf32, #tpu.memory_space<hbm>> -> memref<10240x128xf32, #tpu.memory_space<hbm>>
        %dma_wait3A_45 = arith.constant 0 : i32
        %dma_wait3A_46 = tpu.memref_slice %dma_wait3A_44[%add3A_34, %dma_wait3A_45] : memref<10240x128xf32, #tpu.memory_space<hbm>> -> memref<128x64xf32, #tpu.memory_space<hbm>>
        %dma_wait3A_47 = arith.constant 0 : i32
        %dma_wait3A_48 = tpu.memref_slice %arg9[%add3A_34, %dma_wait3A_47] : memref<10240x64xf32, #tpu.memory_space<vmem_shared>> -> memref<128x64xf32, #tpu.memory_space<vmem_shared>>
        tpu.wait_dma2 semaphore(%run_scoped3A : memref<!tpu.dma_semaphore, #tpu.memory_space<semaphore_mem>>) src(%dma_wait3A_48 : memref<128x64xf32, #tpu.memory_space<vmem_shared>>) dst(%dma_wait3A_46 : memref<128x64xf32, #tpu.memory_space<hbm>>)
        tpu.yield
      }) : () -> ()
    }
    %scan3A_26 = arith.constant 5 : i32
    return
  }
}

#map = affine_map<(d0, d1) -> (0, 0, 0)>
#map1 = affine_map<(d0, d1) -> (0, 0)>
module attributes {stable_mosaic.version = 14 : i64} {
  func.func @_deg_pass(%arg0: i32, %arg1: i32, %arg2: memref<2x2560x128xi32, #tpu.memory_space<hbm>>, %arg3: memref<32x10240xf32, #tpu.memory_space<hbm>>, %arg4: memref<80x128xi32, #tpu.memory_space<vmem>>, %arg5: memref<10240xf32, #tpu.memory_space<vmem>>) attributes {dimension_semantics = [#tpu.dimension_semantics<core_parallel>, #tpu.dimension_semantics<subcore_parallel>], iteration_bounds = array<i64: 2, 16>, scalar_prefetch = 0 : i64, scratch_operands = 2 : i64, tpu.core_type = #tpu.core_type<sc_vector_subcore>, window_params = [{transform_indices = #map}, {transform_indices = #map1}]} {
    %mul3A = arith.constant 16 : i32
    %mul3A_0 = arith.muli %arg0, %mul3A : i32
    %add3A = arith.addi %mul3A_0, %arg1 : i32
    %scan3A = arith.constant 0 : i32
    %scan3A_1 = arith.constant 640 : i32
    %scan3A_2 = arith.addi %scan3A, %scan3A_1 : i32
    %scan3A_3 = arith.constant 1 : i32
    scf.for %scan3A_12 = %scan3A to %scan3A_2 step %scan3A_3  : i32 {
      %mul3A_13 = arith.constant 1 : i32
      %mul3A_14 = arith.muli %scan3A_12, %mul3A_13 : i32
      %add3A_15 = arith.constant 0 : i32
      %add3A_16 = arith.addi %add3A_15, %mul3A_14 : i32
      %broadcast_in_dim3A = arith.constant 0.000000e+00 : f32
      %broadcast_in_dim3A_17 = vector.broadcast %broadcast_in_dim3A : f32 to vector<16xf32>
      %mul3A_18 = arith.constant 16 : i32
      %mul3A_19 = arith.muli %add3A_16, %mul3A_18 : i32
      %swap3A = arith.index_cast %mul3A_19 : i32 to index
      %swap3A_20 = tpu.vector_load %arg5[%swap3A] {strides = array<i32>} : memref<10240xf32, #tpu.memory_space<vmem>>, vector<16xf32>,
      tpu.vector_store %arg5[%swap3A], %broadcast_in_dim3A_17 {strides = array<i32>} : memref<10240xf32, #tpu.memory_space<vmem>>, vector<16xf32>,
    }
    %scan3A_4 = arith.constant 640 : i32
    %mul3A_5 = arith.constant 80 : i32
    %mul3A_6 = arith.muli %add3A, %mul3A_5 : i32
    %run_scoped3A = arith.constant 1 : i32
    "tpu.region"() ({
      %run_scoped3A_12 = tpu.sem_alloc : memref<!tpu.dma_semaphore, #tpu.memory_space<semaphore_mem>>
      %dma_start3A = arith.constant 0 : i32
      %dma_start3A_13 = arith.constant 0 : i32
      %dma_start3A_14 = tpu.memref_slice %arg2[%run_scoped3A, %dma_start3A, %dma_start3A_13] : memref<2x2560x128xi32, #tpu.memory_space<hbm>> -> memref<1x2560x128xi32, #tpu.memory_space<hbm>>
      %dma_start3A_15 = tpu.memref_squeeze %dma_start3A_14 : memref<1x2560x128xi32, #tpu.memory_space<hbm>> -> memref<2560x128xi32, #tpu.memory_space<hbm>>
      %dma_start3A_16 = arith.constant 0 : i32
      %dma_start3A_17 = tpu.memref_slice %dma_start3A_15[%mul3A_6, %dma_start3A_16] : memref<2560x128xi32, #tpu.memory_space<hbm>> -> memref<80x128xi32, #tpu.memory_space<hbm>>
      %dma_start3A_18 = arith.constant 0 : i32
      %dma_start3A_19 = arith.constant 0 : i32
      %dma_start3A_20 = tpu.memref_slice %arg2[%run_scoped3A, %dma_start3A_18, %dma_start3A_19] : memref<2x2560x128xi32, #tpu.memory_space<hbm>> -> memref<1x2560x128xi32, #tpu.memory_space<hbm>>
      %dma_start3A_21 = tpu.memref_squeeze %dma_start3A_20 : memref<1x2560x128xi32, #tpu.memory_space<hbm>> -> memref<2560x128xi32, #tpu.memory_space<hbm>>
      %dma_start3A_22 = arith.constant 0 : i32
      %dma_start3A_23 = tpu.memref_slice %dma_start3A_21[%mul3A_6, %dma_start3A_22] : memref<2560x128xi32, #tpu.memory_space<hbm>> -> memref<80x128xi32, #tpu.memory_space<hbm>>
      tpu.enqueue_dma source(%dma_start3A_23 : memref<80x128xi32, #tpu.memory_space<hbm>>) target(%arg4 : memref<80x128xi32, #tpu.memory_space<vmem>>) target_semaphore(%run_scoped3A_12 : memref<!tpu.dma_semaphore, #tpu.memory_space<semaphore_mem>>)
      %dma_wait3A = arith.constant 0 : i32
      %dma_wait3A_24 = arith.constant 0 : i32
      %dma_wait3A_25 = tpu.memref_slice %arg2[%run_scoped3A, %dma_wait3A, %dma_wait3A_24] : memref<2x2560x128xi32, #tpu.memory_space<hbm>> -> memref<1x2560x128xi32, #tpu.memory_space<hbm>>
      %dma_wait3A_26 = tpu.memref_squeeze %dma_wait3A_25 : memref<1x2560x128xi32, #tpu.memory_space<hbm>> -> memref<2560x128xi32, #tpu.memory_space<hbm>>
      %dma_wait3A_27 = arith.constant 0 : i32
      %dma_wait3A_28 = tpu.memref_slice %dma_wait3A_26[%mul3A_6, %dma_wait3A_27] : memref<2560x128xi32, #tpu.memory_space<hbm>> -> memref<80x128xi32, #tpu.memory_space<hbm>>
      %dma_wait3A_29 = arith.constant 0 : i32
      %dma_wait3A_30 = arith.constant 0 : i32
      %dma_wait3A_31 = tpu.memref_slice %arg2[%run_scoped3A, %dma_wait3A_29, %dma_wait3A_30] : memref<2x2560x128xi32, #tpu.memory_space<hbm>> -> memref<1x2560x128xi32, #tpu.memory_space<hbm>>
      %dma_wait3A_32 = tpu.memref_squeeze %dma_wait3A_31 : memref<1x2560x128xi32, #tpu.memory_space<hbm>> -> memref<2560x128xi32, #tpu.memory_space<hbm>>
      %dma_wait3A_33 = arith.constant 0 : i32
      %dma_wait3A_34 = tpu.memref_slice %dma_wait3A_32[%mul3A_6, %dma_wait3A_33] : memref<2560x128xi32, #tpu.memory_space<hbm>> -> memref<80x128xi32, #tpu.memory_space<hbm>>
      tpu.wait_dma2 semaphore(%run_scoped3A_12 : memref<!tpu.dma_semaphore, #tpu.memory_space<semaphore_mem>>) src(%dma_wait3A_34 : memref<80x128xi32, #tpu.memory_space<hbm>>) dst(%arg4 : memref<80x128xi32, #tpu.memory_space<vmem>>)
      tpu.yield
    }) : () -> ()
    %scan3A_7 = arith.constant 0 : i32
    %scan3A_8 = arith.constant 80 : i32
    %scan3A_9 = arith.addi %scan3A_7, %scan3A_8 : i32
    %scan3A_10 = arith.constant 1 : i32
    scf.for %scan3A_12 = %scan3A_7 to %scan3A_9 step %scan3A_10  : i32 {
      %mul3A_13 = arith.constant 1 : i32
      %mul3A_14 = arith.muli %scan3A_12, %mul3A_13 : i32
      %add3A_15 = arith.constant 0 : i32
      %add3A_16 = arith.addi %add3A_15, %mul3A_14 : i32
      %scan3A_17 = arith.constant 0 : i32
      %scan3A_18 = arith.constant 8 : i32
      %scan3A_19 = arith.addi %scan3A_17, %scan3A_18 : i32
      %scan3A_20 = arith.constant 1 : i32
      scf.for %scan3A_22 = %scan3A_17 to %scan3A_19 step %scan3A_20  : i32 {
        %mul3A_23 = arith.constant 1 : i32
        %mul3A_24 = arith.muli %scan3A_22, %mul3A_23 : i32
        %add3A_25 = arith.constant 0 : i32
        %add3A_26 = arith.addi %add3A_25, %mul3A_24 : i32
        %mul3A_27 = arith.constant 16 : i32
        %mul3A_28 = arith.muli %add3A_26, %mul3A_27 : i32
        %get3A = arith.index_cast %add3A_16 : i32 to index
        %get3A_29 = arith.index_cast %mul3A_28 : i32 to index
        %get3A_30 = tpu.vector_load %arg4[%get3A, %get3A_29] {strides = array<i32>} : memref<80x128xi32, #tpu.memory_space<vmem>>, vector<16xi32>,
        %broadcast_in_dim3A = arith.constant true
        %broadcast_in_dim3A_31 = vector.broadcast %broadcast_in_dim3A : i1 to vector<16xi1>
        %unique3A, %unique3A_32 = tpu.scan_count mask(%broadcast_in_dim3A_31 : vector<16xi1>) value(%get3A_30 : vector<16xi32>) : vector<16xi1>, vector<16xi32>
        %convert_element_type3A = arith.sitofp %unique3A_32 : vector<16xi32> to vector<16xf32>
        tpu.vector_store_idx %arg5[%get3A_30], %convert_element_type3A masked %unique3A {add = true} : memref<10240xf32, #tpu.memory_space<vmem>>[vector<16xi32>], vector<16xf32>, vector<16xi1>
      }
      %scan3A_21 = arith.constant 8 : i32
    }
    %scan3A_11 = arith.constant 80 : i32
    "tpu.region"() ({
      %run_scoped3A_12 = tpu.sem_alloc : memref<!tpu.dma_semaphore, #tpu.memory_space<semaphore_mem>>
      %dma_start3A = arith.constant 0 : i32
      %dma_start3A_13 = tpu.memref_slice %arg3[%add3A, %dma_start3A] : memref<32x10240xf32, #tpu.memory_space<hbm>> -> memref<1x10240xf32, #tpu.memory_space<hbm>>
      %dma_start3A_14 = tpu.memref_squeeze %dma_start3A_13 : memref<1x10240xf32, #tpu.memory_space<hbm>> -> memref<10240xf32, #tpu.memory_space<hbm>>
      %dma_start3A_15 = arith.constant 0 : i32
      %dma_start3A_16 = tpu.memref_slice %arg3[%add3A, %dma_start3A_15] : memref<32x10240xf32, #tpu.memory_space<hbm>> -> memref<1x10240xf32, #tpu.memory_space<hbm>>
      %dma_start3A_17 = tpu.memref_squeeze %dma_start3A_16 : memref<1x10240xf32, #tpu.memory_space<hbm>> -> memref<10240xf32, #tpu.memory_space<hbm>>
      tpu.enqueue_dma source(%arg5 : memref<10240xf32, #tpu.memory_space<vmem>>) target(%dma_start3A_17 : memref<10240xf32, #tpu.memory_space<hbm>>) target_semaphore(%run_scoped3A_12 : memref<!tpu.dma_semaphore, #tpu.memory_space<semaphore_mem>>)
      %dma_wait3A = arith.constant 0 : i32
      %dma_wait3A_18 = tpu.memref_slice %arg3[%add3A, %dma_wait3A] : memref<32x10240xf32, #tpu.memory_space<hbm>> -> memref<1x10240xf32, #tpu.memory_space<hbm>>
      %dma_wait3A_19 = tpu.memref_squeeze %dma_wait3A_18 : memref<1x10240xf32, #tpu.memory_space<hbm>> -> memref<10240xf32, #tpu.memory_space<hbm>>
      %dma_wait3A_20 = arith.constant 0 : i32
      %dma_wait3A_21 = tpu.memref_slice %arg3[%add3A, %dma_wait3A_20] : memref<32x10240xf32, #tpu.memory_space<hbm>> -> memref<1x10240xf32, #tpu.memory_space<hbm>>
      %dma_wait3A_22 = tpu.memref_squeeze %dma_wait3A_21 : memref<1x10240xf32, #tpu.memory_space<hbm>> -> memref<10240xf32, #tpu.memory_space<hbm>>
      tpu.wait_dma2 semaphore(%run_scoped3A_12 : memref<!tpu.dma_semaphore, #tpu.memory_space<semaphore_mem>>) src(%arg5 : memref<10240xf32, #tpu.memory_space<vmem>>) dst(%dma_wait3A_22 : memref<10240xf32, #tpu.memory_space<hbm>>)
      tpu.yield
    }) : () -> ()
    return
  }
}

#map = affine_map<(d0, d1) -> (0, 0)>
#map1 = affine_map<(d0, d1) -> (0, 0, 0)>
module attributes {stable_mosaic.version = 14 : i64} {
  func.func @_agg_pass(%arg0: i32, %arg1: i32, %arg2: memref<10240x64xf32, #tpu.memory_space<hbm>>, %arg3: memref<2x2560x128xi32, #tpu.memory_space<hbm>>, %arg4: memref<2x10240x128xf32, #tpu.memory_space<hbm>>, %arg5: memref<8x128xi32, #tpu.memory_space<vmem>>, %arg6: memref<8x128xi32, #tpu.memory_space<vmem>>, %arg7: memref<128x64xf32, #tpu.memory_space<vmem>>, %arg8: memref<128x64xf32, #tpu.memory_space<vmem>>, %arg9: memref<10240x64xf32, #tpu.memory_space<vmem_shared>>, %arg10: memref<10240x64xf32, #tpu.memory_space<vmem_shared>>, %arg11: memref<!tpu.dma_semaphore, #tpu.memory_space<semaphore_mem>>, %arg12: memref<!tpu.dma_semaphore, #tpu.memory_space<semaphore_mem>>, %arg13: memref<!tpu.dma_semaphore, #tpu.memory_space<semaphore_mem>>, %arg14: memref<!tpu.dma_semaphore, #tpu.memory_space<semaphore_mem>>) attributes {dimension_semantics = [#tpu.dimension_semantics<core_parallel>, #tpu.dimension_semantics<subcore_parallel>], iteration_bounds = array<i64: 2, 16>, scalar_prefetch = 0 : i64, scratch_operands = 10 : i64, tpu.core_type = #tpu.core_type<sc_vector_subcore>, window_params = [{transform_indices = #map}, {transform_indices = #map1}, {transform_indices = #map1}]} {
    %scan3A = arith.constant 0 : i32
    %scan3A_0 = arith.constant 128 : i32
    %scan3A_1 = arith.addi %scan3A, %scan3A_0 : i32
    %scan3A_2 = arith.constant 1 : i32
    scf.for %scan3A_27 = %scan3A to %scan3A_1 step %scan3A_2  : i32 {
      %mul3A = arith.constant 1 : i32
      %mul3A_28 = arith.muli %scan3A_27, %mul3A : i32
      %add3A = arith.constant 0 : i32
      %add3A_29 = arith.addi %add3A, %mul3A_28 : i32
      %scan3A_30 = arith.constant 0 : i32
      %scan3A_31 = arith.constant 4 : i32
      %scan3A_32 = arith.addi %scan3A_30, %scan3A_31 : i32
      %scan3A_33 = arith.constant 1 : i32
      scf.for %scan3A_35 = %scan3A_30 to %scan3A_32 step %scan3A_33  : i32 {
        %mul3A_36 = arith.constant 1 : i32
        %mul3A_37 = arith.muli %scan3A_35, %mul3A_36 : i32
        %add3A_38 = arith.constant 0 : i32
        %add3A_39 = arith.addi %add3A_38, %mul3A_37 : i32
        %broadcast_in_dim3A = arith.constant 0.000000e+00 : f32
        %broadcast_in_dim3A_40 = vector.broadcast %broadcast_in_dim3A : f32 to vector<16xf32>
        %mul3A_41 = arith.constant 16 : i32
        %mul3A_42 = arith.muli %add3A_39, %mul3A_41 : i32
        %swap3A = arith.index_cast %add3A_29 : i32 to index
        %swap3A_43 = arith.index_cast %mul3A_42 : i32 to index
        %swap3A_44 = tpu.vector_load %arg7[%swap3A, %swap3A_43] {strides = array<i32>} : memref<128x64xf32, #tpu.memory_space<vmem>>, vector<1x16xf32>,
        %swap3A_45 = vector.shape_cast %swap3A_44 : vector<1x16xf32> to vector<16xf32>
        %swap3A_46 = vector.shape_cast %broadcast_in_dim3A_40 : vector<16xf32> to vector<1x16xf32>
        tpu.vector_store %arg7[%swap3A, %swap3A_43], %swap3A_46 {strides = array<i32>} : memref<128x64xf32, #tpu.memory_space<vmem>>, vector<1x16xf32>,
      }
      %scan3A_34 = arith.constant 4 : i32
    }
    %scan3A_3 = arith.constant 128 : i32
    %scan3A_4 = arith.constant 0 : i32
    %scan3A_5 = arith.constant 5 : i32
    %scan3A_6 = arith.addi %scan3A_4, %scan3A_5 : i32
    %scan3A_7 = arith.constant 1 : i32
    scf.for %scan3A_27 = %scan3A_4 to %scan3A_6 step %scan3A_7  : i32 {
      %mul3A = arith.constant 1 : i32
      %mul3A_28 = arith.muli %scan3A_27, %mul3A : i32
      %add3A = arith.constant 0 : i32
      %add3A_29 = arith.addi %add3A, %mul3A_28 : i32
      %mul3A_30 = arith.constant 640 : i32
      %mul3A_31 = arith.muli %arg1, %mul3A_30 : i32
      %mul3A_32 = arith.constant 128 : i32
      %mul3A_33 = arith.muli %add3A_29, %mul3A_32 : i32
      %add3A_34 = arith.addi %mul3A_31, %mul3A_33 : i32
      "tpu.region"() ({
        %run_scoped3A = tpu.sem_alloc : memref<!tpu.dma_semaphore, #tpu.memory_space<semaphore_mem>>
        %dma_start3A = arith.constant 0 : i32
        %dma_start3A_35 = tpu.memref_slice %arg9[%add3A_34, %dma_start3A] : memref<10240x64xf32, #tpu.memory_space<vmem_shared>> -> memref<128x64xf32, #tpu.memory_space<vmem_shared>>
        %dma_start3A_36 = arith.constant 0 : i32
        %dma_start3A_37 = tpu.memref_slice %arg9[%add3A_34, %dma_start3A_36] : memref<10240x64xf32, #tpu.memory_space<vmem_shared>> -> memref<128x64xf32, #tpu.memory_space<vmem_shared>>
        tpu.enqueue_dma source(%arg7 : memref<128x64xf32, #tpu.memory_space<vmem>>) target(%dma_start3A_37 : memref<128x64xf32, #tpu.memory_space<vmem_shared>>) target_semaphore(%run_scoped3A : memref<!tpu.dma_semaphore, #tpu.memory_space<semaphore_mem>>)
        %dma_wait3A = arith.constant 0 : i32
        %dma_wait3A_38 = tpu.memref_slice %arg9[%add3A_34, %dma_wait3A] : memref<10240x64xf32, #tpu.memory_space<vmem_shared>> -> memref<128x64xf32, #tpu.memory_space<vmem_shared>>
        %dma_wait3A_39 = arith.constant 0 : i32
        %dma_wait3A_40 = tpu.memref_slice %arg9[%add3A_34, %dma_wait3A_39] : memref<10240x64xf32, #tpu.memory_space<vmem_shared>> -> memref<128x64xf32, #tpu.memory_space<vmem_shared>>
        tpu.wait_dma2 semaphore(%run_scoped3A : memref<!tpu.dma_semaphore, #tpu.memory_space<semaphore_mem>>) src(%arg7 : memref<128x64xf32, #tpu.memory_space<vmem>>) dst(%dma_wait3A_40 : memref<128x64xf32, #tpu.memory_space<vmem_shared>>)
        tpu.yield
      }) : () -> ()
    }
    %scan3A_8 = arith.constant 5 : i32
    %eq3A = arith.constant 1 : i32
    %eq3A_9 = arith.cmpi eq, %arg0, %eq3A : i32
    %convert_element_type3A = arith.extui %eq3A_9 : i1 to i32
    %cond3A = arith.constant 0 : i32
    %cond3A_10 = arith.cmpi ne, %convert_element_type3A, %cond3A : i32
    scf.if %cond3A_10 {
      %mul3A = arith.constant 640 : i32
      %mul3A_27 = arith.muli %arg1, %mul3A : i32
      %mul3A_28 = arith.constant 640 : i32
      %mul3A_29 = arith.muli %arg1, %mul3A_28 : i32
      "tpu.region"() ({
        %run_scoped3A = tpu.sem_alloc : memref<!tpu.dma_semaphore, #tpu.memory_space<semaphore_mem>>
        %dma_start3A = arith.constant 0 : i32
        %dma_start3A_30 = tpu.memref_slice %arg10[%mul3A_29, %dma_start3A] : memref<10240x64xf32, #tpu.memory_space<vmem_shared>> -> memref<640x64xf32, #tpu.memory_space<vmem_shared>>
        %dma_start3A_31 = arith.constant 0 : i32
        %dma_start3A_32 = tpu.memref_slice %arg2[%mul3A_27, %dma_start3A_31] : memref<10240x64xf32, #tpu.memory_space<hbm>> -> memref<640x64xf32, #tpu.memory_space<hbm>>
        tpu.enqueue_dma source(%dma_start3A_32 : memref<640x64xf32, #tpu.memory_space<hbm>>) target(%dma_start3A_30 : memref<640x64xf32, #tpu.memory_space<vmem_shared>>) target_semaphore(%run_scoped3A : memref<!tpu.dma_semaphore, #tpu.memory_space<semaphore_mem>>)
        %dma_wait3A = arith.constant 0 : i32
        %dma_wait3A_33 = tpu.memref_slice %arg10[%mul3A_29, %dma_wait3A] : memref<10240x64xf32, #tpu.memory_space<vmem_shared>> -> memref<640x64xf32, #tpu.memory_space<vmem_shared>>
        %dma_wait3A_34 = arith.constant 0 : i32
        %dma_wait3A_35 = tpu.memref_slice %arg2[%mul3A_27, %dma_wait3A_34] : memref<10240x64xf32, #tpu.memory_space<hbm>> -> memref<640x64xf32, #tpu.memory_space<hbm>>
        tpu.wait_dma2 semaphore(%run_scoped3A : memref<!tpu.dma_semaphore, #tpu.memory_space<semaphore_mem>>) src(%dma_wait3A_35 : memref<640x64xf32, #tpu.memory_space<hbm>>) dst(%dma_wait3A_33 : memref<640x64xf32, #tpu.memory_space<vmem_shared>>)
        tpu.yield
      }) : () -> ()
    } else {
    }
    %barrier3A = arith.constant 0 : index
    tpu.barrier barrier_id(%barrier3A)
    %eq3A_11 = arith.constant 0 : i32
    %eq3A_12 = arith.cmpi eq, %arg0, %eq3A_11 : i32
    %convert_element_type3A_13 = arith.extui %eq3A_12 : i1 to i32
    %cond3A_14 = arith.constant 0 : i32
    %cond3A_15 = arith.cmpi ne, %convert_element_type3A_13, %cond3A_14 : i32
    scf.if %cond3A_15 {
      %mul3A = arith.constant 88 : i32
      %mul3A_27 = arith.muli %arg1, %mul3A : i32
      %scan3A_28 = arith.constant 0 : i32
      %scan3A_29 = arith.constant 11 : i32
      %scan3A_30 = arith.addi %scan3A_28, %scan3A_29 : i32
      %scan3A_31 = arith.constant 1 : i32
      scf.for %scan3A_33 = %scan3A_28 to %scan3A_30 step %scan3A_31  : i32 {
        %mul3A_34 = arith.constant 1 : i32
        %mul3A_35 = arith.muli %scan3A_33, %mul3A_34 : i32
        %add3A = arith.constant 0 : i32
        %add3A_36 = arith.addi %add3A, %mul3A_35 : i32
        %mul3A_37 = arith.constant 8 : i32
        %mul3A_38 = arith.muli %add3A_36, %mul3A_37 : i32
        %add3A_39 = arith.addi %mul3A_27, %mul3A_38 : i32
        %run_scoped3A = arith.constant 0 : i32
        "tpu.region"() ({
          %run_scoped3A_263 = tpu.sem_alloc : memref<!tpu.dma_semaphore, #tpu.memory_space<semaphore_mem>>
          %dma_start3A_264 = arith.constant 0 : i32
          %dma_start3A_265 = arith.constant 0 : i32
          %dma_start3A_266 = tpu.memref_slice %arg3[%run_scoped3A, %dma_start3A_264, %dma_start3A_265] : memref<2x2560x128xi32, #tpu.memory_space<hbm>> -> memref<1x2560x128xi32, #tpu.memory_space<hbm>>
          %dma_start3A_267 = tpu.memref_squeeze %dma_start3A_266 : memref<1x2560x128xi32, #tpu.memory_space<hbm>> -> memref<2560x128xi32, #tpu.memory_space<hbm>>
          %dma_start3A_268 = arith.constant 0 : i32
          %dma_start3A_269 = tpu.memref_slice %dma_start3A_267[%add3A_39, %dma_start3A_268] : memref<2560x128xi32, #tpu.memory_space<hbm>> -> memref<8x128xi32, #tpu.memory_space<hbm>>
          %dma_start3A_270 = arith.constant 0 : i32
          %dma_start3A_271 = arith.constant 0 : i32
          %dma_start3A_272 = tpu.memref_slice %arg3[%run_scoped3A, %dma_start3A_270, %dma_start3A_271] : memref<2x2560x128xi32, #tpu.memory_space<hbm>> -> memref<1x2560x128xi32, #tpu.memory_space<hbm>>
          %dma_start3A_273 = tpu.memref_squeeze %dma_start3A_272 : memref<1x2560x128xi32, #tpu.memory_space<hbm>> -> memref<2560x128xi32, #tpu.memory_space<hbm>>
          %dma_start3A_274 = arith.constant 0 : i32
          %dma_start3A_275 = tpu.memref_slice %dma_start3A_273[%add3A_39, %dma_start3A_274] : memref<2560x128xi32, #tpu.memory_space<hbm>> -> memref<8x128xi32, #tpu.memory_space<hbm>>
          tpu.enqueue_dma source(%dma_start3A_275 : memref<8x128xi32, #tpu.memory_space<hbm>>) target(%arg5 : memref<8x128xi32, #tpu.memory_space<vmem>>) target_semaphore(%run_scoped3A_263 : memref<!tpu.dma_semaphore, #tpu.memory_space<semaphore_mem>>)
          %dma_wait3A_276 = arith.constant 0 : i32
          %dma_wait3A_277 = arith.constant 0 : i32
          %dma_wait3A_278 = tpu.memref_slice %arg3[%run_scoped3A, %dma_wait3A_276, %dma_wait3A_277] : memref<2x2560x128xi32, #tpu.memory_space<hbm>> -> memref<1x2560x128xi32, #tpu.memory_space<hbm>>
          %dma_wait3A_279 = tpu.memref_squeeze %dma_wait3A_278 : memref<1x2560x128xi32, #tpu.memory_space<hbm>> -> memref<2560x128xi32, #tpu.memory_space<hbm>>
          %dma_wait3A_280 = arith.constant 0 : i32
          %dma_wait3A_281 = tpu.memref_slice %dma_wait3A_279[%add3A_39, %dma_wait3A_280] : memref<2560x128xi32, #tpu.memory_space<hbm>> -> memref<8x128xi32, #tpu.memory_space<hbm>>
          %dma_wait3A_282 = arith.constant 0 : i32
          %dma_wait3A_283 = arith.constant 0 : i32
          %dma_wait3A_284 = tpu.memref_slice %arg3[%run_scoped3A, %dma_wait3A_282, %dma_wait3A_283] : memref<2x2560x128xi32, #tpu.memory_space<hbm>> -> memref<1x2560x128xi32, #tpu.memory_space<hbm>>
          %dma_wait3A_285 = tpu.memref_squeeze %dma_wait3A_284 : memref<1x2560x128xi32, #tpu.memory_space<hbm>> -> memref<2560x128xi32, #tpu.memory_space<hbm>>
          %dma_wait3A_286 = arith.constant 0 : i32
          %dma_wait3A_287 = tpu.memref_slice %dma_wait3A_285[%add3A_39, %dma_wait3A_286] : memref<2560x128xi32, #tpu.memory_space<hbm>> -> memref<8x128xi32, #tpu.memory_space<hbm>>
          tpu.wait_dma2 semaphore(%run_scoped3A_263 : memref<!tpu.dma_semaphore, #tpu.memory_space<semaphore_mem>>) src(%dma_wait3A_287 : memref<8x128xi32, #tpu.memory_space<hbm>>) dst(%arg5 : memref<8x128xi32, #tpu.memory_space<vmem>>)
          tpu.yield
        }) : () -> ()
        %run_scoped3A_40 = arith.constant 1 : i32
        "tpu.region"() ({
          %run_scoped3A_263 = tpu.sem_alloc : memref<!tpu.dma_semaphore, #tpu.memory_space<semaphore_mem>>
          %dma_start3A_264 = arith.constant 0 : i32
          %dma_start3A_265 = arith.constant 0 : i32
          %dma_start3A_266 = tpu.memref_slice %arg3[%run_scoped3A_40, %dma_start3A_264, %dma_start3A_265] : memref<2x2560x128xi32, #tpu.memory_space<hbm>> -> memref<1x2560x128xi32, #tpu.memory_space<hbm>>
          %dma_start3A_267 = tpu.memref_squeeze %dma_start3A_266 : memref<1x2560x128xi32, #tpu.memory_space<hbm>> -> memref<2560x128xi32, #tpu.memory_space<hbm>>
          %dma_start3A_268 = arith.constant 0 : i32
          %dma_start3A_269 = tpu.memref_slice %dma_start3A_267[%add3A_39, %dma_start3A_268] : memref<2560x128xi32, #tpu.memory_space<hbm>> -> memref<8x128xi32, #tpu.memory_space<hbm>>
          %dma_start3A_270 = arith.constant 0 : i32
          %dma_start3A_271 = arith.constant 0 : i32
          %dma_start3A_272 = tpu.memref_slice %arg3[%run_scoped3A_40, %dma_start3A_270, %dma_start3A_271] : memref<2x2560x128xi32, #tpu.memory_space<hbm>> -> memref<1x2560x128xi32, #tpu.memory_space<hbm>>
          %dma_start3A_273 = tpu.memref_squeeze %dma_start3A_272 : memref<1x2560x128xi32, #tpu.memory_space<hbm>> -> memref<2560x128xi32, #tpu.memory_space<hbm>>
          %dma_start3A_274 = arith.constant 0 : i32
          %dma_start3A_275 = tpu.memref_slice %dma_start3A_273[%add3A_39, %dma_start3A_274] : memref<2560x128xi32, #tpu.memory_space<hbm>> -> memref<8x128xi32, #tpu.memory_space<hbm>>
          tpu.enqueue_dma source(%dma_start3A_275 : memref<8x128xi32, #tpu.memory_space<hbm>>) target(%arg6 : memref<8x128xi32, #tpu.memory_space<vmem>>) target_semaphore(%run_scoped3A_263 : memref<!tpu.dma_semaphore, #tpu.memory_space<semaphore_mem>>)
          %dma_wait3A_276 = arith.constant 0 : i32
          %dma_wait3A_277 = arith.constant 0 : i32
          %dma_wait3A_278 = tpu.memref_slice %arg3[%run_scoped3A_40, %dma_wait3A_276, %dma_wait3A_277] : memref<2x2560x128xi32, #tpu.memory_space<hbm>> -> memref<1x2560x128xi32, #tpu.memory_space<hbm>>
          %dma_wait3A_279 = tpu.memref_squeeze %dma_wait3A_278 : memref<1x2560x128xi32, #tpu.memory_space<hbm>> -> memref<2560x128xi32, #tpu.memory_space<hbm>>
          %dma_wait3A_280 = arith.constant 0 : i32
          %dma_wait3A_281 = tpu.memref_slice %dma_wait3A_279[%add3A_39, %dma_wait3A_280] : memref<2560x128xi32, #tpu.memory_space<hbm>> -> memref<8x128xi32, #tpu.memory_space<hbm>>
          %dma_wait3A_282 = arith.constant 0 : i32
          %dma_wait3A_283 = arith.constant 0 : i32
          %dma_wait3A_284 = tpu.memref_slice %arg3[%run_scoped3A_40, %dma_wait3A_282, %dma_wait3A_283] : memref<2x2560x128xi32, #tpu.memory_space<hbm>> -> memref<1x2560x128xi32, #tpu.memory_space<hbm>>
          %dma_wait3A_285 = tpu.memref_squeeze %dma_wait3A_284 : memref<1x2560x128xi32, #tpu.memory_space<hbm>> -> memref<2560x128xi32, #tpu.memory_space<hbm>>
          %dma_wait3A_286 = arith.constant 0 : i32
          %dma_wait3A_287 = tpu.memref_slice %dma_wait3A_285[%add3A_39, %dma_wait3A_286] : memref<2560x128xi32, #tpu.memory_space<hbm>> -> memref<8x128xi32, #tpu.memory_space<hbm>>
          tpu.wait_dma2 semaphore(%run_scoped3A_263 : memref<!tpu.dma_semaphore, #tpu.memory_space<semaphore_mem>>) src(%dma_wait3A_287 : memref<8x128xi32, #tpu.memory_space<hbm>>) dst(%arg6 : memref<8x128xi32, #tpu.memory_space<vmem>>)
          tpu.yield
        }) : () -> ()
        %dma_start3A = arith.constant 0 : i32
        %dma_start3A_41 = arith.constant 0 : i32
        %dma_start3A_42 = tpu.memref_slice %arg5[%dma_start3A, %dma_start3A_41] : memref<8x128xi32, #tpu.memory_space<vmem>> -> memref<1x128xi32, #tpu.memory_space<vmem>>
        %dma_start3A_43 = tpu.memref_squeeze %dma_start3A_42 : memref<1x128xi32, #tpu.memory_space<vmem>> -> memref<128xi32, #tpu.memory_space<vmem>>
        %dma_start3A_44 = arith.constant 0 : i32
        %dma_start3A_45 = arith.constant 0 : i32
        %dma_start3A_46 = tpu.memref_slice %arg2[%dma_start3A_44, %dma_start3A_45] : memref<10240x64xf32, #tpu.memory_space<hbm>> -> memref<10240x64xf32, #tpu.memory_space<hbm>>
        tpu.enqueue_indirect_dma source(%dma_start3A_46 : memref<10240x64xf32, #tpu.memory_space<hbm>>) target(%arg7 : memref<128x64xf32, #tpu.memory_space<vmem>>) offsets(%dma_start3A_43 : memref<128xi32, #tpu.memory_space<vmem>>) semaphore(%arg11 : memref<!tpu.dma_semaphore, #tpu.memory_space<semaphore_mem>>)
        %dma_start3A_47 = arith.constant 1 : i32
        %dma_start3A_48 = arith.constant 0 : i32
        %dma_start3A_49 = tpu.memref_slice %arg5[%dma_start3A_47, %dma_start3A_48] : memref<8x128xi32, #tpu.memory_space<vmem>> -> memref<1x128xi32, #tpu.memory_space<vmem>>
        %dma_start3A_50 = tpu.memref_squeeze %dma_start3A_49 : memref<1x128xi32, #tpu.memory_space<vmem>> -> memref<128xi32, #tpu.memory_space<vmem>>
        %dma_start3A_51 = arith.constant 0 : i32
        %dma_start3A_52 = arith.constant 0 : i32
        %dma_start3A_53 = tpu.memref_slice %arg2[%dma_start3A_51, %dma_start3A_52] : memref<10240x64xf32, #tpu.memory_space<hbm>> -> memref<10240x64xf32, #tpu.memory_space<hbm>>
        tpu.enqueue_indirect_dma source(%dma_start3A_53 : memref<10240x64xf32, #tpu.memory_space<hbm>>) target(%arg8 : memref<128x64xf32, #tpu.memory_space<vmem>>) offsets(%dma_start3A_50 : memref<128xi32, #tpu.memory_space<vmem>>) semaphore(%arg12 : memref<!tpu.dma_semaphore, #tpu.memory_space<semaphore_mem>>)
        %dma_wait3A = arith.constant 0 : i32
        %dma_wait3A_54 = arith.constant 0 : i32
        %dma_wait3A_55 = tpu.memref_slice %arg5[%dma_wait3A, %dma_wait3A_54] : memref<8x128xi32, #tpu.memory_space<vmem>> -> memref<1x128xi32, #tpu.memory_space<vmem>>
        %dma_wait3A_56 = tpu.memref_squeeze %dma_wait3A_55 : memref<1x128xi32, #tpu.memory_space<vmem>> -> memref<128xi32, #tpu.memory_space<vmem>>
        %dma_wait3A_57 = arith.constant 0 : i32
        %dma_wait3A_58 = arith.constant 0 : i32
        %dma_wait3A_59 = tpu.memref_slice %arg2[%dma_wait3A_57, %dma_wait3A_58] : memref<10240x64xf32, #tpu.memory_space<hbm>> -> memref<10240x64xf32, #tpu.memory_space<hbm>>
        tpu.wait_indirect_dma semaphore(%arg11 : memref<!tpu.dma_semaphore, #tpu.memory_space<semaphore_mem>>) src(%dma_wait3A_59 : memref<10240x64xf32, #tpu.memory_space<hbm>>) dst(%arg7 : memref<128x64xf32, #tpu.memory_space<vmem>>)
        %dma_start3A_60 = arith.constant 0 : i32
        %dma_start3A_61 = arith.constant 0 : i32
        %dma_start3A_62 = tpu.memref_slice %arg6[%dma_start3A_60, %dma_start3A_61] : memref<8x128xi32, #tpu.memory_space<vmem>> -> memref<1x128xi32, #tpu.memory_space<vmem>>
        %dma_start3A_63 = tpu.memref_squeeze %dma_start3A_62 : memref<1x128xi32, #tpu.memory_space<vmem>> -> memref<128xi32, #tpu.memory_space<vmem>>
        %dma_start3A_64 = arith.constant 0 : i32
        %dma_start3A_65 = arith.constant 0 : i32
        %dma_start3A_66 = tpu.memref_slice %arg9[%dma_start3A_64, %dma_start3A_65] : memref<10240x64xf32, #tpu.memory_space<vmem_shared>> -> memref<10240x64xf32, #tpu.memory_space<vmem_shared>>
        tpu.enqueue_indirect_dma source(%arg7 : memref<128x64xf32, #tpu.memory_space<vmem>>) target(%dma_start3A_66 : memref<10240x64xf32, #tpu.memory_space<vmem_shared>>) offsets(%dma_start3A_63 : memref<128xi32, #tpu.memory_space<vmem>>) semaphore(%arg13 : memref<!tpu.dma_semaphore, #tpu.memory_space<semaphore_mem>>) {add = true}
        %dma_wait3A_67 = arith.constant 0 : i32
        %dma_wait3A_68 = arith.constant 0 : i32
        %dma_wait3A_69 = tpu.memref_slice %arg6[%dma_wait3A_67, %dma_wait3A_68] : memref<8x128xi32, #tpu.memory_space<vmem>> -> memref<1x128xi32, #tpu.memory_space<vmem>>
        %dma_wait3A_70 = tpu.memref_squeeze %dma_wait3A_69 : memref<1x128xi32, #tpu.memory_space<vmem>> -> memref<128xi32, #tpu.memory_space<vmem>>
        %dma_wait3A_71 = arith.constant 0 : i32
        %dma_wait3A_72 = arith.constant 0 : i32
        %dma_wait3A_73 = tpu.memref_slice %arg9[%dma_wait3A_71, %dma_wait3A_72] : memref<10240x64xf32, #tpu.memory_space<vmem_shared>> -> memref<10240x64xf32, #tpu.memory_space<vmem_shared>>
        tpu.wait_indirect_dma semaphore(%arg13 : memref<!tpu.dma_semaphore, #tpu.memory_space<semaphore_mem>>) src(%arg7 : memref<128x64xf32, #tpu.memory_space<vmem>>) dst(%dma_wait3A_73 : memref<10240x64xf32, #tpu.memory_space<vmem_shared>>)
        %dma_start3A_74 = arith.constant 2 : i32
        %dma_start3A_75 = arith.constant 0 : i32
        %dma_start3A_76 = tpu.memref_slice %arg5[%dma_start3A_74, %dma_start3A_75] : memref<8x128xi32, #tpu.memory_space<vmem>> -> memref<1x128xi32, #tpu.memory_space<vmem>>
        %dma_start3A_77 = tpu.memref_squeeze %dma_start3A_76 : memref<1x128xi32, #tpu.memory_space<vmem>> -> memref<128xi32, #tpu.memory_space<vmem>>
        %dma_start3A_78 = arith.constant 0 : i32
        %dma_start3A_79 = arith.constant 0 : i32
        %dma_start3A_80 = tpu.memref_slice %arg2[%dma_start3A_78, %dma_start3A_79] : memref<10240x64xf32, #tpu.memory_space<hbm>> -> memref<10240x64xf32, #tpu.memory_space<hbm>>
        tpu.enqueue_indirect_dma source(%dma_start3A_80 : memref<10240x64xf32, #tpu.memory_space<hbm>>) target(%arg7 : memref<128x64xf32, #tpu.memory_space<vmem>>) offsets(%dma_start3A_77 : memref<128xi32, #tpu.memory_space<vmem>>) semaphore(%arg11 : memref<!tpu.dma_semaphore, #tpu.memory_space<semaphore_mem>>)
        %dma_wait3A_81 = arith.constant 1 : i32
        %dma_wait3A_82 = arith.constant 0 : i32
        %dma_wait3A_83 = tpu.memref_slice %arg5[%dma_wait3A_81, %dma_wait3A_82] : memref<8x128xi32, #tpu.memory_space<vmem>> -> memref<1x128xi32, #tpu.memory_space<vmem>>
        %dma_wait3A_84 = tpu.memref_squeeze %dma_wait3A_83 : memref<1x128xi32, #tpu.memory_space<vmem>> -> memref<128xi32, #tpu.memory_space<vmem>>
        %dma_wait3A_85 = arith.constant 0 : i32
        %dma_wait3A_86 = arith.constant 0 : i32
        %dma_wait3A_87 = tpu.memref_slice %arg2[%dma_wait3A_85, %dma_wait3A_86] : memref<10240x64xf32, #tpu.memory_space<hbm>> -> memref<10240x64xf32, #tpu.memory_space<hbm>>
        tpu.wait_indirect_dma semaphore(%arg12 : memref<!tpu.dma_semaphore, #tpu.memory_space<semaphore_mem>>) src(%dma_wait3A_87 : memref<10240x64xf32, #tpu.memory_space<hbm>>) dst(%arg8 : memref<128x64xf32, #tpu.memory_space<vmem>>)
        %dma_start3A_88 = arith.constant 1 : i32
        %dma_start3A_89 = arith.constant 0 : i32
        %dma_start3A_90 = tpu.memref_slice %arg6[%dma_start3A_88, %dma_start3A_89] : memref<8x128xi32, #tpu.memory_space<vmem>> -> memref<1x128xi32, #tpu.memory_space<vmem>>
        %dma_start3A_91 = tpu.memref_squeeze %dma_start3A_90 : memref<1x128xi32, #tpu.memory_space<vmem>> -> memref<128xi32, #tpu.memory_space<vmem>>
        %dma_start3A_92 = arith.constant 0 : i32
        %dma_start3A_93 = arith.constant 0 : i32
        %dma_start3A_94 = tpu.memref_slice %arg9[%dma_start3A_92, %dma_start3A_93] : memref<10240x64xf32, #tpu.memory_space<vmem_shared>> -> memref<10240x64xf32, #tpu.memory_space<vmem_shared>>
        tpu.enqueue_indirect_dma source(%arg8 : memref<128x64xf32, #tpu.memory_space<vmem>>) target(%dma_start3A_94 : memref<10240x64xf32, #tpu.memory_space<vmem_shared>>) offsets(%dma_start3A_91 : memref<128xi32, #tpu.memory_space<vmem>>) semaphore(%arg14 : memref<!tpu.dma_semaphore, #tpu.memory_space<semaphore_mem>>) {add = true}
        %dma_wait3A_95 = arith.constant 1 : i32
        %dma_wait3A_96 = arith.constant 0 : i32
        %dma_wait3A_97 = tpu.memref_slice %arg6[%dma_wait3A_95, %dma_wait3A_96] : memref<8x128xi32, #tpu.memory_space<vmem>> -> memref<1x128xi32, #tpu.memory_space<vmem>>
        %dma_wait3A_98 = tpu.memref_squeeze %dma_wait3A_97 : memref<1x128xi32, #tpu.memory_space<vmem>> -> memref<128xi32, #tpu.memory_space<vmem>>
        %dma_wait3A_99 = arith.constant 0 : i32
        %dma_wait3A_100 = arith.constant 0 : i32
        %dma_wait3A_101 = tpu.memref_slice %arg9[%dma_wait3A_99, %dma_wait3A_100] : memref<10240x64xf32, #tpu.memory_space<vmem_shared>> -> memref<10240x64xf32, #tpu.memory_space<vmem_shared>>
        tpu.wait_indirect_dma semaphore(%arg14 : memref<!tpu.dma_semaphore, #tpu.memory_space<semaphore_mem>>) src(%arg8 : memref<128x64xf32, #tpu.memory_space<vmem>>) dst(%dma_wait3A_101 : memref<10240x64xf32, #tpu.memory_space<vmem_shared>>)
        %dma_start3A_102 = arith.constant 3 : i32
        %dma_start3A_103 = arith.constant 0 : i32
        %dma_start3A_104 = tpu.memref_slice %arg5[%dma_start3A_102, %dma_start3A_103] : memref<8x128xi32, #tpu.memory_space<vmem>> -> memref<1x128xi32, #tpu.memory_space<vmem>>
        %dma_start3A_105 = tpu.memref_squeeze %dma_start3A_104 : memref<1x128xi32, #tpu.memory_space<vmem>> -> memref<128xi32, #tpu.memory_space<vmem>>
        %dma_start3A_106 = arith.constant 0 : i32
        %dma_start3A_107 = arith.constant 0 : i32
        %dma_start3A_108 = tpu.memref_slice %arg2[%dma_start3A_106, %dma_start3A_107] : memref<10240x64xf32, #tpu.memory_space<hbm>> -> memref<10240x64xf32, #tpu.memory_space<hbm>>
        tpu.enqueue_indirect_dma source(%dma_start3A_108 : memref<10240x64xf32, #tpu.memory_space<hbm>>) target(%arg8 : memref<128x64xf32, #tpu.memory_space<vmem>>) offsets(%dma_start3A_105 : memref<128xi32, #tpu.memory_space<vmem>>) semaphore(%arg12 : memref<!tpu.dma_semaphore, #tpu.memory_space<semaphore_mem>>)
        %dma_wait3A_109 = arith.constant 2 : i32
        %dma_wait3A_110 = arith.constant 0 : i32
        %dma_wait3A_111 = tpu.memref_slice %arg5[%dma_wait3A_109, %dma_wait3A_110] : memref<8x128xi32, #tpu.memory_space<vmem>> -> memref<1x128xi32, #tpu.memory_space<vmem>>
        %dma_wait3A_112 = tpu.memref_squeeze %dma_wait3A_111 : memref<1x128xi32, #tpu.memory_space<vmem>> -> memref<128xi32, #tpu.memory_space<vmem>>
        %dma_wait3A_113 = arith.constant 0 : i32
        %dma_wait3A_114 = arith.constant 0 : i32
        %dma_wait3A_115 = tpu.memref_slice %arg2[%dma_wait3A_113, %dma_wait3A_114] : memref<10240x64xf32, #tpu.memory_space<hbm>> -> memref<10240x64xf32, #tpu.memory_space<hbm>>
        tpu.wait_indirect_dma semaphore(%arg11 : memref<!tpu.dma_semaphore, #tpu.memory_space<semaphore_mem>>) src(%dma_wait3A_115 : memref<10240x64xf32, #tpu.memory_space<hbm>>) dst(%arg7 : memref<128x64xf32, #tpu.memory_space<vmem>>)
        %dma_start3A_116 = arith.constant 2 : i32
        %dma_start3A_117 = arith.constant 0 : i32
        %dma_start3A_118 = tpu.memref_slice %arg6[%dma_start3A_116, %dma_start3A_117] : memref<8x128xi32, #tpu.memory_space<vmem>> -> memref<1x128xi32, #tpu.memory_space<vmem>>
        %dma_start3A_119 = tpu.memref_squeeze %dma_start3A_118 : memref<1x128xi32, #tpu.memory_space<vmem>> -> memref<128xi32, #tpu.memory_space<vmem>>
        %dma_start3A_120 = arith.constant 0 : i32
        %dma_start3A_121 = arith.constant 0 : i32
        %dma_start3A_122 = tpu.memref_slice %arg9[%dma_start3A_120, %dma_start3A_121] : memref<10240x64xf32, #tpu.memory_space<vmem_shared>> -> memref<10240x64xf32, #tpu.memory_space<vmem_shared>>
        tpu.enqueue_indirect_dma source(%arg7 : memref<128x64xf32, #tpu.memory_space<vmem>>) target(%dma_start3A_122 : memref<10240x64xf32, #tpu.memory_space<vmem_shared>>) offsets(%dma_start3A_119 : memref<128xi32, #tpu.memory_space<vmem>>) semaphore(%arg13 : memref<!tpu.dma_semaphore, #tpu.memory_space<semaphore_mem>>) {add = true}
        %dma_wait3A_123 = arith.constant 2 : i32
        %dma_wait3A_124 = arith.constant 0 : i32
        %dma_wait3A_125 = tpu.memref_slice %arg6[%dma_wait3A_123, %dma_wait3A_124] : memref<8x128xi32, #tpu.memory_space<vmem>> -> memref<1x128xi32, #tpu.memory_space<vmem>>
        %dma_wait3A_126 = tpu.memref_squeeze %dma_wait3A_125 : memref<1x128xi32, #tpu.memory_space<vmem>> -> memref<128xi32, #tpu.memory_space<vmem>>
        %dma_wait3A_127 = arith.constant 0 : i32
        %dma_wait3A_128 = arith.constant 0 : i32
        %dma_wait3A_129 = tpu.memref_slice %arg9[%dma_wait3A_127, %dma_wait3A_128] : memref<10240x64xf32, #tpu.memory_space<vmem_shared>> -> memref<10240x64xf32, #tpu.memory_space<vmem_shared>>
        tpu.wait_indirect_dma semaphore(%arg13 : memref<!tpu.dma_semaphore, #tpu.memory_space<semaphore_mem>>) src(%arg7 : memref<128x64xf32, #tpu.memory_space<vmem>>) dst(%dma_wait3A_129 : memref<10240x64xf32, #tpu.memory_space<vmem_shared>>)
        %dma_start3A_130 = arith.constant 4 : i32
        %dma_start3A_131 = arith.constant 0 : i32
        %dma_start3A_132 = tpu.memref_slice %arg5[%dma_start3A_130, %dma_start3A_131] : memref<8x128xi32, #tpu.memory_space<vmem>> -> memref<1x128xi32, #tpu.memory_space<vmem>>
        %dma_start3A_133 = tpu.memref_squeeze %dma_start3A_132 : memref<1x128xi32, #tpu.memory_space<vmem>> -> memref<128xi32, #tpu.memory_space<vmem>>
        %dma_start3A_134 = arith.constant 0 : i32
        %dma_start3A_135 = arith.constant 0 : i32
        %dma_start3A_136 = tpu.memref_slice %arg2[%dma_start3A_134, %dma_start3A_135] : memref<10240x64xf32, #tpu.memory_space<hbm>> -> memref<10240x64xf32, #tpu.memory_space<hbm>>
        tpu.enqueue_indirect_dma source(%dma_start3A_136 : memref<10240x64xf32, #tpu.memory_space<hbm>>) target(%arg7 : memref<128x64xf32, #tpu.memory_space<vmem>>) offsets(%dma_start3A_133 : memref<128xi32, #tpu.memory_space<vmem>>) semaphore(%arg11 : memref<!tpu.dma_semaphore, #tpu.memory_space<semaphore_mem>>)
        %dma_wait3A_137 = arith.constant 3 : i32
        %dma_wait3A_138 = arith.constant 0 : i32
        %dma_wait3A_139 = tpu.memref_slice %arg5[%dma_wait3A_137, %dma_wait3A_138] : memref<8x128xi32, #tpu.memory_space<vmem>> -> memref<1x128xi32, #tpu.memory_space<vmem>>
        %dma_wait3A_140 = tpu.memref_squeeze %dma_wait3A_139 : memref<1x128xi32, #tpu.memory_space<vmem>> -> memref<128xi32, #tpu.memory_space<vmem>>
        %dma_wait3A_141 = arith.constant 0 : i32
        %dma_wait3A_142 = arith.constant 0 : i32
        %dma_wait3A_143 = tpu.memref_slice %arg2[%dma_wait3A_141, %dma_wait3A_142] : memref<10240x64xf32, #tpu.memory_space<hbm>> -> memref<10240x64xf32, #tpu.memory_space<hbm>>
        tpu.wait_indirect_dma semaphore(%arg12 : memref<!tpu.dma_semaphore, #tpu.memory_space<semaphore_mem>>) src(%dma_wait3A_143 : memref<10240x64xf32, #tpu.memory_space<hbm>>) dst(%arg8 : memref<128x64xf32, #tpu.memory_space<vmem>>)
        %dma_start3A_144 = arith.constant 3 : i32
        %dma_start3A_145 = arith.constant 0 : i32
        %dma_start3A_146 = tpu.memref_slice %arg6[%dma_start3A_144, %dma_start3A_145] : memref<8x128xi32, #tpu.memory_space<vmem>> -> memref<1x128xi32, #tpu.memory_space<vmem>>
        %dma_start3A_147 = tpu.memref_squeeze %dma_start3A_146 : memref<1x128xi32, #tpu.memory_space<vmem>> -> memref<128xi32, #tpu.memory_space<vmem>>
        %dma_start3A_148 = arith.constant 0 : i32
        %dma_start3A_149 = arith.constant 0 : i32
        %dma_start3A_150 = tpu.memref_slice %arg9[%dma_start3A_148, %dma_start3A_149] : memref<10240x64xf32, #tpu.memory_space<vmem_shared>> -> memref<10240x64xf32, #tpu.memory_space<vmem_shared>>
        tpu.enqueue_indirect_dma source(%arg8 : memref<128x64xf32, #tpu.memory_space<vmem>>) target(%dma_start3A_150 : memref<10240x64xf32, #tpu.memory_space<vmem_shared>>) offsets(%dma_start3A_147 : memref<128xi32, #tpu.memory_space<vmem>>) semaphore(%arg14 : memref<!tpu.dma_semaphore, #tpu.memory_space<semaphore_mem>>) {add = true}
        %dma_wait3A_151 = arith.constant 3 : i32
        %dma_wait3A_152 = arith.constant 0 : i32
        %dma_wait3A_153 = tpu.memref_slice %arg6[%dma_wait3A_151, %dma_wait3A_152] : memref<8x128xi32, #tpu.memory_space<vmem>> -> memref<1x128xi32, #tpu.memory_space<vmem>>
        %dma_wait3A_154 = tpu.memref_squeeze %dma_wait3A_153 : memref<1x128xi32, #tpu.memory_space<vmem>> -> memref<128xi32, #tpu.memory_space<vmem>>
        %dma_wait3A_155 = arith.constant 0 : i32
        %dma_wait3A_156 = arith.constant 0 : i32
        %dma_wait3A_157 = tpu.memref_slice %arg9[%dma_wait3A_155, %dma_wait3A_156] : memref<10240x64xf32, #tpu.memory_space<vmem_shared>> -> memref<10240x64xf32, #tpu.memory_space<vmem_shared>>
        tpu.wait_indirect_dma semaphore(%arg14 : memref<!tpu.dma_semaphore, #tpu.memory_space<semaphore_mem>>) src(%arg8 : memref<128x64xf32, #tpu.memory_space<vmem>>) dst(%dma_wait3A_157 : memref<10240x64xf32, #tpu.memory_space<vmem_shared>>)
        %dma_start3A_158 = arith.constant 5 : i32
        %dma_start3A_159 = arith.constant 0 : i32
        %dma_start3A_160 = tpu.memref_slice %arg5[%dma_start3A_158, %dma_start3A_159] : memref<8x128xi32, #tpu.memory_space<vmem>> -> memref<1x128xi32, #tpu.memory_space<vmem>>
        %dma_start3A_161 = tpu.memref_squeeze %dma_start3A_160 : memref<1x128xi32, #tpu.memory_space<vmem>> -> memref<128xi32, #tpu.memory_space<vmem>>
        %dma_start3A_162 = arith.constant 0 : i32
        %dma_start3A_163 = arith.constant 0 : i32
        %dma_start3A_164 = tpu.memref_slice %arg2[%dma_start3A_162, %dma_start3A_163] : memref<10240x64xf32, #tpu.memory_space<hbm>> -> memref<10240x64xf32, #tpu.memory_space<hbm>>
        tpu.enqueue_indirect_dma source(%dma_start3A_164 : memref<10240x64xf32, #tpu.memory_space<hbm>>) target(%arg8 : memref<128x64xf32, #tpu.memory_space<vmem>>) offsets(%dma_start3A_161 : memref<128xi32, #tpu.memory_space<vmem>>) semaphore(%arg12 : memref<!tpu.dma_semaphore, #tpu.memory_space<semaphore_mem>>)
        %dma_wait3A_165 = arith.constant 4 : i32
        %dma_wait3A_166 = arith.constant 0 : i32
        %dma_wait3A_167 = tpu.memref_slice %arg5[%dma_wait3A_165, %dma_wait3A_166] : memref<8x128xi32, #tpu.memory_space<vmem>> -> memref<1x128xi32, #tpu.memory_space<vmem>>
        %dma_wait3A_168 = tpu.memref_squeeze %dma_wait3A_167 : memref<1x128xi32, #tpu.memory_space<vmem>> -> memref<128xi32, #tpu.memory_space<vmem>>
        %dma_wait3A_169 = arith.constant 0 : i32
        %dma_wait3A_170 = arith.constant 0 : i32
        %dma_wait3A_171 = tpu.memref_slice %arg2[%dma_wait3A_169, %dma_wait3A_170] : memref<10240x64xf32, #tpu.memory_space<hbm>> -> memref<10240x64xf32, #tpu.memory_space<hbm>>
        tpu.wait_indirect_dma semaphore(%arg11 : memref<!tpu.dma_semaphore, #tpu.memory_space<semaphore_mem>>) src(%dma_wait3A_171 : memref<10240x64xf32, #tpu.memory_space<hbm>>) dst(%arg7 : memref<128x64xf32, #tpu.memory_space<vmem>>)
        %dma_start3A_172 = arith.constant 4 : i32
        %dma_start3A_173 = arith.constant 0 : i32
        %dma_start3A_174 = tpu.memref_slice %arg6[%dma_start3A_172, %dma_start3A_173] : memref<8x128xi32, #tpu.memory_space<vmem>> -> memref<1x128xi32, #tpu.memory_space<vmem>>
        %dma_start3A_175 = tpu.memref_squeeze %dma_start3A_174 : memref<1x128xi32, #tpu.memory_space<vmem>> -> memref<128xi32, #tpu.memory_space<vmem>>
        %dma_start3A_176 = arith.constant 0 : i32
        %dma_start3A_177 = arith.constant 0 : i32
        %dma_start3A_178 = tpu.memref_slice %arg9[%dma_start3A_176, %dma_start3A_177] : memref<10240x64xf32, #tpu.memory_space<vmem_shared>> -> memref<10240x64xf32, #tpu.memory_space<vmem_shared>>
        tpu.enqueue_indirect_dma source(%arg7 : memref<128x64xf32, #tpu.memory_space<vmem>>) target(%dma_start3A_178 : memref<10240x64xf32, #tpu.memory_space<vmem_shared>>) offsets(%dma_start3A_175 : memref<128xi32, #tpu.memory_space<vmem>>) semaphore(%arg13 : memref<!tpu.dma_semaphore, #tpu.memory_space<semaphore_mem>>) {add = true}
        %dma_wait3A_179 = arith.constant 4 : i32
        %dma_wait3A_180 = arith.constant 0 : i32
        %dma_wait3A_181 = tpu.memref_slice %arg6[%dma_wait3A_179, %dma_wait3A_180] : memref<8x128xi32, #tpu.memory_space<vmem>> -> memref<1x128xi32, #tpu.memory_space<vmem>>
        %dma_wait3A_182 = tpu.memref_squeeze %dma_wait3A_181 : memref<1x128xi32, #tpu.memory_space<vmem>> -> memref<128xi32, #tpu.memory_space<vmem>>
        %dma_wait3A_183 = arith.constant 0 : i32
        %dma_wait3A_184 = arith.constant 0 : i32
        %dma_wait3A_185 = tpu.memref_slice %arg9[%dma_wait3A_183, %dma_wait3A_184] : memref<10240x64xf32, #tpu.memory_space<vmem_shared>> -> memref<10240x64xf32, #tpu.memory_space<vmem_shared>>
        tpu.wait_indirect_dma semaphore(%arg13 : memref<!tpu.dma_semaphore, #tpu.memory_space<semaphore_mem>>) src(%arg7 : memref<128x64xf32, #tpu.memory_space<vmem>>) dst(%dma_wait3A_185 : memref<10240x64xf32, #tpu.memory_space<vmem_shared>>)
        %dma_start3A_186 = arith.constant 6 : i32
        %dma_start3A_187 = arith.constant 0 : i32
        %dma_start3A_188 = tpu.memref_slice %arg5[%dma_start3A_186, %dma_start3A_187] : memref<8x128xi32, #tpu.memory_space<vmem>> -> memref<1x128xi32, #tpu.memory_space<vmem>>
        %dma_start3A_189 = tpu.memref_squeeze %dma_start3A_188 : memref<1x128xi32, #tpu.memory_space<vmem>> -> memref<128xi32, #tpu.memory_space<vmem>>
        %dma_start3A_190 = arith.constant 0 : i32
        %dma_start3A_191 = arith.constant 0 : i32
        %dma_start3A_192 = tpu.memref_slice %arg2[%dma_start3A_190, %dma_start3A_191] : memref<10240x64xf32, #tpu.memory_space<hbm>> -> memref<10240x64xf32, #tpu.memory_space<hbm>>
        tpu.enqueue_indirect_dma source(%dma_start3A_192 : memref<10240x64xf32, #tpu.memory_space<hbm>>) target(%arg7 : memref<128x64xf32, #tpu.memory_space<vmem>>) offsets(%dma_start3A_189 : memref<128xi32, #tpu.memory_space<vmem>>) semaphore(%arg11 : memref<!tpu.dma_semaphore, #tpu.memory_space<semaphore_mem>>)
        %dma_wait3A_193 = arith.constant 5 : i32
        %dma_wait3A_194 = arith.constant 0 : i32
        %dma_wait3A_195 = tpu.memref_slice %arg5[%dma_wait3A_193, %dma_wait3A_194] : memref<8x128xi32, #tpu.memory_space<vmem>> -> memref<1x128xi32, #tpu.memory_space<vmem>>
        %dma_wait3A_196 = tpu.memref_squeeze %dma_wait3A_195 : memref<1x128xi32, #tpu.memory_space<vmem>> -> memref<128xi32, #tpu.memory_space<vmem>>
        %dma_wait3A_197 = arith.constant 0 : i32
        %dma_wait3A_198 = arith.constant 0 : i32
        %dma_wait3A_199 = tpu.memref_slice %arg2[%dma_wait3A_197, %dma_wait3A_198] : memref<10240x64xf32, #tpu.memory_space<hbm>> -> memref<10240x64xf32, #tpu.memory_space<hbm>>
        tpu.wait_indirect_dma semaphore(%arg12 : memref<!tpu.dma_semaphore, #tpu.memory_space<semaphore_mem>>) src(%dma_wait3A_199 : memref<10240x64xf32, #tpu.memory_space<hbm>>) dst(%arg8 : memref<128x64xf32, #tpu.memory_space<vmem>>)
        %dma_start3A_200 = arith.constant 5 : i32
        %dma_start3A_201 = arith.constant 0 : i32
        %dma_start3A_202 = tpu.memref_slice %arg6[%dma_start3A_200, %dma_start3A_201] : memref<8x128xi32, #tpu.memory_space<vmem>> -> memref<1x128xi32, #tpu.memory_space<vmem>>
        %dma_start3A_203 = tpu.memref_squeeze %dma_start3A_202 : memref<1x128xi32, #tpu.memory_space<vmem>> -> memref<128xi32, #tpu.memory_space<vmem>>
        %dma_start3A_204 = arith.constant 0 : i32
        %dma_start3A_205 = arith.constant 0 : i32
        %dma_start3A_206 = tpu.memref_slice %arg9[%dma_start3A_204, %dma_start3A_205] : memref<10240x64xf32, #tpu.memory_space<vmem_shared>> -> memref<10240x64xf32, #tpu.memory_space<vmem_shared>>
        tpu.enqueue_indirect_dma source(%arg8 : memref<128x64xf32, #tpu.memory_space<vmem>>) target(%dma_start3A_206 : memref<10240x64xf32, #tpu.memory_space<vmem_shared>>) offsets(%dma_start3A_203 : memref<128xi32, #tpu.memory_space<vmem>>) semaphore(%arg14 : memref<!tpu.dma_semaphore, #tpu.memory_space<semaphore_mem>>) {add = true}
        %dma_wait3A_207 = arith.constant 5 : i32
        %dma_wait3A_208 = arith.constant 0 : i32
        %dma_wait3A_209 = tpu.memref_slice %arg6[%dma_wait3A_207, %dma_wait3A_208] : memref<8x128xi32, #tpu.memory_space<vmem>> -> memref<1x128xi32, #tpu.memory_space<vmem>>
        %dma_wait3A_210 = tpu.memref_squeeze %dma_wait3A_209 : memref<1x128xi32, #tpu.memory_space<vmem>> -> memref<128xi32, #tpu.memory_space<vmem>>
        %dma_wait3A_211 = arith.constant 0 : i32
        %dma_wait3A_212 = arith.constant 0 : i32
        %dma_wait3A_213 = tpu.memref_slice %arg9[%dma_wait3A_211, %dma_wait3A_212] : memref<10240x64xf32, #tpu.memory_space<vmem_shared>> -> memref<10240x64xf32, #tpu.memory_space<vmem_shared>>
        tpu.wait_indirect_dma semaphore(%arg14 : memref<!tpu.dma_semaphore, #tpu.memory_space<semaphore_mem>>) src(%arg8 : memref<128x64xf32, #tpu.memory_space<vmem>>) dst(%dma_wait3A_213 : memref<10240x64xf32, #tpu.memory_space<vmem_shared>>)
        %dma_start3A_214 = arith.constant 7 : i32
        %dma_start3A_215 = arith.constant 0 : i32
        %dma_start3A_216 = tpu.memref_slice %arg5[%dma_start3A_214, %dma_start3A_215] : memref<8x128xi32, #tpu.memory_space<vmem>> -> memref<1x128xi32, #tpu.memory_space<vmem>>
        %dma_start3A_217 = tpu.memref_squeeze %dma_start3A_216 : memref<1x128xi32, #tpu.memory_space<vmem>> -> memref<128xi32, #tpu.memory_space<vmem>>
        %dma_start3A_218 = arith.constant 0 : i32
        %dma_start3A_219 = arith.constant 0 : i32
        %dma_start3A_220 = tpu.memref_slice %arg2[%dma_start3A_218, %dma_start3A_219] : memref<10240x64xf32, #tpu.memory_space<hbm>> -> memref<10240x64xf32, #tpu.memory_space<hbm>>
        tpu.enqueue_indirect_dma source(%dma_start3A_220 : memref<10240x64xf32, #tpu.memory_space<hbm>>) target(%arg8 : memref<128x64xf32, #tpu.memory_space<vmem>>) offsets(%dma_start3A_217 : memref<128xi32, #tpu.memory_space<vmem>>) semaphore(%arg12 : memref<!tpu.dma_semaphore, #tpu.memory_space<semaphore_mem>>)
        %dma_wait3A_221 = arith.constant 6 : i32
        %dma_wait3A_222 = arith.constant 0 : i32
        %dma_wait3A_223 = tpu.memref_slice %arg5[%dma_wait3A_221, %dma_wait3A_222] : memref<8x128xi32, #tpu.memory_space<vmem>> -> memref<1x128xi32, #tpu.memory_space<vmem>>
        %dma_wait3A_224 = tpu.memref_squeeze %dma_wait3A_223 : memref<1x128xi32, #tpu.memory_space<vmem>> -> memref<128xi32, #tpu.memory_space<vmem>>
        %dma_wait3A_225 = arith.constant 0 : i32
        %dma_wait3A_226 = arith.constant 0 : i32
        %dma_wait3A_227 = tpu.memref_slice %arg2[%dma_wait3A_225, %dma_wait3A_226] : memref<10240x64xf32, #tpu.memory_space<hbm>> -> memref<10240x64xf32, #tpu.memory_space<hbm>>
        tpu.wait_indirect_dma semaphore(%arg11 : memref<!tpu.dma_semaphore, #tpu.memory_space<semaphore_mem>>) src(%dma_wait3A_227 : memref<10240x64xf32, #tpu.memory_space<hbm>>) dst(%arg7 : memref<128x64xf32, #tpu.memory_space<vmem>>)
        %dma_start3A_228 = arith.constant 6 : i32
        %dma_start3A_229 = arith.constant 0 : i32
        %dma_start3A_230 = tpu.memref_slice %arg6[%dma_start3A_228, %dma_start3A_229] : memref<8x128xi32, #tpu.memory_space<vmem>> -> memref<1x128xi32, #tpu.memory_space<vmem>>
        %dma_start3A_231 = tpu.memref_squeeze %dma_start3A_230 : memref<1x128xi32, #tpu.memory_space<vmem>> -> memref<128xi32, #tpu.memory_space<vmem>>
        %dma_start3A_232 = arith.constant 0 : i32
        %dma_start3A_233 = arith.constant 0 : i32
        %dma_start3A_234 = tpu.memref_slice %arg9[%dma_start3A_232, %dma_start3A_233] : memref<10240x64xf32, #tpu.memory_space<vmem_shared>> -> memref<10240x64xf32, #tpu.memory_space<vmem_shared>>
        tpu.enqueue_indirect_dma source(%arg7 : memref<128x64xf32, #tpu.memory_space<vmem>>) target(%dma_start3A_234 : memref<10240x64xf32, #tpu.memory_space<vmem_shared>>) offsets(%dma_start3A_231 : memref<128xi32, #tpu.memory_space<vmem>>) semaphore(%arg13 : memref<!tpu.dma_semaphore, #tpu.memory_space<semaphore_mem>>) {add = true}
        %dma_wait3A_235 = arith.constant 7 : i32
        %dma_wait3A_236 = arith.constant 0 : i32
        %dma_wait3A_237 = tpu.memref_slice %arg5[%dma_wait3A_235, %dma_wait3A_236] : memref<8x128xi32, #tpu.memory_space<vmem>> -> memref<1x128xi32, #tpu.memory_space<vmem>>
        %dma_wait3A_238 = tpu.memref_squeeze %dma_wait3A_237 : memref<1x128xi32, #tpu.memory_space<vmem>> -> memref<128xi32, #tpu.memory_space<vmem>>
        %dma_wait3A_239 = arith.constant 0 : i32
        %dma_wait3A_240 = arith.constant 0 : i32
        %dma_wait3A_241 = tpu.memref_slice %arg2[%dma_wait3A_239, %dma_wait3A_240] : memref<10240x64xf32, #tpu.memory_space<hbm>> -> memref<10240x64xf32, #tpu.memory_space<hbm>>
        tpu.wait_indirect_dma semaphore(%arg12 : memref<!tpu.dma_semaphore, #tpu.memory_space<semaphore_mem>>) src(%dma_wait3A_241 : memref<10240x64xf32, #tpu.memory_space<hbm>>) dst(%arg8 : memref<128x64xf32, #tpu.memory_space<vmem>>)
        %dma_start3A_242 = arith.constant 7 : i32
        %dma_start3A_243 = arith.constant 0 : i32
        %dma_start3A_244 = tpu.memref_slice %arg6[%dma_start3A_242, %dma_start3A_243] : memref<8x128xi32, #tpu.memory_space<vmem>> -> memref<1x128xi32, #tpu.memory_space<vmem>>
        %dma_start3A_245 = tpu.memref_squeeze %dma_start3A_244 : memref<1x128xi32, #tpu.memory_space<vmem>> -> memref<128xi32, #tpu.memory_space<vmem>>
        %dma_start3A_246 = arith.constant 0 : i32
        %dma_start3A_247 = arith.constant 0 : i32
        %dma_start3A_248 = tpu.memref_slice %arg9[%dma_start3A_246, %dma_start3A_247] : memref<10240x64xf32, #tpu.memory_space<vmem_shared>> -> memref<10240x64xf32, #tpu.memory_space<vmem_shared>>
        tpu.enqueue_indirect_dma source(%arg8 : memref<128x64xf32, #tpu.memory_space<vmem>>) target(%dma_start3A_248 : memref<10240x64xf32, #tpu.memory_space<vmem_shared>>) offsets(%dma_start3A_245 : memref<128xi32, #tpu.memory_space<vmem>>) semaphore(%arg14 : memref<!tpu.dma_semaphore, #tpu.memory_space<semaphore_mem>>) {add = true}
        %dma_wait3A_249 = arith.constant 6 : i32
        %dma_wait3A_250 = arith.constant 0 : i32
        %dma_wait3A_251 = tpu.memref_slice %arg6[%dma_wait3A_249, %dma_wait3A_250] : memref<8x128xi32, #tpu.memory_space<vmem>> -> memref<1x128xi32, #tpu.memory_space<vmem>>
        %dma_wait3A_252 = tpu.memref_squeeze %dma_wait3A_251 : memref<1x128xi32, #tpu.memory_space<vmem>> -> memref<128xi32, #tpu.memory_space<vmem>>
        %dma_wait3A_253 = arith.constant 0 : i32
        %dma_wait3A_254 = arith.constant 0 : i32
        %dma_wait3A_255 = tpu.memref_slice %arg9[%dma_wait3A_253, %dma_wait3A_254] : memref<10240x64xf32, #tpu.memory_space<vmem_shared>> -> memref<10240x64xf32, #tpu.memory_space<vmem_shared>>
        tpu.wait_indirect_dma semaphore(%arg13 : memref<!tpu.dma_semaphore, #tpu.memory_space<semaphore_mem>>) src(%arg7 : memref<128x64xf32, #tpu.memory_space<vmem>>) dst(%dma_wait3A_255 : memref<10240x64xf32, #tpu.memory_space<vmem_shared>>)
        %dma_wait3A_256 = arith.constant 7 : i32
        %dma_wait3A_257 = arith.constant 0 : i32
        %dma_wait3A_258 = tpu.memref_slice %arg6[%dma_wait3A_256, %dma_wait3A_257] : memref<8x128xi32, #tpu.memory_space<vmem>> -> memref<1x128xi32, #tpu.memory_space<vmem>>
        %dma_wait3A_259 = tpu.memref_squeeze %dma_wait3A_258 : memref<1x128xi32, #tpu.memory_space<vmem>> -> memref<128xi32, #tpu.memory_space<vmem>>
        %dma_wait3A_260 = arith.constant 0 : i32
        %dma_wait3A_261 = arith.constant 0 : i32
        %dma_wait3A_262 = tpu.memref_slice %arg9[%dma_wait3A_260, %dma_wait3A_261] : memref<10240x64xf32, #tpu.memory_space<vmem_shared>> -> memref<10240x64xf32, #tpu.memory_space<vmem_shared>>
        tpu.wait_indirect_dma semaphore(%arg14 : memref<!tpu.dma_semaphore, #tpu.memory_space<semaphore_mem>>) src(%arg8 : memref<128x64xf32, #tpu.memory_space<vmem>>) dst(%dma_wait3A_262 : memref<10240x64xf32, #tpu.memory_space<vmem_shared>>)
      }
      %scan3A_32 = arith.constant 11 : i32
    } else {
    }
    %eq3A_16 = arith.constant 1 : i32
    %eq3A_17 = arith.cmpi eq, %arg0, %eq3A_16 : i32
    %convert_element_type3A_18 = arith.extui %eq3A_17 : i1 to i32
    %cond3A_19 = arith.constant 0 : i32
    %cond3A_20 = arith.cmpi ne, %convert_element_type3A_18, %cond3A_19 : i32
    scf.if %cond3A_20 {
      %mul3A = arith.constant 72 : i32
      %mul3A_27 = arith.muli %arg1, %mul3A : i32
      %add3A = arith.constant 1408 : i32
      %add3A_28 = arith.addi %add3A, %mul3A_27 : i32
      %scan3A_29 = arith.constant 0 : i32
      %scan3A_30 = arith.constant 9 : i32
      %scan3A_31 = arith.addi %scan3A_29, %scan3A_30 : i32
      %scan3A_32 = arith.constant 1 : i32
      scf.for %scan3A_34 = %scan3A_29 to %scan3A_31 step %scan3A_32  : i32 {
        %mul3A_35 = arith.constant 1 : i32
        %mul3A_36 = arith.muli %scan3A_34, %mul3A_35 : i32
        %add3A_37 = arith.constant 0 : i32
        %add3A_38 = arith.addi %add3A_37, %mul3A_36 : i32
        %mul3A_39 = arith.constant 8 : i32
        %mul3A_40 = arith.muli %add3A_38, %mul3A_39 : i32
        %add3A_41 = arith.addi %add3A_28, %mul3A_40 : i32
        %run_scoped3A = arith.constant 0 : i32
        "tpu.region"() ({
          %run_scoped3A_265 = tpu.sem_alloc : memref<!tpu.dma_semaphore, #tpu.memory_space<semaphore_mem>>
          %dma_start3A_266 = arith.constant 0 : i32
          %dma_start3A_267 = arith.constant 0 : i32
          %dma_start3A_268 = tpu.memref_slice %arg3[%run_scoped3A, %dma_start3A_266, %dma_start3A_267] : memref<2x2560x128xi32, #tpu.memory_space<hbm>> -> memref<1x2560x128xi32, #tpu.memory_space<hbm>>
          %dma_start3A_269 = tpu.memref_squeeze %dma_start3A_268 : memref<1x2560x128xi32, #tpu.memory_space<hbm>> -> memref<2560x128xi32, #tpu.memory_space<hbm>>
          %dma_start3A_270 = arith.constant 0 : i32
          %dma_start3A_271 = tpu.memref_slice %dma_start3A_269[%add3A_41, %dma_start3A_270] : memref<2560x128xi32, #tpu.memory_space<hbm>> -> memref<8x128xi32, #tpu.memory_space<hbm>>
          %dma_start3A_272 = arith.constant 0 : i32
          %dma_start3A_273 = arith.constant 0 : i32
          %dma_start3A_274 = tpu.memref_slice %arg3[%run_scoped3A, %dma_start3A_272, %dma_start3A_273] : memref<2x2560x128xi32, #tpu.memory_space<hbm>> -> memref<1x2560x128xi32, #tpu.memory_space<hbm>>
          %dma_start3A_275 = tpu.memref_squeeze %dma_start3A_274 : memref<1x2560x128xi32, #tpu.memory_space<hbm>> -> memref<2560x128xi32, #tpu.memory_space<hbm>>
          %dma_start3A_276 = arith.constant 0 : i32
          %dma_start3A_277 = tpu.memref_slice %dma_start3A_275[%add3A_41, %dma_start3A_276] : memref<2560x128xi32, #tpu.memory_space<hbm>> -> memref<8x128xi32, #tpu.memory_space<hbm>>
          tpu.enqueue_dma source(%dma_start3A_277 : memref<8x128xi32, #tpu.memory_space<hbm>>) target(%arg5 : memref<8x128xi32, #tpu.memory_space<vmem>>) target_semaphore(%run_scoped3A_265 : memref<!tpu.dma_semaphore, #tpu.memory_space<semaphore_mem>>)
          %dma_wait3A_278 = arith.constant 0 : i32
          %dma_wait3A_279 = arith.constant 0 : i32
          %dma_wait3A_280 = tpu.memref_slice %arg3[%run_scoped3A, %dma_wait3A_278, %dma_wait3A_279] : memref<2x2560x128xi32, #tpu.memory_space<hbm>> -> memref<1x2560x128xi32, #tpu.memory_space<hbm>>
          %dma_wait3A_281 = tpu.memref_squeeze %dma_wait3A_280 : memref<1x2560x128xi32, #tpu.memory_space<hbm>> -> memref<2560x128xi32, #tpu.memory_space<hbm>>
          %dma_wait3A_282 = arith.constant 0 : i32
          %dma_wait3A_283 = tpu.memref_slice %dma_wait3A_281[%add3A_41, %dma_wait3A_282] : memref<2560x128xi32, #tpu.memory_space<hbm>> -> memref<8x128xi32, #tpu.memory_space<hbm>>
          %dma_wait3A_284 = arith.constant 0 : i32
          %dma_wait3A_285 = arith.constant 0 : i32
          %dma_wait3A_286 = tpu.memref_slice %arg3[%run_scoped3A, %dma_wait3A_284, %dma_wait3A_285] : memref<2x2560x128xi32, #tpu.memory_space<hbm>> -> memref<1x2560x128xi32, #tpu.memory_space<hbm>>
          %dma_wait3A_287 = tpu.memref_squeeze %dma_wait3A_286 : memref<1x2560x128xi32, #tpu.memory_space<hbm>> -> memref<2560x128xi32, #tpu.memory_space<hbm>>
          %dma_wait3A_288 = arith.constant 0 : i32
          %dma_wait3A_289 = tpu.memref_slice %dma_wait3A_287[%add3A_41, %dma_wait3A_288] : memref<2560x128xi32, #tpu.memory_space<hbm>> -> memref<8x128xi32, #tpu.memory_space<hbm>>
          tpu.wait_dma2 semaphore(%run_scoped3A_265 : memref<!tpu.dma_semaphore, #tpu.memory_space<semaphore_mem>>) src(%dma_wait3A_289 : memref<8x128xi32, #tpu.memory_space<hbm>>) dst(%arg5 : memref<8x128xi32, #tpu.memory_space<vmem>>)
          tpu.yield
        }) : () -> ()
        %run_scoped3A_42 = arith.constant 1 : i32
        "tpu.region"() ({
          %run_scoped3A_265 = tpu.sem_alloc : memref<!tpu.dma_semaphore, #tpu.memory_space<semaphore_mem>>
          %dma_start3A_266 = arith.constant 0 : i32
          %dma_start3A_267 = arith.constant 0 : i32
          %dma_start3A_268 = tpu.memref_slice %arg3[%run_scoped3A_42, %dma_start3A_266, %dma_start3A_267] : memref<2x2560x128xi32, #tpu.memory_space<hbm>> -> memref<1x2560x128xi32, #tpu.memory_space<hbm>>
          %dma_start3A_269 = tpu.memref_squeeze %dma_start3A_268 : memref<1x2560x128xi32, #tpu.memory_space<hbm>> -> memref<2560x128xi32, #tpu.memory_space<hbm>>
          %dma_start3A_270 = arith.constant 0 : i32
          %dma_start3A_271 = tpu.memref_slice %dma_start3A_269[%add3A_41, %dma_start3A_270] : memref<2560x128xi32, #tpu.memory_space<hbm>> -> memref<8x128xi32, #tpu.memory_space<hbm>>
          %dma_start3A_272 = arith.constant 0 : i32
          %dma_start3A_273 = arith.constant 0 : i32
          %dma_start3A_274 = tpu.memref_slice %arg3[%run_scoped3A_42, %dma_start3A_272, %dma_start3A_273] : memref<2x2560x128xi32, #tpu.memory_space<hbm>> -> memref<1x2560x128xi32, #tpu.memory_space<hbm>>
          %dma_start3A_275 = tpu.memref_squeeze %dma_start3A_274 : memref<1x2560x128xi32, #tpu.memory_space<hbm>> -> memref<2560x128xi32, #tpu.memory_space<hbm>>
          %dma_start3A_276 = arith.constant 0 : i32
          %dma_start3A_277 = tpu.memref_slice %dma_start3A_275[%add3A_41, %dma_start3A_276] : memref<2560x128xi32, #tpu.memory_space<hbm>> -> memref<8x128xi32, #tpu.memory_space<hbm>>
          tpu.enqueue_dma source(%dma_start3A_277 : memref<8x128xi32, #tpu.memory_space<hbm>>) target(%arg6 : memref<8x128xi32, #tpu.memory_space<vmem>>) target_semaphore(%run_scoped3A_265 : memref<!tpu.dma_semaphore, #tpu.memory_space<semaphore_mem>>)
          %dma_wait3A_278 = arith.constant 0 : i32
          %dma_wait3A_279 = arith.constant 0 : i32
          %dma_wait3A_280 = tpu.memref_slice %arg3[%run_scoped3A_42, %dma_wait3A_278, %dma_wait3A_279] : memref<2x2560x128xi32, #tpu.memory_space<hbm>> -> memref<1x2560x128xi32, #tpu.memory_space<hbm>>
          %dma_wait3A_281 = tpu.memref_squeeze %dma_wait3A_280 : memref<1x2560x128xi32, #tpu.memory_space<hbm>> -> memref<2560x128xi32, #tpu.memory_space<hbm>>
          %dma_wait3A_282 = arith.constant 0 : i32
          %dma_wait3A_283 = tpu.memref_slice %dma_wait3A_281[%add3A_41, %dma_wait3A_282] : memref<2560x128xi32, #tpu.memory_space<hbm>> -> memref<8x128xi32, #tpu.memory_space<hbm>>
          %dma_wait3A_284 = arith.constant 0 : i32
          %dma_wait3A_285 = arith.constant 0 : i32
          %dma_wait3A_286 = tpu.memref_slice %arg3[%run_scoped3A_42, %dma_wait3A_284, %dma_wait3A_285] : memref<2x2560x128xi32, #tpu.memory_space<hbm>> -> memref<1x2560x128xi32, #tpu.memory_space<hbm>>
          %dma_wait3A_287 = tpu.memref_squeeze %dma_wait3A_286 : memref<1x2560x128xi32, #tpu.memory_space<hbm>> -> memref<2560x128xi32, #tpu.memory_space<hbm>>
          %dma_wait3A_288 = arith.constant 0 : i32
          %dma_wait3A_289 = tpu.memref_slice %dma_wait3A_287[%add3A_41, %dma_wait3A_288] : memref<2560x128xi32, #tpu.memory_space<hbm>> -> memref<8x128xi32, #tpu.memory_space<hbm>>
          tpu.wait_dma2 semaphore(%run_scoped3A_265 : memref<!tpu.dma_semaphore, #tpu.memory_space<semaphore_mem>>) src(%dma_wait3A_289 : memref<8x128xi32, #tpu.memory_space<hbm>>) dst(%arg6 : memref<8x128xi32, #tpu.memory_space<vmem>>)
          tpu.yield
        }) : () -> ()
        %dma_start3A = arith.constant 0 : i32
        %dma_start3A_43 = arith.constant 0 : i32
        %dma_start3A_44 = tpu.memref_slice %arg5[%dma_start3A, %dma_start3A_43] : memref<8x128xi32, #tpu.memory_space<vmem>> -> memref<1x128xi32, #tpu.memory_space<vmem>>
        %dma_start3A_45 = tpu.memref_squeeze %dma_start3A_44 : memref<1x128xi32, #tpu.memory_space<vmem>> -> memref<128xi32, #tpu.memory_space<vmem>>
        %dma_start3A_46 = arith.constant 0 : i32
        %dma_start3A_47 = arith.constant 0 : i32
        %dma_start3A_48 = tpu.memref_slice %arg10[%dma_start3A_46, %dma_start3A_47] : memref<10240x64xf32, #tpu.memory_space<vmem_shared>> -> memref<10240x64xf32, #tpu.memory_space<vmem_shared>>
        tpu.enqueue_indirect_dma source(%dma_start3A_48 : memref<10240x64xf32, #tpu.memory_space<vmem_shared>>) target(%arg7 : memref<128x64xf32, #tpu.memory_space<vmem>>) offsets(%dma_start3A_45 : memref<128xi32, #tpu.memory_space<vmem>>) semaphore(%arg11 : memref<!tpu.dma_semaphore, #tpu.memory_space<semaphore_mem>>)
        %dma_start3A_49 = arith.constant 1 : i32
        %dma_start3A_50 = arith.constant 0 : i32
        %dma_start3A_51 = tpu.memref_slice %arg5[%dma_start3A_49, %dma_start3A_50] : memref<8x128xi32, #tpu.memory_space<vmem>> -> memref<1x128xi32, #tpu.memory_space<vmem>>
        %dma_start3A_52 = tpu.memref_squeeze %dma_start3A_51 : memref<1x128xi32, #tpu.memory_space<vmem>> -> memref<128xi32, #tpu.memory_space<vmem>>
        %dma_start3A_53 = arith.constant 0 : i32
        %dma_start3A_54 = arith.constant 0 : i32
        %dma_start3A_55 = tpu.memref_slice %arg10[%dma_start3A_53, %dma_start3A_54] : memref<10240x64xf32, #tpu.memory_space<vmem_shared>> -> memref<10240x64xf32, #tpu.memory_space<vmem_shared>>
        tpu.enqueue_indirect_dma source(%dma_start3A_55 : memref<10240x64xf32, #tpu.memory_space<vmem_shared>>) target(%arg8 : memref<128x64xf32, #tpu.memory_space<vmem>>) offsets(%dma_start3A_52 : memref<128xi32, #tpu.memory_space<vmem>>) semaphore(%arg12 : memref<!tpu.dma_semaphore, #tpu.memory_space<semaphore_mem>>)
        %dma_wait3A = arith.constant 0 : i32
        %dma_wait3A_56 = arith.constant 0 : i32
        %dma_wait3A_57 = tpu.memref_slice %arg5[%dma_wait3A, %dma_wait3A_56] : memref<8x128xi32, #tpu.memory_space<vmem>> -> memref<1x128xi32, #tpu.memory_space<vmem>>
        %dma_wait3A_58 = tpu.memref_squeeze %dma_wait3A_57 : memref<1x128xi32, #tpu.memory_space<vmem>> -> memref<128xi32, #tpu.memory_space<vmem>>
        %dma_wait3A_59 = arith.constant 0 : i32
        %dma_wait3A_60 = arith.constant 0 : i32
        %dma_wait3A_61 = tpu.memref_slice %arg10[%dma_wait3A_59, %dma_wait3A_60] : memref<10240x64xf32, #tpu.memory_space<vmem_shared>> -> memref<10240x64xf32, #tpu.memory_space<vmem_shared>>
        tpu.wait_indirect_dma semaphore(%arg11 : memref<!tpu.dma_semaphore, #tpu.memory_space<semaphore_mem>>) src(%dma_wait3A_61 : memref<10240x64xf32, #tpu.memory_space<vmem_shared>>) dst(%arg7 : memref<128x64xf32, #tpu.memory_space<vmem>>)
        %dma_start3A_62 = arith.constant 0 : i32
        %dma_start3A_63 = arith.constant 0 : i32
        %dma_start3A_64 = tpu.memref_slice %arg6[%dma_start3A_62, %dma_start3A_63] : memref<8x128xi32, #tpu.memory_space<vmem>> -> memref<1x128xi32, #tpu.memory_space<vmem>>
        %dma_start3A_65 = tpu.memref_squeeze %dma_start3A_64 : memref<1x128xi32, #tpu.memory_space<vmem>> -> memref<128xi32, #tpu.memory_space<vmem>>
        %dma_start3A_66 = arith.constant 0 : i32
        %dma_start3A_67 = arith.constant 0 : i32
        %dma_start3A_68 = tpu.memref_slice %arg9[%dma_start3A_66, %dma_start3A_67] : memref<10240x64xf32, #tpu.memory_space<vmem_shared>> -> memref<10240x64xf32, #tpu.memory_space<vmem_shared>>
        tpu.enqueue_indirect_dma source(%arg7 : memref<128x64xf32, #tpu.memory_space<vmem>>) target(%dma_start3A_68 : memref<10240x64xf32, #tpu.memory_space<vmem_shared>>) offsets(%dma_start3A_65 : memref<128xi32, #tpu.memory_space<vmem>>) semaphore(%arg13 : memref<!tpu.dma_semaphore, #tpu.memory_space<semaphore_mem>>) {add = true}
        %dma_wait3A_69 = arith.constant 0 : i32
        %dma_wait3A_70 = arith.constant 0 : i32
        %dma_wait3A_71 = tpu.memref_slice %arg6[%dma_wait3A_69, %dma_wait3A_70] : memref<8x128xi32, #tpu.memory_space<vmem>> -> memref<1x128xi32, #tpu.memory_space<vmem>>
        %dma_wait3A_72 = tpu.memref_squeeze %dma_wait3A_71 : memref<1x128xi32, #tpu.memory_space<vmem>> -> memref<128xi32, #tpu.memory_space<vmem>>
        %dma_wait3A_73 = arith.constant 0 : i32
        %dma_wait3A_74 = arith.constant 0 : i32
        %dma_wait3A_75 = tpu.memref_slice %arg9[%dma_wait3A_73, %dma_wait3A_74] : memref<10240x64xf32, #tpu.memory_space<vmem_shared>> -> memref<10240x64xf32, #tpu.memory_space<vmem_shared>>
        tpu.wait_indirect_dma semaphore(%arg13 : memref<!tpu.dma_semaphore, #tpu.memory_space<semaphore_mem>>) src(%arg7 : memref<128x64xf32, #tpu.memory_space<vmem>>) dst(%dma_wait3A_75 : memref<10240x64xf32, #tpu.memory_space<vmem_shared>>)
        %dma_start3A_76 = arith.constant 2 : i32
        %dma_start3A_77 = arith.constant 0 : i32
        %dma_start3A_78 = tpu.memref_slice %arg5[%dma_start3A_76, %dma_start3A_77] : memref<8x128xi32, #tpu.memory_space<vmem>> -> memref<1x128xi32, #tpu.memory_space<vmem>>
        %dma_start3A_79 = tpu.memref_squeeze %dma_start3A_78 : memref<1x128xi32, #tpu.memory_space<vmem>> -> memref<128xi32, #tpu.memory_space<vmem>>
        %dma_start3A_80 = arith.constant 0 : i32
        %dma_start3A_81 = arith.constant 0 : i32
        %dma_start3A_82 = tpu.memref_slice %arg10[%dma_start3A_80, %dma_start3A_81] : memref<10240x64xf32, #tpu.memory_space<vmem_shared>> -> memref<10240x64xf32, #tpu.memory_space<vmem_shared>>
        tpu.enqueue_indirect_dma source(%dma_start3A_82 : memref<10240x64xf32, #tpu.memory_space<vmem_shared>>) target(%arg7 : memref<128x64xf32, #tpu.memory_space<vmem>>) offsets(%dma_start3A_79 : memref<128xi32, #tpu.memory_space<vmem>>) semaphore(%arg11 : memref<!tpu.dma_semaphore, #tpu.memory_space<semaphore_mem>>)
        %dma_wait3A_83 = arith.constant 1 : i32
        %dma_wait3A_84 = arith.constant 0 : i32
        %dma_wait3A_85 = tpu.memref_slice %arg5[%dma_wait3A_83, %dma_wait3A_84] : memref<8x128xi32, #tpu.memory_space<vmem>> -> memref<1x128xi32, #tpu.memory_space<vmem>>
        %dma_wait3A_86 = tpu.memref_squeeze %dma_wait3A_85 : memref<1x128xi32, #tpu.memory_space<vmem>> -> memref<128xi32, #tpu.memory_space<vmem>>
        %dma_wait3A_87 = arith.constant 0 : i32
        %dma_wait3A_88 = arith.constant 0 : i32
        %dma_wait3A_89 = tpu.memref_slice %arg10[%dma_wait3A_87, %dma_wait3A_88] : memref<10240x64xf32, #tpu.memory_space<vmem_shared>> -> memref<10240x64xf32, #tpu.memory_space<vmem_shared>>
        tpu.wait_indirect_dma semaphore(%arg12 : memref<!tpu.dma_semaphore, #tpu.memory_space<semaphore_mem>>) src(%dma_wait3A_89 : memref<10240x64xf32, #tpu.memory_space<vmem_shared>>) dst(%arg8 : memref<128x64xf32, #tpu.memory_space<vmem>>)
        %dma_start3A_90 = arith.constant 1 : i32
        %dma_start3A_91 = arith.constant 0 : i32
        %dma_start3A_92 = tpu.memref_slice %arg6[%dma_start3A_90, %dma_start3A_91] : memref<8x128xi32, #tpu.memory_space<vmem>> -> memref<1x128xi32, #tpu.memory_space<vmem>>
        %dma_start3A_93 = tpu.memref_squeeze %dma_start3A_92 : memref<1x128xi32, #tpu.memory_space<vmem>> -> memref<128xi32, #tpu.memory_space<vmem>>
        %dma_start3A_94 = arith.constant 0 : i32
        %dma_start3A_95 = arith.constant 0 : i32
        %dma_start3A_96 = tpu.memref_slice %arg9[%dma_start3A_94, %dma_start3A_95] : memref<10240x64xf32, #tpu.memory_space<vmem_shared>> -> memref<10240x64xf32, #tpu.memory_space<vmem_shared>>
        tpu.enqueue_indirect_dma source(%arg8 : memref<128x64xf32, #tpu.memory_space<vmem>>) target(%dma_start3A_96 : memref<10240x64xf32, #tpu.memory_space<vmem_shared>>) offsets(%dma_start3A_93 : memref<128xi32, #tpu.memory_space<vmem>>) semaphore(%arg14 : memref<!tpu.dma_semaphore, #tpu.memory_space<semaphore_mem>>) {add = true}
        %dma_wait3A_97 = arith.constant 1 : i32
        %dma_wait3A_98 = arith.constant 0 : i32
        %dma_wait3A_99 = tpu.memref_slice %arg6[%dma_wait3A_97, %dma_wait3A_98] : memref<8x128xi32, #tpu.memory_space<vmem>> -> memref<1x128xi32, #tpu.memory_space<vmem>>
        %dma_wait3A_100 = tpu.memref_squeeze %dma_wait3A_99 : memref<1x128xi32, #tpu.memory_space<vmem>> -> memref<128xi32, #tpu.memory_space<vmem>>
        %dma_wait3A_101 = arith.constant 0 : i32
        %dma_wait3A_102 = arith.constant 0 : i32
        %dma_wait3A_103 = tpu.memref_slice %arg9[%dma_wait3A_101, %dma_wait3A_102] : memref<10240x64xf32, #tpu.memory_space<vmem_shared>> -> memref<10240x64xf32, #tpu.memory_space<vmem_shared>>
        tpu.wait_indirect_dma semaphore(%arg14 : memref<!tpu.dma_semaphore, #tpu.memory_space<semaphore_mem>>) src(%arg8 : memref<128x64xf32, #tpu.memory_space<vmem>>) dst(%dma_wait3A_103 : memref<10240x64xf32, #tpu.memory_space<vmem_shared>>)
        %dma_start3A_104 = arith.constant 3 : i32
        %dma_start3A_105 = arith.constant 0 : i32
        %dma_start3A_106 = tpu.memref_slice %arg5[%dma_start3A_104, %dma_start3A_105] : memref<8x128xi32, #tpu.memory_space<vmem>> -> memref<1x128xi32, #tpu.memory_space<vmem>>
        %dma_start3A_107 = tpu.memref_squeeze %dma_start3A_106 : memref<1x128xi32, #tpu.memory_space<vmem>> -> memref<128xi32, #tpu.memory_space<vmem>>
        %dma_start3A_108 = arith.constant 0 : i32
        %dma_start3A_109 = arith.constant 0 : i32
        %dma_start3A_110 = tpu.memref_slice %arg10[%dma_start3A_108, %dma_start3A_109] : memref<10240x64xf32, #tpu.memory_space<vmem_shared>> -> memref<10240x64xf32, #tpu.memory_space<vmem_shared>>
        tpu.enqueue_indirect_dma source(%dma_start3A_110 : memref<10240x64xf32, #tpu.memory_space<vmem_shared>>) target(%arg8 : memref<128x64xf32, #tpu.memory_space<vmem>>) offsets(%dma_start3A_107 : memref<128xi32, #tpu.memory_space<vmem>>) semaphore(%arg12 : memref<!tpu.dma_semaphore, #tpu.memory_space<semaphore_mem>>)
        %dma_wait3A_111 = arith.constant 2 : i32
        %dma_wait3A_112 = arith.constant 0 : i32
        %dma_wait3A_113 = tpu.memref_slice %arg5[%dma_wait3A_111, %dma_wait3A_112] : memref<8x128xi32, #tpu.memory_space<vmem>> -> memref<1x128xi32, #tpu.memory_space<vmem>>
        %dma_wait3A_114 = tpu.memref_squeeze %dma_wait3A_113 : memref<1x128xi32, #tpu.memory_space<vmem>> -> memref<128xi32, #tpu.memory_space<vmem>>
        %dma_wait3A_115 = arith.constant 0 : i32
        %dma_wait3A_116 = arith.constant 0 : i32
        %dma_wait3A_117 = tpu.memref_slice %arg10[%dma_wait3A_115, %dma_wait3A_116] : memref<10240x64xf32, #tpu.memory_space<vmem_shared>> -> memref<10240x64xf32, #tpu.memory_space<vmem_shared>>
        tpu.wait_indirect_dma semaphore(%arg11 : memref<!tpu.dma_semaphore, #tpu.memory_space<semaphore_mem>>) src(%dma_wait3A_117 : memref<10240x64xf32, #tpu.memory_space<vmem_shared>>) dst(%arg7 : memref<128x64xf32, #tpu.memory_space<vmem>>)
        %dma_start3A_118 = arith.constant 2 : i32
        %dma_start3A_119 = arith.constant 0 : i32
        %dma_start3A_120 = tpu.memref_slice %arg6[%dma_start3A_118, %dma_start3A_119] : memref<8x128xi32, #tpu.memory_space<vmem>> -> memref<1x128xi32, #tpu.memory_space<vmem>>
        %dma_start3A_121 = tpu.memref_squeeze %dma_start3A_120 : memref<1x128xi32, #tpu.memory_space<vmem>> -> memref<128xi32, #tpu.memory_space<vmem>>
        %dma_start3A_122 = arith.constant 0 : i32
        %dma_start3A_123 = arith.constant 0 : i32
        %dma_start3A_124 = tpu.memref_slice %arg9[%dma_start3A_122, %dma_start3A_123] : memref<10240x64xf32, #tpu.memory_space<vmem_shared>> -> memref<10240x64xf32, #tpu.memory_space<vmem_shared>>
        tpu.enqueue_indirect_dma source(%arg7 : memref<128x64xf32, #tpu.memory_space<vmem>>) target(%dma_start3A_124 : memref<10240x64xf32, #tpu.memory_space<vmem_shared>>) offsets(%dma_start3A_121 : memref<128xi32, #tpu.memory_space<vmem>>) semaphore(%arg13 : memref<!tpu.dma_semaphore, #tpu.memory_space<semaphore_mem>>) {add = true}
        %dma_wait3A_125 = arith.constant 2 : i32
        %dma_wait3A_126 = arith.constant 0 : i32
        %dma_wait3A_127 = tpu.memref_slice %arg6[%dma_wait3A_125, %dma_wait3A_126] : memref<8x128xi32, #tpu.memory_space<vmem>> -> memref<1x128xi32, #tpu.memory_space<vmem>>
        %dma_wait3A_128 = tpu.memref_squeeze %dma_wait3A_127 : memref<1x128xi32, #tpu.memory_space<vmem>> -> memref<128xi32, #tpu.memory_space<vmem>>
        %dma_wait3A_129 = arith.constant 0 : i32
        %dma_wait3A_130 = arith.constant 0 : i32
        %dma_wait3A_131 = tpu.memref_slice %arg9[%dma_wait3A_129, %dma_wait3A_130] : memref<10240x64xf32, #tpu.memory_space<vmem_shared>> -> memref<10240x64xf32, #tpu.memory_space<vmem_shared>>
        tpu.wait_indirect_dma semaphore(%arg13 : memref<!tpu.dma_semaphore, #tpu.memory_space<semaphore_mem>>) src(%arg7 : memref<128x64xf32, #tpu.memory_space<vmem>>) dst(%dma_wait3A_131 : memref<10240x64xf32, #tpu.memory_space<vmem_shared>>)
        %dma_start3A_132 = arith.constant 4 : i32
        %dma_start3A_133 = arith.constant 0 : i32
        %dma_start3A_134 = tpu.memref_slice %arg5[%dma_start3A_132, %dma_start3A_133] : memref<8x128xi32, #tpu.memory_space<vmem>> -> memref<1x128xi32, #tpu.memory_space<vmem>>
        %dma_start3A_135 = tpu.memref_squeeze %dma_start3A_134 : memref<1x128xi32, #tpu.memory_space<vmem>> -> memref<128xi32, #tpu.memory_space<vmem>>
        %dma_start3A_136 = arith.constant 0 : i32
        %dma_start3A_137 = arith.constant 0 : i32
        %dma_start3A_138 = tpu.memref_slice %arg10[%dma_start3A_136, %dma_start3A_137] : memref<10240x64xf32, #tpu.memory_space<vmem_shared>> -> memref<10240x64xf32, #tpu.memory_space<vmem_shared>>
        tpu.enqueue_indirect_dma source(%dma_start3A_138 : memref<10240x64xf32, #tpu.memory_space<vmem_shared>>) target(%arg7 : memref<128x64xf32, #tpu.memory_space<vmem>>) offsets(%dma_start3A_135 : memref<128xi32, #tpu.memory_space<vmem>>) semaphore(%arg11 : memref<!tpu.dma_semaphore, #tpu.memory_space<semaphore_mem>>)
        %dma_wait3A_139 = arith.constant 3 : i32
        %dma_wait3A_140 = arith.constant 0 : i32
        %dma_wait3A_141 = tpu.memref_slice %arg5[%dma_wait3A_139, %dma_wait3A_140] : memref<8x128xi32, #tpu.memory_space<vmem>> -> memref<1x128xi32, #tpu.memory_space<vmem>>
        %dma_wait3A_142 = tpu.memref_squeeze %dma_wait3A_141 : memref<1x128xi32, #tpu.memory_space<vmem>> -> memref<128xi32, #tpu.memory_space<vmem>>
        %dma_wait3A_143 = arith.constant 0 : i32
        %dma_wait3A_144 = arith.constant 0 : i32
        %dma_wait3A_145 = tpu.memref_slice %arg10[%dma_wait3A_143, %dma_wait3A_144] : memref<10240x64xf32, #tpu.memory_space<vmem_shared>> -> memref<10240x64xf32, #tpu.memory_space<vmem_shared>>
        tpu.wait_indirect_dma semaphore(%arg12 : memref<!tpu.dma_semaphore, #tpu.memory_space<semaphore_mem>>) src(%dma_wait3A_145 : memref<10240x64xf32, #tpu.memory_space<vmem_shared>>) dst(%arg8 : memref<128x64xf32, #tpu.memory_space<vmem>>)
        %dma_start3A_146 = arith.constant 3 : i32
        %dma_start3A_147 = arith.constant 0 : i32
        %dma_start3A_148 = tpu.memref_slice %arg6[%dma_start3A_146, %dma_start3A_147] : memref<8x128xi32, #tpu.memory_space<vmem>> -> memref<1x128xi32, #tpu.memory_space<vmem>>
        %dma_start3A_149 = tpu.memref_squeeze %dma_start3A_148 : memref<1x128xi32, #tpu.memory_space<vmem>> -> memref<128xi32, #tpu.memory_space<vmem>>
        %dma_start3A_150 = arith.constant 0 : i32
        %dma_start3A_151 = arith.constant 0 : i32
        %dma_start3A_152 = tpu.memref_slice %arg9[%dma_start3A_150, %dma_start3A_151] : memref<10240x64xf32, #tpu.memory_space<vmem_shared>> -> memref<10240x64xf32, #tpu.memory_space<vmem_shared>>
        tpu.enqueue_indirect_dma source(%arg8 : memref<128x64xf32, #tpu.memory_space<vmem>>) target(%dma_start3A_152 : memref<10240x64xf32, #tpu.memory_space<vmem_shared>>) offsets(%dma_start3A_149 : memref<128xi32, #tpu.memory_space<vmem>>) semaphore(%arg14 : memref<!tpu.dma_semaphore, #tpu.memory_space<semaphore_mem>>) {add = true}
        %dma_wait3A_153 = arith.constant 3 : i32
        %dma_wait3A_154 = arith.constant 0 : i32
        %dma_wait3A_155 = tpu.memref_slice %arg6[%dma_wait3A_153, %dma_wait3A_154] : memref<8x128xi32, #tpu.memory_space<vmem>> -> memref<1x128xi32, #tpu.memory_space<vmem>>
        %dma_wait3A_156 = tpu.memref_squeeze %dma_wait3A_155 : memref<1x128xi32, #tpu.memory_space<vmem>> -> memref<128xi32, #tpu.memory_space<vmem>>
        %dma_wait3A_157 = arith.constant 0 : i32
        %dma_wait3A_158 = arith.constant 0 : i32
        %dma_wait3A_159 = tpu.memref_slice %arg9[%dma_wait3A_157, %dma_wait3A_158] : memref<10240x64xf32, #tpu.memory_space<vmem_shared>> -> memref<10240x64xf32, #tpu.memory_space<vmem_shared>>
        tpu.wait_indirect_dma semaphore(%arg14 : memref<!tpu.dma_semaphore, #tpu.memory_space<semaphore_mem>>) src(%arg8 : memref<128x64xf32, #tpu.memory_space<vmem>>) dst(%dma_wait3A_159 : memref<10240x64xf32, #tpu.memory_space<vmem_shared>>)
        %dma_start3A_160 = arith.constant 5 : i32
        %dma_start3A_161 = arith.constant 0 : i32
        %dma_start3A_162 = tpu.memref_slice %arg5[%dma_start3A_160, %dma_start3A_161] : memref<8x128xi32, #tpu.memory_space<vmem>> -> memref<1x128xi32, #tpu.memory_space<vmem>>
        %dma_start3A_163 = tpu.memref_squeeze %dma_start3A_162 : memref<1x128xi32, #tpu.memory_space<vmem>> -> memref<128xi32, #tpu.memory_space<vmem>>
        %dma_start3A_164 = arith.constant 0 : i32
        %dma_start3A_165 = arith.constant 0 : i32
        %dma_start3A_166 = tpu.memref_slice %arg10[%dma_start3A_164, %dma_start3A_165] : memref<10240x64xf32, #tpu.memory_space<vmem_shared>> -> memref<10240x64xf32, #tpu.memory_space<vmem_shared>>
        tpu.enqueue_indirect_dma source(%dma_start3A_166 : memref<10240x64xf32, #tpu.memory_space<vmem_shared>>) target(%arg8 : memref<128x64xf32, #tpu.memory_space<vmem>>) offsets(%dma_start3A_163 : memref<128xi32, #tpu.memory_space<vmem>>) semaphore(%arg12 : memref<!tpu.dma_semaphore, #tpu.memory_space<semaphore_mem>>)
        %dma_wait3A_167 = arith.constant 4 : i32
        %dma_wait3A_168 = arith.constant 0 : i32
        %dma_wait3A_169 = tpu.memref_slice %arg5[%dma_wait3A_167, %dma_wait3A_168] : memref<8x128xi32, #tpu.memory_space<vmem>> -> memref<1x128xi32, #tpu.memory_space<vmem>>
        %dma_wait3A_170 = tpu.memref_squeeze %dma_wait3A_169 : memref<1x128xi32, #tpu.memory_space<vmem>> -> memref<128xi32, #tpu.memory_space<vmem>>
        %dma_wait3A_171 = arith.constant 0 : i32
        %dma_wait3A_172 = arith.constant 0 : i32
        %dma_wait3A_173 = tpu.memref_slice %arg10[%dma_wait3A_171, %dma_wait3A_172] : memref<10240x64xf32, #tpu.memory_space<vmem_shared>> -> memref<10240x64xf32, #tpu.memory_space<vmem_shared>>
        tpu.wait_indirect_dma semaphore(%arg11 : memref<!tpu.dma_semaphore, #tpu.memory_space<semaphore_mem>>) src(%dma_wait3A_173 : memref<10240x64xf32, #tpu.memory_space<vmem_shared>>) dst(%arg7 : memref<128x64xf32, #tpu.memory_space<vmem>>)
        %dma_start3A_174 = arith.constant 4 : i32
        %dma_start3A_175 = arith.constant 0 : i32
        %dma_start3A_176 = tpu.memref_slice %arg6[%dma_start3A_174, %dma_start3A_175] : memref<8x128xi32, #tpu.memory_space<vmem>> -> memref<1x128xi32, #tpu.memory_space<vmem>>
        %dma_start3A_177 = tpu.memref_squeeze %dma_start3A_176 : memref<1x128xi32, #tpu.memory_space<vmem>> -> memref<128xi32, #tpu.memory_space<vmem>>
        %dma_start3A_178 = arith.constant 0 : i32
        %dma_start3A_179 = arith.constant 0 : i32
        %dma_start3A_180 = tpu.memref_slice %arg9[%dma_start3A_178, %dma_start3A_179] : memref<10240x64xf32, #tpu.memory_space<vmem_shared>> -> memref<10240x64xf32, #tpu.memory_space<vmem_shared>>
        tpu.enqueue_indirect_dma source(%arg7 : memref<128x64xf32, #tpu.memory_space<vmem>>) target(%dma_start3A_180 : memref<10240x64xf32, #tpu.memory_space<vmem_shared>>) offsets(%dma_start3A_177 : memref<128xi32, #tpu.memory_space<vmem>>) semaphore(%arg13 : memref<!tpu.dma_semaphore, #tpu.memory_space<semaphore_mem>>) {add = true}
        %dma_wait3A_181 = arith.constant 4 : i32
        %dma_wait3A_182 = arith.constant 0 : i32
        %dma_wait3A_183 = tpu.memref_slice %arg6[%dma_wait3A_181, %dma_wait3A_182] : memref<8x128xi32, #tpu.memory_space<vmem>> -> memref<1x128xi32, #tpu.memory_space<vmem>>
        %dma_wait3A_184 = tpu.memref_squeeze %dma_wait3A_183 : memref<1x128xi32, #tpu.memory_space<vmem>> -> memref<128xi32, #tpu.memory_space<vmem>>
        %dma_wait3A_185 = arith.constant 0 : i32
        %dma_wait3A_186 = arith.constant 0 : i32
        %dma_wait3A_187 = tpu.memref_slice %arg9[%dma_wait3A_185, %dma_wait3A_186] : memref<10240x64xf32, #tpu.memory_space<vmem_shared>> -> memref<10240x64xf32, #tpu.memory_space<vmem_shared>>
        tpu.wait_indirect_dma semaphore(%arg13 : memref<!tpu.dma_semaphore, #tpu.memory_space<semaphore_mem>>) src(%arg7 : memref<128x64xf32, #tpu.memory_space<vmem>>) dst(%dma_wait3A_187 : memref<10240x64xf32, #tpu.memory_space<vmem_shared>>)
        %dma_start3A_188 = arith.constant 6 : i32
        %dma_start3A_189 = arith.constant 0 : i32
        %dma_start3A_190 = tpu.memref_slice %arg5[%dma_start3A_188, %dma_start3A_189] : memref<8x128xi32, #tpu.memory_space<vmem>> -> memref<1x128xi32, #tpu.memory_space<vmem>>
        %dma_start3A_191 = tpu.memref_squeeze %dma_start3A_190 : memref<1x128xi32, #tpu.memory_space<vmem>> -> memref<128xi32, #tpu.memory_space<vmem>>
        %dma_start3A_192 = arith.constant 0 : i32
        %dma_start3A_193 = arith.constant 0 : i32
        %dma_start3A_194 = tpu.memref_slice %arg10[%dma_start3A_192, %dma_start3A_193] : memref<10240x64xf32, #tpu.memory_space<vmem_shared>> -> memref<10240x64xf32, #tpu.memory_space<vmem_shared>>
        tpu.enqueue_indirect_dma source(%dma_start3A_194 : memref<10240x64xf32, #tpu.memory_space<vmem_shared>>) target(%arg7 : memref<128x64xf32, #tpu.memory_space<vmem>>) offsets(%dma_start3A_191 : memref<128xi32, #tpu.memory_space<vmem>>) semaphore(%arg11 : memref<!tpu.dma_semaphore, #tpu.memory_space<semaphore_mem>>)
        %dma_wait3A_195 = arith.constant 5 : i32
        %dma_wait3A_196 = arith.constant 0 : i32
        %dma_wait3A_197 = tpu.memref_slice %arg5[%dma_wait3A_195, %dma_wait3A_196] : memref<8x128xi32, #tpu.memory_space<vmem>> -> memref<1x128xi32, #tpu.memory_space<vmem>>
        %dma_wait3A_198 = tpu.memref_squeeze %dma_wait3A_197 : memref<1x128xi32, #tpu.memory_space<vmem>> -> memref<128xi32, #tpu.memory_space<vmem>>
        %dma_wait3A_199 = arith.constant 0 : i32
        %dma_wait3A_200 = arith.constant 0 : i32
        %dma_wait3A_201 = tpu.memref_slice %arg10[%dma_wait3A_199, %dma_wait3A_200] : memref<10240x64xf32, #tpu.memory_space<vmem_shared>> -> memref<10240x64xf32, #tpu.memory_space<vmem_shared>>
        tpu.wait_indirect_dma semaphore(%arg12 : memref<!tpu.dma_semaphore, #tpu.memory_space<semaphore_mem>>) src(%dma_wait3A_201 : memref<10240x64xf32, #tpu.memory_space<vmem_shared>>) dst(%arg8 : memref<128x64xf32, #tpu.memory_space<vmem>>)
        %dma_start3A_202 = arith.constant 5 : i32
        %dma_start3A_203 = arith.constant 0 : i32
        %dma_start3A_204 = tpu.memref_slice %arg6[%dma_start3A_202, %dma_start3A_203] : memref<8x128xi32, #tpu.memory_space<vmem>> -> memref<1x128xi32, #tpu.memory_space<vmem>>
        %dma_start3A_205 = tpu.memref_squeeze %dma_start3A_204 : memref<1x128xi32, #tpu.memory_space<vmem>> -> memref<128xi32, #tpu.memory_space<vmem>>
        %dma_start3A_206 = arith.constant 0 : i32
        %dma_start3A_207 = arith.constant 0 : i32
        %dma_start3A_208 = tpu.memref_slice %arg9[%dma_start3A_206, %dma_start3A_207] : memref<10240x64xf32, #tpu.memory_space<vmem_shared>> -> memref<10240x64xf32, #tpu.memory_space<vmem_shared>>
        tpu.enqueue_indirect_dma source(%arg8 : memref<128x64xf32, #tpu.memory_space<vmem>>) target(%dma_start3A_208 : memref<10240x64xf32, #tpu.memory_space<vmem_shared>>) offsets(%dma_start3A_205 : memref<128xi32, #tpu.memory_space<vmem>>) semaphore(%arg14 : memref<!tpu.dma_semaphore, #tpu.memory_space<semaphore_mem>>) {add = true}
        %dma_wait3A_209 = arith.constant 5 : i32
        %dma_wait3A_210 = arith.constant 0 : i32
        %dma_wait3A_211 = tpu.memref_slice %arg6[%dma_wait3A_209, %dma_wait3A_210] : memref<8x128xi32, #tpu.memory_space<vmem>> -> memref<1x128xi32, #tpu.memory_space<vmem>>
        %dma_wait3A_212 = tpu.memref_squeeze %dma_wait3A_211 : memref<1x128xi32, #tpu.memory_space<vmem>> -> memref<128xi32, #tpu.memory_space<vmem>>
        %dma_wait3A_213 = arith.constant 0 : i32
        %dma_wait3A_214 = arith.constant 0 : i32
        %dma_wait3A_215 = tpu.memref_slice %arg9[%dma_wait3A_213, %dma_wait3A_214] : memref<10240x64xf32, #tpu.memory_space<vmem_shared>> -> memref<10240x64xf32, #tpu.memory_space<vmem_shared>>
        tpu.wait_indirect_dma semaphore(%arg14 : memref<!tpu.dma_semaphore, #tpu.memory_space<semaphore_mem>>) src(%arg8 : memref<128x64xf32, #tpu.memory_space<vmem>>) dst(%dma_wait3A_215 : memref<10240x64xf32, #tpu.memory_space<vmem_shared>>)
        %dma_start3A_216 = arith.constant 7 : i32
        %dma_start3A_217 = arith.constant 0 : i32
        %dma_start3A_218 = tpu.memref_slice %arg5[%dma_start3A_216, %dma_start3A_217] : memref<8x128xi32, #tpu.memory_space<vmem>> -> memref<1x128xi32, #tpu.memory_space<vmem>>
        %dma_start3A_219 = tpu.memref_squeeze %dma_start3A_218 : memref<1x128xi32, #tpu.memory_space<vmem>> -> memref<128xi32, #tpu.memory_space<vmem>>
        %dma_start3A_220 = arith.constant 0 : i32
        %dma_start3A_221 = arith.constant 0 : i32
        %dma_start3A_222 = tpu.memref_slice %arg10[%dma_start3A_220, %dma_start3A_221] : memref<10240x64xf32, #tpu.memory_space<vmem_shared>> -> memref<10240x64xf32, #tpu.memory_space<vmem_shared>>
        tpu.enqueue_indirect_dma source(%dma_start3A_222 : memref<10240x64xf32, #tpu.memory_space<vmem_shared>>) target(%arg8 : memref<128x64xf32, #tpu.memory_space<vmem>>) offsets(%dma_start3A_219 : memref<128xi32, #tpu.memory_space<vmem>>) semaphore(%arg12 : memref<!tpu.dma_semaphore, #tpu.memory_space<semaphore_mem>>)
        %dma_wait3A_223 = arith.constant 6 : i32
        %dma_wait3A_224 = arith.constant 0 : i32
        %dma_wait3A_225 = tpu.memref_slice %arg5[%dma_wait3A_223, %dma_wait3A_224] : memref<8x128xi32, #tpu.memory_space<vmem>> -> memref<1x128xi32, #tpu.memory_space<vmem>>
        %dma_wait3A_226 = tpu.memref_squeeze %dma_wait3A_225 : memref<1x128xi32, #tpu.memory_space<vmem>> -> memref<128xi32, #tpu.memory_space<vmem>>
        %dma_wait3A_227 = arith.constant 0 : i32
        %dma_wait3A_228 = arith.constant 0 : i32
        %dma_wait3A_229 = tpu.memref_slice %arg10[%dma_wait3A_227, %dma_wait3A_228] : memref<10240x64xf32, #tpu.memory_space<vmem_shared>> -> memref<10240x64xf32, #tpu.memory_space<vmem_shared>>
        tpu.wait_indirect_dma semaphore(%arg11 : memref<!tpu.dma_semaphore, #tpu.memory_space<semaphore_mem>>) src(%dma_wait3A_229 : memref<10240x64xf32, #tpu.memory_space<vmem_shared>>) dst(%arg7 : memref<128x64xf32, #tpu.memory_space<vmem>>)
        %dma_start3A_230 = arith.constant 6 : i32
        %dma_start3A_231 = arith.constant 0 : i32
        %dma_start3A_232 = tpu.memref_slice %arg6[%dma_start3A_230, %dma_start3A_231] : memref<8x128xi32, #tpu.memory_space<vmem>> -> memref<1x128xi32, #tpu.memory_space<vmem>>
        %dma_start3A_233 = tpu.memref_squeeze %dma_start3A_232 : memref<1x128xi32, #tpu.memory_space<vmem>> -> memref<128xi32, #tpu.memory_space<vmem>>
        %dma_start3A_234 = arith.constant 0 : i32
        %dma_start3A_235 = arith.constant 0 : i32
        %dma_start3A_236 = tpu.memref_slice %arg9[%dma_start3A_234, %dma_start3A_235] : memref<10240x64xf32, #tpu.memory_space<vmem_shared>> -> memref<10240x64xf32, #tpu.memory_space<vmem_shared>>
        tpu.enqueue_indirect_dma source(%arg7 : memref<128x64xf32, #tpu.memory_space<vmem>>) target(%dma_start3A_236 : memref<10240x64xf32, #tpu.memory_space<vmem_shared>>) offsets(%dma_start3A_233 : memref<128xi32, #tpu.memory_space<vmem>>) semaphore(%arg13 : memref<!tpu.dma_semaphore, #tpu.memory_space<semaphore_mem>>) {add = true}
        %dma_wait3A_237 = arith.constant 7 : i32
        %dma_wait3A_238 = arith.constant 0 : i32
        %dma_wait3A_239 = tpu.memref_slice %arg5[%dma_wait3A_237, %dma_wait3A_238] : memref<8x128xi32, #tpu.memory_space<vmem>> -> memref<1x128xi32, #tpu.memory_space<vmem>>
        %dma_wait3A_240 = tpu.memref_squeeze %dma_wait3A_239 : memref<1x128xi32, #tpu.memory_space<vmem>> -> memref<128xi32, #tpu.memory_space<vmem>>
        %dma_wait3A_241 = arith.constant 0 : i32
        %dma_wait3A_242 = arith.constant 0 : i32
        %dma_wait3A_243 = tpu.memref_slice %arg10[%dma_wait3A_241, %dma_wait3A_242] : memref<10240x64xf32, #tpu.memory_space<vmem_shared>> -> memref<10240x64xf32, #tpu.memory_space<vmem_shared>>
        tpu.wait_indirect_dma semaphore(%arg12 : memref<!tpu.dma_semaphore, #tpu.memory_space<semaphore_mem>>) src(%dma_wait3A_243 : memref<10240x64xf32, #tpu.memory_space<vmem_shared>>) dst(%arg8 : memref<128x64xf32, #tpu.memory_space<vmem>>)
        %dma_start3A_244 = arith.constant 7 : i32
        %dma_start3A_245 = arith.constant 0 : i32
        %dma_start3A_246 = tpu.memref_slice %arg6[%dma_start3A_244, %dma_start3A_245] : memref<8x128xi32, #tpu.memory_space<vmem>> -> memref<1x128xi32, #tpu.memory_space<vmem>>
        %dma_start3A_247 = tpu.memref_squeeze %dma_start3A_246 : memref<1x128xi32, #tpu.memory_space<vmem>> -> memref<128xi32, #tpu.memory_space<vmem>>
        %dma_start3A_248 = arith.constant 0 : i32
        %dma_start3A_249 = arith.constant 0 : i32
        %dma_start3A_250 = tpu.memref_slice %arg9[%dma_start3A_248, %dma_start3A_249] : memref<10240x64xf32, #tpu.memory_space<vmem_shared>> -> memref<10240x64xf32, #tpu.memory_space<vmem_shared>>
        tpu.enqueue_indirect_dma source(%arg8 : memref<128x64xf32, #tpu.memory_space<vmem>>) target(%dma_start3A_250 : memref<10240x64xf32, #tpu.memory_space<vmem_shared>>) offsets(%dma_start3A_247 : memref<128xi32, #tpu.memory_space<vmem>>) semaphore(%arg14 : memref<!tpu.dma_semaphore, #tpu.memory_space<semaphore_mem>>) {add = true}
        %dma_wait3A_251 = arith.constant 6 : i32
        %dma_wait3A_252 = arith.constant 0 : i32
        %dma_wait3A_253 = tpu.memref_slice %arg6[%dma_wait3A_251, %dma_wait3A_252] : memref<8x128xi32, #tpu.memory_space<vmem>> -> memref<1x128xi32, #tpu.memory_space<vmem>>
        %dma_wait3A_254 = tpu.memref_squeeze %dma_wait3A_253 : memref<1x128xi32, #tpu.memory_space<vmem>> -> memref<128xi32, #tpu.memory_space<vmem>>
        %dma_wait3A_255 = arith.constant 0 : i32
        %dma_wait3A_256 = arith.constant 0 : i32
        %dma_wait3A_257 = tpu.memref_slice %arg9[%dma_wait3A_255, %dma_wait3A_256] : memref<10240x64xf32, #tpu.memory_space<vmem_shared>> -> memref<10240x64xf32, #tpu.memory_space<vmem_shared>>
        tpu.wait_indirect_dma semaphore(%arg13 : memref<!tpu.dma_semaphore, #tpu.memory_space<semaphore_mem>>) src(%arg7 : memref<128x64xf32, #tpu.memory_space<vmem>>) dst(%dma_wait3A_257 : memref<10240x64xf32, #tpu.memory_space<vmem_shared>>)
        %dma_wait3A_258 = arith.constant 7 : i32
        %dma_wait3A_259 = arith.constant 0 : i32
        %dma_wait3A_260 = tpu.memref_slice %arg6[%dma_wait3A_258, %dma_wait3A_259] : memref<8x128xi32, #tpu.memory_space<vmem>> -> memref<1x128xi32, #tpu.memory_space<vmem>>
        %dma_wait3A_261 = tpu.memref_squeeze %dma_wait3A_260 : memref<1x128xi32, #tpu.memory_space<vmem>> -> memref<128xi32, #tpu.memory_space<vmem>>
        %dma_wait3A_262 = arith.constant 0 : i32
        %dma_wait3A_263 = arith.constant 0 : i32
        %dma_wait3A_264 = tpu.memref_slice %arg9[%dma_wait3A_262, %dma_wait3A_263] : memref<10240x64xf32, #tpu.memory_space<vmem_shared>> -> memref<10240x64xf32, #tpu.memory_space<vmem_shared>>
        tpu.wait_indirect_dma semaphore(%arg14 : memref<!tpu.dma_semaphore, #tpu.memory_space<semaphore_mem>>) src(%arg8 : memref<128x64xf32, #tpu.memory_space<vmem>>) dst(%dma_wait3A_264 : memref<10240x64xf32, #tpu.memory_space<vmem_shared>>)
      }
      %scan3A_33 = arith.constant 9 : i32
    } else {
    }
    %barrier3A_21 = arith.constant 0 : index
    tpu.barrier barrier_id(%barrier3A_21)
    %scan3A_22 = arith.constant 0 : i32
    %scan3A_23 = arith.constant 5 : i32
    %scan3A_24 = arith.addi %scan3A_22, %scan3A_23 : i32
    %scan3A_25 = arith.constant 1 : i32
    scf.for %scan3A_27 = %scan3A_22 to %scan3A_24 step %scan3A_25  : i32 {
      %mul3A = arith.constant 1 : i32
      %mul3A_28 = arith.muli %scan3A_27, %mul3A : i32
      %add3A = arith.constant 0 : i32
      %add3A_29 = arith.addi %add3A, %mul3A_28 : i32
      %mul3A_30 = arith.constant 640 : i32
      %mul3A_31 = arith.muli %arg1, %mul3A_30 : i32
      %mul3A_32 = arith.constant 128 : i32
      %mul3A_33 = arith.muli %add3A_29, %mul3A_32 : i32
      %add3A_34 = arith.addi %mul3A_31, %mul3A_33 : i32
      "tpu.region"() ({
        %run_scoped3A = tpu.sem_alloc : memref<!tpu.dma_semaphore, #tpu.memory_space<semaphore_mem>>
        %dma_start3A = arith.constant 0 : i32
        %dma_start3A_35 = arith.constant 0 : i32
        %dma_start3A_36 = tpu.memref_slice %arg4[%arg0, %dma_start3A, %dma_start3A_35] : memref<2x10240x128xf32, #tpu.memory_space<hbm>> -> memref<1x10240x128xf32, #tpu.memory_space<hbm>>
        %dma_start3A_37 = tpu.memref_squeeze %dma_start3A_36 : memref<1x10240x128xf32, #tpu.memory_space<hbm>> -> memref<10240x128xf32, #tpu.memory_space<hbm>>
        %dma_start3A_38 = arith.constant 0 : i32
        %dma_start3A_39 = tpu.memref_slice %dma_start3A_37[%add3A_34, %dma_start3A_38] : memref<10240x128xf32, #tpu.memory_space<hbm>> -> memref<128x64xf32, #tpu.memory_space<hbm>>
        %dma_start3A_40 = arith.constant 0 : i32
        %dma_start3A_41 = tpu.memref_slice %arg9[%add3A_34, %dma_start3A_40] : memref<10240x64xf32, #tpu.memory_space<vmem_shared>> -> memref<128x64xf32, #tpu.memory_space<vmem_shared>>
        tpu.enqueue_dma source(%dma_start3A_41 : memref<128x64xf32, #tpu.memory_space<vmem_shared>>) target(%dma_start3A_39 : memref<128x64xf32, #tpu.memory_space<hbm>>) target_semaphore(%run_scoped3A : memref<!tpu.dma_semaphore, #tpu.memory_space<semaphore_mem>>)
        %dma_wait3A = arith.constant 0 : i32
        %dma_wait3A_42 = arith.constant 0 : i32
        %dma_wait3A_43 = tpu.memref_slice %arg4[%arg0, %dma_wait3A, %dma_wait3A_42] : memref<2x10240x128xf32, #tpu.memory_space<hbm>> -> memref<1x10240x128xf32, #tpu.memory_space<hbm>>
        %dma_wait3A_44 = tpu.memref_squeeze %dma_wait3A_43 : memref<1x10240x128xf32, #tpu.memory_space<hbm>> -> memref<10240x128xf32, #tpu.memory_space<hbm>>
        %dma_wait3A_45 = arith.constant 0 : i32
        %dma_wait3A_46 = tpu.memref_slice %dma_wait3A_44[%add3A_34, %dma_wait3A_45] : memref<10240x128xf32, #tpu.memory_space<hbm>> -> memref<128x64xf32, #tpu.memory_space<hbm>>
        %dma_wait3A_47 = arith.constant 0 : i32
        %dma_wait3A_48 = tpu.memref_slice %arg9[%add3A_34, %dma_wait3A_47] : memref<10240x64xf32, #tpu.memory_space<vmem_shared>> -> memref<128x64xf32, #tpu.memory_space<vmem_shared>>
        tpu.wait_dma2 semaphore(%run_scoped3A : memref<!tpu.dma_semaphore, #tpu.memory_space<semaphore_mem>>) src(%dma_wait3A_48 : memref<128x64xf32, #tpu.memory_space<vmem_shared>>) dst(%dma_wait3A_46 : memref<128x64xf32, #tpu.memory_space<hbm>>)
        tpu.yield
      }) : () -> ()
    }
    %scan3A_26 = arith.constant 5 : i32
    return
  }
}

module attributes {stable_mosaic.version = 14 : i64} {
  func.func @_tc1_body(%arg0: i32, %arg1: memref<1024x128xf32, #tpu.memory_space<vmem>>, %arg2: memref<128x64xf32, #tpu.memory_space<vmem>>, %arg3: memref<32x1024xf32, #tpu.memory_space<vmem>>, %arg4: memref<1024x64xf32, #tpu.memory_space<vmem>>, %arg5: memref<1024x1xf32, #tpu.memory_space<vmem>>) attributes {dimension_semantics = [#tpu.dimension_semantics<arbitrary>], iteration_bounds = array<i64: 10>, scalar_prefetch = 0 : i64, scratch_operands = 0 : i64, tpu.core_type = #tpu.core_type<tc>, window_params = [{transform_indices = @transform_0, window_bounds = array<i64: 1024, 128>}, {pipeline_mode = #tpu.pipeline_mode<synchronous>, transform_indices = @transform_1, window_bounds = array<i64: 128, 64>}, {transform_indices = @transform_2, window_bounds = array<i64: 32, 1024>}, {transform_indices = @transform_3, window_bounds = array<i64: 1024, 64>}, {transform_indices = @transform_4, window_bounds = array<i64: 1024, 1>}]} {
    %get3A = arith.constant 0 : index
    %get3A_0 = arith.constant 0 : index
    %get3A_1 = vector.load %arg3[%get3A, %get3A_0] : memref<32x1024xf32, #tpu.memory_space<vmem>>, vector<32x1024xf32>
    %reduce_sum3A = arith.constant dense<0.000000e+00> : vector<1024xf32>
    %reduce_sum3A_2 = vector.multi_reduction <add>, %get3A_1, %reduce_sum3A [0] : vector<32x1024xf32> to vector<1024xf32>
    %broadcast_in_dim3A = vector.shape_cast %reduce_sum3A_2 : vector<1024xf32> to vector<1024x1xf32>
    %add3A = arith.constant 1.000000e+00 : f32
    %add3A_3 = vector.broadcast %add3A : f32 to vector<1024x1xf32>
    %add3A_4 = arith.addf %broadcast_in_dim3A, %add3A_3 : vector<1024x1xf32>
    %rsqrt3A = math.rsqrt %add3A_4 : vector<1024x1xf32>
    %get3A_5 = arith.constant 0 : index
    %get3A_6 = arith.constant 0 : index
    %get3A_7 = vector.load %arg1[%get3A_5, %get3A_6] : memref<1024x128xf32, #tpu.memory_space<vmem>>, vector<1024x128xf32>
    %get3A_8 = arith.constant 0 : index
    %get3A_9 = arith.constant 0 : index
    %get3A_10 = vector.load %arg2[%get3A_8, %get3A_9] : memref<128x64xf32, #tpu.memory_space<vmem>>, vector<128x64xf32>
    %dot_general3A = arith.constant dense<0.000000e+00> : vector<1024x64xf32>
    %dot_general3A_11 = tpu.matmul %get3A_7, %get3A_10, %dot_general3A {dimension_numbers = #tpu.dot_dimension_numbers<[1], [0], [0], [1], [0, 0, 1, 1], [], []>, transpose_lhs_hint = false} : vector<1024x128xf32>, vector<128x64xf32>, vector<1024x64xf32> -> vector<1024x64xf32>
    %mul3A = vector.broadcast %rsqrt3A : vector<1024x1xf32> to vector<1024x64xf32>
    %mul3A_12 = arith.mulf %dot_general3A_11, %mul3A : vector<1024x64xf32>
    %swap3A = arith.constant 0 : index
    %swap3A_13 = arith.constant 0 : index
    %swap3A_14 = vector.load %arg4[%swap3A, %swap3A_13] : memref<1024x64xf32, #tpu.memory_space<vmem>>, vector<1024x64xf32>
    tpu.vector_store %arg4[%swap3A, %swap3A_13], %mul3A_12 {strides = array<i32>} : memref<1024x64xf32, #tpu.memory_space<vmem>>, vector<1024x64xf32>,
    %swap3A_15 = arith.constant 0 : index
    %swap3A_16 = arith.constant 0 : index
    %swap3A_17 = vector.load %arg5[%swap3A_15, %swap3A_16] : memref<1024x1xf32, #tpu.memory_space<vmem>>, vector<1024x1xf32>
    tpu.vector_store %arg5[%swap3A_15, %swap3A_16], %rsqrt3A {strides = array<i32>} : memref<1024x1xf32, #tpu.memory_space<vmem>>, vector<1024x1xf32>,
    return
  }
  func.func @transform_0(%arg0: i32) -> (i32, i32) {
    %c0_i32 = arith.constant 0 : i32
    %c0_i32_0 = arith.constant 0 : i32
    return %arg0, %c0_i32 : i32, i32
  }
  func.func @transform_1(%arg0: i32) -> (i32, i32) {
    %c0_i32 = arith.constant 0 : i32
    %c0_i32_0 = arith.constant 0 : i32
    %c0_i32_1 = arith.constant 0 : i32
    return %c0_i32, %c0_i32_0 : i32, i32
  }
  func.func @transform_2(%arg0: i32) -> (i32, i32) {
    %c0_i32 = arith.constant 0 : i32
    %c0_i32_0 = arith.constant 0 : i32
    return %c0_i32, %arg0 : i32, i32
  }
  func.func @transform_3(%arg0: i32) -> (i32, i32) {
    %c0_i32 = arith.constant 0 : i32
    %c0_i32_0 = arith.constant 0 : i32
    return %arg0, %c0_i32 : i32, i32
  }
  func.func @transform_4(%arg0: i32) -> (i32, i32) {
    %c0_i32 = arith.constant 0 : i32
    %c0_i32_0 = arith.constant 0 : i32
    return %arg0, %c0_i32 : i32, i32
  }
}

module attributes {stable_mosaic.version = 14 : i64} {
  func.func @_tc2_body(%arg0: i32, %arg1: memref<1024x128xf32, #tpu.memory_space<vmem>>, %arg2: memref<1024x128xf32, #tpu.memory_space<vmem>>, %arg3: memref<1024x64xf32, #tpu.memory_space<vmem>>, %arg4: memref<1024x1xf32, #tpu.memory_space<vmem>>, %arg5: memref<1x64xf32, #tpu.memory_space<vmem>>, %arg6: memref<64x64xf32, #tpu.memory_space<vmem>>, %arg7: memref<1024x64xf32, #tpu.memory_space<vmem>>) attributes {dimension_semantics = [#tpu.dimension_semantics<arbitrary>], iteration_bounds = array<i64: 10>, scalar_prefetch = 0 : i64, scratch_operands = 0 : i64, tpu.core_type = #tpu.core_type<tc>, window_params = [{transform_indices = @transform_0, window_bounds = array<i64: 1024, 128>}, {transform_indices = @transform_1, window_bounds = array<i64: 1024, 128>}, {transform_indices = @transform_2, window_bounds = array<i64: 1024, 64>}, {transform_indices = @transform_3, window_bounds = array<i64: 1024, 1>}, {pipeline_mode = #tpu.pipeline_mode<synchronous>, transform_indices = @transform_4, window_bounds = array<i64: 1, 64>}, {pipeline_mode = #tpu.pipeline_mode<synchronous>, transform_indices = @transform_5, window_bounds = array<i64: 64, 64>}, {transform_indices = @transform_6, window_bounds = array<i64: 1024, 64>}]} {
    %get3A = arith.constant 0 : index
    %get3A_0 = arith.constant 0 : index
    %get3A_1 = vector.load %arg1[%get3A, %get3A_0] : memref<1024x128xf32, #tpu.memory_space<vmem>>, vector<1024x64xf32>
    %get3A_2 = arith.constant 0 : index
    %get3A_3 = arith.constant 0 : index
    %get3A_4 = vector.load %arg2[%get3A_2, %get3A_3] : memref<1024x128xf32, #tpu.memory_space<vmem>>, vector<1024x64xf32>
    %add3A = arith.addf %get3A_1, %get3A_4 : vector<1024x64xf32>
    %get3A_5 = arith.constant 0 : index
    %get3A_6 = arith.constant 0 : index
    %get3A_7 = vector.load %arg3[%get3A_5, %get3A_6] : memref<1024x64xf32, #tpu.memory_space<vmem>>, vector<1024x64xf32>
    %add3A_8 = arith.addf %add3A, %get3A_7 : vector<1024x64xf32>
    %get3A_9 = arith.constant 0 : index
    %get3A_10 = arith.constant 0 : index
    %get3A_11 = vector.load %arg4[%get3A_9, %get3A_10] : memref<1024x1xf32, #tpu.memory_space<vmem>>, vector<1024x1xf32>
    %mul3A = vector.broadcast %get3A_11 : vector<1024x1xf32> to vector<1024x64xf32>
    %mul3A_12 = arith.mulf %add3A_8, %mul3A : vector<1024x64xf32>
    %get3A_13 = arith.constant 0 : index
    %get3A_14 = arith.constant 0 : index
    %get3A_15 = vector.load %arg5[%get3A_13, %get3A_14] : memref<1x64xf32, #tpu.memory_space<vmem>>, vector<1x64xf32>
    %add3A_16 = vector.broadcast %get3A_15 : vector<1x64xf32> to vector<1024x64xf32>
    %add3A_17 = arith.addf %mul3A_12, %add3A_16 : vector<1024x64xf32>
    %max3A = arith.constant 0.000000e+00 : f32
    %max3A_18 = vector.broadcast %max3A : f32 to vector<1024x64xf32>
    %max3A_19 = arith.maximumf %add3A_17, %max3A_18 : vector<1024x64xf32>
    %get3A_20 = arith.constant 0 : index
    %get3A_21 = arith.constant 0 : index
    %get3A_22 = vector.load %arg6[%get3A_20, %get3A_21] : memref<64x64xf32, #tpu.memory_space<vmem>>, vector<64x64xf32>
    %dot_general3A = arith.constant dense<0.000000e+00> : vector<1024x64xf32>
    %dot_general3A_23 = tpu.matmul %max3A_19, %get3A_22, %dot_general3A {dimension_numbers = #tpu.dot_dimension_numbers<[1], [0], [0], [1], [0, 0, 1, 1], [], []>, transpose_lhs_hint = false} : vector<1024x64xf32>, vector<64x64xf32>, vector<1024x64xf32> -> vector<1024x64xf32>
    %get3A_24 = arith.constant 0 : index
    %get3A_25 = arith.constant 0 : index
    %get3A_26 = vector.load %arg4[%get3A_24, %get3A_25] : memref<1024x1xf32, #tpu.memory_space<vmem>>, vector<1024x1xf32>
    %mul3A_27 = vector.broadcast %get3A_26 : vector<1024x1xf32> to vector<1024x64xf32>
    %mul3A_28 = arith.mulf %dot_general3A_23, %mul3A_27 : vector<1024x64xf32>
    %swap3A = arith.constant 0 : index
    %swap3A_29 = arith.constant 0 : index
    %swap3A_30 = vector.load %arg7[%swap3A, %swap3A_29] : memref<1024x64xf32, #tpu.memory_space<vmem>>, vector<1024x64xf32>
    tpu.vector_store %arg7[%swap3A, %swap3A_29], %mul3A_28 {strides = array<i32>} : memref<1024x64xf32, #tpu.memory_space<vmem>>, vector<1024x64xf32>,
    return
  }
  func.func @transform_0(%arg0: i32) -> (i32, i32) {
    %c0_i32 = arith.constant 0 : i32
    %c0_i32_0 = arith.constant 0 : i32
    return %arg0, %c0_i32 : i32, i32
  }
  func.func @transform_1(%arg0: i32) -> (i32, i32) {
    %c0_i32 = arith.constant 0 : i32
    %c0_i32_0 = arith.constant 0 : i32
    return %arg0, %c0_i32 : i32, i32
  }
  func.func @transform_2(%arg0: i32) -> (i32, i32) {
    %c0_i32 = arith.constant 0 : i32
    %c0_i32_0 = arith.constant 0 : i32
    return %arg0, %c0_i32 : i32, i32
  }
  func.func @transform_3(%arg0: i32) -> (i32, i32) {
    %c0_i32 = arith.constant 0 : i32
    %c0_i32_0 = arith.constant 0 : i32
    return %arg0, %c0_i32 : i32, i32
  }
  func.func @transform_4(%arg0: i32) -> (i32, i32) {
    %c0_i32 = arith.constant 0 : i32
    %c0_i32_0 = arith.constant 0 : i32
    %c0_i32_1 = arith.constant 0 : i32
    return %c0_i32, %c0_i32_0 : i32, i32
  }
  func.func @transform_5(%arg0: i32) -> (i32, i32) {
    %c0_i32 = arith.constant 0 : i32
    %c0_i32_0 = arith.constant 0 : i32
    %c0_i32_1 = arith.constant 0 : i32
    return %c0_i32, %c0_i32_0 : i32, i32
  }
  func.func @transform_6(%arg0: i32) -> (i32, i32) {
    %c0_i32 = arith.constant 0 : i32
    %c0_i32_0 = arith.constant 0 : i32
    return %arg0, %c0_i32 : i32, i32
  }
}

module attributes {stable_mosaic.version = 14 : i64} {
  func.func @_tc3_body(%arg0: i32, %arg1: memref<1024x128xf32, #tpu.memory_space<vmem>>, %arg2: memref<1024x128xf32, #tpu.memory_space<vmem>>, %arg3: memref<1024x64xf32, #tpu.memory_space<vmem>>, %arg4: memref<1024x1xf32, #tpu.memory_space<vmem>>, %arg5: memref<1x40xf32, #tpu.memory_space<vmem>>, %arg6: memref<1024x40xf32, #tpu.memory_space<vmem>>) attributes {dimension_semantics = [#tpu.dimension_semantics<arbitrary>], iteration_bounds = array<i64: 10>, scalar_prefetch = 0 : i64, scratch_operands = 0 : i64, tpu.core_type = #tpu.core_type<tc>, window_params = [{transform_indices = @transform_0, window_bounds = array<i64: 1024, 128>}, {transform_indices = @transform_1, window_bounds = array<i64: 1024, 128>}, {transform_indices = @transform_2, window_bounds = array<i64: 1024, 64>}, {transform_indices = @transform_3, window_bounds = array<i64: 1024, 1>}, {pipeline_mode = #tpu.pipeline_mode<synchronous>, transform_indices = @transform_4, window_bounds = array<i64: 1, 40>}, {transform_indices = @transform_5, window_bounds = array<i64: 1024, 40>}]} {
    %get3A = arith.constant 0 : index
    %get3A_0 = arith.constant 0 : index
    %get3A_1 = vector.load %arg1[%get3A, %get3A_0] : memref<1024x128xf32, #tpu.memory_space<vmem>>, vector<1024x40xf32>
    %get3A_2 = arith.constant 0 : index
    %get3A_3 = arith.constant 0 : index
    %get3A_4 = vector.load %arg2[%get3A_2, %get3A_3] : memref<1024x128xf32, #tpu.memory_space<vmem>>, vector<1024x40xf32>
    %add3A = arith.addf %get3A_1, %get3A_4 : vector<1024x40xf32>
    %get3A_5 = arith.constant 0 : index
    %get3A_6 = arith.constant 0 : index
    %get3A_7 = vector.load %arg3[%get3A_5, %get3A_6] : memref<1024x64xf32, #tpu.memory_space<vmem>>, vector<1024x40xf32>
    %add3A_8 = arith.addf %add3A, %get3A_7 : vector<1024x40xf32>
    %get3A_9 = arith.constant 0 : index
    %get3A_10 = arith.constant 0 : index
    %get3A_11 = vector.load %arg4[%get3A_9, %get3A_10] : memref<1024x1xf32, #tpu.memory_space<vmem>>, vector<1024x1xf32>
    %mul3A = vector.broadcast %get3A_11 : vector<1024x1xf32> to vector<1024x40xf32>
    %mul3A_12 = arith.mulf %add3A_8, %mul3A : vector<1024x40xf32>
    %get3A_13 = arith.constant 0 : index
    %get3A_14 = arith.constant 0 : index
    %get3A_15 = vector.load %arg5[%get3A_13, %get3A_14] : memref<1x40xf32, #tpu.memory_space<vmem>>, vector<1x40xf32>
    %add3A_16 = vector.broadcast %get3A_15 : vector<1x40xf32> to vector<1024x40xf32>
    %add3A_17 = arith.addf %mul3A_12, %add3A_16 : vector<1024x40xf32>
    %reduce_max3A = arith.constant dense<0xFF800000> : vector<1024xf32>
    %reduce_max3A_18 = vector.multi_reduction <maximumf>, %add3A_17, %reduce_max3A [1] : vector<1024x40xf32> to vector<1024xf32>
    %broadcast_in_dim3A = vector.shape_cast %reduce_max3A_18 : vector<1024xf32> to vector<1024x1xf32>
    %sub3A = vector.broadcast %broadcast_in_dim3A : vector<1024x1xf32> to vector<1024x40xf32>
    %sub3A_19 = arith.subf %add3A_17, %sub3A : vector<1024x40xf32>
    %exp3A = math.exp %sub3A_19 : vector<1024x40xf32>
    %reduce_sum3A = arith.constant dense<0.000000e+00> : vector<1024xf32>
    %reduce_sum3A_20 = vector.multi_reduction <add>, %exp3A, %reduce_sum3A [1] : vector<1024x40xf32> to vector<1024xf32>
    %broadcast_in_dim3A_21 = vector.shape_cast %reduce_sum3A_20 : vector<1024xf32> to vector<1024x1xf32>
    %log3A = math.log %broadcast_in_dim3A_21 : vector<1024x1xf32>
    %sub3A_22 = vector.broadcast %broadcast_in_dim3A : vector<1024x1xf32> to vector<1024x40xf32>
    %sub3A_23 = arith.subf %add3A_17, %sub3A_22 : vector<1024x40xf32>
    %sub3A_24 = vector.broadcast %log3A : vector<1024x1xf32> to vector<1024x40xf32>
    %sub3A_25 = arith.subf %sub3A_23, %sub3A_24 : vector<1024x40xf32>
    %swap3A = arith.constant 0 : index
    %swap3A_26 = arith.constant 0 : index
    %swap3A_27 = vector.load %arg6[%swap3A, %swap3A_26] : memref<1024x40xf32, #tpu.memory_space<vmem>>, vector<1024x40xf32>
    tpu.vector_store %arg6[%swap3A, %swap3A_26], %sub3A_25 {strides = array<i32>} : memref<1024x40xf32, #tpu.memory_space<vmem>>, vector<1024x40xf32>,
    return
  }
  func.func @transform_0(%arg0: i32) -> (i32, i32) {
    %c0_i32 = arith.constant 0 : i32
    %c0_i32_0 = arith.constant 0 : i32
    return %arg0, %c0_i32 : i32, i32
  }
  func.func @transform_1(%arg0: i32) -> (i32, i32) {
    %c0_i32 = arith.constant 0 : i32
    %c0_i32_0 = arith.constant 0 : i32
    return %arg0, %c0_i32 : i32, i32
  }
  func.func @transform_2(%arg0: i32) -> (i32, i32) {
    %c0_i32 = arith.constant 0 : i32
    %c0_i32_0 = arith.constant 0 : i32
    return %arg0, %c0_i32 : i32, i32
  }
  func.func @transform_3(%arg0: i32) -> (i32, i32) {
    %c0_i32 = arith.constant 0 : i32
    %c0_i32_0 = arith.constant 0 : i32
    return %arg0, %c0_i32 : i32, i32
  }
  func.func @transform_4(%arg0: i32) -> (i32, i32) {
    %c0_i32 = arith.constant 0 : i32
    %c0_i32_0 = arith.constant 0 : i32
    %c0_i32_1 = arith.constant 0 : i32
    return %c0_i32, %c0_i32_0 : i32, i32
  }
  func.func @transform_5(%arg0: i32) -> (i32, i32) {
    %c0_i32 = arith.constant 0 : i32
    %c0_i32_0 = arith.constant 0 : i32
    return %arg0, %c0_i32 : i32, i32
  }
}

</mosaic_0001>

<sc_bundles>
// kernel: kernel.11.cloned.1.call-start
scs
__scs_entry_jumppad:
0x0: {  	(pc) =	sbr.rel $0x88, $3  }
0x1: {  	(tag) =	ssettag $0x0;
	lr =	simm.s32 $0x1  }
0x2: {  	[smem:$0x3F9B] =	sst lr;
	_ =	strace $0xD0000000  }
0x3: {  	_ = 	snop  }
0x4: {  	_ = 	snop  }
0x5: {  	_ = 	snop  }
0x6: {  	_ = 	snop  }
0x7: {  	_ = 	snop  }
__scs_overlays_trampoline_lowered:
0x8: {  	[smem:$0x3FAA] =	sst s0  }
0x9: {  	[smem:$0x3FAB] =	sst s1  }
0xa: {  	[smem:$0x3FAC] =	sst s2  }
0xb: {  	[smem:$0x3FAD] =	sst s3  }
0xc: {  	[smem:$0x3FAE] =	sst s4  }
0xd: {  	[smem:$0x3FAF] =	sst s5  }
0xe: {  	[smem:$0x3FB0] =	sst s6  }
0xf: {  	[smem:$0x3FB1] =	sst s7  }
0x10: {  	[smem:$0x3FB2] =	sst s8  }
0x11: {  	[smem:$0x3FB3] =	sst s9;
	s0 =	simm.s32 @!p0 $0x0  }
0x12: {  	s1 =	sld [smem:$0x3F99];
	s0 =	simm.s32 @p0 $0x1  }
0x13: {  	[smem:$0x3FB4] =	sst s0;
	s0 =	simm.s32 @!p1 $0x0  }
0x14: {  	s2 =	sld [smem:$0x3F98];
	s0 =	simm.s32 @p1 $0x1  }
0x15: {  	[smem:$0x3FB5] =	sst s0;
	s0 =	simm.s32 @!p2 $0x0  }
0x16: {  	s3 =	sld [smem:$0x3FDB];
	s0 =	simm.s32 @p2 $0x1  }
0x17: {  	s4 =	simm.s32 $0x1BF5;
	[smem:$0x3FB7] =	sst s0  }
0x18: {  	s0 =	sld [smem:$0x3F9A];
	_ =	swait.ge [sflag:s4], $0x0  }
0x19: {  	s7 =	sld [smem:$0x3F9B]  }
0x1a: {  	s8 =	sadd.s32 $0xFFFFE003, lr  }
0x1b: {  	s9 =	sadd.s32 $0xFFFFFEF7, lr;
	s5 =	simm.s32 $0xFFFFFFFF;
	p2 =	slt.u32 s8, $0xFFFFF086  }
0x1c: {  	p1 =	slt.u32 s9, $0xF7A;
	s5 =	simm.s32 @!p2 $0x0  }
0x1d: {  	s5 =	simm.s32 @p1 $0x1;
	p0 =	seq.s32 s7, s2  }
0x1e: {  	s7 =	smul.u32 @!p0 $0xF7A, s2;
	p2 =	seq.s32 @!p0 s5, $0x0  }
0x1f: {  	s9 =	smul.u32 $0xF7A, s1;
	s8 =	simm.s32 @!p0 $0x1BF5;
	p2 =	por !p2, p0  }
0x20: {  	[sflag:s8] =	ssyncset.s32 @!p0 $0xFFFFF086;
	s6 =	sadd.s32 @!p0 s3, s7;
	s7 =	simm.s32 @!p0 $0x108  }
0x21: {  	s3 =	sadd.s32 s3, s9;
	s6 =	sadd.s32 @!p0 $0x88, s6;
	s7 =	simm.s32 @p2 $0x1082  }
0x22: {  	[simem:s7], [sflag:s8] =	dma.local @!p0 [hbm:s6], $0xF7A  }
0x23: {  	s9 =	sor.u32 $0xD0000000, s2;
	s6 =	simm.s32 $0x108;
	_ =	swait.ge @!p0 [sflag:s8], $0x0  }
0x24: {  	s3 =	sadd.s32 $0x88, s3;
	s6 =	simm.s32 @!p1 $0x1082;
	[sflag:s4] =	ssyncset.s32 $0xFFFFF086  }
0x25: {  	[simem:s6], [sflag:s4] =	dma.local [hbm:s3], $0xF7A  }
0x26: {  	[smem:$0x3F9B] =	sst s1;
	(tag) =	ssettag s2;
	_ =	strace s9  }
0x27: {  	s1 =	sld [smem:$0x3FAB]  }
0x28: {  	s2 =	sld [smem:$0x3FAC]  }
0x29: {  	s4 =	sld [smem:$0x3FAE]  }
0x2a: {  	p0 =	seq.s32 s5, $0x0;
	s5 =	sld [smem:$0x3FAF]  }
0x2b: {  	s6 =	sld [smem:$0x3FB0]  }
0x2c: {  	s7 =	sld [smem:$0x3FB1]  }
0x2d: {  	s3 =	simm.s32 $0x108;
	s8 =	sld [smem:$0x3FB2]  }
0x2e: {  	s3 =	simm.s32 @!p0 $0x1082;
	s9 =	sld [smem:$0x3FB3]  }
0x2f: {  	lr =	sadd.s32 s0, s3;
	s0 =	sld [smem:$0x3FAA]  }
0x30: {  	s3 =	sld [smem:$0x3FAD]  }
0x31: {  	[smem:$0x3FB6] =	sst s10  }
0x32: {  	s10 =	sld [smem:$0x3FB4];
	_ =	sdelay $0x3  }
0x33: {  	p0 =	seq.s32 s10, $0x1;
	s10 =	sld [smem:$0x3FB6];
	_ =	sdelay $0x3  }
0x34: {  	[smem:$0x3FB6] =	sst s10  }
0x35: {  	s10 =	sld [smem:$0x3FB5];
	_ =	sdelay $0x3  }
0x36: {  	p1 =	seq.s32 s10, $0x1;
	s10 =	sld [smem:$0x3FB6];
	_ =	sdelay $0x3  }
0x37: {  	[smem:$0x3FB6] =	sst s10  }
0x38: {  	s10 =	sld [smem:$0x3FB7]  }
0x39: {  	_ = 	snop;
	(pc) =	sbr.ind lr, $3  }
0x3a: {  	_ = 	snop  }
0x3b: {  	_ = 	snop  }
0x3c: {  	p2 =	seq.s32 s10, $0x1;
	s10 =	sld [smem:$0x3FB6]  }
0x3d: {  	_ =	shalt  }
0x3e: {  	_ =	shalt  }
0x3f: {  	_ =	shalt  }
0x40: {  	_ =	shalt  }
0x41: {  	_ =	shalt  }
0x42: {  	_ =	shalt  }
0x43: {  	_ =	shalt  }
0x44: {  	_ =	shalt  }
0x45: {  	_ =	shalt  }
0x46: {  	_ =	shalt  }
0x47: {  	_ =	shalt  }
0x48: {  	_ =	shalt  }
0x49: {  	_ =	shalt  }
0x4a: {  	_ =	shalt  }
0x4b: {  	_ =	shalt  }
0x4c: {  	_ =	shalt  }
0x4d: {  	_ =	shalt  }
0x4e: {  	_ =	shalt  }
0x4f: {  	_ =	shalt  }
0x50: {  	_ =	shalt  }
0x51: {  	_ =	shalt  }
0x52: {  	_ =	shalt  }
0x53: {  	_ =	shalt  }
0x54: {  	_ =	shalt  }
0x55: {  	_ =	shalt  }
0x56: {  	_ =	shalt  }
0x57: {  	_ =	shalt  }
0x58: {  	_ =	shalt  }
0x59: {  	_ =	shalt  }
0x5a: {  	_ =	shalt  }
0x5b: {  	_ =	shalt  }
0x5c: {  	_ =	shalt  }
0x5d: {  	_ =	shalt  }
0x5e: {  	_ =	shalt  }
0x5f: {  	_ =	shalt  }
0x60: {  	_ =	shalt  }
0x61: {  	_ =	shalt  }
0x62: {  	_ =	shalt  }
0x63: {  	_ =	shalt  }
0x64: {  	_ =	shalt  }
0x65: {  	_ =	shalt  }
0x66: {  	_ =	shalt  }
0x67: {  	_ =	shalt  }
0x68: {  	_ =	shalt  }
0x69: {  	_ =	shalt  }
0x6a: {  	_ =	shalt  }
0x6b: {  	_ =	shalt  }
0x6c: {  	_ =	shalt  }
0x6d: {  	_ =	shalt  }
0x6e: {  	_ =	shalt  }
0x6f: {  	_ =	shalt  }
0x70: {  	_ =	shalt  }
0x71: {  	_ =	shalt  }
0x72: {  	_ =	shalt  }
0x73: {  	_ =	shalt  }
0x74: {  	_ =	shalt  }
0x75: {  	_ =	shalt  }
0x76: {  	_ =	shalt  }
0x77: {  	_ =	shalt  }
0x78: {  	_ =	shalt  }
0x79: {  	_ =	shalt  }
0x7a: {  	_ =	shalt  }
0x7b: {  	_ =	shalt  }
0x7c: {  	_ =	shalt  }
0x7d: {  	_ =	shalt  }
0x7e: {  	_ =	shalt  }
0x7f: {  	_ =	shalt  }
0x80: {  	_ =	shalt  }
0x81: {  	_ =	shalt  }
0x82: {  	_ =	shalt  }
0x83: {  	_ =	shalt  }
0x84: {  	_ =	shalt  }
0x85: {  	_ =	shalt  }
0x86: {  	_ =	shalt  }
0x87: {  	_ =	shalt  }
.Lfunc_end0:
.L_simem_size_0:
called_computation.1_lowered:
.L_overlay_start_0:
0x88: {  	s2 =	sld [smem:$0x3FD9]  }
0x89: {  	s3 =	sld [smem:$0x3FFE];
	_ =	sdelay $0x1  }
0x8a: {  	s1 =	srdreg.scid  }
0x8b: {  	s0 =	sand.u32 $0x1, s1  }
0x8c: {  	s16 =	sshll.u32 s0, $0xA;
	s2 =	sadd.s32 s3, s2  }
0x8d: {  	s2 =	sadd.s32 s2, s16  }
0x8e: {  	[smem:$0x3FC2] =	sst s2  }
0x8f: {  	_ = 	snop  }
0x90: {  	(tm) =	ssettm $0x1  }
0x91: {  	s17 =	sld [smem:$0x3FFB];
	_ =	sdelay $0x3  }
0x92: {  	_ =	strace s17  }
0x93: {  	s2 =	sld [smem:$0x3FFC];
	_ =	sdelay $0x3  }
0x94: {  	_ =	strace s2  }
0x95: {  	s2 =	sld [smem:$0x3FFD];
	_ =	sdelay $0x3  }
0x96: {  	_ =	strace s2  }
0x97: {  	_ =	strace $0x8FFFFFFF  }
0x98: {  	s18 =	sld [smem:$0x3FDB];
	_ =	sdelay $0x1  }
0x99: {  	s19 =	simm.s32 $_scs_section_size  }
0x9a: {  	s4 =	simm.s32 $_size__tile_overlayer_lowered;
	s5 =	simm.s32 $_tile_overlayer_lowered  }
0x9b: {  	s22 =	simm.s32 $0x1BFF;
	s21 =	sshll.u32 s5, $0x1;
	s2 =	sadd.s32 s19, s18  }
0x9c: {  	s6 =	simm.s32 $0x0;
	s20 =	sshll.u32 s4, $0x1;
	s4 =	sadd.s32 s21, s2  }
0x9d: {  	[timem:s6], [sflag:s22] =	dma.local [hbm:s4], s20  }
0x9e: {  	_ =	swait.ge [sflag:s22], s20  }
0x9f: {  	s3 =	ssub.s32 $0x0, s20;
	[sflag:s22] =	ssyncset.done $0x0  }
0xa0: {  	[sflag:s22] =	ssyncadd.s32 s3;
	_ =	sdelay $0x1  }
0xa1: {  	s23 =	simm.s32 $0x1B8B  }
0xa2: {  	_ =	swait.ge [sflag:s23], $0x1  }
0xa3: {  	[sflag:s23] =	ssyncset.done $0x0  }
0xa4: {  	s25 =	simm.s32 $0x1B8E;
	s24 =	sld [smem:$0x3FFE];
	[sflag:s23] =	ssyncadd.s32 $0xFFFFFFFF  }
0xa5: {  	s26 =	simm.s32 $execute0_lowered;
	[smem:$0x3FD2] =	sst s25  }
0xa6: {  	s4 =	sshll.u32 s26, $0x1;
	_ =	strace $0x80000049;
	[dreg:$0x1] =	wrdreg $0xFFFFFFFF  }
0xa7: {  	s28 =	simm.s32 $_size_execute0_lowered;
	s2 =	sadd.s32 s2, s4;
	[dreg:$0x0] =	wrdreg $0x0  }
0xa8: {  	s4 =	sshll.u32 s28, $0x1;
	[dreg:$0x2] =	wrdreg s2  }
0xa9: {  	[dreg:$0x3] =	wrdreg s4  }
0xaa: {  	[dreg:$0x4] =	wrdreg $0xC0  }
0xab: {  	_ =	task [dreg:s6], $0x5FFFF  }
0xac: {  	[dreg:$0x1] =	wrdreg $0xFFFFFFFF  }
0xad: {  	[dreg:$0x0] =	wrdreg $0x60  }
0xae: {  	[dreg:$0x2] =	wrdreg s24  }
0xaf: {  	[dreg:$0x3] =	wrdreg $0x48000  }
0xb0: {  	[dreg:$0x4] =	wrdreg $0xE8000  }
0xb1: {  	[dreg:$0x5] =	wrdreg $0x9  }
0xb2: {  	_ =	task.clear_ibuf [dreg:s6], $0x6FFFF;
	_ =	strace $0x90000049  }
0xb3: {  	s29 =	simm.s32 $0x9;
	_ =	strace $0x8000004B  }
0xb4: {  	_ =	swait.ge [sflag:s29], $0x1  }
0xb5: {  	[sflag:s29] =	ssyncadd.s32 $0xFFFFFFFF  }
0xb6: {  	_ =	strace $0x9000004B  }
0xb7: {  	_ =	sfence  }
0xb8: {  	s30 =	sld [smem:$0x0];
	_ =	sdelay $0x2  }
0xb9: {  	s31 =	sshll.u32 s1, $0xD;
	s1 =	sshrl.u32 s1, $0x2  }
0xba: {  	s3 =	sand.u32 $0x4000, s31;
	s1 =	sadd.s32 s1, s30  }
0xbb: {  	s0 =	sor.u32 s3, s0;
	s1 =	sshll.u32 s1, $0x11  }
0xbc: {  	s0 =	sor.u32 s1, s0  }
0xbd: {  	s0 =	sadd.s32 $0x8F2B, s0  }
0xbe: {  	[sflag:s0] =	ssyncadd.remote.s32 $0x1  }
0xbf: {  	_ =	sfence.sel $0xFFFF  }
0xc0: {  	[dreg:$0x0] =	wrdreg $0xFFFFFFFF;
	(pc) =	sbr.abs _section_cstart, $3  }
0xc1: {  	[dreg:$0x1] =	wrdreg $0xFFFFFFFF  }
0xc2: {  	_ =	task.clear_ibuf [dreg:s6], $0x2FFFF;
	_ =	strace $0x9FFFFFFF  }
0xc3: {  	(tm) =	ssettm $0x7FFFFFFF  }
tec
execute0_lowered:
.L_overlay_start_1:
0x0: {  	(tag) =	ssettag $0x1  }
0x1: {  	s0 =	rddreg [dreg:$0x0]  }
0x2: {  	s1 =	rddreg [dreg:$0x1]  }
0x3: {  	s2 =	rddreg [dreg:$0x2];
	s3 =	simm.s32 $0x0;
	s14 =	stileid.u32  }
0x4: {  	s4 =	srdreg.scid;
	s28 =	simm.s32 $0x5;
	s8 =	smul.u32 $0x28000, s14  }
0x5: {  	s29 =	simm.s32 $0x400;
	s30 =	simm.s32 $0x80;
	s11 =	smul.u32 $0xA000, s14  }
0x6: {  	s31 =	simm.s32 $0x2800;
	[smem:$0x7FF] =	sst s3;
	s18 =	smul.u32 $0x2800, s14  }
0x7: {  	s4 =	sand.u32 $0x1, s4;
	s5 =	sadd.s32 $0x2800, s0;
	s21 =	smul.u32 $0x480, s14  }
0x8: {  	s9 =	sadd.s32 $0x16800, s0;
	s16 =	smul.u32 $0x580, s14;
	s7 =	ssub.s32 $0x2, s4  }
0x9: {  	_ =	strace $0x8000004A;
	s6 =	smul.u32 $0x28000, s4;
	s10 =	sshrl.u32 s7, $0x1  }
0xa: {  	s26 =	sshrl.u32 s11, $0x3;
	s15 =	sadd.s32 $0x5800, s21;
	[dreg:$0xe] =	wrdreg s16  }
0xb: {  	s7 =	ssub.s32 s7, s10;
	s10 =	sadd.s32 s5, s26;
	[dreg:$0xd] =	wrdreg s15  }
0xc: {  	s6 =	sadd.s32 s6, s0;
	s0 =	sadd.s32 $0x20800, s0;
	[dreg:$0x7] =	wrdreg s10  }
0xd: {  	p0 =	sne.s32 s4, $0x0;
	s25 =	sadd.s32 s15, s9;
	[dreg:$0x8] =	wrdreg s0  }
0xe: {  	s8 =	sshrl.u32 s8, $0x2;
	s9 =	sadd.s32 s16, s9;
	[dreg:$0x4] =	wrdreg s25  }
0xf: {  	s17 =	sadd.s32 s8, s1;
	s8 =	sadd.s32 s11, s2;
	[dreg:$0x5] =	wrdreg s9  }
0x10: {  	s11 =	simm.s32 $0x580;
	s7 =	smax.u32 s7, $0x1;
	[dreg:$0x6] =	wrdreg s17  }
0x11: {  	s10 =	smul.u32 $0x280, s14;
	s19 =	sadd.s32 $0x2000, s17;
	[dreg:$0x9] =	wrdreg s7  }
0x12: {  	s6 =	sadd.s32 $0x52800, s6;
	s12 =	sadd.s32 $0x4000, s17;
	[dreg:$0xa] =	wrdreg s19  }
0x13: {  	s22 =	sadd.s32 $0x6000, s17;
	s14 =	simm.s32 $0x480;
	[dreg:$0xb] =	wrdreg s12  }
0x14: {  	[dreg:$0xc] =	wrdreg s22;
	s12 =	simm.s32 $0x280;
	s20 =	sadd.s32 $0x80, s10  }
0x15: {  	s13 =	sadd.s32 $0x100, s10;
	s26 =	sadd.s32 $0x180, s10;
	s0 =	sadd.s32 $0x200, s10  }
0x16: {  	s10 =	sadd.s32 s18, s6;
	s23 =	sshll.u32 s20, $0x4;
	s7 =	sshll.u32 s20, $0x6  }
0x17: {  	s24 =	sshll.u32 s13, $0x4;
	s15 =	sshll.u32 s26, $0x4;
	s16 =	sshll.u32 s0, $0x4  }
0x18: {  	[dreg:$0xf] =	wrdreg s10;
	s20 =	sadd.s32 $0x8000, s17;
	s22 =	sshll.u32 s13, $0x6  }
0x19: {  	s0 =	sshll.u32 s0, $0x6;
	s13 =	simm.s32 $0x2;
	s10 =	simm.s32 $0x200  }
0x1a: {  	s17 =	simm.s32 $0x680;
	s18 =	sadd.s32 s23, s6;
	s19 =	sadd.s32 s24, s6  }
0x1b: {  	s9 =	sadd.s32 s15, s6;
	s4 =	sadd.s32 s16, s6;
	[dreg:$0x14] =	wrdreg s20  }
0x1c: {  	s21 =	sadd.s32 s7, s1;
	s23 =	sshll.u32 s26, $0x6;
	s6 =	sadd.s32 s22, s1  }
0x1d: {  	s0 =	sadd.s32 s0, s1;
	s26 =	sshrl.u32 s8, $0x3;
	[dreg:$0x10] =	wrdreg s18  }
0x1e: {  	s8 =	simm.s32 $0x180;
	s15 =	simm.s32 $0x600;
	[dreg:$0x11] =	wrdreg s19  }
0x1f: {  	s16 =	simm.s32 $0x300;
	s20 =	simm.s32 $0x780;
	[dreg:$0x12] =	wrdreg s9  }
0x20: {  	[dreg:$0x13] =	wrdreg s4;
	s7 =	sadd.s32 s23, s1;
	s4 =	sshrl.u32 s21, $0x3  }
0x21: {  	s24 =	sshrl.u32 s6, $0x3;
	s0 =	sshrl.u32 s0, $0x3;
	[dreg:$0x19] =	wrdreg s26  }
.Ltmp0:
0x22: {  	s26 =	simm.s32 $0x800;
	s9 =	simm.s32 $0x500;
	(pc) =	sbr.rel .LBB2_1-.Ltmp0, $4  }
0x23: {  	s18 =	simm.s32 $0x380;
	s19 =	simm.s32 $0x700;
	[dreg:$0x15] =	wrdreg s4  }
0x24: {  	s23 =	simm.s32 $0x0;
	[dreg:$0x16] =	wrdreg s24;
	s25 =	sshrl.u32 s7, $0x3  }
0x25: {  	[dreg:$0x18] =	wrdreg s0;
	s0 =	simm.s32 $0x1;
	s7 =	simm.s32 $0x3  }
0x26: {  	v0 =	vimm.f32 $0.0e+00;
	s4 =	simm.s32 $0x4;
	[dreg:$0x17] =	wrdreg s25;
	s25 =	simm.s32 $0x100  }
.LBB2_9:
0x27: {  	[sflag:s4] =	ssyncadd.s32 $0xFFFFE000  }
.LBB2_10:
0x28: {  	[bflag:$0x0] =	sbarrier.arrive $0xFFFF  }
0x29: {  	s6 =	stileid.u32;
	s21 =	rddreg [dreg:$0x6]  }
0x2a: {  	s22 =	simm.s32 $0x8;
	s6 =	sshll.u32 s6, $0x6;
	s24 =	rddreg [dreg:$0xf]  }
0x2b: {  	s23 =	sor.u32 $0x1C05, s6;
	s21 =	sshrl.u32 s21, $0x3;
	s6 =	simm.s32 $0x10  }
0x2c: {  	[hbm:s24@s6], [sflag:s23] =	dma.strided [spmem:s21@s22], $0x400, s0, $0x8   }
0x2d: {  	_ =	swait.ge [sflag:s28], $0x400  }
0x2e: {  	[sflag:s28] =	ssyncset.done $0x0;
	s21 =	rddreg [dreg:$0x10]  }
0x2f: {  	s24 =	rddreg [dreg:$0x15];
	[sflag:s28] =	ssyncadd.s32 $0xFFFFFC00  }
0x30: {  	[hbm:s21@s6], [sflag:s23] =	dma.strided [spmem:s24@s22], $0x400, s0, $0x8   }
0x31: {  	_ =	swait.ge [sflag:s28], $0x400  }
0x32: {  	s22 =	simm.s32 $0x10;
	[sflag:s28] =	ssyncset.done $0x0;
	s21 =	rddreg [dreg:$0x11]  }
0x33: {  	s6 =	simm.s32 $0x8;
	s24 =	rddreg [dreg:$0x16];
	[sflag:s28] =	ssyncadd.s32 $0xFFFFFC00  }
0x34: {  	[hbm:s21@s22], [sflag:s23] =	dma.strided [spmem:s24@s6], $0x400, s0, $0x8   }
0x35: {  	_ =	swait.ge [sflag:s28], $0x400  }
0x36: {  	s6 =	simm.s32 $0x10;
	[sflag:s28] =	ssyncset.done $0x0;
	s21 =	rddreg [dreg:$0x12]  }
0x37: {  	s22 =	simm.s32 $0x8;
	s24 =	rddreg [dreg:$0x17];
	[sflag:s28] =	ssyncadd.s32 $0xFFFFFC00  }
0x38: {  	[hbm:s21@s6], [sflag:s23] =	dma.strided [spmem:s24@s22], $0x400, s0, $0x8   }
0x39: {  	_ =	swait.ge [sflag:s28], $0x400  }
0x3a: {  	[sflag:s28] =	ssyncset.done $0x0;
	s21 =	rddreg [dreg:$0x13]  }
0x3b: {  	s6 =	simm.s32 $0x10;
	s24 =	rddreg [dreg:$0x18];
	[sflag:s28] =	ssyncadd.s32 $0xFFFFFC00  }
0x3c: {  	[hbm:s21@s6], [sflag:s23] =	dma.strided [spmem:s24@s22], $0x400, s0, $0x8   }
0x3d: {  	_ =	swait.ge [sflag:s28], $0x400  }
0x3e: {  	s22 =	rddreg [dreg:$0x1a]  }
0x3f: {  	s24 =	rddreg [dreg:$0x9];
	s23 =	sadd.s32 $0x1, s22  }
0x40: {  	p1 =	sne.s32 s23, s24  }
.Ltmp1:
0x41: {  	_ = 	snop;
	(pc) =	sbr.rel @!p1 .LBB2_11-.Ltmp1, $3  }
0x42: {  	_ =	sdelay $0x1  }
0x43: {  	[sflag:s28] =	ssyncset.done $0x0  }
0x44: {  	[sflag:s28] =	ssyncadd.s32 $0xFFFFFC00  }
.LBB2_1:
0x45: {  	s24 =	simm.s32 $0x100;
	s6 =	simm.s32 $0x0  }
.LBB2_2:
0x46: {  	p1 =	sne.s32 s24, $0x7F00;
	[tilespmem:s6+$0x830] =	vst v0;
	s21 =	smov.u32 s24;
	s24 =	sadd.s32 $0x100, s24  }
.Ltmp2:
0x47: {  	[tilespmem:s6+$0x820] =	vst v0;
	(pc) =	sbr.rel @p1 .LBB2_2-.Ltmp2, $3  }
0x48: {  	[tilespmem:s6+$0x800] =	vst v0  }
0x49: {  	[tilespmem:s6+$0x810] =	vst v0;
	_ =	sdelay $0x1  }
0x4a: {  	s6 =	sshra.s32 s21, $0x2  }
0x4b: {  	[tilespmem:s6+$0x830] =	vst v0  }
0x4c: {  	[tilespmem:s6+$0x820] =	vst v0  }
0x4d: {  	[tilespmem:s6+$0x800] =	vst v0  }
0x4e: {  	[tilespmem:s6+$0x810] =	vst v0;
	s22 =	rddreg [dreg:$0x6]  }
0x4f: {  	[spmem:s22] =	stream.linear.scatter [tilespmem:s26], [sflag:$0x5], $0x2000, $0x38;
	[tilespmem:$0x18800] =	vst v63  }
0x50: {  	_ =	swait.ge [sflag:s28], $0x2000  }
0x51: {  	[sflag:s28] =	ssyncset.done $0x0  }
0x52: {  	s24 =	rddreg [dreg:$0xa];
	[sflag:s28] =	ssyncadd.s32 $0xFFFFE000  }
0x53: {  	[spmem:s24] =	stream.linear.scatter [tilespmem:s26], [sflag:$0x5], $0x2000, $0x38;
	[tilespmem:$0x18800] =	vst v63  }
0x54: {  	_ =	swait.ge [sflag:s28], $0x2000  }
0x55: {  	[sflag:s28] =	ssyncset.done $0x0  }
0x56: {  	s21 =	rddreg [dreg:$0xb];
	[sflag:s28] =	ssyncadd.s32 $0xFFFFE000  }
0x57: {  	[spmem:s21] =	stream.linear.scatter [tilespmem:s26], [sflag:$0x5], $0x2000, $0x38;
	[tilespmem:$0x18800] =	vst v63  }
0x58: {  	_ =	swait.ge [sflag:s28], $0x2000  }
0x59: {  	[sflag:s28] =	ssyncset.done $0x0  }
0x5a: {  	s22 =	rddreg [dreg:$0xc];
	[sflag:s28] =	ssyncadd.s32 $0xFFFFE000  }
0x5b: {  	[spmem:s22] =	stream.linear.scatter [tilespmem:s26], [sflag:$0x5], $0x2000, $0x38;
	[tilespmem:$0x18800] =	vst v63  }
0x5c: {  	_ =	swait.ge [sflag:s28], $0x2000  }
0x5d: {  	[sflag:s28] =	ssyncset.done $0x0  }
.Ltmp3:
0x5e: {  	s24 =	rddreg [dreg:$0x14];
	[sflag:s28] =	ssyncadd.s32 $0xFFFFE000;
	(pc) =	sbr.rel @p0 .LBB2_7-.Ltmp3, $4  }
0x5f: {  	[spmem:s24] =	stream.linear.scatter [tilespmem:s26], [sflag:$0x5], $0x2000, $0x38;
	[tilespmem:$0x18800] =	vst v63  }
0x60: {  	_ =	swait.ge [sflag:s28], $0x2000  }
0x61: {  	[sflag:s28] =	ssyncset.done $0x0  }
0x62: {  	[dreg:$0x1a] =	wrdreg s23;
	[sflag:s28] =	ssyncadd.s32 $0xFFFFE000  }
0x63: {  	[bflag:$0x0] =	sbarrier.arrive $0xFFFF  }
0x64: {  	s6 =	rddreg [dreg:$0x5]  }
0x65: {  	s6 =	sadd.s32 $0x0, s6  }
0x66: {  	[tilespmem:s3], [sflag:$0x5] =	stream.linear.gather [hbm4b:s6+s3], $0x400, $0x38;
	[tilespmem:$0x18800] =	vst v63  }
0x67: {  	_ =	swait.ge [sflag:s28], $0x400  }
0x68: {  	s24 =	rddreg [dreg:$0x8]  }
0x69: {  	s21 =	rddreg [dreg:$0xe]  }
0x6a: {  	[sflag:s28] =	ssyncset.done $0x0;
	s24 =	sadd.s32 s24, s21  }
0x6b: {  	[sflag:s28] =	ssyncadd.s32 $0xFFFFFC00;
	s6 =	sadd.s32 $0x0, s24  }
0x6c: {  	[tilespmem:s29], [sflag:$0x5] =	stream.linear.gather [hbm4b:s6+s3], $0x400, $0x38;
	[tilespmem:$0x18800] =	vst v63  }
0x6d: {  	_ =	swait.ge [sflag:s28], $0x400  }
0x6e: {  	[sflag:s28] =	ssyncset.done $0x0  }
0x6f: {  	[sflag:s28] =	ssyncadd.s32 $0xFFFFFC00  }
0x70: {  	[tilespmem:s26], [sflag:$0x1] =	stream.indirect.gather [hbm4b:s5+s30], $0x40, s3, s30, $0xb8;
	[tilespmem:$0x18800] =	vst v63  }
0x71: {  	_ = 	snop  }
0x72: {  	[tilespmem:s31], [sflag:$0x2] =	stream.indirect.gather [hbm4b:s5+s30], $0x40, s30, s30, $0xb8;
	[tilespmem:$0x18800] =	vst v63  }
0x73: {  	_ =	swait.ge [sflag:s0], $0x2000  }
0x74: {  	[sflag:s0] =	ssyncset.done $0x0  }
0x75: {  	[sflag:s0] =	ssyncadd.s32 $0xFFFFE000  }
0x76: {  	[spmem:s1] =	stream.indirect.scatter.add.f32 [tilespmem:s26], [sflag:$0x3], $0x40, s29, s30, $0xb8;
	[tilespmem:$0x18800] =	vst v63  }
0x77: {  	_ =	swait.ge [sflag:s7], $0x2000  }
0x78: {  	[sflag:s7] =	ssyncset.done $0x0  }
0x79: {  	[sflag:s7] =	ssyncadd.s32 $0xFFFFE000  }
0x7a: {  	[tilespmem:s26], [sflag:$0x1] =	stream.indirect.gather [hbm4b:s5+s30], $0x40, s25, s30, $0xb8;
	[tilespmem:$0x18800] =	vst v63  }
0x7b: {  	_ =	swait.ge [sflag:s13], $0x2000  }
0x7c: {  	[sflag:s13] =	ssyncset.done $0x0  }
0x7d: {  	[sflag:s13] =	ssyncadd.s32 $0xFFFFE000  }
0x7e: {  	[spmem:s1] =	stream.indirect.scatter.add.f32 [tilespmem:s31], [sflag:$0x4], $0x40, s14, s30, $0xb8;
	[tilespmem:$0x18800] =	vst v63  }
0x7f: {  	_ =	swait.ge [sflag:s4], $0x2000  }
0x80: {  	[sflag:s4] =	ssyncset.done $0x0  }
0x81: {  	[sflag:s4] =	ssyncadd.s32 $0xFFFFE000  }
0x82: {  	[tilespmem:s31], [sflag:$0x2] =	stream.indirect.gather [hbm4b:s5+s30], $0x40, s8, s30, $0xb8;
	[tilespmem:$0x18800] =	vst v63  }
0x83: {  	_ =	swait.ge [sflag:s0], $0x2000  }
0x84: {  	[sflag:s0] =	ssyncset.done $0x0  }
0x85: {  	[sflag:s0] =	ssyncadd.s32 $0xFFFFE000  }
0x86: {  	[spmem:s1] =	stream.indirect.scatter.add.f32 [tilespmem:s26], [sflag:$0x3], $0x40, s9, s30, $0xb8;
	[tilespmem:$0x18800] =	vst v63  }
0x87: {  	_ =	swait.ge [sflag:s7], $0x2000  }
0x88: {  	[sflag:s7] =	ssyncset.done $0x0  }
0x89: {  	[sflag:s7] =	ssyncadd.s32 $0xFFFFE000  }
0x8a: {  	[tilespmem:s26], [sflag:$0x1] =	stream.indirect.gather [hbm4b:s5+s30], $0x40, s10, s30, $0xb8;
	[tilespmem:$0x18800] =	vst v63  }
0x8b: {  	_ =	swait.ge [sflag:s13], $0x2000  }
0x8c: {  	[sflag:s13] =	ssyncset.done $0x0  }
0x8d: {  	[sflag:s13] =	ssyncadd.s32 $0xFFFFE000  }
0x8e: {  	[spmem:s1] =	stream.indirect.scatter.add.f32 [tilespmem:s31], [sflag:$0x4], $0x40, s11, s30, $0xb8;
	[tilespmem:$0x18800] =	vst v63  }
0x8f: {  	_ =	swait.ge [sflag:s4], $0x2000  }
0x90: {  	[sflag:s4] =	ssyncset.done $0x0  }
0x91: {  	[sflag:s4] =	ssyncadd.s32 $0xFFFFE000  }
0x92: {  	[tilespmem:s31], [sflag:$0x2] =	stream.indirect.gather [hbm4b:s5+s30], $0x40, s12, s30, $0xb8;
	[tilespmem:$0x18800] =	vst v63  }
0x93: {  	_ =	swait.ge [sflag:s0], $0x2000  }
0x94: {  	[sflag:s0] =	ssyncset.done $0x0  }
0x95: {  	[sflag:s0] =	ssyncadd.s32 $0xFFFFE000  }
0x96: {  	[spmem:s1] =	stream.indirect.scatter.add.f32 [tilespmem:s26], [sflag:$0x3], $0x40, s15, s30, $0xb8;
	[tilespmem:$0x18800] =	vst v63  }
0x97: {  	_ =	swait.ge [sflag:s7], $0x2000  }
0x98: {  	[sflag:s7] =	ssyncset.done $0x0  }
0x99: {  	[sflag:s7] =	ssyncadd.s32 $0xFFFFE000  }
0x9a: {  	[tilespmem:s26], [sflag:$0x1] =	stream.indirect.gather [hbm4b:s5+s30], $0x40, s16, s30, $0xb8;
	[tilespmem:$0x18800] =	vst v63  }
0x9b: {  	_ =	swait.ge [sflag:s13], $0x2000  }
0x9c: {  	[sflag:s13] =	ssyncset.done $0x0  }
0x9d: {  	[sflag:s13] =	ssyncadd.s32 $0xFFFFE000  }
0x9e: {  	[spmem:s1] =	stream.indirect.scatter.add.f32 [tilespmem:s31], [sflag:$0x4], $0x40, s17, s30, $0xb8;
	[tilespmem:$0x18800] =	vst v63  }
0x9f: {  	_ =	swait.ge [sflag:s4], $0x2000  }
0xa0: {  	[sflag:s4] =	ssyncset.done $0x0  }
0xa1: {  	[sflag:s4] =	ssyncadd.s32 $0xFFFFE000  }
0xa2: {  	[tilespmem:s31], [sflag:$0x2] =	stream.indirect.gather [hbm4b:s5+s30], $0x40, s18, s30, $0xb8;
	[tilespmem:$0x18800] =	vst v63  }
0xa3: {  	_ =	swait.ge [sflag:s0], $0x2000  }
0xa4: {  	[sflag:s0] =	ssyncset.done $0x0  }
0xa5: {  	[sflag:s0] =	ssyncadd.s32 $0xFFFFE000  }
0xa6: {  	[spmem:s1] =	stream.indirect.scatter.add.f32 [tilespmem:s26], [sflag:$0x3], $0x40, s19, s30, $0xb8;
	[tilespmem:$0x18800] =	vst v63  }
0xa7: {  	_ =	swait.ge [sflag:s13], $0x2000  }
0xa8: {  	[sflag:s13] =	ssyncset.done $0x0  }
0xa9: {  	[sflag:s13] =	ssyncadd.s32 $0xFFFFE000  }
0xaa: {  	[spmem:s1] =	stream.indirect.scatter.add.f32 [tilespmem:s31], [sflag:$0x4], $0x40, s20, s30, $0xb8;
	[tilespmem:$0x18800] =	vst v63  }
0xab: {  	_ =	swait.ge [sflag:s7], $0x2000  }
0xac: {  	[sflag:s7] =	ssyncset.done $0x0  }
0xad: {  	[sflag:s7] =	ssyncadd.s32 $0xFFFFE000  }
0xae: {  	_ =	swait.ge [sflag:s4], $0x2000  }
0xaf: {  	s6 =	simm.s32 $0x80;
	[sflag:s4] =	ssyncset.done $0x0  }
.LBB2_5:
0xb0: {  	s21 =	rddreg [dreg:$0x5];
	s22 =	smov.u32 s6  }
0xb1: {  	[sflag:s4] =	ssyncadd.s32 $0xFFFFE000;
	s21 =	sadd.s32 s22, s21  }
0xb2: {  	[tilespmem:s3], [sflag:$0x5] =	stream.linear.gather [hbm4b:s21+s3], $0x400, $0x38;
	[tilespmem:$0x18800] =	vst v63  }
0xb3: {  	_ =	swait.ge [sflag:s28], $0x400  }
0xb4: {  	[sflag:s28] =	ssyncset.done $0x0  }
0xb5: {  	s23 =	sadd.s32 s22, s24;
	[sflag:s28] =	ssyncadd.s32 $0xFFFFFC00  }
0xb6: {  	[tilespmem:s29], [sflag:$0x5] =	stream.linear.gather [hbm4b:s23+s3], $0x400, $0x38;
	[tilespmem:$0x18800] =	vst v63  }
0xb7: {  	_ =	swait.ge [sflag:s28], $0x400  }
0xb8: {  	[sflag:s28] =	ssyncset.done $0x0  }
0xb9: {  	[sflag:s28] =	ssyncadd.s32 $0xFFFFFC00  }
0xba: {  	[tilespmem:s26], [sflag:$0x1] =	stream.indirect.gather [hbm4b:s5+s30], $0x40, s3, s30, $0xb8;
	[tilespmem:$0x18800] =	vst v63  }
0xbb: {  	_ = 	snop  }
0xbc: {  	[tilespmem:s31], [sflag:$0x2] =	stream.indirect.gather [hbm4b:s5+s30], $0x40, s30, s30, $0xb8;
	[tilespmem:$0x18800] =	vst v63  }
0xbd: {  	_ =	swait.ge [sflag:s0], $0x2000  }
0xbe: {  	[sflag:s0] =	ssyncset.done $0x0  }
0xbf: {  	[sflag:s0] =	ssyncadd.s32 $0xFFFFE000  }
0xc0: {  	[spmem:s1] =	stream.indirect.scatter.add.f32 [tilespmem:s26], [sflag:$0x3], $0x40, s29, s30, $0xb8;
	[tilespmem:$0x18800] =	vst v63  }
0xc1: {  	_ =	swait.ge [sflag:s7], $0x2000  }
0xc2: {  	[sflag:s7] =	ssyncset.done $0x0  }
0xc3: {  	[sflag:s7] =	ssyncadd.s32 $0xFFFFE000  }
0xc4: {  	[tilespmem:s26], [sflag:$0x1] =	stream.indirect.gather [hbm4b:s5+s30], $0x40, s25, s30, $0xb8;
	[tilespmem:$0x18800] =	vst v63  }
0xc5: {  	_ =	swait.ge [sflag:s13], $0x2000  }
0xc6: {  	[sflag:s13] =	ssyncset.done $0x0  }
0xc7: {  	[sflag:s13] =	ssyncadd.s32 $0xFFFFE000  }
0xc8: {  	[spmem:s1] =	stream.indirect.scatter.add.f32 [tilespmem:s31], [sflag:$0x4], $0x40, s14, s30, $0xb8;
	[tilespmem:$0x18800] =	vst v63  }
0xc9: {  	_ =	swait.ge [sflag:s4], $0x2000  }
0xca: {  	[sflag:s4] =	ssyncset.done $0x0  }
0xcb: {  	[sflag:s4] =	ssyncadd.s32 $0xFFFFE000  }
0xcc: {  	[tilespmem:s31], [sflag:$0x2] =	stream.indirect.gather [hbm4b:s5+s30], $0x40, s8, s30, $0xb8;
	[tilespmem:$0x18800] =	vst v63  }
0xcd: {  	_ =	swait.ge [sflag:s0], $0x2000  }
0xce: {  	[sflag:s0] =	ssyncset.done $0x0  }
0xcf: {  	[sflag:s0] =	ssyncadd.s32 $0xFFFFE000  }
0xd0: {  	[spmem:s1] =	stream.indirect.scatter.add.f32 [tilespmem:s26], [sflag:$0x3], $0x40, s9, s30, $0xb8;
	[tilespmem:$0x18800] =	vst v63  }
0xd1: {  	_ =	swait.ge [sflag:s7], $0x2000  }
0xd2: {  	[sflag:s7] =	ssyncset.done $0x0  }
0xd3: {  	[sflag:s7] =	ssyncadd.s32 $0xFFFFE000  }
0xd4: {  	[tilespmem:s26], [sflag:$0x1] =	stream.indirect.gather [hbm4b:s5+s30], $0x40, s10, s30, $0xb8;
	[tilespmem:$0x18800] =	vst v63  }
0xd5: {  	_ =	swait.ge [sflag:s13], $0x2000  }
0xd6: {  	[sflag:s13] =	ssyncset.done $0x0  }
0xd7: {  	[sflag:s13] =	ssyncadd.s32 $0xFFFFE000  }
0xd8: {  	[spmem:s1] =	stream.indirect.scatter.add.f32 [tilespmem:s31], [sflag:$0x4], $0x40, s11, s30, $0xb8;
	[tilespmem:$0x18800] =	vst v63  }
0xd9: {  	_ =	swait.ge [sflag:s4], $0x2000  }
0xda: {  	[sflag:s4] =	ssyncset.done $0x0  }
0xdb: {  	[sflag:s4] =	ssyncadd.s32 $0xFFFFE000  }
0xdc: {  	[tilespmem:s31], [sflag:$0x2] =	stream.indirect.gather [hbm4b:s5+s30], $0x40, s12, s30, $0xb8;
	[tilespmem:$0x18800] =	vst v63  }
0xdd: {  	_ =	swait.ge [sflag:s0], $0x2000  }
0xde: {  	[sflag:s0] =	ssyncset.done $0x0  }
0xdf: {  	[sflag:s0] =	ssyncadd.s32 $0xFFFFE000  }
0xe0: {  	[spmem:s1] =	stream.indirect.scatter.add.f32 [tilespmem:s26], [sflag:$0x3], $0x40, s15, s30, $0xb8;
	[tilespmem:$0x18800] =	vst v63  }
0xe1: {  	_ =	swait.ge [sflag:s7], $0x2000  }
0xe2: {  	[sflag:s7] =	ssyncset.done $0x0  }
0xe3: {  	[sflag:s7] =	ssyncadd.s32 $0xFFFFE000  }
0xe4: {  	[tilespmem:s26], [sflag:$0x1] =	stream.indirect.gather [hbm4b:s5+s30], $0x40, s16, s30, $0xb8;
	[tilespmem:$0x18800] =	vst v63  }
0xe5: {  	_ =	swait.ge [sflag:s13], $0x2000  }
0xe6: {  	[sflag:s13] =	ssyncset.done $0x0  }
0xe7: {  	[sflag:s13] =	ssyncadd.s32 $0xFFFFE000  }
0xe8: {  	[spmem:s1] =	stream.indirect.scatter.add.f32 [tilespmem:s31], [sflag:$0x4], $0x40, s17, s30, $0xb8;
	[tilespmem:$0x18800] =	vst v63  }
0xe9: {  	_ =	swait.ge [sflag:s4], $0x2000  }
0xea: {  	[sflag:s4] =	ssyncset.done $0x0  }
0xeb: {  	[sflag:s4] =	ssyncadd.s32 $0xFFFFE000  }
0xec: {  	[tilespmem:s31], [sflag:$0x2] =	stream.indirect.gather [hbm4b:s5+s30], $0x40, s18, s30, $0xb8;
	[tilespmem:$0x18800] =	vst v63  }
0xed: {  	_ =	swait.ge [sflag:s0], $0x2000  }
0xee: {  	[sflag:s0] =	ssyncset.done $0x0  }
0xef: {  	[sflag:s0] =	ssyncadd.s32 $0xFFFFE000  }
0xf0: {  	[spmem:s1] =	stream.indirect.scatter.add.f32 [tilespmem:s26], [sflag:$0x3], $0x40, s19, s30, $0xb8;
	[tilespmem:$0x18800] =	vst v63  }
0xf1: {  	_ =	swait.ge [sflag:s13], $0x2000  }
0xf2: {  	[sflag:s13] =	ssyncset.done $0x0  }
0xf3: {  	p1 =	seq.s32 s6, $0x500;
	[sflag:s13] =	ssyncadd.s32 $0xFFFFE000  }
0xf4: {  	[spmem:s1] =	stream.indirect.scatter.add.f32 [tilespmem:s31], [sflag:$0x4], $0x40, s20, s30, $0xb8;
	[tilespmem:$0x18800] =	vst v63  }
.Ltmp4:
0xf5: {  	_ =	swait.ge [sflag:s7], $0x2000;
	(pc) =	sbr.rel @!p1 .LBB2_5-.Ltmp4, $4  }
0xf6: {  	[sflag:s7] =	ssyncset.done $0x0  }
0xf7: {  	[sflag:s7] =	ssyncadd.s32 $0xFFFFE000  }
0xf8: {  	_ =	swait.ge [sflag:s4], $0x2000  }
0xf9: {  	s6 =	sadd.s32 $0x80, s6;
	[sflag:s4] =	ssyncset.done $0x0  }
.Ltmp5:
0xfa: {  	(pc) =	sbr.rel .LBB2_10-.Ltmp5, $2  }
0xfb: {  	_ =	sdelay $0x2  }
0xfc: {  	[sflag:s4] =	ssyncadd.s32 $0xFFFFE000  }
.LBB2_7:
0xfd: {  	s6 =	stileid.u32  }
0xfe: {  	s21 =	rddreg [dreg:$0x7];
	s6 =	sshll.u32 s6, $0x6  }
0xff: {  	s22 =	rddreg [dreg:$0x19];
	s6 =	sor.u32 $0x1C05, s6  }
0x100: {  	[spmem:s22], [sflag:s6] =	dma.local [hbm:s21], $0x1400  }
0x101: {  	_ =	swait.ge [sflag:s28], $0x1400  }
0x102: {  	[sflag:s28] =	ssyncset.done $0x0  }
0x103: {  	[sflag:s28] =	ssyncadd.s32 $0xFFFFEC00  }
0x104: {  	[bflag:$0x0] =	sbarrier.arrive $0xFFFF  }
0x105: {  	s22 =	rddreg [dreg:$0x4]  }
0x106: {  	s6 =	sadd.s32 $0x0, s22  }
0x107: {  	[tilespmem:s3], [sflag:$0x5] =	stream.linear.gather [hbm4b:s6+s3], $0x400, $0x38;
	[tilespmem:$0x18800] =	vst v63  }
0x108: {  	_ =	swait.ge [sflag:s28], $0x400  }
0x109: {  	s23 =	rddreg [dreg:$0x8]  }
0x10a: {  	s24 =	rddreg [dreg:$0xd]  }
0x10b: {  	[sflag:s28] =	ssyncset.done $0x0;
	s24 =	sadd.s32 s23, s24  }
0x10c: {  	[sflag:s28] =	ssyncadd.s32 $0xFFFFFC00;
	s6 =	sadd.s32 $0x0, s24  }
0x10d: {  	[tilespmem:s29], [sflag:$0x5] =	stream.linear.gather [hbm4b:s6+s3], $0x400, $0x38;
	[tilespmem:$0x18800] =	vst v63  }
0x10e: {  	_ =	swait.ge [sflag:s28], $0x400  }
0x10f: {  	[sflag:s28] =	ssyncset.done $0x0  }
0x110: {  	[sflag:s28] =	ssyncadd.s32 $0xFFFFFC00  }
0x111: {  	[tilespmem:s26], [sflag:$0x1] =	stream.indirect.gather [spmem:s2], $0x40, s3, s30, $0xb8;
	[tilespmem:$0x18800] =	vst v63  }
0x112: {  	_ = 	snop  }
0x113: {  	[tilespmem:s31], [sflag:$0x2] =	stream.indirect.gather [spmem:s2], $0x40, s30, s30, $0xb8;
	[tilespmem:$0x18800] =	vst v63  }
0x114: {  	_ =	swait.ge [sflag:s0], $0x2000  }
0x115: {  	[sflag:s0] =	ssyncset.done $0x0  }
0x116: {  	[sflag:s0] =	ssyncadd.s32 $0xFFFFE000  }
0x117: {  	[spmem:s1] =	stream.indirect.scatter.add.f32 [tilespmem:s26], [sflag:$0x3], $0x40, s29, s30, $0xb8;
	[tilespmem:$0x18800] =	vst v63  }
0x118: {  	_ =	swait.ge [sflag:s7], $0x2000  }
0x119: {  	[sflag:s7] =	ssyncset.done $0x0  }
0x11a: {  	[sflag:s7] =	ssyncadd.s32 $0xFFFFE000  }
0x11b: {  	[tilespmem:s26], [sflag:$0x1] =	stream.indirect.gather [spmem:s2], $0x40, s25, s30, $0xb8;
	[tilespmem:$0x18800] =	vst v63  }
0x11c: {  	_ =	swait.ge [sflag:s13], $0x2000  }
0x11d: {  	[sflag:s13] =	ssyncset.done $0x0  }
0x11e: {  	[sflag:s13] =	ssyncadd.s32 $0xFFFFE000  }
0x11f: {  	[spmem:s1] =	stream.indirect.scatter.add.f32 [tilespmem:s31], [sflag:$0x4], $0x40, s14, s30, $0xb8;
	[tilespmem:$0x18800] =	vst v63  }
0x120: {  	_ =	swait.ge [sflag:s4], $0x2000  }
0x121: {  	[sflag:s4] =	ssyncset.done $0x0  }
0x122: {  	[sflag:s4] =	ssyncadd.s32 $0xFFFFE000  }
0x123: {  	[tilespmem:s31], [sflag:$0x2] =	stream.indirect.gather [spmem:s2], $0x40, s8, s30, $0xb8;
	[tilespmem:$0x18800] =	vst v63  }
0x124: {  	_ =	swait.ge [sflag:s0], $0x2000  }
0x125: {  	[sflag:s0] =	ssyncset.done $0x0  }
0x126: {  	[sflag:s0] =	ssyncadd.s32 $0xFFFFE000  }
0x127: {  	[spmem:s1] =	stream.indirect.scatter.add.f32 [tilespmem:s26], [sflag:$0x3], $0x40, s9, s30, $0xb8;
	[tilespmem:$0x18800] =	vst v63  }
0x128: {  	_ =	swait.ge [sflag:s7], $0x2000  }
0x129: {  	[sflag:s7] =	ssyncset.done $0x0  }
0x12a: {  	[sflag:s7] =	ssyncadd.s32 $0xFFFFE000  }
0x12b: {  	[tilespmem:s26], [sflag:$0x1] =	stream.indirect.gather [spmem:s2], $0x40, s10, s30, $0xb8;
	[tilespmem:$0x18800] =	vst v63  }
0x12c: {  	_ =	swait.ge [sflag:s13], $0x2000  }
0x12d: {  	[sflag:s13] =	ssyncset.done $0x0  }
0x12e: {  	[sflag:s13] =	ssyncadd.s32 $0xFFFFE000  }
0x12f: {  	[spmem:s1] =	stream.indirect.scatter.add.f32 [tilespmem:s31], [sflag:$0x4], $0x40, s11, s30, $0xb8;
	[tilespmem:$0x18800] =	vst v63  }
0x130: {  	_ =	swait.ge [sflag:s4], $0x2000  }
0x131: {  	[sflag:s4] =	ssyncset.done $0x0  }
0x132: {  	[sflag:s4] =	ssyncadd.s32 $0xFFFFE000  }
0x133: {  	[tilespmem:s31], [sflag:$0x2] =	stream.indirect.gather [spmem:s2], $0x40, s12, s30, $0xb8;
	[tilespmem:$0x18800] =	vst v63  }
0x134: {  	_ =	swait.ge [sflag:s0], $0x2000  }
0x135: {  	[sflag:s0] =	ssyncset.done $0x0  }
0x136: {  	[sflag:s0] =	ssyncadd.s32 $0xFFFFE000  }
0x137: {  	[spmem:s1] =	stream.indirect.scatter.add.f32 [tilespmem:s26], [sflag:$0x3], $0x40, s15, s30, $0xb8;
	[tilespmem:$0x18800] =	vst v63  }
0x138: {  	_ =	swait.ge [sflag:s7], $0x2000  }
0x139: {  	[sflag:s7] =	ssyncset.done $0x0  }
0x13a: {  	[sflag:s7] =	ssyncadd.s32 $0xFFFFE000  }
0x13b: {  	[tilespmem:s26], [sflag:$0x1] =	stream.indirect.gather [spmem:s2], $0x40, s16, s30, $0xb8;
	[tilespmem:$0x18800] =	vst v63  }
0x13c: {  	_ =	swait.ge [sflag:s13], $0x2000  }
0x13d: {  	[sflag:s13] =	ssyncset.done $0x0  }
0x13e: {  	[sflag:s13] =	ssyncadd.s32 $0xFFFFE000  }
0x13f: {  	[spmem:s1] =	stream.indirect.scatter.add.f32 [tilespmem:s31], [sflag:$0x4], $0x40, s17, s30, $0xb8;
	[tilespmem:$0x18800] =	vst v63  }
0x140: {  	_ =	swait.ge [sflag:s4], $0x2000  }
0x141: {  	[sflag:s4] =	ssyncset.done $0x0  }
0x142: {  	[sflag:s4] =	ssyncadd.s32 $0xFFFFE000  }
0x143: {  	[tilespmem:s31], [sflag:$0x2] =	stream.indirect.gather [spmem:s2], $0x40, s18, s30, $0xb8;
	[tilespmem:$0x18800] =	vst v63  }
0x144: {  	_ =	swait.ge [sflag:s0], $0x2000  }
0x145: {  	[sflag:s0] =	ssyncset.done $0x0  }
0x146: {  	[sflag:s0] =	ssyncadd.s32 $0xFFFFE000  }
0x147: {  	[spmem:s1] =	stream.indirect.scatter.add.f32 [tilespmem:s26], [sflag:$0x3], $0x40, s19, s30, $0xb8;
	[tilespmem:$0x18800] =	vst v63  }
0x148: {  	_ =	swait.ge [sflag:s13], $0x2000  }
0x149: {  	[sflag:s13] =	ssyncset.done $0x0  }
0x14a: {  	[sflag:s13] =	ssyncadd.s32 $0xFFFFE000  }
0x14b: {  	[spmem:s1] =	stream.indirect.scatter.add.f32 [tilespmem:s31], [sflag:$0x4], $0x40, s20, s30, $0xb8;
	[tilespmem:$0x18800] =	vst v63  }
0x14c: {  	_ =	swait.ge [sflag:s7], $0x2000  }
0x14d: {  	[sflag:s7] =	ssyncset.done $0x0  }
0x14e: {  	[sflag:s7] =	ssyncadd.s32 $0xFFFFE000  }
0x14f: {  	_ =	swait.ge [sflag:s4], $0x2000  }
0x150: {  	s6 =	simm.s32 $0x80;
	[sflag:s4] =	ssyncset.done $0x0  }
.LBB2_8:
0x151: {  	s21 =	rddreg [dreg:$0x4];
	s22 =	smov.u32 s6  }
0x152: {  	[sflag:s4] =	ssyncadd.s32 $0xFFFFE000;
	s21 =	sadd.s32 s22, s21  }
0x153: {  	[tilespmem:s3], [sflag:$0x5] =	stream.linear.gather [hbm4b:s21+s3], $0x400, $0x38;
	[tilespmem:$0x18800] =	vst v63  }
0x154: {  	_ =	swait.ge [sflag:s28], $0x400  }
0x155: {  	[sflag:s28] =	ssyncset.done $0x0  }
0x156: {  	s23 =	sadd.s32 s22, s24;
	[sflag:s28] =	ssyncadd.s32 $0xFFFFFC00  }
0x157: {  	[tilespmem:s29], [sflag:$0x5] =	stream.linear.gather [hbm4b:s23+s3], $0x400, $0x38;
	[tilespmem:$0x18800] =	vst v63  }
0x158: {  	_ =	swait.ge [sflag:s28], $0x400  }
0x159: {  	[sflag:s28] =	ssyncset.done $0x0  }
0x15a: {  	[sflag:s28] =	ssyncadd.s32 $0xFFFFFC00  }
0x15b: {  	[tilespmem:s26], [sflag:$0x1] =	stream.indirect.gather [spmem:s2], $0x40, s3, s30, $0xb8;
	[tilespmem:$0x18800] =	vst v63  }
0x15c: {  	_ = 	snop  }
0x15d: {  	[tilespmem:s31], [sflag:$0x2] =	stream.indirect.gather [spmem:s2], $0x40, s30, s30, $0xb8;
	[tilespmem:$0x18800] =	vst v63  }
0x15e: {  	_ =	swait.ge [sflag:s0], $0x2000  }
0x15f: {  	[sflag:s0] =	ssyncset.done $0x0  }
0x160: {  	[sflag:s0] =	ssyncadd.s32 $0xFFFFE000  }
0x161: {  	[spmem:s1] =	stream.indirect.scatter.add.f32 [tilespmem:s26], [sflag:$0x3], $0x40, s29, s30, $0xb8;
	[tilespmem:$0x18800] =	vst v63  }
0x162: {  	_ =	swait.ge [sflag:s7], $0x2000  }
0x163: {  	[sflag:s7] =	ssyncset.done $0x0  }
0x164: {  	[sflag:s7] =	ssyncadd.s32 $0xFFFFE000  }
0x165: {  	[tilespmem:s26], [sflag:$0x1] =	stream.indirect.gather [spmem:s2], $0x40, s25, s30, $0xb8;
	[tilespmem:$0x18800] =	vst v63  }
0x166: {  	_ =	swait.ge [sflag:s13], $0x2000  }
0x167: {  	[sflag:s13] =	ssyncset.done $0x0  }
0x168: {  	[sflag:s13] =	ssyncadd.s32 $0xFFFFE000  }
0x169: {  	[spmem:s1] =	stream.indirect.scatter.add.f32 [tilespmem:s31], [sflag:$0x4], $0x40, s14, s30, $0xb8;
	[tilespmem:$0x18800] =	vst v63  }
0x16a: {  	_ =	swait.ge [sflag:s4], $0x2000  }
0x16b: {  	[sflag:s4] =	ssyncset.done $0x0  }
0x16c: {  	[sflag:s4] =	ssyncadd.s32 $0xFFFFE000  }
0x16d: {  	[tilespmem:s31], [sflag:$0x2] =	stream.indirect.gather [spmem:s2], $0x40, s8, s30, $0xb8;
	[tilespmem:$0x18800] =	vst v63  }
0x16e: {  	_ =	swait.ge [sflag:s0], $0x2000  }
0x16f: {  	[sflag:s0] =	ssyncset.done $0x0  }
0x170: {  	[sflag:s0] =	ssyncadd.s32 $0xFFFFE000  }
0x171: {  	[spmem:s1] =	stream.indirect.scatter.add.f32 [tilespmem:s26], [sflag:$0x3], $0x40, s9, s30, $0xb8;
	[tilespmem:$0x18800] =	vst v63  }
0x172: {  	_ =	swait.ge [sflag:s7], $0x2000  }
0x173: {  	[sflag:s7] =	ssyncset.done $0x0  }
0x174: {  	[sflag:s7] =	ssyncadd.s32 $0xFFFFE000  }
0x175: {  	[tilespmem:s26], [sflag:$0x1] =	stream.indirect.gather [spmem:s2], $0x40, s10, s30, $0xb8;
	[tilespmem:$0x18800] =	vst v63  }
0x176: {  	_ =	swait.ge [sflag:s13], $0x2000  }
0x177: {  	[sflag:s13] =	ssyncset.done $0x0  }
0x178: {  	[sflag:s13] =	ssyncadd.s32 $0xFFFFE000  }
0x179: {  	[spmem:s1] =	stream.indirect.scatter.add.f32 [tilespmem:s31], [sflag:$0x4], $0x40, s11, s30, $0xb8;
	[tilespmem:$0x18800] =	vst v63  }
0x17a: {  	_ =	swait.ge [sflag:s4], $0x2000  }
0x17b: {  	[sflag:s4] =	ssyncset.done $0x0  }
0x17c: {  	[sflag:s4] =	ssyncadd.s32 $0xFFFFE000  }
0x17d: {  	[tilespmem:s31], [sflag:$0x2] =	stream.indirect.gather [spmem:s2], $0x40, s12, s30, $0xb8;
	[tilespmem:$0x18800] =	vst v63  }
0x17e: {  	_ =	swait.ge [sflag:s0], $0x2000  }
0x17f: {  	[sflag:s0] =	ssyncset.done $0x0  }
0x180: {  	[sflag:s0] =	ssyncadd.s32 $0xFFFFE000  }
0x181: {  	[spmem:s1] =	stream.indirect.scatter.add.f32 [tilespmem:s26], [sflag:$0x3], $0x40, s15, s30, $0xb8;
	[tilespmem:$0x18800] =	vst v63  }
0x182: {  	_ =	swait.ge [sflag:s7], $0x2000  }
0x183: {  	[sflag:s7] =	ssyncset.done $0x0  }
0x184: {  	[sflag:s7] =	ssyncadd.s32 $0xFFFFE000  }
0x185: {  	[tilespmem:s26], [sflag:$0x1] =	stream.indirect.gather [spmem:s2], $0x40, s16, s30, $0xb8;
	[tilespmem:$0x18800] =	vst v63  }
0x186: {  	_ =	swait.ge [sflag:s13], $0x2000  }
0x187: {  	[sflag:s13] =	ssyncset.done $0x0  }
0x188: {  	[sflag:s13] =	ssyncadd.s32 $0xFFFFE000  }
0x189: {  	[spmem:s1] =	stream.indirect.scatter.add.f32 [tilespmem:s31], [sflag:$0x4], $0x40, s17, s30, $0xb8;
	[tilespmem:$0x18800] =	vst v63  }
0x18a: {  	_ =	swait.ge [sflag:s4], $0x2000  }
0x18b: {  	[sflag:s4] =	ssyncset.done $0x0  }
0x18c: {  	[sflag:s4] =	ssyncadd.s32 $0xFFFFE000  }
0x18d: {  	[tilespmem:s31], [sflag:$0x2] =	stream.indirect.gather [spmem:s2], $0x40, s18, s30, $0xb8;
	[tilespmem:$0x18800] =	vst v63  }
0x18e: {  	_ =	swait.ge [sflag:s0], $0x2000  }
0x18f: {  	[sflag:s0] =	ssyncset.done $0x0  }
0x190: {  	[sflag:s0] =	ssyncadd.s32 $0xFFFFE000  }
0x191: {  	[spmem:s1] =	stream.indirect.scatter.add.f32 [tilespmem:s26], [sflag:$0x3], $0x40, s19, s30, $0xb8;
	[tilespmem:$0x18800] =	vst v63  }
0x192: {  	_ =	swait.ge [sflag:s13], $0x2000  }
0x193: {  	[sflag:s13] =	ssyncset.done $0x0  }
0x194: {  	p1 =	sne.s32 s6, $0x400;
	[sflag:s13] =	ssyncadd.s32 $0xFFFFE000  }
0x195: {  	[spmem:s1] =	stream.indirect.scatter.add.f32 [tilespmem:s31], [sflag:$0x4], $0x40, s20, s30, $0xb8;
	[tilespmem:$0x18800] =	vst v63  }
.Ltmp6:
0x196: {  	_ =	swait.ge [sflag:s7], $0x2000;
	(pc) =	sbr.rel @p1 .LBB2_8-.Ltmp6, $4  }
0x197: {  	[sflag:s7] =	ssyncset.done $0x0  }
0x198: {  	[sflag:s7] =	ssyncadd.s32 $0xFFFFE000  }
0x199: {  	_ =	swait.ge [sflag:s4], $0x2000  }
0x19a: {  	s6 =	sadd.s32 $0x80, s6;
	[sflag:s4] =	ssyncset.done $0x0  }
.Ltmp7:
0x19b: {  	_ = 	snop;
	(pc) =	sbr.rel .LBB2_9-.Ltmp7, $1  }
0x19c: {  	_ =	sdelay $0x3  }
.LBB2_11:
0x19d: {  	_ =	sfence.sel $0x180000  }
0x19e: {  	[bflag:$0x0] =	sbarrier.arrive $0xFFFF  }
0x19f: {  	_ =	strace $0x9000004A  }
0x1a0: {  	s0 =	stileid.u32;
	[bflag:$0x2] =	sbarrier.arrive $0xFFFF  }
0x1a1: {  	p0 =	sne.s32 s0, $0x0;
	s0 =	rddreg [dreg:$0x3]  }
0x1a2: {  	s0 =	sadd.s32 @!p0 $0x100000, s0  }
0x1a3: {  	[sflag:s0] =	ssyncadd.tile.s32 @!p0 $0x1;
	_ =	shalt  }
.Lfunc_end2:
_tile_overlayer_lowered:
.L_overlay_start_2:
0x1a4: {  	(tag) =	ssettag $0x2  }
0x1a5: {  	s0 =	rddreg [dreg:$0x0];
	s2 =	stileid.u32  }
0x1a6: {  	s1 =	rddreg [dreg:$0x1];
	p0 =	sne.s32 s2, $0x0  }
0x1a7: {  	s3 =	rddreg [dreg:$0x2];
	[bflag:$0x3] =	sbarrier.arrive $0xFFFF;
	s2 =	simm.s32 @!p0 $0x1C05  }
0x1a8: {  	[timem:s3], [sflag:s2] =	dma.local @!p0 [hbm:s0], s1  }
0x1a9: {  	s0 =	simm.s32 @!p0 $0x5  }
0x1aa: {  	_ =	swait.ge @!p0 [sflag:s0], s1  }
0x1ab: {  	s1 =	ssub.s32 @!p0 $0x0, s1;
	[sflag:s0] =	ssyncset.done @!p0 $0x0  }
0x1ac: {  	[sflag:s0] =	ssyncadd.s32 @!p0 s1  }
0x1ad: {  	[bflag:$0x3] =	sbarrier.arrive $0xFFFF  }
0x1ae: {  	_ =	shalt  }

// kernel: kernel.14.cloned.1.call-start
scs
__scs_entry_jumppad:
0x0: {  	(pc) =	sbr.rel $0x88, $3  }
0x1: {  	(tag) =	ssettag $0x0;
	lr =	simm.s32 $0x1  }
0x2: {  	[smem:$0x3F9B] =	sst lr;
	_ =	strace $0xD0000000  }
0x3: {  	_ = 	snop  }
0x4: {  	_ = 	snop  }
0x5: {  	_ = 	snop  }
0x6: {  	_ = 	snop  }
0x7: {  	_ = 	snop  }
__scs_overlays_trampoline_lowered:
0x8: {  	[smem:$0x3FAA] =	sst s0  }
0x9: {  	[smem:$0x3FAB] =	sst s1  }
0xa: {  	[smem:$0x3FAC] =	sst s2  }
0xb: {  	[smem:$0x3FAD] =	sst s3  }
0xc: {  	[smem:$0x3FAE] =	sst s4  }
0xd: {  	[smem:$0x3FAF] =	sst s5  }
0xe: {  	[smem:$0x3FB0] =	sst s6  }
0xf: {  	[smem:$0x3FB1] =	sst s7  }
0x10: {  	[smem:$0x3FB2] =	sst s8  }
0x11: {  	[smem:$0x3FB3] =	sst s9;
	s0 =	simm.s32 @!p0 $0x0  }
0x12: {  	s1 =	sld [smem:$0x3F99];
	s0 =	simm.s32 @p0 $0x1  }
0x13: {  	[smem:$0x3FB4] =	sst s0;
	s0 =	simm.s32 @!p1 $0x0  }
0x14: {  	s2 =	sld [smem:$0x3F98];
	s0 =	simm.s32 @p1 $0x1  }
0x15: {  	[smem:$0x3FB5] =	sst s0;
	s0 =	simm.s32 @!p2 $0x0  }
0x16: {  	s3 =	sld [smem:$0x3FDB];
	s0 =	simm.s32 @p2 $0x1  }
0x17: {  	s4 =	simm.s32 $0x1BF5;
	[smem:$0x3FB7] =	sst s0  }
0x18: {  	s0 =	sld [smem:$0x3F9A];
	_ =	swait.ge [sflag:s4], $0x0  }
0x19: {  	s7 =	sld [smem:$0x3F9B]  }
0x1a: {  	s8 =	sadd.s32 $0xFFFFE003, lr  }
0x1b: {  	s9 =	sadd.s32 $0xFFFFFEF7, lr;
	s5 =	simm.s32 $0xFFFFFFFF;
	p2 =	slt.u32 s8, $0xFFFFF086  }
0x1c: {  	p1 =	slt.u32 s9, $0xF7A;
	s5 =	simm.s32 @!p2 $0x0  }
0x1d: {  	s5 =	simm.s32 @p1 $0x1;
	p0 =	seq.s32 s7, s2  }
0x1e: {  	s7 =	smul.u32 @!p0 $0xF7A, s2;
	p2 =	seq.s32 @!p0 s5, $0x0  }
0x1f: {  	s9 =	smul.u32 $0xF7A, s1;
	s8 =	simm.s32 @!p0 $0x1BF5;
	p2 =	por !p2, p0  }
0x20: {  	[sflag:s8] =	ssyncset.s32 @!p0 $0xFFFFF086;
	s6 =	sadd.s32 @!p0 s3, s7;
	s7 =	simm.s32 @!p0 $0x108  }
0x21: {  	s3 =	sadd.s32 s3, s9;
	s6 =	sadd.s32 @!p0 $0x88, s6;
	s7 =	simm.s32 @p2 $0x1082  }
0x22: {  	[simem:s7], [sflag:s8] =	dma.local @!p0 [hbm:s6], $0xF7A  }
0x23: {  	s9 =	sor.u32 $0xD0000000, s2;
	s6 =	simm.s32 $0x108;
	_ =	swait.ge @!p0 [sflag:s8], $0x0  }
0x24: {  	s3 =	sadd.s32 $0x88, s3;
	s6 =	simm.s32 @!p1 $0x1082;
	[sflag:s4] =	ssyncset.s32 $0xFFFFF086  }
0x25: {  	[simem:s6], [sflag:s4] =	dma.local [hbm:s3], $0xF7A  }
0x26: {  	[smem:$0x3F9B] =	sst s1;
	(tag) =	ssettag s2;
	_ =	strace s9  }
0x27: {  	s1 =	sld [smem:$0x3FAB]  }
0x28: {  	s2 =	sld [smem:$0x3FAC]  }
0x29: {  	s4 =	sld [smem:$0x3FAE]  }
0x2a: {  	p0 =	seq.s32 s5, $0x0;
	s5 =	sld [smem:$0x3FAF]  }
0x2b: {  	s6 =	sld [smem:$0x3FB0]  }
0x2c: {  	s7 =	sld [smem:$0x3FB1]  }
0x2d: {  	s3 =	simm.s32 $0x108;
	s8 =	sld [smem:$0x3FB2]  }
0x2e: {  	s3 =	simm.s32 @!p0 $0x1082;
	s9 =	sld [smem:$0x3FB3]  }
0x2f: {  	lr =	sadd.s32 s0, s3;
	s0 =	sld [smem:$0x3FAA]  }
0x30: {  	s3 =	sld [smem:$0x3FAD]  }
0x31: {  	[smem:$0x3FB6] =	sst s10  }
0x32: {  	s10 =	sld [smem:$0x3FB4];
	_ =	sdelay $0x3  }
0x33: {  	p0 =	seq.s32 s10, $0x1;
	s10 =	sld [smem:$0x3FB6];
	_ =	sdelay $0x3  }
0x34: {  	[smem:$0x3FB6] =	sst s10  }
0x35: {  	s10 =	sld [smem:$0x3FB5];
	_ =	sdelay $0x3  }
0x36: {  	p1 =	seq.s32 s10, $0x1;
	s10 =	sld [smem:$0x3FB6];
	_ =	sdelay $0x3  }
0x37: {  	[smem:$0x3FB6] =	sst s10  }
0x38: {  	s10 =	sld [smem:$0x3FB7]  }
0x39: {  	_ = 	snop;
	(pc) =	sbr.ind lr, $3  }
0x3a: {  	_ = 	snop  }
0x3b: {  	_ = 	snop  }
0x3c: {  	p2 =	seq.s32 s10, $0x1;
	s10 =	sld [smem:$0x3FB6]  }
0x3d: {  	_ =	shalt  }
0x3e: {  	_ =	shalt  }
0x3f: {  	_ =	shalt  }
0x40: {  	_ =	shalt  }
0x41: {  	_ =	shalt  }
0x42: {  	_ =	shalt  }
0x43: {  	_ =	shalt  }
0x44: {  	_ =	shalt  }
0x45: {  	_ =	shalt  }
0x46: {  	_ =	shalt  }
0x47: {  	_ =	shalt  }
0x48: {  	_ =	shalt  }
0x49: {  	_ =	shalt  }
0x4a: {  	_ =	shalt  }
0x4b: {  	_ =	shalt  }
0x4c: {  	_ =	shalt  }
0x4d: {  	_ =	shalt  }
0x4e: {  	_ =	shalt  }
0x4f: {  	_ =	shalt  }
0x50: {  	_ =	shalt  }
0x51: {  	_ =	shalt  }
0x52: {  	_ =	shalt  }
0x53: {  	_ =	shalt  }
0x54: {  	_ =	shalt  }
0x55: {  	_ =	shalt  }
0x56: {  	_ =	shalt  }
0x57: {  	_ =	shalt  }
0x58: {  	_ =	shalt  }
0x59: {  	_ =	shalt  }
0x5a: {  	_ =	shalt  }
0x5b: {  	_ =	shalt  }
0x5c: {  	_ =	shalt  }
0x5d: {  	_ =	shalt  }
0x5e: {  	_ =	shalt  }
0x5f: {  	_ =	shalt  }
0x60: {  	_ =	shalt  }
0x61: {  	_ =	shalt  }
0x62: {  	_ =	shalt  }
0x63: {  	_ =	shalt  }
0x64: {  	_ =	shalt  }
0x65: {  	_ =	shalt  }
0x66: {  	_ =	shalt  }
0x67: {  	_ =	shalt  }
0x68: {  	_ =	shalt  }
0x69: {  	_ =	shalt  }
0x6a: {  	_ =	shalt  }
0x6b: {  	_ =	shalt  }
0x6c: {  	_ =	shalt  }
0x6d: {  	_ =	shalt  }
0x6e: {  	_ =	shalt  }
0x6f: {  	_ =	shalt  }
0x70: {  	_ =	shalt  }
0x71: {  	_ =	shalt  }
0x72: {  	_ =	shalt  }
0x73: {  	_ =	shalt  }
0x74: {  	_ =	shalt  }
0x75: {  	_ =	shalt  }
0x76: {  	_ =	shalt  }
0x77: {  	_ =	shalt  }
0x78: {  	_ =	shalt  }
0x79: {  	_ =	shalt  }
0x7a: {  	_ =	shalt  }
0x7b: {  	_ =	shalt  }
0x7c: {  	_ =	shalt  }
0x7d: {  	_ =	shalt  }
0x7e: {  	_ =	shalt  }
0x7f: {  	_ =	shalt  }
0x80: {  	_ =	shalt  }
0x81: {  	_ =	shalt  }
0x82: {  	_ =	shalt  }
0x83: {  	_ =	shalt  }
0x84: {  	_ =	shalt  }
0x85: {  	_ =	shalt  }
0x86: {  	_ =	shalt  }
0x87: {  	_ =	shalt  }
.Lfunc_end0:
.L_simem_size_0:
called_computation.2_lowered:
.L_overlay_start_0:
0x88: {  	s2 =	sld [smem:$0x3FD9]  }
0x89: {  	s3 =	sld [smem:$0x3FFE];
	_ =	sdelay $0x1  }
0x8a: {  	s1 =	srdreg.scid  }
0x8b: {  	s0 =	sand.u32 $0x1, s1  }
0x8c: {  	s16 =	sshll.u32 s0, $0xA;
	s2 =	sadd.s32 s3, s2  }
0x8d: {  	s2 =	sadd.s32 s2, s16  }
0x8e: {  	[smem:$0x3FC2] =	sst s2  }
0x8f: {  	_ = 	snop  }
0x90: {  	(tm) =	ssettm $0x1  }
0x91: {  	s17 =	sld [smem:$0x3FFB];
	_ =	sdelay $0x3  }
0x92: {  	_ =	strace s17  }
0x93: {  	s2 =	sld [smem:$0x3FFC];
	_ =	sdelay $0x3  }
0x94: {  	_ =	strace s2  }
0x95: {  	s2 =	sld [smem:$0x3FFD];
	_ =	sdelay $0x3  }
0x96: {  	_ =	strace s2  }
0x97: {  	_ =	strace $0x8FFFFFFF  }
0x98: {  	s18 =	sld [smem:$0x3FDB];
	_ =	sdelay $0x1  }
0x99: {  	s19 =	simm.s32 $_scs_section_size  }
0x9a: {  	s4 =	simm.s32 $_size__tile_overlayer_lowered;
	s5 =	simm.s32 $_tile_overlayer_lowered  }
0x9b: {  	s22 =	simm.s32 $0x1BFF;
	s21 =	sshll.u32 s5, $0x1;
	s2 =	sadd.s32 s19, s18  }
0x9c: {  	s6 =	simm.s32 $0x0;
	s20 =	sshll.u32 s4, $0x1;
	s4 =	sadd.s32 s21, s2  }
0x9d: {  	[timem:s6], [sflag:s22] =	dma.local [hbm:s4], s20  }
0x9e: {  	_ =	swait.ge [sflag:s22], s20  }
0x9f: {  	s3 =	ssub.s32 $0x0, s20;
	[sflag:s22] =	ssyncset.done $0x0  }
0xa0: {  	[sflag:s22] =	ssyncadd.s32 s3;
	_ =	sdelay $0x1  }
0xa1: {  	s23 =	simm.s32 $0x1B8B  }
0xa2: {  	_ =	swait.ge [sflag:s23], $0x1  }
0xa3: {  	[sflag:s23] =	ssyncset.done $0x0  }
0xa4: {  	s25 =	simm.s32 $0x1B8E;
	s24 =	sld [smem:$0x3FFE];
	[sflag:s23] =	ssyncadd.s32 $0xFFFFFFFF  }
0xa5: {  	s26 =	simm.s32 $execute0_lowered;
	[smem:$0x3FD2] =	sst s25  }
0xa6: {  	s4 =	sshll.u32 s26, $0x1;
	_ =	strace $0x8000004C;
	[dreg:$0x1] =	wrdreg $0xFFFFFFFF  }
0xa7: {  	s28 =	simm.s32 $_size_execute0_lowered;
	s2 =	sadd.s32 s2, s4;
	[dreg:$0x0] =	wrdreg $0x0  }
0xa8: {  	s4 =	sshll.u32 s28, $0x1;
	[dreg:$0x2] =	wrdreg s2  }
0xa9: {  	[dreg:$0x3] =	wrdreg s4  }
0xaa: {  	[dreg:$0x4] =	wrdreg $0xC0  }
0xab: {  	_ =	task [dreg:s6], $0x5FFFF  }
0xac: {  	[dreg:$0x1] =	wrdreg $0xFFFFFFFF  }
0xad: {  	[dreg:$0x0] =	wrdreg $0x60  }
0xae: {  	[dreg:$0x2] =	wrdreg s24  }
0xaf: {  	[dreg:$0x3] =	wrdreg $0x48000  }
0xb0: {  	[dreg:$0x4] =	wrdreg $0xE8000  }
0xb1: {  	[dreg:$0x5] =	wrdreg $0x9  }
0xb2: {  	_ =	task.clear_ibuf [dreg:s6], $0x6FFFF;
	_ =	strace $0x9000004C  }
0xb3: {  	s29 =	simm.s32 $0x9;
	_ =	strace $0x8000004E  }
0xb4: {  	_ =	swait.ge [sflag:s29], $0x1  }
0xb5: {  	[sflag:s29] =	ssyncadd.s32 $0xFFFFFFFF  }
0xb6: {  	_ =	strace $0x9000004E  }
0xb7: {  	_ =	sfence  }
0xb8: {  	s30 =	sld [smem:$0x0];
	_ =	sdelay $0x2  }
0xb9: {  	s31 =	sshll.u32 s1, $0xD;
	s1 =	sshrl.u32 s1, $0x2  }
0xba: {  	s3 =	sand.u32 $0x4000, s31;
	s1 =	sadd.s32 s1, s30  }
0xbb: {  	s0 =	sor.u32 s3, s0;
	s1 =	sshll.u32 s1, $0x11  }
0xbc: {  	s0 =	sor.u32 s1, s0  }
0xbd: {  	s0 =	sadd.s32 $0x8F2B, s0  }
0xbe: {  	[sflag:s0] =	ssyncadd.remote.s32 $0x1  }
0xbf: {  	_ =	sfence.sel $0xFFFF  }
0xc0: {  	[dreg:$0x0] =	wrdreg $0xFFFFFFFF;
	(pc) =	sbr.abs _section_cstart, $3  }
0xc1: {  	[dreg:$0x1] =	wrdreg $0xFFFFFFFF  }
0xc2: {  	_ =	task.clear_ibuf [dreg:s6], $0x2FFFF;
	_ =	strace $0x9FFFFFFF  }
0xc3: {  	(tm) =	ssettm $0x7FFFFFFF  }
tec
execute0_lowered:
.L_overlay_start_1:
0x0: {  	(tag) =	ssettag $0x1  }
0x1: {  	s0 =	rddreg [dreg:$0x0]  }
0x2: {  	s1 =	rddreg [dreg:$0x1]  }
0x3: {  	s2 =	rddreg [dreg:$0x2];
	s3 =	simm.s32 $0x0;
	s14 =	stileid.u32  }
0x4: {  	s4 =	srdreg.scid;
	s28 =	simm.s32 $0x5;
	s8 =	smul.u32 $0x28000, s14  }
0x5: {  	s29 =	simm.s32 $0x400;
	s30 =	simm.s32 $0x80;
	s11 =	smul.u32 $0xA000, s14  }
0x6: {  	s31 =	simm.s32 $0x2800;
	[smem:$0x7FF] =	sst s3;
	s18 =	smul.u32 $0x2800, s14  }
0x7: {  	s4 =	sand.u32 $0x1, s4;
	s5 =	sadd.s32 $0x2800, s0;
	s21 =	smul.u32 $0x480, s14  }
0x8: {  	s9 =	sadd.s32 $0x16800, s0;
	s16 =	smul.u32 $0x580, s14;
	s7 =	ssub.s32 $0x2, s4  }
0x9: {  	_ =	strace $0x8000004D;
	s6 =	smul.u32 $0x28000, s4;
	s10 =	sshrl.u32 s7, $0x1  }
0xa: {  	s26 =	sshrl.u32 s11, $0x3;
	s15 =	sadd.s32 $0x5800, s21;
	[dreg:$0xe] =	wrdreg s16  }
0xb: {  	s7 =	ssub.s32 s7, s10;
	s10 =	sadd.s32 s5, s26;
	[dreg:$0xd] =	wrdreg s15  }
0xc: {  	s6 =	sadd.s32 s6, s0;
	s0 =	sadd.s32 $0x20800, s0;
	[dreg:$0x7] =	wrdreg s10  }
0xd: {  	p0 =	sne.s32 s4, $0x0;
	s25 =	sadd.s32 s15, s9;
	[dreg:$0x8] =	wrdreg s0  }
0xe: {  	s8 =	sshrl.u32 s8, $0x2;
	s9 =	sadd.s32 s16, s9;
	[dreg:$0x4] =	wrdreg s25  }
0xf: {  	s17 =	sadd.s32 s8, s1;
	s8 =	sadd.s32 s11, s2;
	[dreg:$0x5] =	wrdreg s9  }
0x10: {  	s11 =	simm.s32 $0x580;
	s7 =	smax.u32 s7, $0x1;
	[dreg:$0x6] =	wrdreg s17  }
0x11: {  	s10 =	smul.u32 $0x280, s14;
	s19 =	sadd.s32 $0x2000, s17;
	[dreg:$0x9] =	wrdreg s7  }
0x12: {  	s6 =	sadd.s32 $0x52800, s6;
	s12 =	sadd.s32 $0x4000, s17;
	[dreg:$0xa] =	wrdreg s19  }
0x13: {  	s22 =	sadd.s32 $0x6000, s17;
	s14 =	simm.s32 $0x480;
	[dreg:$0xb] =	wrdreg s12  }
0x14: {  	[dreg:$0xc] =	wrdreg s22;
	s12 =	simm.s32 $0x280;
	s20 =	sadd.s32 $0x80, s10  }
0x15: {  	s13 =	sadd.s32 $0x100, s10;
	s26 =	sadd.s32 $0x180, s10;
	s0 =	sadd.s32 $0x200, s10  }
0x16: {  	s10 =	sadd.s32 s18, s6;
	s23 =	sshll.u32 s20, $0x4;
	s7 =	sshll.u32 s20, $0x6  }
0x17: {  	s24 =	sshll.u32 s13, $0x4;
	s15 =	sshll.u32 s26, $0x4;
	s16 =	sshll.u32 s0, $0x4  }
0x18: {  	[dreg:$0xf] =	wrdreg s10;
	s20 =	sadd.s32 $0x8000, s17;
	s22 =	sshll.u32 s13, $0x6  }
0x19: {  	s0 =	sshll.u32 s0, $0x6;
	s13 =	simm.s32 $0x2;
	s10 =	simm.s32 $0x200  }
0x1a: {  	s17 =	simm.s32 $0x680;
	s18 =	sadd.s32 s23, s6;
	s19 =	sadd.s32 s24, s6  }
0x1b: {  	s9 =	sadd.s32 s15, s6;
	s4 =	sadd.s32 s16, s6;
	[dreg:$0x14] =	wrdreg s20  }
0x1c: {  	s21 =	sadd.s32 s7, s1;
	s23 =	sshll.u32 s26, $0x6;
	s6 =	sadd.s32 s22, s1  }
0x1d: {  	s0 =	sadd.s32 s0, s1;
	s26 =	sshrl.u32 s8, $0x3;
	[dreg:$0x10] =	wrdreg s18  }
0x1e: {  	s8 =	simm.s32 $0x180;
	s15 =	simm.s32 $0x600;
	[dreg:$0x11] =	wrdreg s19  }
0x1f: {  	s16 =	simm.s32 $0x300;
	s20 =	simm.s32 $0x780;
	[dreg:$0x12] =	wrdreg s9  }
0x20: {  	[dreg:$0x13] =	wrdreg s4;
	s7 =	sadd.s32 s23, s1;
	s4 =	sshrl.u32 s21, $0x3  }
0x21: {  	s24 =	sshrl.u32 s6, $0x3;
	s0 =	sshrl.u32 s0, $0x3;
	[dreg:$0x19] =	wrdreg s26  }
.Ltmp0:
0x22: {  	s26 =	simm.s32 $0x800;
	s9 =	simm.s32 $0x500;
	(pc) =	sbr.rel .LBB2_1-.Ltmp0, $4  }
0x23: {  	s18 =	simm.s32 $0x380;
	s19 =	simm.s32 $0x700;
	[dreg:$0x15] =	wrdreg s4  }
0x24: {  	s23 =	simm.s32 $0x0;
	[dreg:$0x16] =	wrdreg s24;
	s25 =	sshrl.u32 s7, $0x3  }
0x25: {  	[dreg:$0x18] =	wrdreg s0;
	s0 =	simm.s32 $0x1;
	s7 =	simm.s32 $0x3  }
0x26: {  	v0 =	vimm.f32 $0.0e+00;
	s4 =	simm.s32 $0x4;
	[dreg:$0x17] =	wrdreg s25;
	s25 =	simm.s32 $0x100  }
.LBB2_9:
0x27: {  	[sflag:s4] =	ssyncadd.s32 $0xFFFFE000  }
.LBB2_10:
0x28: {  	[bflag:$0x0] =	sbarrier.arrive $0xFFFF  }
0x29: {  	s6 =	stileid.u32;
	s21 =	rddreg [dreg:$0x6]  }
0x2a: {  	s22 =	simm.s32 $0x8;
	s6 =	sshll.u32 s6, $0x6;
	s24 =	rddreg [dreg:$0xf]  }
0x2b: {  	s23 =	sor.u32 $0x1C05, s6;
	s21 =	sshrl.u32 s21, $0x3;
	s6 =	simm.s32 $0x10  }
0x2c: {  	[hbm:s24@s6], [sflag:s23] =	dma.strided [spmem:s21@s22], $0x400, s0, $0x8   }
0x2d: {  	_ =	swait.ge [sflag:s28], $0x400  }
0x2e: {  	[sflag:s28] =	ssyncset.done $0x0;
	s21 =	rddreg [dreg:$0x10]  }
0x2f: {  	s24 =	rddreg [dreg:$0x15];
	[sflag:s28] =	ssyncadd.s32 $0xFFFFFC00  }
0x30: {  	[hbm:s21@s6], [sflag:s23] =	dma.strided [spmem:s24@s22], $0x400, s0, $0x8   }
0x31: {  	_ =	swait.ge [sflag:s28], $0x400  }
0x32: {  	s22 =	simm.s32 $0x10;
	[sflag:s28] =	ssyncset.done $0x0;
	s21 =	rddreg [dreg:$0x11]  }
0x33: {  	s6 =	simm.s32 $0x8;
	s24 =	rddreg [dreg:$0x16];
	[sflag:s28] =	ssyncadd.s32 $0xFFFFFC00  }
0x34: {  	[hbm:s21@s22], [sflag:s23] =	dma.strided [spmem:s24@s6], $0x400, s0, $0x8   }
0x35: {  	_ =	swait.ge [sflag:s28], $0x400  }
0x36: {  	s6 =	simm.s32 $0x10;
	[sflag:s28] =	ssyncset.done $0x0;
	s21 =	rddreg [dreg:$0x12]  }
0x37: {  	s22 =	simm.s32 $0x8;
	s24 =	rddreg [dreg:$0x17];
	[sflag:s28] =	ssyncadd.s32 $0xFFFFFC00  }
0x38: {  	[hbm:s21@s6], [sflag:s23] =	dma.strided [spmem:s24@s22], $0x400, s0, $0x8   }
0x39: {  	_ =	swait.ge [sflag:s28], $0x400  }
0x3a: {  	[sflag:s28] =	ssyncset.done $0x0;
	s21 =	rddreg [dreg:$0x13]  }
0x3b: {  	s6 =	simm.s32 $0x10;
	s24 =	rddreg [dreg:$0x18];
	[sflag:s28] =	ssyncadd.s32 $0xFFFFFC00  }
0x3c: {  	[hbm:s21@s6], [sflag:s23] =	dma.strided [spmem:s24@s22], $0x400, s0, $0x8   }
0x3d: {  	_ =	swait.ge [sflag:s28], $0x400  }
0x3e: {  	s22 =	rddreg [dreg:$0x1a]  }
0x3f: {  	s24 =	rddreg [dreg:$0x9];
	s23 =	sadd.s32 $0x1, s22  }
0x40: {  	p1 =	sne.s32 s23, s24  }
.Ltmp1:
0x41: {  	_ = 	snop;
	(pc) =	sbr.rel @!p1 .LBB2_11-.Ltmp1, $3  }
0x42: {  	_ =	sdelay $0x1  }
0x43: {  	[sflag:s28] =	ssyncset.done $0x0  }
0x44: {  	[sflag:s28] =	ssyncadd.s32 $0xFFFFFC00  }
.LBB2_1:
0x45: {  	s24 =	simm.s32 $0x100;
	s6 =	simm.s32 $0x0  }
.LBB2_2:
0x46: {  	p1 =	sne.s32 s24, $0x7F00;
	[tilespmem:s6+$0x830] =	vst v0;
	s21 =	smov.u32 s24;
	s24 =	sadd.s32 $0x100, s24  }
.Ltmp2:
0x47: {  	[tilespmem:s6+$0x820] =	vst v0;
	(pc) =	sbr.rel @p1 .LBB2_2-.Ltmp2, $3  }
0x48: {  	[tilespmem:s6+$0x800] =	vst v0  }
0x49: {  	[tilespmem:s6+$0x810] =	vst v0;
	_ =	sdelay $0x1  }
0x4a: {  	s6 =	sshra.s32 s21, $0x2  }
0x4b: {  	[tilespmem:s6+$0x830] =	vst v0  }
0x4c: {  	[tilespmem:s6+$0x820] =	vst v0  }
0x4d: {  	[tilespmem:s6+$0x800] =	vst v0  }
0x4e: {  	[tilespmem:s6+$0x810] =	vst v0;
	s22 =	rddreg [dreg:$0x6]  }
0x4f: {  	[spmem:s22] =	stream.linear.scatter [tilespmem:s26], [sflag:$0x5], $0x2000, $0x38;
	[tilespmem:$0x18800] =	vst v63  }
0x50: {  	_ =	swait.ge [sflag:s28], $0x2000  }
0x51: {  	[sflag:s28] =	ssyncset.done $0x0  }
0x52: {  	s24 =	rddreg [dreg:$0xa];
	[sflag:s28] =	ssyncadd.s32 $0xFFFFE000  }
0x53: {  	[spmem:s24] =	stream.linear.scatter [tilespmem:s26], [sflag:$0x5], $0x2000, $0x38;
	[tilespmem:$0x18800] =	vst v63  }
0x54: {  	_ =	swait.ge [sflag:s28], $0x2000  }
0x55: {  	[sflag:s28] =	ssyncset.done $0x0  }
0x56: {  	s21 =	rddreg [dreg:$0xb];
	[sflag:s28] =	ssyncadd.s32 $0xFFFFE000  }
0x57: {  	[spmem:s21] =	stream.linear.scatter [tilespmem:s26], [sflag:$0x5], $0x2000, $0x38;
	[tilespmem:$0x18800] =	vst v63  }
0x58: {  	_ =	swait.ge [sflag:s28], $0x2000  }
0x59: {  	[sflag:s28] =	ssyncset.done $0x0  }
0x5a: {  	s22 =	rddreg [dreg:$0xc];
	[sflag:s28] =	ssyncadd.s32 $0xFFFFE000  }
0x5b: {  	[spmem:s22] =	stream.linear.scatter [tilespmem:s26], [sflag:$0x5], $0x2000, $0x38;
	[tilespmem:$0x18800] =	vst v63  }
0x5c: {  	_ =	swait.ge [sflag:s28], $0x2000  }
0x5d: {  	[sflag:s28] =	ssyncset.done $0x0  }
.Ltmp3:
0x5e: {  	s24 =	rddreg [dreg:$0x14];
	[sflag:s28] =	ssyncadd.s32 $0xFFFFE000;
	(pc) =	sbr.rel @p0 .LBB2_7-.Ltmp3, $4  }
0x5f: {  	[spmem:s24] =	stream.linear.scatter [tilespmem:s26], [sflag:$0x5], $0x2000, $0x38;
	[tilespmem:$0x18800] =	vst v63  }
0x60: {  	_ =	swait.ge [sflag:s28], $0x2000  }
0x61: {  	[sflag:s28] =	ssyncset.done $0x0  }
0x62: {  	[dreg:$0x1a] =	wrdreg s23;
	[sflag:s28] =	ssyncadd.s32 $0xFFFFE000  }
0x63: {  	[bflag:$0x0] =	sbarrier.arrive $0xFFFF  }
0x64: {  	s6 =	rddreg [dreg:$0x5]  }
0x65: {  	s6 =	sadd.s32 $0x0, s6  }
0x66: {  	[tilespmem:s3], [sflag:$0x5] =	stream.linear.gather [hbm4b:s6+s3], $0x400, $0x38;
	[tilespmem:$0x18800] =	vst v63  }
0x67: {  	_ =	swait.ge [sflag:s28], $0x400  }
0x68: {  	s24 =	rddreg [dreg:$0x8]  }
0x69: {  	s21 =	rddreg [dreg:$0xe]  }
0x6a: {  	[sflag:s28] =	ssyncset.done $0x0;
	s24 =	sadd.s32 s24, s21  }
0x6b: {  	[sflag:s28] =	ssyncadd.s32 $0xFFFFFC00;
	s6 =	sadd.s32 $0x0, s24  }
0x6c: {  	[tilespmem:s29], [sflag:$0x5] =	stream.linear.gather [hbm4b:s6+s3], $0x400, $0x38;
	[tilespmem:$0x18800] =	vst v63  }
0x6d: {  	_ =	swait.ge [sflag:s28], $0x400  }
0x6e: {  	[sflag:s28] =	ssyncset.done $0x0  }
0x6f: {  	[sflag:s28] =	ssyncadd.s32 $0xFFFFFC00  }
0x70: {  	[tilespmem:s26], [sflag:$0x1] =	stream.indirect.gather [hbm4b:s5+s30], $0x40, s3, s30, $0xb8;
	[tilespmem:$0x18800] =	vst v63  }
0x71: {  	_ = 	snop  }
0x72: {  	[tilespmem:s31], [sflag:$0x2] =	stream.indirect.gather [hbm4b:s5+s30], $0x40, s30, s30, $0xb8;
	[tilespmem:$0x18800] =	vst v63  }
0x73: {  	_ =	swait.ge [sflag:s0], $0x2000  }
0x74: {  	[sflag:s0] =	ssyncset.done $0x0  }
0x75: {  	[sflag:s0] =	ssyncadd.s32 $0xFFFFE000  }
0x76: {  	[spmem:s1] =	stream.indirect.scatter.add.f32 [tilespmem:s26], [sflag:$0x3], $0x40, s29, s30, $0xb8;
	[tilespmem:$0x18800] =	vst v63  }
0x77: {  	_ =	swait.ge [sflag:s7], $0x2000  }
0x78: {  	[sflag:s7] =	ssyncset.done $0x0  }
0x79: {  	[sflag:s7] =	ssyncadd.s32 $0xFFFFE000  }
0x7a: {  	[tilespmem:s26], [sflag:$0x1] =	stream.indirect.gather [hbm4b:s5+s30], $0x40, s25, s30, $0xb8;
	[tilespmem:$0x18800] =	vst v63  }
0x7b: {  	_ =	swait.ge [sflag:s13], $0x2000  }
0x7c: {  	[sflag:s13] =	ssyncset.done $0x0  }
0x7d: {  	[sflag:s13] =	ssyncadd.s32 $0xFFFFE000  }
0x7e: {  	[spmem:s1] =	stream.indirect.scatter.add.f32 [tilespmem:s31], [sflag:$0x4], $0x40, s14, s30, $0xb8;
	[tilespmem:$0x18800] =	vst v63  }
0x7f: {  	_ =	swait.ge [sflag:s4], $0x2000  }
0x80: {  	[sflag:s4] =	ssyncset.done $0x0  }
0x81: {  	[sflag:s4] =	ssyncadd.s32 $0xFFFFE000  }
0x82: {  	[tilespmem:s31], [sflag:$0x2] =	stream.indirect.gather [hbm4b:s5+s30], $0x40, s8, s30, $0xb8;
	[tilespmem:$0x18800] =	vst v63  }
0x83: {  	_ =	swait.ge [sflag:s0], $0x2000  }
0x84: {  	[sflag:s0] =	ssyncset.done $0x0  }
0x85: {  	[sflag:s0] =	ssyncadd.s32 $0xFFFFE000  }
0x86: {  	[spmem:s1] =	stream.indirect.scatter.add.f32 [tilespmem:s26], [sflag:$0x3], $0x40, s9, s30, $0xb8;
	[tilespmem:$0x18800] =	vst v63  }
0x87: {  	_ =	swait.ge [sflag:s7], $0x2000  }
0x88: {  	[sflag:s7] =	ssyncset.done $0x0  }
0x89: {  	[sflag:s7] =	ssyncadd.s32 $0xFFFFE000  }
0x8a: {  	[tilespmem:s26], [sflag:$0x1] =	stream.indirect.gather [hbm4b:s5+s30], $0x40, s10, s30, $0xb8;
	[tilespmem:$0x18800] =	vst v63  }
0x8b: {  	_ =	swait.ge [sflag:s13], $0x2000  }
0x8c: {  	[sflag:s13] =	ssyncset.done $0x0  }
0x8d: {  	[sflag:s13] =	ssyncadd.s32 $0xFFFFE000  }
0x8e: {  	[spmem:s1] =	stream.indirect.scatter.add.f32 [tilespmem:s31], [sflag:$0x4], $0x40, s11, s30, $0xb8;
	[tilespmem:$0x18800] =	vst v63  }
0x8f: {  	_ =	swait.ge [sflag:s4], $0x2000  }
0x90: {  	[sflag:s4] =	ssyncset.done $0x0  }
0x91: {  	[sflag:s4] =	ssyncadd.s32 $0xFFFFE000  }
0x92: {  	[tilespmem:s31], [sflag:$0x2] =	stream.indirect.gather [hbm4b:s5+s30], $0x40, s12, s30, $0xb8;
	[tilespmem:$0x18800] =	vst v63  }
0x93: {  	_ =	swait.ge [sflag:s0], $0x2000  }
0x94: {  	[sflag:s0] =	ssyncset.done $0x0  }
0x95: {  	[sflag:s0] =	ssyncadd.s32 $0xFFFFE000  }
0x96: {  	[spmem:s1] =	stream.indirect.scatter.add.f32 [tilespmem:s26], [sflag:$0x3], $0x40, s15, s30, $0xb8;
	[tilespmem:$0x18800] =	vst v63  }
0x97: {  	_ =	swait.ge [sflag:s7], $0x2000  }
0x98: {  	[sflag:s7] =	ssyncset.done $0x0  }
0x99: {  	[sflag:s7] =	ssyncadd.s32 $0xFFFFE000  }
0x9a: {  	[tilespmem:s26], [sflag:$0x1] =	stream.indirect.gather [hbm4b:s5+s30], $0x40, s16, s30, $0xb8;
	[tilespmem:$0x18800] =	vst v63  }
0x9b: {  	_ =	swait.ge [sflag:s13], $0x2000  }
0x9c: {  	[sflag:s13] =	ssyncset.done $0x0  }
0x9d: {  	[sflag:s13] =	ssyncadd.s32 $0xFFFFE000  }
0x9e: {  	[spmem:s1] =	stream.indirect.scatter.add.f32 [tilespmem:s31], [sflag:$0x4], $0x40, s17, s30, $0xb8;
	[tilespmem:$0x18800] =	vst v63  }
0x9f: {  	_ =	swait.ge [sflag:s4], $0x2000  }
0xa0: {  	[sflag:s4] =	ssyncset.done $0x0  }
0xa1: {  	[sflag:s4] =	ssyncadd.s32 $0xFFFFE000  }
0xa2: {  	[tilespmem:s31], [sflag:$0x2] =	stream.indirect.gather [hbm4b:s5+s30], $0x40, s18, s30, $0xb8;
	[tilespmem:$0x18800] =	vst v63  }
0xa3: {  	_ =	swait.ge [sflag:s0], $0x2000  }
0xa4: {  	[sflag:s0] =	ssyncset.done $0x0  }
0xa5: {  	[sflag:s0] =	ssyncadd.s32 $0xFFFFE000  }
0xa6: {  	[spmem:s1] =	stream.indirect.scatter.add.f32 [tilespmem:s26], [sflag:$0x3], $0x40, s19, s30, $0xb8;
	[tilespmem:$0x18800] =	vst v63  }
0xa7: {  	_ =	swait.ge [sflag:s13], $0x2000  }
0xa8: {  	[sflag:s13] =	ssyncset.done $0x0  }
0xa9: {  	[sflag:s13] =	ssyncadd.s32 $0xFFFFE000  }
0xaa: {  	[spmem:s1] =	stream.indirect.scatter.add.f32 [tilespmem:s31], [sflag:$0x4], $0x40, s20, s30, $0xb8;
	[tilespmem:$0x18800] =	vst v63  }
0xab: {  	_ =	swait.ge [sflag:s7], $0x2000  }
0xac: {  	[sflag:s7] =	ssyncset.done $0x0  }
0xad: {  	[sflag:s7] =	ssyncadd.s32 $0xFFFFE000  }
0xae: {  	_ =	swait.ge [sflag:s4], $0x2000  }
0xaf: {  	s6 =	simm.s32 $0x80;
	[sflag:s4] =	ssyncset.done $0x0  }
.LBB2_5:
0xb0: {  	s21 =	rddreg [dreg:$0x5];
	s22 =	smov.u32 s6  }
0xb1: {  	[sflag:s4] =	ssyncadd.s32 $0xFFFFE000;
	s21 =	sadd.s32 s22, s21  }
0xb2: {  	[tilespmem:s3], [sflag:$0x5] =	stream.linear.gather [hbm4b:s21+s3], $0x400, $0x38;
	[tilespmem:$0x18800] =	vst v63  }
0xb3: {  	_ =	swait.ge [sflag:s28], $0x400  }
0xb4: {  	[sflag:s28] =	ssyncset.done $0x0  }
0xb5: {  	s23 =	sadd.s32 s22, s24;
	[sflag:s28] =	ssyncadd.s32 $0xFFFFFC00  }
0xb6: {  	[tilespmem:s29], [sflag:$0x5] =	stream.linear.gather [hbm4b:s23+s3], $0x400, $0x38;
	[tilespmem:$0x18800] =	vst v63  }
0xb7: {  	_ =	swait.ge [sflag:s28], $0x400  }
0xb8: {  	[sflag:s28] =	ssyncset.done $0x0  }
0xb9: {  	[sflag:s28] =	ssyncadd.s32 $0xFFFFFC00  }
0xba: {  	[tilespmem:s26], [sflag:$0x1] =	stream.indirect.gather [hbm4b:s5+s30], $0x40, s3, s30, $0xb8;
	[tilespmem:$0x18800] =	vst v63  }
0xbb: {  	_ = 	snop  }
0xbc: {  	[tilespmem:s31], [sflag:$0x2] =	stream.indirect.gather [hbm4b:s5+s30], $0x40, s30, s30, $0xb8;
	[tilespmem:$0x18800] =	vst v63  }
0xbd: {  	_ =	swait.ge [sflag:s0], $0x2000  }
0xbe: {  	[sflag:s0] =	ssyncset.done $0x0  }
0xbf: {  	[sflag:s0] =	ssyncadd.s32 $0xFFFFE000  }
0xc0: {  	[spmem:s1] =	stream.indirect.scatter.add.f32 [tilespmem:s26], [sflag:$0x3], $0x40, s29, s30, $0xb8;
	[tilespmem:$0x18800] =	vst v63  }
0xc1: {  	_ =	swait.ge [sflag:s7], $0x2000  }
0xc2: {  	[sflag:s7] =	ssyncset.done $0x0  }
0xc3: {  	[sflag:s7] =	ssyncadd.s32 $0xFFFFE000  }
0xc4: {  	[tilespmem:s26], [sflag:$0x1] =	stream.indirect.gather [hbm4b:s5+s30], $0x40, s25, s30, $0xb8;
	[tilespmem:$0x18800] =	vst v63  }
0xc5: {  	_ =	swait.ge [sflag:s13], $0x2000  }
0xc6: {  	[sflag:s13] =	ssyncset.done $0x0  }
0xc7: {  	[sflag:s13] =	ssyncadd.s32 $0xFFFFE000  }
0xc8: {  	[spmem:s1] =	stream.indirect.scatter.add.f32 [tilespmem:s31], [sflag:$0x4], $0x40, s14, s30, $0xb8;
	[tilespmem:$0x18800] =	vst v63  }
0xc9: {  	_ =	swait.ge [sflag:s4], $0x2000  }
0xca: {  	[sflag:s4] =	ssyncset.done $0x0  }
0xcb: {  	[sflag:s4] =	ssyncadd.s32 $0xFFFFE000  }
0xcc: {  	[tilespmem:s31], [sflag:$0x2] =	stream.indirect.gather [hbm4b:s5+s30], $0x40, s8, s30, $0xb8;
	[tilespmem:$0x18800] =	vst v63  }
0xcd: {  	_ =	swait.ge [sflag:s0], $0x2000  }
0xce: {  	[sflag:s0] =	ssyncset.done $0x0  }
0xcf: {  	[sflag:s0] =	ssyncadd.s32 $0xFFFFE000  }
0xd0: {  	[spmem:s1] =	stream.indirect.scatter.add.f32 [tilespmem:s26], [sflag:$0x3], $0x40, s9, s30, $0xb8;
	[tilespmem:$0x18800] =	vst v63  }
0xd1: {  	_ =	swait.ge [sflag:s7], $0x2000  }
0xd2: {  	[sflag:s7] =	ssyncset.done $0x0  }
0xd3: {  	[sflag:s7] =	ssyncadd.s32 $0xFFFFE000  }
0xd4: {  	[tilespmem:s26], [sflag:$0x1] =	stream.indirect.gather [hbm4b:s5+s30], $0x40, s10, s30, $0xb8;
	[tilespmem:$0x18800] =	vst v63  }
0xd5: {  	_ =	swait.ge [sflag:s13], $0x2000  }
0xd6: {  	[sflag:s13] =	ssyncset.done $0x0  }
0xd7: {  	[sflag:s13] =	ssyncadd.s32 $0xFFFFE000  }
0xd8: {  	[spmem:s1] =	stream.indirect.scatter.add.f32 [tilespmem:s31], [sflag:$0x4], $0x40, s11, s30, $0xb8;
	[tilespmem:$0x18800] =	vst v63  }
0xd9: {  	_ =	swait.ge [sflag:s4], $0x2000  }
0xda: {  	[sflag:s4] =	ssyncset.done $0x0  }
0xdb: {  	[sflag:s4] =	ssyncadd.s32 $0xFFFFE000  }
0xdc: {  	[tilespmem:s31], [sflag:$0x2] =	stream.indirect.gather [hbm4b:s5+s30], $0x40, s12, s30, $0xb8;
	[tilespmem:$0x18800] =	vst v63  }
0xdd: {  	_ =	swait.ge [sflag:s0], $0x2000  }
0xde: {  	[sflag:s0] =	ssyncset.done $0x0  }
0xdf: {  	[sflag:s0] =	ssyncadd.s32 $0xFFFFE000  }
0xe0: {  	[spmem:s1] =	stream.indirect.scatter.add.f32 [tilespmem:s26], [sflag:$0x3], $0x40, s15, s30, $0xb8;
	[tilespmem:$0x18800] =	vst v63  }
0xe1: {  	_ =	swait.ge [sflag:s7], $0x2000  }
0xe2: {  	[sflag:s7] =	ssyncset.done $0x0  }
0xe3: {  	[sflag:s7] =	ssyncadd.s32 $0xFFFFE000  }
0xe4: {  	[tilespmem:s26], [sflag:$0x1] =	stream.indirect.gather [hbm4b:s5+s30], $0x40, s16, s30, $0xb8;
	[tilespmem:$0x18800] =	vst v63  }
0xe5: {  	_ =	swait.ge [sflag:s13], $0x2000  }
0xe6: {  	[sflag:s13] =	ssyncset.done $0x0  }
0xe7: {  	[sflag:s13] =	ssyncadd.s32 $0xFFFFE000  }
0xe8: {  	[spmem:s1] =	stream.indirect.scatter.add.f32 [tilespmem:s31], [sflag:$0x4], $0x40, s17, s30, $0xb8;
	[tilespmem:$0x18800] =	vst v63  }
0xe9: {  	_ =	swait.ge [sflag:s4], $0x2000  }
0xea: {  	[sflag:s4] =	ssyncset.done $0x0  }
0xeb: {  	[sflag:s4] =	ssyncadd.s32 $0xFFFFE000  }
0xec: {  	[tilespmem:s31], [sflag:$0x2] =	stream.indirect.gather [hbm4b:s5+s30], $0x40, s18, s30, $0xb8;
	[tilespmem:$0x18800] =	vst v63  }
0xed: {  	_ =	swait.ge [sflag:s0], $0x2000  }
0xee: {  	[sflag:s0] =	ssyncset.done $0x0  }
0xef: {  	[sflag:s0] =	ssyncadd.s32 $0xFFFFE000  }
0xf0: {  	[spmem:s1] =	stream.indirect.scatter.add.f32 [tilespmem:s26], [sflag:$0x3], $0x40, s19, s30, $0xb8;
	[tilespmem:$0x18800] =	vst v63  }
0xf1: {  	_ =	swait.ge [sflag:s13], $0x2000  }
0xf2: {  	[sflag:s13] =	ssyncset.done $0x0  }
0xf3: {  	p1 =	seq.s32 s6, $0x500;
	[sflag:s13] =	ssyncadd.s32 $0xFFFFE000  }
0xf4: {  	[spmem:s1] =	stream.indirect.scatter.add.f32 [tilespmem:s31], [sflag:$0x4], $0x40, s20, s30, $0xb8;
	[tilespmem:$0x18800] =	vst v63  }
.Ltmp4:
0xf5: {  	_ =	swait.ge [sflag:s7], $0x2000;
	(pc) =	sbr.rel @!p1 .LBB2_5-.Ltmp4, $4  }
0xf6: {  	[sflag:s7] =	ssyncset.done $0x0  }
0xf7: {  	[sflag:s7] =	ssyncadd.s32 $0xFFFFE000  }
0xf8: {  	_ =	swait.ge [sflag:s4], $0x2000  }
0xf9: {  	s6 =	sadd.s32 $0x80, s6;
	[sflag:s4] =	ssyncset.done $0x0  }
.Ltmp5:
0xfa: {  	(pc) =	sbr.rel .LBB2_10-.Ltmp5, $2  }
0xfb: {  	_ =	sdelay $0x2  }
0xfc: {  	[sflag:s4] =	ssyncadd.s32 $0xFFFFE000  }
.LBB2_7:
0xfd: {  	s6 =	stileid.u32  }
0xfe: {  	s21 =	rddreg [dreg:$0x7];
	s6 =	sshll.u32 s6, $0x6  }
0xff: {  	s22 =	rddreg [dreg:$0x19];
	s6 =	sor.u32 $0x1C05, s6  }
0x100: {  	[spmem:s22], [sflag:s6] =	dma.local [hbm:s21], $0x1400  }
0x101: {  	_ =	swait.ge [sflag:s28], $0x1400  }
0x102: {  	[sflag:s28] =	ssyncset.done $0x0  }
0x103: {  	[sflag:s28] =	ssyncadd.s32 $0xFFFFEC00  }
0x104: {  	[bflag:$0x0] =	sbarrier.arrive $0xFFFF  }
0x105: {  	s22 =	rddreg [dreg:$0x4]  }
0x106: {  	s6 =	sadd.s32 $0x0, s22  }
0x107: {  	[tilespmem:s3], [sflag:$0x5] =	stream.linear.gather [hbm4b:s6+s3], $0x400, $0x38;
	[tilespmem:$0x18800] =	vst v63  }
0x108: {  	_ =	swait.ge [sflag:s28], $0x400  }
0x109: {  	s23 =	rddreg [dreg:$0x8]  }
0x10a: {  	s24 =	rddreg [dreg:$0xd]  }
0x10b: {  	[sflag:s28] =	ssyncset.done $0x0;
	s24 =	sadd.s32 s23, s24  }
0x10c: {  	[sflag:s28] =	ssyncadd.s32 $0xFFFFFC00;
	s6 =	sadd.s32 $0x0, s24  }
0x10d: {  	[tilespmem:s29], [sflag:$0x5] =	stream.linear.gather [hbm4b:s6+s3], $0x400, $0x38;
	[tilespmem:$0x18800] =	vst v63  }
0x10e: {  	_ =	swait.ge [sflag:s28], $0x400  }
0x10f: {  	[sflag:s28] =	ssyncset.done $0x0  }
0x110: {  	[sflag:s28] =	ssyncadd.s32 $0xFFFFFC00  }
0x111: {  	[tilespmem:s26], [sflag:$0x1] =	stream.indirect.gather [spmem:s2], $0x40, s3, s30, $0xb8;
	[tilespmem:$0x18800] =	vst v63  }
0x112: {  	_ = 	snop  }
0x113: {  	[tilespmem:s31], [sflag:$0x2] =	stream.indirect.gather [spmem:s2], $0x40, s30, s30, $0xb8;
	[tilespmem:$0x18800] =	vst v63  }
0x114: {  	_ =	swait.ge [sflag:s0], $0x2000  }
0x115: {  	[sflag:s0] =	ssyncset.done $0x0  }
0x116: {  	[sflag:s0] =	ssyncadd.s32 $0xFFFFE000  }
0x117: {  	[spmem:s1] =	stream.indirect.scatter.add.f32 [tilespmem:s26], [sflag:$0x3], $0x40, s29, s30, $0xb8;
	[tilespmem:$0x18800] =	vst v63  }
0x118: {  	_ =	swait.ge [sflag:s7], $0x2000  }
0x119: {  	[sflag:s7] =	ssyncset.done $0x0  }
0x11a: {  	[sflag:s7] =	ssyncadd.s32 $0xFFFFE000  }
0x11b: {  	[tilespmem:s26], [sflag:$0x1] =	stream.indirect.gather [spmem:s2], $0x40, s25, s30, $0xb8;
	[tilespmem:$0x18800] =	vst v63  }
0x11c: {  	_ =	swait.ge [sflag:s13], $0x2000  }
0x11d: {  	[sflag:s13] =	ssyncset.done $0x0  }
0x11e: {  	[sflag:s13] =	ssyncadd.s32 $0xFFFFE000  }
0x11f: {  	[spmem:s1] =	stream.indirect.scatter.add.f32 [tilespmem:s31], [sflag:$0x4], $0x40, s14, s30, $0xb8;
	[tilespmem:$0x18800] =	vst v63  }
0x120: {  	_ =	swait.ge [sflag:s4], $0x2000  }
0x121: {  	[sflag:s4] =	ssyncset.done $0x0  }
0x122: {  	[sflag:s4] =	ssyncadd.s32 $0xFFFFE000  }
0x123: {  	[tilespmem:s31], [sflag:$0x2] =	stream.indirect.gather [spmem:s2], $0x40, s8, s30, $0xb8;
	[tilespmem:$0x18800] =	vst v63  }
0x124: {  	_ =	swait.ge [sflag:s0], $0x2000  }
0x125: {  	[sflag:s0] =	ssyncset.done $0x0  }
0x126: {  	[sflag:s0] =	ssyncadd.s32 $0xFFFFE000  }
0x127: {  	[spmem:s1] =	stream.indirect.scatter.add.f32 [tilespmem:s26], [sflag:$0x3], $0x40, s9, s30, $0xb8;
	[tilespmem:$0x18800] =	vst v63  }
0x128: {  	_ =	swait.ge [sflag:s7], $0x2000  }
0x129: {  	[sflag:s7] =	ssyncset.done $0x0  }
0x12a: {  	[sflag:s7] =	ssyncadd.s32 $0xFFFFE000  }
0x12b: {  	[tilespmem:s26], [sflag:$0x1] =	stream.indirect.gather [spmem:s2], $0x40, s10, s30, $0xb8;
	[tilespmem:$0x18800] =	vst v63  }
0x12c: {  	_ =	swait.ge [sflag:s13], $0x2000  }
0x12d: {  	[sflag:s13] =	ssyncset.done $0x0  }
0x12e: {  	[sflag:s13] =	ssyncadd.s32 $0xFFFFE000  }
0x12f: {  	[spmem:s1] =	stream.indirect.scatter.add.f32 [tilespmem:s31], [sflag:$0x4], $0x40, s11, s30, $0xb8;
	[tilespmem:$0x18800] =	vst v63  }
0x130: {  	_ =	swait.ge [sflag:s4], $0x2000  }
0x131: {  	[sflag:s4] =	ssyncset.done $0x0  }
0x132: {  	[sflag:s4] =	ssyncadd.s32 $0xFFFFE000  }
0x133: {  	[tilespmem:s31], [sflag:$0x2] =	stream.indirect.gather [spmem:s2], $0x40, s12, s30, $0xb8;
	[tilespmem:$0x18800] =	vst v63  }
0x134: {  	_ =	swait.ge [sflag:s0], $0x2000  }
0x135: {  	[sflag:s0] =	ssyncset.done $0x0  }
0x136: {  	[sflag:s0] =	ssyncadd.s32 $0xFFFFE000  }
0x137: {  	[spmem:s1] =	stream.indirect.scatter.add.f32 [tilespmem:s26], [sflag:$0x3], $0x40, s15, s30, $0xb8;
	[tilespmem:$0x18800] =	vst v63  }
0x138: {  	_ =	swait.ge [sflag:s7], $0x2000  }
0x139: {  	[sflag:s7] =	ssyncset.done $0x0  }
0x13a: {  	[sflag:s7] =	ssyncadd.s32 $0xFFFFE000  }
0x13b: {  	[tilespmem:s26], [sflag:$0x1] =	stream.indirect.gather [spmem:s2], $0x40, s16, s30, $0xb8;
	[tilespmem:$0x18800] =	vst v63  }
0x13c: {  	_ =	swait.ge [sflag:s13], $0x2000  }
0x13d: {  	[sflag:s13] =	ssyncset.done $0x0  }
0x13e: {  	[sflag:s13] =	ssyncadd.s32 $0xFFFFE000  }
0x13f: {  	[spmem:s1] =	stream.indirect.scatter.add.f32 [tilespmem:s31], [sflag:$0x4], $0x40, s17, s30, $0xb8;
	[tilespmem:$0x18800] =	vst v63  }
0x140: {  	_ =	swait.ge [sflag:s4], $0x2000  }
0x141: {  	[sflag:s4] =	ssyncset.done $0x0  }
0x142: {  	[sflag:s4] =	ssyncadd.s32 $0xFFFFE000  }
0x143: {  	[tilespmem:s31], [sflag:$0x2] =	stream.indirect.gather [spmem:s2], $0x40, s18, s30, $0xb8;
	[tilespmem:$0x18800] =	vst v63  }
0x144: {  	_ =	swait.ge [sflag:s0], $0x2000  }
0x145: {  	[sflag:s0] =	ssyncset.done $0x0  }
0x146: {  	[sflag:s0] =	ssyncadd.s32 $0xFFFFE000  }
0x147: {  	[spmem:s1] =	stream.indirect.scatter.add.f32 [tilespmem:s26], [sflag:$0x3], $0x40, s19, s30, $0xb8;
	[tilespmem:$0x18800] =	vst v63  }
0x148: {  	_ =	swait.ge [sflag:s13], $0x2000  }
0x149: {  	[sflag:s13] =	ssyncset.done $0x0  }
0x14a: {  	[sflag:s13] =	ssyncadd.s32 $0xFFFFE000  }
0x14b: {  	[spmem:s1] =	stream.indirect.scatter.add.f32 [tilespmem:s31], [sflag:$0x4], $0x40, s20, s30, $0xb8;
	[tilespmem:$0x18800] =	vst v63  }
0x14c: {  	_ =	swait.ge [sflag:s7], $0x2000  }
0x14d: {  	[sflag:s7] =	ssyncset.done $0x0  }
0x14e: {  	[sflag:s7] =	ssyncadd.s32 $0xFFFFE000  }
0x14f: {  	_ =	swait.ge [sflag:s4], $0x2000  }
0x150: {  	s6 =	simm.s32 $0x80;
	[sflag:s4] =	ssyncset.done $0x0  }
.LBB2_8:
0x151: {  	s21 =	rddreg [dreg:$0x4];
	s22 =	smov.u32 s6  }
0x152: {  	[sflag:s4] =	ssyncadd.s32 $0xFFFFE000;
	s21 =	sadd.s32 s22, s21  }
0x153: {  	[tilespmem:s3], [sflag:$0x5] =	stream.linear.gather [hbm4b:s21+s3], $0x400, $0x38;
	[tilespmem:$0x18800] =	vst v63  }
0x154: {  	_ =	swait.ge [sflag:s28], $0x400  }
0x155: {  	[sflag:s28] =	ssyncset.done $0x0  }
0x156: {  	s23 =	sadd.s32 s22, s24;
	[sflag:s28] =	ssyncadd.s32 $0xFFFFFC00  }
0x157: {  	[tilespmem:s29], [sflag:$0x5] =	stream.linear.gather [hbm4b:s23+s3], $0x400, $0x38;
	[tilespmem:$0x18800] =	vst v63  }
0x158: {  	_ =	swait.ge [sflag:s28], $0x400  }
0x159: {  	[sflag:s28] =	ssyncset.done $0x0  }
0x15a: {  	[sflag:s28] =	ssyncadd.s32 $0xFFFFFC00  }
0x15b: {  	[tilespmem:s26], [sflag:$0x1] =	stream.indirect.gather [spmem:s2], $0x40, s3, s30, $0xb8;
	[tilespmem:$0x18800] =	vst v63  }
0x15c: {  	_ = 	snop  }
0x15d: {  	[tilespmem:s31], [sflag:$0x2] =	stream.indirect.gather [spmem:s2], $0x40, s30, s30, $0xb8;
	[tilespmem:$0x18800] =	vst v63  }
0x15e: {  	_ =	swait.ge [sflag:s0], $0x2000  }
0x15f: {  	[sflag:s0] =	ssyncset.done $0x0  }
0x160: {  	[sflag:s0] =	ssyncadd.s32 $0xFFFFE000  }
0x161: {  	[spmem:s1] =	stream.indirect.scatter.add.f32 [tilespmem:s26], [sflag:$0x3], $0x40, s29, s30, $0xb8;
	[tilespmem:$0x18800] =	vst v63  }
0x162: {  	_ =	swait.ge [sflag:s7], $0x2000  }
0x163: {  	[sflag:s7] =	ssyncset.done $0x0  }
0x164: {  	[sflag:s7] =	ssyncadd.s32 $0xFFFFE000  }
0x165: {  	[tilespmem:s26], [sflag:$0x1] =	stream.indirect.gather [spmem:s2], $0x40, s25, s30, $0xb8;
	[tilespmem:$0x18800] =	vst v63  }
0x166: {  	_ =	swait.ge [sflag:s13], $0x2000  }
0x167: {  	[sflag:s13] =	ssyncset.done $0x0  }
0x168: {  	[sflag:s13] =	ssyncadd.s32 $0xFFFFE000  }
0x169: {  	[spmem:s1] =	stream.indirect.scatter.add.f32 [tilespmem:s31], [sflag:$0x4], $0x40, s14, s30, $0xb8;
	[tilespmem:$0x18800] =	vst v63  }
0x16a: {  	_ =	swait.ge [sflag:s4], $0x2000  }
0x16b: {  	[sflag:s4] =	ssyncset.done $0x0  }
0x16c: {  	[sflag:s4] =	ssyncadd.s32 $0xFFFFE000  }
0x16d: {  	[tilespmem:s31], [sflag:$0x2] =	stream.indirect.gather [spmem:s2], $0x40, s8, s30, $0xb8;
	[tilespmem:$0x18800] =	vst v63  }
0x16e: {  	_ =	swait.ge [sflag:s0], $0x2000  }
0x16f: {  	[sflag:s0] =	ssyncset.done $0x0  }
0x170: {  	[sflag:s0] =	ssyncadd.s32 $0xFFFFE000  }
0x171: {  	[spmem:s1] =	stream.indirect.scatter.add.f32 [tilespmem:s26], [sflag:$0x3], $0x40, s9, s30, $0xb8;
	[tilespmem:$0x18800] =	vst v63  }
0x172: {  	_ =	swait.ge [sflag:s7], $0x2000  }
0x173: {  	[sflag:s7] =	ssyncset.done $0x0  }
0x174: {  	[sflag:s7] =	ssyncadd.s32 $0xFFFFE000  }
0x175: {  	[tilespmem:s26], [sflag:$0x1] =	stream.indirect.gather [spmem:s2], $0x40, s10, s30, $0xb8;
	[tilespmem:$0x18800] =	vst v63  }
0x176: {  	_ =	swait.ge [sflag:s13], $0x2000  }
0x177: {  	[sflag:s13] =	ssyncset.done $0x0  }
0x178: {  	[sflag:s13] =	ssyncadd.s32 $0xFFFFE000  }
0x179: {  	[spmem:s1] =	stream.indirect.scatter.add.f32 [tilespmem:s31], [sflag:$0x4], $0x40, s11, s30, $0xb8;
	[tilespmem:$0x18800] =	vst v63  }
0x17a: {  	_ =	swait.ge [sflag:s4], $0x2000  }
0x17b: {  	[sflag:s4] =	ssyncset.done $0x0  }
0x17c: {  	[sflag:s4] =	ssyncadd.s32 $0xFFFFE000  }
0x17d: {  	[tilespmem:s31], [sflag:$0x2] =	stream.indirect.gather [spmem:s2], $0x40, s12, s30, $0xb8;
	[tilespmem:$0x18800] =	vst v63  }
0x17e: {  	_ =	swait.ge [sflag:s0], $0x2000  }
0x17f: {  	[sflag:s0] =	ssyncset.done $0x0  }
0x180: {  	[sflag:s0] =	ssyncadd.s32 $0xFFFFE000  }
0x181: {  	[spmem:s1] =	stream.indirect.scatter.add.f32 [tilespmem:s26], [sflag:$0x3], $0x40, s15, s30, $0xb8;
	[tilespmem:$0x18800] =	vst v63  }
0x182: {  	_ =	swait.ge [sflag:s7], $0x2000  }
0x183: {  	[sflag:s7] =	ssyncset.done $0x0  }
0x184: {  	[sflag:s7] =	ssyncadd.s32 $0xFFFFE000  }
0x185: {  	[tilespmem:s26], [sflag:$0x1] =	stream.indirect.gather [spmem:s2], $0x40, s16, s30, $0xb8;
	[tilespmem:$0x18800] =	vst v63  }
0x186: {  	_ =	swait.ge [sflag:s13], $0x2000  }
0x187: {  	[sflag:s13] =	ssyncset.done $0x0  }
0x188: {  	[sflag:s13] =	ssyncadd.s32 $0xFFFFE000  }
0x189: {  	[spmem:s1] =	stream.indirect.scatter.add.f32 [tilespmem:s31], [sflag:$0x4], $0x40, s17, s30, $0xb8;
	[tilespmem:$0x18800] =	vst v63  }
0x18a: {  	_ =	swait.ge [sflag:s4], $0x2000  }
0x18b: {  	[sflag:s4] =	ssyncset.done $0x0  }
0x18c: {  	[sflag:s4] =	ssyncadd.s32 $0xFFFFE000  }
0x18d: {  	[tilespmem:s31], [sflag:$0x2] =	stream.indirect.gather [spmem:s2], $0x40, s18, s30, $0xb8;
	[tilespmem:$0x18800] =	vst v63  }
0x18e: {  	_ =	swait.ge [sflag:s0], $0x2000  }
0x18f: {  	[sflag:s0] =	ssyncset.done $0x0  }
0x190: {  	[sflag:s0] =	ssyncadd.s32 $0xFFFFE000  }
0x191: {  	[spmem:s1] =	stream.indirect.scatter.add.f32 [tilespmem:s26], [sflag:$0x3], $0x40, s19, s30, $0xb8;
	[tilespmem:$0x18800] =	vst v63  }
0x192: {  	_ =	swait.ge [sflag:s13], $0x2000  }
0x193: {  	[sflag:s13] =	ssyncset.done $0x0  }
0x194: {  	p1 =	sne.s32 s6, $0x400;
	[sflag:s13] =	ssyncadd.s32 $0xFFFFE000  }
0x195: {  	[spmem:s1] =	stream.indirect.scatter.add.f32 [tilespmem:s31], [sflag:$0x4], $0x40, s20, s30, $0xb8;
	[tilespmem:$0x18800] =	vst v63  }
.Ltmp6:
0x196: {  	_ =	swait.ge [sflag:s7], $0x2000;
	(pc) =	sbr.rel @p1 .LBB2_8-.Ltmp6, $4  }
0x197: {  	[sflag:s7] =	ssyncset.done $0x0  }
0x198: {  	[sflag:s7] =	ssyncadd.s32 $0xFFFFE000  }
0x199: {  	_ =	swait.ge [sflag:s4], $0x2000  }
0x19a: {  	s6 =	sadd.s32 $0x80, s6;
	[sflag:s4] =	ssyncset.done $0x0  }
.Ltmp7:
0x19b: {  	_ = 	snop;
	(pc) =	sbr.rel .LBB2_9-.Ltmp7, $1  }
0x19c: {  	_ =	sdelay $0x3  }
.LBB2_11:
0x19d: {  	_ =	sfence.sel $0x180000  }
0x19e: {  	[bflag:$0x0] =	sbarrier.arrive $0xFFFF  }
0x19f: {  	_ =	strace $0x9000004D  }
0x1a0: {  	s0 =	stileid.u32;
	[bflag:$0x2] =	sbarrier.arrive $0xFFFF  }
0x1a1: {  	p0 =	sne.s32 s0, $0x0;
	s0 =	rddreg [dreg:$0x3]  }
0x1a2: {  	s0 =	sadd.s32 @!p0 $0x100000, s0  }
0x1a3: {  	[sflag:s0] =	ssyncadd.tile.s32 @!p0 $0x1;
	_ =	shalt  }
.Lfunc_end2:
_tile_overlayer_lowered:
.L_overlay_start_2:
0x1a4: {  	(tag) =	ssettag $0x2  }
0x1a5: {  	s0 =	rddreg [dreg:$0x0];
	s2 =	stileid.u32  }
0x1a6: {  	s1 =	rddreg [dreg:$0x1];
	p0 =	sne.s32 s2, $0x0  }
0x1a7: {  	s3 =	rddreg [dreg:$0x2];
	[bflag:$0x3] =	sbarrier.arrive $0xFFFF;
	s2 =	simm.s32 @!p0 $0x1C05  }
0x1a8: {  	[timem:s3], [sflag:s2] =	dma.local @!p0 [hbm:s0], s1  }
0x1a9: {  	s0 =	simm.s32 @!p0 $0x5  }
0x1aa: {  	_ =	swait.ge @!p0 [sflag:s0], s1  }
0x1ab: {  	s1 =	ssub.s32 @!p0 $0x0, s1;
	[sflag:s0] =	ssyncset.done @!p0 $0x0  }
0x1ac: {  	[sflag:s0] =	ssyncadd.s32 @!p0 s1  }
0x1ad: {  	[bflag:$0x3] =	sbarrier.arrive $0xFFFF  }
0x1ae: {  	_ =	shalt  }

// kernel: kernel.8.cloned.1.call-start
scs
__scs_entry_jumppad:
0x0: {  	(pc) =	sbr.rel $0x88, $3  }
0x1: {  	(tag) =	ssettag $0x0;
	lr =	simm.s32 $0x1  }
0x2: {  	[smem:$0x3F9B] =	sst lr;
	_ =	strace $0xD0000000  }
0x3: {  	_ = 	snop  }
0x4: {  	_ = 	snop  }
0x5: {  	_ = 	snop  }
0x6: {  	_ = 	snop  }
0x7: {  	_ = 	snop  }
__scs_overlays_trampoline_lowered:
0x8: {  	[smem:$0x3FAA] =	sst s0  }
0x9: {  	[smem:$0x3FAB] =	sst s1  }
0xa: {  	[smem:$0x3FAC] =	sst s2  }
0xb: {  	[smem:$0x3FAD] =	sst s3  }
0xc: {  	[smem:$0x3FAE] =	sst s4  }
0xd: {  	[smem:$0x3FAF] =	sst s5  }
0xe: {  	[smem:$0x3FB0] =	sst s6  }
0xf: {  	[smem:$0x3FB1] =	sst s7  }
0x10: {  	[smem:$0x3FB2] =	sst s8  }
0x11: {  	[smem:$0x3FB3] =	sst s9;
	s0 =	simm.s32 @!p0 $0x0  }
0x12: {  	s1 =	sld [smem:$0x3F99];
	s0 =	simm.s32 @p0 $0x1  }
0x13: {  	[smem:$0x3FB4] =	sst s0;
	s0 =	simm.s32 @!p1 $0x0  }
0x14: {  	s2 =	sld [smem:$0x3F98];
	s0 =	simm.s32 @p1 $0x1  }
0x15: {  	[smem:$0x3FB5] =	sst s0;
	s0 =	simm.s32 @!p2 $0x0  }
0x16: {  	s3 =	sld [smem:$0x3FDB];
	s0 =	simm.s32 @p2 $0x1  }
0x17: {  	s4 =	simm.s32 $0x1BF5;
	[smem:$0x3FB7] =	sst s0  }
0x18: {  	s0 =	sld [smem:$0x3F9A];
	_ =	swait.ge [sflag:s4], $0x0  }
0x19: {  	s7 =	sld [smem:$0x3F9B]  }
0x1a: {  	s8 =	sadd.s32 $0xFFFFE003, lr  }
0x1b: {  	s9 =	sadd.s32 $0xFFFFFEF7, lr;
	s5 =	simm.s32 $0xFFFFFFFF;
	p2 =	slt.u32 s8, $0xFFFFF086  }
0x1c: {  	p1 =	slt.u32 s9, $0xF7A;
	s5 =	simm.s32 @!p2 $0x0  }
0x1d: {  	s5 =	simm.s32 @p1 $0x1;
	p0 =	seq.s32 s7, s2  }
0x1e: {  	s7 =	smul.u32 @!p0 $0xF7A, s2;
	p2 =	seq.s32 @!p0 s5, $0x0  }
0x1f: {  	s9 =	smul.u32 $0xF7A, s1;
	s8 =	simm.s32 @!p0 $0x1BF5;
	p2 =	por !p2, p0  }
0x20: {  	[sflag:s8] =	ssyncset.s32 @!p0 $0xFFFFF086;
	s6 =	sadd.s32 @!p0 s3, s7;
	s7 =	simm.s32 @!p0 $0x108  }
0x21: {  	s3 =	sadd.s32 s3, s9;
	s6 =	sadd.s32 @!p0 $0x88, s6;
	s7 =	simm.s32 @p2 $0x1082  }
0x22: {  	[simem:s7], [sflag:s8] =	dma.local @!p0 [hbm:s6], $0xF7A  }
0x23: {  	s9 =	sor.u32 $0xD0000000, s2;
	s6 =	simm.s32 $0x108;
	_ =	swait.ge @!p0 [sflag:s8], $0x0  }
0x24: {  	s3 =	sadd.s32 $0x88, s3;
	s6 =	simm.s32 @!p1 $0x1082;
	[sflag:s4] =	ssyncset.s32 $0xFFFFF086  }
0x25: {  	[simem:s6], [sflag:s4] =	dma.local [hbm:s3], $0xF7A  }
0x26: {  	[smem:$0x3F9B] =	sst s1;
	(tag) =	ssettag s2;
	_ =	strace s9  }
0x27: {  	s1 =	sld [smem:$0x3FAB]  }
0x28: {  	s2 =	sld [smem:$0x3FAC]  }
0x29: {  	s4 =	sld [smem:$0x3FAE]  }
0x2a: {  	p0 =	seq.s32 s5, $0x0;
	s5 =	sld [smem:$0x3FAF]  }
0x2b: {  	s6 =	sld [smem:$0x3FB0]  }
0x2c: {  	s7 =	sld [smem:$0x3FB1]  }
0x2d: {  	s3 =	simm.s32 $0x108;
	s8 =	sld [smem:$0x3FB2]  }
0x2e: {  	s3 =	simm.s32 @!p0 $0x1082;
	s9 =	sld [smem:$0x3FB3]  }
0x2f: {  	lr =	sadd.s32 s0, s3;
	s0 =	sld [smem:$0x3FAA]  }
0x30: {  	s3 =	sld [smem:$0x3FAD]  }
0x31: {  	[smem:$0x3FB6] =	sst s10  }
0x32: {  	s10 =	sld [smem:$0x3FB4];
	_ =	sdelay $0x3  }
0x33: {  	p0 =	seq.s32 s10, $0x1;
	s10 =	sld [smem:$0x3FB6];
	_ =	sdelay $0x3  }
0x34: {  	[smem:$0x3FB6] =	sst s10  }
0x35: {  	s10 =	sld [smem:$0x3FB5];
	_ =	sdelay $0x3  }
0x36: {  	p1 =	seq.s32 s10, $0x1;
	s10 =	sld [smem:$0x3FB6];
	_ =	sdelay $0x3  }
0x37: {  	[smem:$0x3FB6] =	sst s10  }
0x38: {  	s10 =	sld [smem:$0x3FB7]  }
0x39: {  	_ = 	snop;
	(pc) =	sbr.ind lr, $3  }
0x3a: {  	_ = 	snop  }
0x3b: {  	_ = 	snop  }
0x3c: {  	p2 =	seq.s32 s10, $0x1;
	s10 =	sld [smem:$0x3FB6]  }
0x3d: {  	_ =	shalt  }
0x3e: {  	_ =	shalt  }
0x3f: {  	_ =	shalt  }
0x40: {  	_ =	shalt  }
0x41: {  	_ =	shalt  }
0x42: {  	_ =	shalt  }
0x43: {  	_ =	shalt  }
0x44: {  	_ =	shalt  }
0x45: {  	_ =	shalt  }
0x46: {  	_ =	shalt  }
0x47: {  	_ =	shalt  }
0x48: {  	_ =	shalt  }
0x49: {  	_ =	shalt  }
0x4a: {  	_ =	shalt  }
0x4b: {  	_ =	shalt  }
0x4c: {  	_ =	shalt  }
0x4d: {  	_ =	shalt  }
0x4e: {  	_ =	shalt  }
0x4f: {  	_ =	shalt  }
0x50: {  	_ =	shalt  }
0x51: {  	_ =	shalt  }
0x52: {  	_ =	shalt  }
0x53: {  	_ =	shalt  }
0x54: {  	_ =	shalt  }
0x55: {  	_ =	shalt  }
0x56: {  	_ =	shalt  }
0x57: {  	_ =	shalt  }
0x58: {  	_ =	shalt  }
0x59: {  	_ =	shalt  }
0x5a: {  	_ =	shalt  }
0x5b: {  	_ =	shalt  }
0x5c: {  	_ =	shalt  }
0x5d: {  	_ =	shalt  }
0x5e: {  	_ =	shalt  }
0x5f: {  	_ =	shalt  }
0x60: {  	_ =	shalt  }
0x61: {  	_ =	shalt  }
0x62: {  	_ =	shalt  }
0x63: {  	_ =	shalt  }
0x64: {  	_ =	shalt  }
0x65: {  	_ =	shalt  }
0x66: {  	_ =	shalt  }
0x67: {  	_ =	shalt  }
0x68: {  	_ =	shalt  }
0x69: {  	_ =	shalt  }
0x6a: {  	_ =	shalt  }
0x6b: {  	_ =	shalt  }
0x6c: {  	_ =	shalt  }
0x6d: {  	_ =	shalt  }
0x6e: {  	_ =	shalt  }
0x6f: {  	_ =	shalt  }
0x70: {  	_ =	shalt  }
0x71: {  	_ =	shalt  }
0x72: {  	_ =	shalt  }
0x73: {  	_ =	shalt  }
0x74: {  	_ =	shalt  }
0x75: {  	_ =	shalt  }
0x76: {  	_ =	shalt  }
0x77: {  	_ =	shalt  }
0x78: {  	_ =	shalt  }
0x79: {  	_ =	shalt  }
0x7a: {  	_ =	shalt  }
0x7b: {  	_ =	shalt  }
0x7c: {  	_ =	shalt  }
0x7d: {  	_ =	shalt  }
0x7e: {  	_ =	shalt  }
0x7f: {  	_ =	shalt  }
0x80: {  	_ =	shalt  }
0x81: {  	_ =	shalt  }
0x82: {  	_ =	shalt  }
0x83: {  	_ =	shalt  }
0x84: {  	_ =	shalt  }
0x85: {  	_ =	shalt  }
0x86: {  	_ =	shalt  }
0x87: {  	_ =	shalt  }
.Lfunc_end0:
.L_simem_size_0:
called_computation_lowered:
.L_overlay_start_0:
0x88: {  	s2 =	sld [smem:$0x3FD9]  }
0x89: {  	s3 =	sld [smem:$0x3FFE];
	_ =	sdelay $0x1  }
0x8a: {  	s1 =	srdreg.scid  }
0x8b: {  	s0 =	sand.u32 $0x1, s1  }
0x8c: {  	s17 =	sshll.u32 s0, $0xA;
	s2 =	sadd.s32 s3, s2  }
0x8d: {  	s2 =	sadd.s32 s2, s17  }
0x8e: {  	[smem:$0x3FC2] =	sst s2  }
0x8f: {  	_ = 	snop  }
0x90: {  	s2 =	sld [smem:$0x3FD0];
	(tm) =	ssettm $0x1  }
0x91: {  	s18 =	sld [smem:$0x3FFB];
	_ =	sdelay $0x3  }
0x92: {  	_ =	strace s18  }
0x93: {  	s3 =	sld [smem:$0x3FFC];
	_ =	sdelay $0x3  }
0x94: {  	_ =	strace s3  }
0x95: {  	s3 =	sld [smem:$0x3FFD];
	_ =	sdelay $0x3  }
0x96: {  	_ =	strace s3  }
0x97: {  	_ =	strace $0x8FFFFFFF  }
0x98: {  	s19 =	sld [smem:$0x3FDB];
	_ =	sdelay $0x1  }
0x99: {  	s4 =	simm.s32 $_scs_section_size  }
0x9a: {  	s5 =	simm.s32 $_size__tile_overlayer_lowered;
	s6 =	simm.s32 $_tile_overlayer_lowered  }
0x9b: {  	s22 =	simm.s32 $0x1BFF;
	s21 =	sshll.u32 s6, $0x1;
	s3 =	sadd.s32 s4, s19  }
0x9c: {  	s7 =	simm.s32 $0x0;
	s20 =	sshll.u32 s5, $0x1;
	s5 =	sadd.s32 s21, s3  }
0x9d: {  	[timem:s7], [sflag:s22] =	dma.local [hbm:s5], s20  }
0x9e: {  	_ =	swait.ge [sflag:s22], s20  }
0x9f: {  	s4 =	ssub.s32 $0x0, s20;
	[sflag:s22] =	ssyncset.done $0x0  }
0xa0: {  	[sflag:s22] =	ssyncadd.s32 s4;
	_ =	sdelay $0x1  }
0xa1: {  	s23 =	simm.s32 $0x1B8B  }
0xa2: {  	_ =	swait.ge [sflag:s23], $0x1  }
0xa3: {  	[sflag:s23] =	ssyncset.done $0x0  }
0xa4: {  	s25 =	simm.s32 $0x1B8E;
	s24 =	sld [smem:$0x3FFE];
	[sflag:s23] =	ssyncadd.s32 $0xFFFFFFFF  }
0xa5: {  	s26 =	simm.s32 $execute0_lowered;
	[smem:$0x3FD2] =	sst s25  }
0xa6: {  	s5 =	sshll.u32 s26, $0x1;
	_ =	strace $0x80000046;
	[dreg:$0x1] =	wrdreg $0xFFFFFFFF  }
0xa7: {  	s28 =	simm.s32 $_size_execute0_lowered;
	s3 =	sadd.s32 s3, s5;
	[dreg:$0x0] =	wrdreg $0x0  }
0xa8: {  	s5 =	sshll.u32 s28, $0x1;
	[dreg:$0x2] =	wrdreg s3  }
0xa9: {  	[dreg:$0x3] =	wrdreg s5  }
0xaa: {  	[dreg:$0x4] =	wrdreg $0xC0  }
0xab: {  	_ =	task [dreg:s7], $0x5FFFF  }
0xac: {  	[dreg:$0x1] =	wrdreg $0xFFFFFFFF  }
0xad: {  	[dreg:$0x0] =	wrdreg $0x60  }
0xae: {  	[dreg:$0x2] =	wrdreg s24  }
0xaf: {  	[dreg:$0x3] =	wrdreg s2  }
0xb0: {  	[dreg:$0x4] =	wrdreg $0x9  }
0xb1: {  	_ =	task.clear_ibuf [dreg:s7], $0x5FFFF;
	_ =	strace $0x90000046  }
0xb2: {  	s29 =	simm.s32 $0x9;
	_ =	strace $0x80000048  }
0xb3: {  	_ =	swait.ge [sflag:s29], $0x1  }
0xb4: {  	[sflag:s29] =	ssyncadd.s32 $0xFFFFFFFF  }
0xb5: {  	_ =	strace $0x90000048  }
0xb6: {  	_ =	sfence  }
0xb7: {  	s30 =	sld [smem:$0x0];
	_ =	sdelay $0x2  }
0xb8: {  	s31 =	sshll.u32 s1, $0xD;
	s1 =	sshrl.u32 s1, $0x2  }
0xb9: {  	s3 =	sand.u32 $0x4000, s31;
	s1 =	sadd.s32 s1, s30  }
0xba: {  	s0 =	sor.u32 s3, s0;
	s1 =	sshll.u32 s1, $0x11  }
0xbb: {  	s0 =	sor.u32 s1, s0  }
0xbc: {  	s0 =	sadd.s32 $0x8F2B, s0  }
0xbd: {  	[sflag:s0] =	ssyncadd.remote.s32 $0x1  }
0xbe: {  	_ =	sfence.sel $0xFFFF  }
0xbf: {  	[dreg:$0x0] =	wrdreg $0xFFFFFFFF;
	(pc) =	sbr.abs _section_cstart, $3  }
0xc0: {  	[dreg:$0x1] =	wrdreg $0xFFFFFFFF  }
0xc1: {  	_ =	task.clear_ibuf [dreg:s7], $0x2FFFF;
	_ =	strace $0x9FFFFFFF  }
0xc2: {  	(tm) =	ssettm $0x7FFFFFFF  }
0xc3: {  	_ =	shalt  }
tec
execute0_lowered:
.L_overlay_start_1:
0x0: {  	(tag) =	ssettag $0x1  }
0x1: {  	s0 =	srdreg.scid  }
0x2: {  	s4 =	rddreg [dreg:$0x0];
	s3 =	sand.u32 $0x1, s0  }
0x3: {  	s5 =	rddreg [dreg:$0x1];
	s0 =	stileid.u32;
	s1 =	sshll.u32 s3, $0x4  }
0x4: {  	s2 =	simm.s32 $0x0;
	s9 =	simm.s32 $0x400;
	s6 =	sor.u32 s0, s1  }
0x5: {  	s10 =	simm.s32 $0x0;
	[smem:$0x7FF] =	sst s2;
	s7 =	sshrl.u32 s6, $0x3  }
0x6: {  	s8 =	sshll.u32 s0, $0x7;
	s3 =	ssub.s32 $0x2, s3;
	s7 =	smul.u32 $0x14000, s7  }
0x7: {  	s1 =	rddreg [dreg:$0x2];
	s8 =	sand.u32 $0x380, s8;
	s6 =	smul.u32 $0x500, s6  }
0x8: {  	_ =	strace $0x80000047;
	s31 =	sshrl.u32 s3, $0x1;
	s7 =	sor.u32 s8, s7  }
0x9: {  	s4 =	sadd.s32 s6, s4;
	s6 =	ssub.s32 s3, s31;
	s7 =	sshrl.u32 s7, $0x3  }
0xa: {  	s3 =	sadd.s32 $0xC800, s4;
	s8 =	simm.s32 $0x80;
	s4 =	sadd.s32 s5, s7  }
0xb: {  	v0 =	vimm.f32 $0.0e+00;
	s5 =	smax.u32 s6, $0x1;
	s6 =	simm.s32 $0x1;
	s7 =	simm.s32 $0x2800  }
.LBB2_1:
0xc: {  	s11 =	simm.s32 $0x40;
	s12 =	simm.s32 $0x0  }
.LBB2_2:
0xd: {  	p0 =	sne.s32 s11, $0x9FC0;
	[tilespmem:s12+$0x2800] =	vst v0;
	s12 =	smov.u32 s11;
	s11 =	sadd.s32 $0x40, s11  }
.Ltmp0:
0xe: {  	(pc) =	sbr.rel @p0 .LBB2_2-.Ltmp0, $2  }
0xf: {  	_ =	sdelay $0x2  }
0x10: {  	s12 =	sshra.s32 s12, $0x2  }
0x11: {  	[tilespmem:s12+$0x2800] =	vst v0  }
0x12: {  	[tilespmem:s2], [sflag:$0x1] =	stream.linear.gather [hbm4b:s3+s2], $0x2800, $0x38;
	[tilespmem:$0x5000] =	vst v63  }
0x13: {  	_ =	swait.ge [sflag:s6], $0x2800  }
0x14: {  	[sflag:s6] =	ssyncset.done $0x0  }
0x15: {  	s11 =	simm.s32 $0x1C0;
	[sflag:s6] =	ssyncadd.s32 $0xFFFFD800  }
.LBB2_4:
0x16: {  	s12 =	sshra.s32 s11, $0x2  }
0x17: {  	v1 =	vld [tilespmem:s12+$0xFFFFFF90];
	_ =	sdelay $0x4  }
0x18: {  	(xrf1) =	vunique.msk.u32 $0xffff, v1;
	_ =	sdelay $0xd  }
0x19: {  	_, v2, vm0 =	vpop (xrf1);
	_ =	sdelay $0x3  }
0x1a: {  	v2 =	vcvt.s32.f32 v2;
	_ =	sdelay $0x1  }
0x1b: {  	[tilespmem:v1+s7+$0x0] =	vst.idx.add.f32.msk vm0, v2  }
0x1c: {  	v1 =	vld [tilespmem:s12+$0xFFFFFFA0];
	_ =	sdelay $0x4  }
0x1d: {  	(xrf1) =	vunique.msk.u32 $0xffff, v1;
	_ =	sdelay $0xd  }
0x1e: {  	_, v2, vm0 =	vpop (xrf1);
	_ =	sdelay $0x3  }
0x1f: {  	v2 =	vcvt.s32.f32 v2;
	_ =	sdelay $0x1  }
0x20: {  	[tilespmem:v1+s7+$0x0] =	vst.idx.add.f32.msk vm0, v2  }
0x21: {  	v1 =	vld [tilespmem:s12+$0xFFFFFFB0];
	_ =	sdelay $0x4  }
0x22: {  	(xrf1) =	vunique.msk.u32 $0xffff, v1;
	_ =	sdelay $0xd  }
0x23: {  	_, v2, vm0 =	vpop (xrf1);
	_ =	sdelay $0x3  }
0x24: {  	v2 =	vcvt.s32.f32 v2;
	_ =	sdelay $0x1  }
0x25: {  	[tilespmem:v1+s7+$0x0] =	vst.idx.add.f32.msk vm0, v2  }
0x26: {  	v1 =	vld [tilespmem:s12+$0xFFFFFFC0];
	_ =	sdelay $0x4  }
0x27: {  	(xrf1) =	vunique.msk.u32 $0xffff, v1;
	_ =	sdelay $0xd  }
0x28: {  	_, v2, vm0 =	vpop (xrf1);
	_ =	sdelay $0x3  }
0x29: {  	v2 =	vcvt.s32.f32 v2;
	_ =	sdelay $0x1  }
0x2a: {  	[tilespmem:v1+s7+$0x0] =	vst.idx.add.f32.msk vm0, v2  }
0x2b: {  	v1 =	vld [tilespmem:s12+$0xFFFFFFD0];
	_ =	sdelay $0x4  }
0x2c: {  	(xrf1) =	vunique.msk.u32 $0xffff, v1;
	_ =	sdelay $0xd  }
0x2d: {  	_, v2, vm0 =	vpop (xrf1);
	_ =	sdelay $0x3  }
0x2e: {  	v2 =	vcvt.s32.f32 v2;
	_ =	sdelay $0x1  }
0x2f: {  	[tilespmem:v1+s7+$0x0] =	vst.idx.add.f32.msk vm0, v2  }
0x30: {  	v1 =	vld [tilespmem:s12+$0xFFFFFFE0];
	_ =	sdelay $0x4  }
0x31: {  	(xrf1) =	vunique.msk.u32 $0xffff, v1;
	_ =	sdelay $0xd  }
0x32: {  	_, v2, vm0 =	vpop (xrf1);
	_ =	sdelay $0x3  }
0x33: {  	v2 =	vcvt.s32.f32 v2;
	_ =	sdelay $0x1  }
0x34: {  	[tilespmem:v1+s7+$0x0] =	vst.idx.add.f32.msk vm0, v2  }
0x35: {  	v1 =	vld [tilespmem:s12+$0xFFFFFFF0];
	_ =	sdelay $0x4  }
0x36: {  	(xrf1) =	vunique.msk.u32 $0xffff, v1;
	_ =	sdelay $0xd  }
0x37: {  	_, v2, vm0 =	vpop (xrf1);
	_ =	sdelay $0x3  }
0x38: {  	v2 =	vcvt.s32.f32 v2;
	_ =	sdelay $0x1  }
0x39: {  	[tilespmem:v1+s7+$0x0] =	vst.idx.add.f32.msk vm0, v2  }
0x3a: {  	v1 =	vld [tilespmem:s12+$0x0];
	_ =	sdelay $0x4  }
0x3b: {  	(xrf1) =	vunique.msk.u32 $0xffff, v1;
	_ =	sdelay $0xd  }
0x3c: {  	_, v2, vm0 =	vpop (xrf1)  }
0x3d: {  	p0 =	sne.s32 s11, $0x9FC0  }
.Ltmp1:
0x3e: {  	_ = 	snop;
	(pc) =	sbr.rel @p0 .LBB2_4-.Ltmp1, $3  }
0x3f: {  	_ = 	snop  }
0x40: {  	v2 =	vcvt.s32.f32 v2;
	_ =	sdelay $0x1  }
0x41: {  	s11 =	sadd.s32 $0x200, s11;
	[tilespmem:v1+s7+$0x0] =	vst.idx.add.f32.msk vm0, v2  }
0x42: {  	s10 =	sadd.s32 $0x1, s10  }
0x43: {  	p0 =	sne.s32 s10, s5  }
.Ltmp2:
0x44: {  	_ = 	snop;
	(pc) =	sbr.rel @p0 .LBB2_1-.Ltmp2, $4  }
0x45: {  	[hbm4b:s4+s8] =	stream.strided.scatter [tilespmem:s7], [sflag:$0x1], $0x2800, s9, s8, $0x38;
	[tilespmem:$0x5000] =	vst v63  }
0x46: {  	_ =	swait.ge [sflag:s6], $0x2800  }
0x47: {  	[sflag:s6] =	ssyncset.done $0x0  }
0x48: {  	[sflag:s6] =	ssyncadd.s32 $0xFFFFD800  }
0x49: {  	_ =	sfence.sel $0x180000  }
0x4a: {  	[bflag:$0x0] =	sbarrier.arrive $0xFFFF  }
0x4b: {  	p0 =	sne.s32 s0, $0x0;
	_ =	strace $0x90000047  }
0x4c: {  	s0 =	sadd.s32 @!p0 $0x100000, s1;
	[bflag:$0x2] =	sbarrier.arrive $0xFFFF  }
0x4d: {  	[sflag:s0] =	ssyncadd.tile.s32 @!p0 $0x1;
	_ =	shalt  }
.Lfunc_end2:
_tile_overlayer_lowered:
.L_overlay_start_2:
0x4e: {  	(tag) =	ssettag $0x2  }
0x4f: {  	s0 =	rddreg [dreg:$0x0];
	s2 =	stileid.u32  }
0x50: {  	s1 =	rddreg [dreg:$0x1];
	p0 =	sne.s32 s2, $0x0  }
0x51: {  	s3 =	rddreg [dreg:$0x2];
	[bflag:$0x3] =	sbarrier.arrive $0xFFFF;
	s2 =	simm.s32 @!p0 $0x1C01  }
0x52: {  	[timem:s3], [sflag:s2] =	dma.local @!p0 [hbm:s0], s1  }
0x53: {  	s0 =	simm.s32 @!p0 $0x1  }
0x54: {  	_ =	swait.ge @!p0 [sflag:s0], s1  }
0x55: {  	s1 =	ssub.s32 @!p0 $0x0, s1;
	[sflag:s0] =	ssyncset.done @!p0 $0x0  }
0x56: {  	[sflag:s0] =	ssyncadd.s32 @!p0 s1  }
0x57: {  	[bflag:$0x3] =	sbarrier.arrive $0xFFFF  }
0x58: {  	_ =	shalt  }

</sc_bundles>
